<compile_context>
chip_gen: v7x
topology: tpu7x:2x2x1
jax: 0.10.2.dev20260603
libtpu: 0.0.44.dev20260713+nightly
codegen_flags: <defaults>
</compile_context>

<pallas_src>
import functools

import jax
import jax.numpy as jnp
from jax import lax
from jax.experimental import pallas as pl
from jax.experimental.pallas import tpu as pltpu
from jax.experimental.pallas import tpu_sc as plsc

BATCH = 16384
HIST = 50
EMBED_DIM = 64
NUM_CORES = 2
NUM_SUBCORES = 16
NUM_WORKERS = NUM_CORES * NUM_SUBCORES
BWIN = BATCH // NUM_WORKERS
CHUNK = 128
SUBT = BWIN // CHUNK
CPW = HIST * SUBT
BTILES = BATCH // CHUNK
SCALE = 8.0
LANES = 16
NBUF = 4
AHEAD = 3
TBUF = 4


@functools.cache
def _build():
    mesh = plsc.VectorSubcoreMesh(core_axis_name="c", subcore_axis_name="s")

    @functools.partial(
        pl.kernel,
        mesh=mesh,
        out_type=jax.ShapeDtypeStruct(
            (HIST, EMBED_DIM // 8, BTILES, 8, CHUNK), jnp.float32
        ),
        scratch_types=[
            pltpu.VMEM((CPW, CHUNK), jnp.int32),
            pltpu.VMEM((NBUF, CHUNK, EMBED_DIM), jnp.float32),
            pltpu.VMEM((TBUF, 8, 8, CHUNK), jnp.float32),
            pltpu.SemaphoreType.DMA,
            pltpu.SemaphoreType.DMA((NBUF,)),
            pltpu.SemaphoreType.DMA((TBUF,)),
        ],
        compiler_params=pltpu.CompilerParams(
            use_tc_tiling_on_sc=False, needs_layout_passes=False
        ),
    )
    def _gather_scale(xt_hbm, tab_hbm, out_hbm, idx_v, rows_v, tbuf_v,
                      isem, gsem, ssem):
        wid = lax.axis_index("s") * NUM_CORES + lax.axis_index("c")
        b_lo = wid * BWIN

        def stage(g, _):
            h = g // SUBT
            b0 = b_lo + lax.rem(g, SUBT) * CHUNK
            pltpu.async_copy(xt_hbm.at[h, pl.ds(b0, CHUNK)], idx_v.at[g], isem)
            return _

        lax.fori_loop(0, CPW, stage, 0)

        def stage_wait(g, _):
            pltpu.make_async_copy(
                xt_hbm.at[0, pl.ds(0, CHUNK)], idx_v.at[0], isem
            ).wait()
            return _

        lax.fori_loop(0, CPW, stage_wait, 0)

        def gather(g, b):
            pltpu.async_copy(tab_hbm.at[idx_v.at[g]], rows_v.at[b], gsem.at[b])

        for b in range(AHEAD):
            gather(b, b)

        lane_ids = [lax.iota(jnp.int32, LANES) + kb * LANES
                    for kb in range(CHUNK // LANES)]

        def outer(go):
            for b in range(NBUF):
                g = go + b
                h = g // SUBT
                btile = wid * SUBT + lax.rem(g, SUBT)
                tb = b % TBUF

                pltpu.make_async_copy(
                    tab_hbm.at[idx_v.at[g]], rows_v.at[b], gsem.at[b]
                ).wait()

                @pl.when(g >= TBUF)
                def _():
                    gp = g - TBUF
                    pltpu.make_async_copy(
                        tbuf_v.at[tb],
                        out_hbm.at[gp // SUBT, :,
                                   wid * SUBT + lax.rem(gp, SUBT)],
                        ssem.at[tb],
                    ).wait()

                for db in range(EMBED_DIM // LANES):

                    def c_body(c, rot, _b=b, _tb=tb, _db=db):
                        col = rot + _db * LANES
                        dt = col >> 3
                        dl = col & 7
                        for kb in range(CHUNK // LANES):
                            v = plsc.load_gather(
                                rows_v.at[_b], [lane_ids[kb], col]
                            )
                            plsc.store_scatter(
                                tbuf_v.at[_tb],
                                [dt, dl, lane_ids[kb]],
                                v * SCALE,
                            )
                        return (rot + 1) & (LANES - 1)

                    lax.fori_loop(0, LANES, c_body, lane_ids[0])

                pltpu.async_copy(
                    tbuf_v.at[tb], out_hbm.at[h, :, btile], ssem.at[tb]
                )

                gn = g + AHEAD

                @pl.when(gn < CPW)
                def _():
                    gather(gn, (b + AHEAD) % NBUF)

        pl.loop(0, CPW, step=NBUF)(outer)

        for t in range(TBUF):
            g = CPW - TBUF + t
            pltpu.make_async_copy(
                tbuf_v.at[g % TBUF],
                out_hbm.at[g // SUBT, :, wid * SUBT + lax.rem(g, SUBT)],
                ssem.at[g % TBUF],
            ).wait()

    return _gather_scale


def kernel(x, input_embedding):
    xt = x.T
    lin = _build()(xt, input_embedding)
    out = lin.transpose(0, 1, 3, 2, 4).reshape(HIST, EMBED_DIM, BATCH)
    return out.transpose(2, 0, 1)

# --- scband reference (transcript-rebuilt; emitter-appended) ---
"""Pipeline reference for scband-embedder-12610023981269 (READ-ONLY COPY).

The authoritative reference and input builder live on the scoring server;
editing this copy changes nothing except your own understanding.
"""

import jax, jax.numpy as jnp
import numpy as np

VOCAB = 1000000
EMBED_DIM = 64
BATCH = 16384
HIST = 50

def setup_inputs(seed: int = 0) -> dict:
    key = jax.random.key(seed)
    k_idx, k_tab = jax.random.split(key)
    x = jax.random.randint(k_idx, (BATCH, HIST), 0, VOCAB, dtype=jnp.int64 if jax.config.jax_enable_x64 else jnp.int32)
    # nn.initializers.normal() default stddev = 1e-2
    input_embedding = jax.random.normal(k_tab, (VOCAB, EMBED_DIM), dtype=jnp.float32) * 0.01
    return {"x": x, "input_embedding": input_embedding}

def reference(x, input_embedding):
    # Embedder.encode: gather rows then scale by sqrt(embed_dim)
    out = jnp.take(input_embedding, x, axis=0)
    out = out * jnp.sqrt(jnp.float32(EMBED_DIM)).astype(out.dtype)
    return out

if __name__ == "__main__":
    import jax
    _d = setup_inputs()
    print(jax.jit(kernel)(*tuple(_d.values())))

</pallas_src>

<mosaic_0001>
#map = affine_map<(d0, d1) -> (0, 0)>
#map1 = affine_map<(d0, d1) -> (0, 0, 0, 0, 0)>
module attributes {stable_mosaic.version = 14 : i64} {
  func.func @_gather_scale(%arg0: i32, %arg1: i32, %arg2: memref<50x16384xi32, #tpu.memory_space<hbm>>, %arg3: memref<1000000x64xf32, #tpu.memory_space<hbm>>, %arg4: memref<50x8x128x8x128xf32, #tpu.memory_space<hbm>>, %arg5: memref<200x128xi32, #tpu.memory_space<vmem>>, %arg6: memref<4x128x64xf32, #tpu.memory_space<vmem>>, %arg7: memref<4x8x8x128xf32, #tpu.memory_space<vmem>>, %arg8: memref<!tpu.dma_semaphore, #tpu.memory_space<semaphore_mem>>, %arg9: memref<4x!tpu.dma_semaphore, #tpu.memory_space<semaphore_mem>>, %arg10: memref<4x!tpu.dma_semaphore, #tpu.memory_space<semaphore_mem>>) attributes {dimension_semantics = [#tpu.dimension_semantics<core_parallel>, #tpu.dimension_semantics<subcore_parallel>], iteration_bounds = array<i64: 2, 16>, scalar_prefetch = 0 : i64, scratch_operands = 6 : i64, tpu.core_type = #tpu.core_type<sc_vector_subcore>, window_params = [{transform_indices = #map}, {transform_indices = #map}, {transform_indices = #map1}]} {
    %mul3A = arith.constant 2 : i32
    %mul3A_0 = arith.muli %arg1, %mul3A : i32
    %add3A = arith.addi %mul3A_0, %arg0 : i32
    %mul3A_1 = arith.constant 512 : i32
    %mul3A_2 = arith.muli %add3A, %mul3A_1 : i32
    %scan3A = arith.constant 0 : i32
    %scan3A_3 = arith.constant 0 : i32
    %scan3A_4 = arith.constant 200 : i32
    %scan3A_5 = arith.addi %scan3A_3, %scan3A_4 : i32
    %scan3A_6 = arith.constant 1 : i32
    scf.for %scan3A_216 = %scan3A_3 to %scan3A_5 step %scan3A_6  : i32 {
      %jit3A = arith.constant 4 : i32
      %div3A = arith.divsi %scan3A_216, %jit3A : i32
      %sign3A = arith.constant 0 : i32
      %sign3A_217 = arith.cmpi sgt, %scan3A_216, %sign3A : i32
      %sign3A_218 = arith.extui %sign3A_217 : i1 to i32
      %sign3A_219 = arith.constant 0 : i32
      %sign3A_220 = arith.cmpi slt, %scan3A_216, %sign3A_219 : i32
      %sign3A_221 = arith.extui %sign3A_220 : i1 to i32
      %sign3A_222 = arith.subi %sign3A_218, %sign3A_221 : i32
      %sign3A_223 = arith.constant 0 : i32
      %sign3A_224 = arith.cmpi sgt, %jit3A, %sign3A_223 : i32
      %sign3A_225 = arith.extui %sign3A_224 : i1 to i32
      %sign3A_226 = arith.constant 0 : i32
      %sign3A_227 = arith.cmpi slt, %jit3A, %sign3A_226 : i32
      %sign3A_228 = arith.extui %sign3A_227 : i1 to i32
      %sign3A_229 = arith.subi %sign3A_225, %sign3A_228 : i32
      %ne3A = arith.cmpi ne, %sign3A_222, %sign3A_229 : i32
      %rem3A_230 = arith.remsi %scan3A_216, %jit3A : i32
      %ne3A_231 = arith.constant 0 : i32
      %ne3A_232 = arith.cmpi ne, %rem3A_230, %ne3A_231 : i32
      %and3A = arith.andi %ne3A, %ne3A_232 : i1
      %sub3A = arith.constant 1 : i32
      %sub3A_233 = arith.subi %div3A, %sub3A : i32
      %select_n3A = arith.select %and3A, %sub3A_233, %div3A : i32
      %rem3A_234 = arith.constant 4 : i32
      %rem3A_235 = arith.remsi %scan3A_216, %rem3A_234 : i32
      %mul3A_236 = arith.constant 128 : i32
      %mul3A_237 = arith.muli %rem3A_235, %mul3A_236 : i32
      %add3A_238 = arith.addi %mul3A_2, %mul3A_237 : i32
      %dma_start3A_239 = arith.constant 0 : i32
      %dma_start3A_240 = tpu.memref_slice %arg5[%scan3A_216, %dma_start3A_239] : memref<200x128xi32, #tpu.memory_space<vmem>> -> memref<1x128xi32, #tpu.memory_space<vmem>>
      %dma_start3A_241 = tpu.memref_squeeze %dma_start3A_240 : memref<1x128xi32, #tpu.memory_space<vmem>> -> memref<128xi32, #tpu.memory_space<vmem>>
      %dma_start3A_242 = tpu.memref_slice %arg2[%select_n3A, %add3A_238] : memref<50x16384xi32, #tpu.memory_space<hbm>> -> memref<1x128xi32, #tpu.memory_space<hbm>>
      %dma_start3A_243 = tpu.memref_squeeze %dma_start3A_242 : memref<1x128xi32, #tpu.memory_space<hbm>> -> memref<128xi32, #tpu.memory_space<hbm>>
      %dma_start3A_244 = arith.constant 0 : i32
      %dma_start3A_245 = tpu.memref_slice %arg5[%scan3A_216, %dma_start3A_244] : memref<200x128xi32, #tpu.memory_space<vmem>> -> memref<1x128xi32, #tpu.memory_space<vmem>>
      %dma_start3A_246 = tpu.memref_squeeze %dma_start3A_245 : memref<1x128xi32, #tpu.memory_space<vmem>> -> memref<128xi32, #tpu.memory_space<vmem>>
      %dma_start3A_247 = tpu.memref_slice %arg2[%select_n3A, %add3A_238] : memref<50x16384xi32, #tpu.memory_space<hbm>> -> memref<1x128xi32, #tpu.memory_space<hbm>>
      %dma_start3A_248 = tpu.memref_squeeze %dma_start3A_247 : memref<1x128xi32, #tpu.memory_space<hbm>> -> memref<128xi32, #tpu.memory_space<hbm>>
      tpu.enqueue_dma source(%dma_start3A_248 : memref<128xi32, #tpu.memory_space<hbm>>) target(%dma_start3A_246 : memref<128xi32, #tpu.memory_space<vmem>>) target_semaphore(%arg8 : memref<!tpu.dma_semaphore, #tpu.memory_space<semaphore_mem>>)
    }
    %scan3A_7 = arith.constant 200 : i32
    %scan3A_8 = arith.constant 0 : i32
    %scan3A_9 = arith.constant 0 : i32
    %scan3A_10 = arith.constant 200 : i32
    %scan3A_11 = arith.addi %scan3A_9, %scan3A_10 : i32
    %scan3A_12 = arith.constant 1 : i32
    scf.for %scan3A_216 = %scan3A_9 to %scan3A_11 step %scan3A_12  : i32 {
      %dma_wait3A_217 = arith.constant 0 : i32
      %dma_wait3A_218 = arith.constant 0 : i32
      %dma_wait3A_219 = arith.constant 0 : i32
      %dma_wait3A_220 = tpu.memref_slice %arg5[%dma_wait3A_218, %dma_wait3A_219] : memref<200x128xi32, #tpu.memory_space<vmem>> -> memref<1x128xi32, #tpu.memory_space<vmem>>
      %dma_wait3A_221 = tpu.memref_squeeze %dma_wait3A_220 : memref<1x128xi32, #tpu.memory_space<vmem>> -> memref<128xi32, #tpu.memory_space<vmem>>
      %dma_wait3A_222 = arith.constant 0 : i32
      %dma_wait3A_223 = tpu.memref_slice %arg2[%dma_wait3A_217, %dma_wait3A_222] : memref<50x16384xi32, #tpu.memory_space<hbm>> -> memref<1x128xi32, #tpu.memory_space<hbm>>
      %dma_wait3A_224 = tpu.memref_squeeze %dma_wait3A_223 : memref<1x128xi32, #tpu.memory_space<hbm>> -> memref<128xi32, #tpu.memory_space<hbm>>
      %dma_wait3A_225 = arith.constant 0 : i32
      %dma_wait3A_226 = tpu.memref_slice %arg5[%dma_wait3A_218, %dma_wait3A_225] : memref<200x128xi32, #tpu.memory_space<vmem>> -> memref<1x128xi32, #tpu.memory_space<vmem>>
      %dma_wait3A_227 = tpu.memref_squeeze %dma_wait3A_226 : memref<1x128xi32, #tpu.memory_space<vmem>> -> memref<128xi32, #tpu.memory_space<vmem>>
      %dma_wait3A_228 = arith.constant 0 : i32
      %dma_wait3A_229 = tpu.memref_slice %arg2[%dma_wait3A_217, %dma_wait3A_228] : memref<50x16384xi32, #tpu.memory_space<hbm>> -> memref<1x128xi32, #tpu.memory_space<hbm>>
      %dma_wait3A_230 = tpu.memref_squeeze %dma_wait3A_229 : memref<1x128xi32, #tpu.memory_space<hbm>> -> memref<128xi32, #tpu.memory_space<hbm>>
      tpu.wait_dma2 semaphore(%arg8 : memref<!tpu.dma_semaphore, #tpu.memory_space<semaphore_mem>>) src(%dma_wait3A_230 : memref<128xi32, #tpu.memory_space<hbm>>) dst(%dma_wait3A_227 : memref<128xi32, #tpu.memory_space<vmem>>)
    }
    %scan3A_13 = arith.constant 200 : i32
    %dma_start3A = arith.constant 0 : i32
    %dma_start3A_14 = arith.constant 0 : i32
    %dma_start3A_15 = arith.constant 0 : i32
    %dma_start3A_16 = arith.constant 0 : i32
    %dma_start3A_17 = arith.constant 0 : i32
    %dma_start3A_18 = tpu.memref_slice %arg6[%dma_start3A_14, %dma_start3A_16, %dma_start3A_17] : memref<4x128x64xf32, #tpu.memory_space<vmem>> -> memref<1x128x64xf32, #tpu.memory_space<vmem>>
    %dma_start3A_19 = tpu.memref_squeeze %dma_start3A_18 : memref<1x128x64xf32, #tpu.memory_space<vmem>> -> memref<128x64xf32, #tpu.memory_space<vmem>>
    %dma_start3A_20 = arith.constant 0 : i32
    %dma_start3A_21 = tpu.memref_slice %arg5[%dma_start3A, %dma_start3A_20] : memref<200x128xi32, #tpu.memory_space<vmem>> -> memref<1x128xi32, #tpu.memory_space<vmem>>
    %dma_start3A_22 = tpu.memref_squeeze %dma_start3A_21 : memref<1x128xi32, #tpu.memory_space<vmem>> -> memref<128xi32, #tpu.memory_space<vmem>>
    %dma_start3A_23 = arith.constant 0 : i32
    %dma_start3A_24 = arith.constant 0 : i32
    %dma_start3A_25 = tpu.memref_slice %arg3[%dma_start3A_23, %dma_start3A_24] : memref<1000000x64xf32, #tpu.memory_space<hbm>> -> memref<1000000x64xf32, #tpu.memory_space<hbm>>
    %dma_start3A_26 = tpu.memref_slice %arg9[%dma_start3A_15] : memref<4x!tpu.dma_semaphore, #tpu.memory_space<semaphore_mem>> -> memref<1x!tpu.dma_semaphore, #tpu.memory_space<semaphore_mem>>
    %dma_start3A_27 = tpu.memref_squeeze %dma_start3A_26 : memref<1x!tpu.dma_semaphore, #tpu.memory_space<semaphore_mem>> -> memref<!tpu.dma_semaphore, #tpu.memory_space<semaphore_mem>>
    tpu.enqueue_indirect_dma source(%dma_start3A_25 : memref<1000000x64xf32, #tpu.memory_space<hbm>>) target(%dma_start3A_19 : memref<128x64xf32, #tpu.memory_space<vmem>>) offsets(%dma_start3A_22 : memref<128xi32, #tpu.memory_space<vmem>>) semaphore(%dma_start3A_27 : memref<!tpu.dma_semaphore, #tpu.memory_space<semaphore_mem>>)
    %dma_start3A_28 = arith.constant 1 : i32
    %dma_start3A_29 = arith.constant 1 : i32
    %dma_start3A_30 = arith.constant 1 : i32
    %dma_start3A_31 = arith.constant 0 : i32
    %dma_start3A_32 = arith.constant 0 : i32
    %dma_start3A_33 = tpu.memref_slice %arg6[%dma_start3A_29, %dma_start3A_31, %dma_start3A_32] : memref<4x128x64xf32, #tpu.memory_space<vmem>> -> memref<1x128x64xf32, #tpu.memory_space<vmem>>
    %dma_start3A_34 = tpu.memref_squeeze %dma_start3A_33 : memref<1x128x64xf32, #tpu.memory_space<vmem>> -> memref<128x64xf32, #tpu.memory_space<vmem>>
    %dma_start3A_35 = arith.constant 0 : i32
    %dma_start3A_36 = tpu.memref_slice %arg5[%dma_start3A_28, %dma_start3A_35] : memref<200x128xi32, #tpu.memory_space<vmem>> -> memref<1x128xi32, #tpu.memory_space<vmem>>
    %dma_start3A_37 = tpu.memref_squeeze %dma_start3A_36 : memref<1x128xi32, #tpu.memory_space<vmem>> -> memref<128xi32, #tpu.memory_space<vmem>>
    %dma_start3A_38 = arith.constant 0 : i32
    %dma_start3A_39 = arith.constant 0 : i32
    %dma_start3A_40 = tpu.memref_slice %arg3[%dma_start3A_38, %dma_start3A_39] : memref<1000000x64xf32, #tpu.memory_space<hbm>> -> memref<1000000x64xf32, #tpu.memory_space<hbm>>
    %dma_start3A_41 = tpu.memref_slice %arg9[%dma_start3A_30] : memref<4x!tpu.dma_semaphore, #tpu.memory_space<semaphore_mem>> -> memref<1x!tpu.dma_semaphore, #tpu.memory_space<semaphore_mem>>
    %dma_start3A_42 = tpu.memref_squeeze %dma_start3A_41 : memref<1x!tpu.dma_semaphore, #tpu.memory_space<semaphore_mem>> -> memref<!tpu.dma_semaphore, #tpu.memory_space<semaphore_mem>>
    tpu.enqueue_indirect_dma source(%dma_start3A_40 : memref<1000000x64xf32, #tpu.memory_space<hbm>>) target(%dma_start3A_34 : memref<128x64xf32, #tpu.memory_space<vmem>>) offsets(%dma_start3A_37 : memref<128xi32, #tpu.memory_space<vmem>>) semaphore(%dma_start3A_42 : memref<!tpu.dma_semaphore, #tpu.memory_space<semaphore_mem>>)
    %dma_start3A_43 = arith.constant 2 : i32
    %dma_start3A_44 = arith.constant 2 : i32
    %dma_start3A_45 = arith.constant 2 : i32
    %dma_start3A_46 = arith.constant 0 : i32
    %dma_start3A_47 = arith.constant 0 : i32
    %dma_start3A_48 = tpu.memref_slice %arg6[%dma_start3A_44, %dma_start3A_46, %dma_start3A_47] : memref<4x128x64xf32, #tpu.memory_space<vmem>> -> memref<1x128x64xf32, #tpu.memory_space<vmem>>
    %dma_start3A_49 = tpu.memref_squeeze %dma_start3A_48 : memref<1x128x64xf32, #tpu.memory_space<vmem>> -> memref<128x64xf32, #tpu.memory_space<vmem>>
    %dma_start3A_50 = arith.constant 0 : i32
    %dma_start3A_51 = tpu.memref_slice %arg5[%dma_start3A_43, %dma_start3A_50] : memref<200x128xi32, #tpu.memory_space<vmem>> -> memref<1x128xi32, #tpu.memory_space<vmem>>
    %dma_start3A_52 = tpu.memref_squeeze %dma_start3A_51 : memref<1x128xi32, #tpu.memory_space<vmem>> -> memref<128xi32, #tpu.memory_space<vmem>>
    %dma_start3A_53 = arith.constant 0 : i32
    %dma_start3A_54 = arith.constant 0 : i32
    %dma_start3A_55 = tpu.memref_slice %arg3[%dma_start3A_53, %dma_start3A_54] : memref<1000000x64xf32, #tpu.memory_space<hbm>> -> memref<1000000x64xf32, #tpu.memory_space<hbm>>
    %dma_start3A_56 = tpu.memref_slice %arg9[%dma_start3A_45] : memref<4x!tpu.dma_semaphore, #tpu.memory_space<semaphore_mem>> -> memref<1x!tpu.dma_semaphore, #tpu.memory_space<semaphore_mem>>
    %dma_start3A_57 = tpu.memref_squeeze %dma_start3A_56 : memref<1x!tpu.dma_semaphore, #tpu.memory_space<semaphore_mem>> -> memref<!tpu.dma_semaphore, #tpu.memory_space<semaphore_mem>>
    tpu.enqueue_indirect_dma source(%dma_start3A_55 : memref<1000000x64xf32, #tpu.memory_space<hbm>>) target(%dma_start3A_49 : memref<128x64xf32, #tpu.memory_space<vmem>>) offsets(%dma_start3A_52 : memref<128xi32, #tpu.memory_space<vmem>>) semaphore(%dma_start3A_57 : memref<!tpu.dma_semaphore, #tpu.memory_space<semaphore_mem>>)
    %iota3A = tpu.iota {dimensions = array<i32: 0>} : vector<16xi32>
    %add3A_58 = arith.constant 0 : i32
    %add3A_59 = vector.broadcast %add3A_58 : i32 to vector<16xi32>
    %add3A_60 = arith.addi %iota3A, %add3A_59 : vector<16xi32>
    %iota3A_61 = tpu.iota {dimensions = array<i32: 0>} : vector<16xi32>
    %add3A_62 = arith.constant 16 : i32
    %add3A_63 = vector.broadcast %add3A_62 : i32 to vector<16xi32>
    %add3A_64 = arith.addi %iota3A_61, %add3A_63 : vector<16xi32>
    %iota3A_65 = tpu.iota {dimensions = array<i32: 0>} : vector<16xi32>
    %add3A_66 = arith.constant 32 : i32
    %add3A_67 = vector.broadcast %add3A_66 : i32 to vector<16xi32>
    %add3A_68 = arith.addi %iota3A_65, %add3A_67 : vector<16xi32>
    %iota3A_69 = tpu.iota {dimensions = array<i32: 0>} : vector<16xi32>
    %add3A_70 = arith.constant 48 : i32
    %add3A_71 = vector.broadcast %add3A_70 : i32 to vector<16xi32>
    %add3A_72 = arith.addi %iota3A_69, %add3A_71 : vector<16xi32>
    %iota3A_73 = tpu.iota {dimensions = array<i32: 0>} : vector<16xi32>
    %add3A_74 = arith.constant 64 : i32
    %add3A_75 = vector.broadcast %add3A_74 : i32 to vector<16xi32>
    %add3A_76 = arith.addi %iota3A_73, %add3A_75 : vector<16xi32>
    %iota3A_77 = tpu.iota {dimensions = array<i32: 0>} : vector<16xi32>
    %add3A_78 = arith.constant 80 : i32
    %add3A_79 = vector.broadcast %add3A_78 : i32 to vector<16xi32>
    %add3A_80 = arith.addi %iota3A_77, %add3A_79 : vector<16xi32>
    %iota3A_81 = tpu.iota {dimensions = array<i32: 0>} : vector<16xi32>
    %add3A_82 = arith.constant 96 : i32
    %add3A_83 = vector.broadcast %add3A_82 : i32 to vector<16xi32>
    %add3A_84 = arith.addi %iota3A_81, %add3A_83 : vector<16xi32>
    %iota3A_85 = tpu.iota {dimensions = array<i32: 0>} : vector<16xi32>
    %add3A_86 = arith.constant 112 : i32
    %add3A_87 = vector.broadcast %add3A_86 : i32 to vector<16xi32>
    %add3A_88 = arith.addi %iota3A_85, %add3A_87 : vector<16xi32>
    %scan3A_89 = arith.constant 0 : i32
    %scan3A_90 = arith.constant 50 : i32
    %scan3A_91 = arith.addi %scan3A_89, %scan3A_90 : i32
    %scan3A_92 = arith.constant 1 : i32
    scf.for %scan3A_216 = %scan3A_89 to %scan3A_91 step %scan3A_92  : i32 {
      %mul3A_217 = arith.constant 4 : i32
      %mul3A_218 = arith.muli %scan3A_216, %mul3A_217 : i32
      %add3A_219 = arith.constant 0 : i32
      %add3A_220 = arith.addi %add3A_219, %mul3A_218 : i32
      %add3A_221 = arith.constant 0 : i32
      %add3A_222 = arith.addi %add3A_220, %add3A_221 : i32
      %jit3A = arith.constant 4 : i32
      %div3A = arith.divsi %add3A_222, %jit3A : i32
      %sign3A = arith.constant 0 : i32
      %sign3A_223 = arith.cmpi sgt, %add3A_222, %sign3A : i32
      %sign3A_224 = arith.extui %sign3A_223 : i1 to i32
      %sign3A_225 = arith.constant 0 : i32
      %sign3A_226 = arith.cmpi slt, %add3A_222, %sign3A_225 : i32
      %sign3A_227 = arith.extui %sign3A_226 : i1 to i32
      %sign3A_228 = arith.subi %sign3A_224, %sign3A_227 : i32
      %sign3A_229 = arith.constant 0 : i32
      %sign3A_230 = arith.cmpi sgt, %jit3A, %sign3A_229 : i32
      %sign3A_231 = arith.extui %sign3A_230 : i1 to i32
      %sign3A_232 = arith.constant 0 : i32
      %sign3A_233 = arith.cmpi slt, %jit3A, %sign3A_232 : i32
      %sign3A_234 = arith.extui %sign3A_233 : i1 to i32
      %sign3A_235 = arith.subi %sign3A_231, %sign3A_234 : i32
      %ne3A = arith.cmpi ne, %sign3A_228, %sign3A_235 : i32
      %rem3A_236 = arith.remsi %add3A_222, %jit3A : i32
      %ne3A_237 = arith.constant 0 : i32
      %ne3A_238 = arith.cmpi ne, %rem3A_236, %ne3A_237 : i32
      %and3A = arith.andi %ne3A, %ne3A_238 : i1
      %sub3A = arith.constant 1 : i32
      %sub3A_239 = arith.subi %div3A, %sub3A : i32
      %select_n3A = arith.select %and3A, %sub3A_239, %div3A : i32
      %mul3A_240 = arith.constant 4 : i32
      %mul3A_241 = arith.muli %add3A, %mul3A_240 : i32
      %rem3A_242 = arith.constant 4 : i32
      %rem3A_243 = arith.remsi %add3A_222, %rem3A_242 : i32
      %add3A_244 = arith.addi %mul3A_241, %rem3A_243 : i32
      %dma_wait3A_245 = arith.constant 0 : i32
      %dma_wait3A_246 = arith.constant 0 : i32
      %dma_wait3A_247 = arith.constant 0 : i32
      %dma_wait3A_248 = arith.constant 0 : i32
      %dma_wait3A_249 = tpu.memref_slice %arg6[%dma_wait3A_245, %dma_wait3A_247, %dma_wait3A_248] : memref<4x128x64xf32, #tpu.memory_space<vmem>> -> memref<1x128x64xf32, #tpu.memory_space<vmem>>
      %dma_wait3A_250 = tpu.memref_squeeze %dma_wait3A_249 : memref<1x128x64xf32, #tpu.memory_space<vmem>> -> memref<128x64xf32, #tpu.memory_space<vmem>>
      %dma_wait3A_251 = arith.constant 0 : i32
      %dma_wait3A_252 = tpu.memref_slice %arg5[%add3A_222, %dma_wait3A_251] : memref<200x128xi32, #tpu.memory_space<vmem>> -> memref<1x128xi32, #tpu.memory_space<vmem>>
      %dma_wait3A_253 = tpu.memref_squeeze %dma_wait3A_252 : memref<1x128xi32, #tpu.memory_space<vmem>> -> memref<128xi32, #tpu.memory_space<vmem>>
      %dma_wait3A_254 = arith.constant 0 : i32
      %dma_wait3A_255 = arith.constant 0 : i32
      %dma_wait3A_256 = tpu.memref_slice %arg3[%dma_wait3A_254, %dma_wait3A_255] : memref<1000000x64xf32, #tpu.memory_space<hbm>> -> memref<1000000x64xf32, #tpu.memory_space<hbm>>
      %dma_wait3A_257 = tpu.memref_slice %arg9[%dma_wait3A_246] : memref<4x!tpu.dma_semaphore, #tpu.memory_space<semaphore_mem>> -> memref<1x!tpu.dma_semaphore, #tpu.memory_space<semaphore_mem>>
      %dma_wait3A_258 = tpu.memref_squeeze %dma_wait3A_257 : memref<1x!tpu.dma_semaphore, #tpu.memory_space<semaphore_mem>> -> memref<!tpu.dma_semaphore, #tpu.memory_space<semaphore_mem>>
      tpu.wait_indirect_dma semaphore(%dma_wait3A_258 : memref<!tpu.dma_semaphore, #tpu.memory_space<semaphore_mem>>) src(%dma_wait3A_256 : memref<1000000x64xf32, #tpu.memory_space<hbm>>) dst(%dma_wait3A_250 : memref<128x64xf32, #tpu.memory_space<vmem>>)
      %ge3A = arith.constant 4 : i32
      %ge3A_259 = arith.cmpi sge, %add3A_222, %ge3A : i32
      %convert_element_type3A = arith.extui %ge3A_259 : i1 to i32
      %cond3A = arith.constant 0 : i32
      %cond3A_260 = arith.cmpi ne, %convert_element_type3A, %cond3A : i32
      scf.if %cond3A_260 {
        %sub3A_630 = arith.constant 4 : i32
        %sub3A_631 = arith.subi %add3A_222, %sub3A_630 : i32
        %jit3A_632 = arith.constant 4 : i32
        %div3A_633 = arith.divsi %sub3A_631, %jit3A_632 : i32
        %sign3A_634 = arith.constant 0 : i32
        %sign3A_635 = arith.cmpi sgt, %sub3A_631, %sign3A_634 : i32
        %sign3A_636 = arith.extui %sign3A_635 : i1 to i32
        %sign3A_637 = arith.constant 0 : i32
        %sign3A_638 = arith.cmpi slt, %sub3A_631, %sign3A_637 : i32
        %sign3A_639 = arith.extui %sign3A_638 : i1 to i32
        %sign3A_640 = arith.subi %sign3A_636, %sign3A_639 : i32
        %sign3A_641 = arith.constant 0 : i32
        %sign3A_642 = arith.cmpi sgt, %jit3A_632, %sign3A_641 : i32
        %sign3A_643 = arith.extui %sign3A_642 : i1 to i32
        %sign3A_644 = arith.constant 0 : i32
        %sign3A_645 = arith.cmpi slt, %jit3A_632, %sign3A_644 : i32
        %sign3A_646 = arith.extui %sign3A_645 : i1 to i32
        %sign3A_647 = arith.subi %sign3A_643, %sign3A_646 : i32
        %ne3A_648 = arith.cmpi ne, %sign3A_640, %sign3A_647 : i32
        %rem3A_649 = arith.remsi %sub3A_631, %jit3A_632 : i32
        %ne3A_650 = arith.constant 0 : i32
        %ne3A_651 = arith.cmpi ne, %rem3A_649, %ne3A_650 : i32
        %and3A_652 = arith.andi %ne3A_648, %ne3A_651 : i1
        %sub3A_653 = arith.constant 1 : i32
        %sub3A_654 = arith.subi %div3A_633, %sub3A_653 : i32
        %select_n3A_655 = arith.select %and3A_652, %sub3A_654, %div3A_633 : i32
        %mul3A_656 = arith.constant 4 : i32
        %mul3A_657 = arith.muli %add3A, %mul3A_656 : i32
        %rem3A_658 = arith.constant 4 : i32
        %rem3A_659 = arith.remsi %sub3A_631, %rem3A_658 : i32
        %add3A_660 = arith.addi %mul3A_657, %rem3A_659 : i32
        %dma_wait3A_661 = arith.constant 0 : i32
        %dma_wait3A_662 = arith.constant 0 : i32
        %dma_wait3A_663 = arith.constant 0 : i32
        %dma_wait3A_664 = arith.constant 0 : i32
        %dma_wait3A_665 = arith.constant 0 : i32
        %dma_wait3A_666 = tpu.memref_slice %arg7[%dma_wait3A_661, %dma_wait3A_663, %dma_wait3A_664, %dma_wait3A_665] : memref<4x8x8x128xf32, #tpu.memory_space<vmem>> -> memref<1x8x8x128xf32, #tpu.memory_space<vmem>>
        %dma_wait3A_667 = tpu.memref_squeeze %dma_wait3A_666 : memref<1x8x8x128xf32, #tpu.memory_space<vmem>> -> memref<8x8x128xf32, #tpu.memory_space<vmem>>
        %dma_wait3A_668 = arith.constant 0 : i32
        %dma_wait3A_669 = arith.constant 0 : i32
        %dma_wait3A_670 = arith.constant 0 : i32
        %dma_wait3A_671 = tpu.memref_slice %arg4[%select_n3A_655, %dma_wait3A_668, %add3A_660, %dma_wait3A_669, %dma_wait3A_670] : memref<50x8x128x8x128xf32, #tpu.memory_space<hbm>> -> memref<1x8x1x8x128xf32, #tpu.memory_space<hbm>>
        %dma_wait3A_672 = tpu.memref_squeeze %dma_wait3A_671 : memref<1x8x1x8x128xf32, #tpu.memory_space<hbm>> -> memref<8x8x128xf32, #tpu.memory_space<hbm>>
        %dma_wait3A_673 = tpu.memref_slice %arg10[%dma_wait3A_662] : memref<4x!tpu.dma_semaphore, #tpu.memory_space<semaphore_mem>> -> memref<1x!tpu.dma_semaphore, #tpu.memory_space<semaphore_mem>>
        %dma_wait3A_674 = tpu.memref_squeeze %dma_wait3A_673 : memref<1x!tpu.dma_semaphore, #tpu.memory_space<semaphore_mem>> -> memref<!tpu.dma_semaphore, #tpu.memory_space<semaphore_mem>>
        %dma_wait3A_675 = arith.constant 0 : i32
        %dma_wait3A_676 = arith.constant 0 : i32
        %dma_wait3A_677 = arith.constant 0 : i32
        %dma_wait3A_678 = tpu.memref_slice %arg4[%select_n3A_655, %dma_wait3A_675, %add3A_660, %dma_wait3A_676, %dma_wait3A_677] : memref<50x8x128x8x128xf32, #tpu.memory_space<hbm>> -> memref<1x8x1x8x128xf32, #tpu.memory_space<hbm>>
        %dma_wait3A_679 = tpu.memref_squeeze %dma_wait3A_678 : memref<1x8x1x8x128xf32, #tpu.memory_space<hbm>> -> memref<8x8x128xf32, #tpu.memory_space<hbm>>
        %dma_wait3A_680 = arith.constant 0 : i32
        %dma_wait3A_681 = arith.constant 0 : i32
        %dma_wait3A_682 = arith.constant 0 : i32
        %dma_wait3A_683 = tpu.memref_slice %arg7[%dma_wait3A_661, %dma_wait3A_680, %dma_wait3A_681, %dma_wait3A_682] : memref<4x8x8x128xf32, #tpu.memory_space<vmem>> -> memref<1x8x8x128xf32, #tpu.memory_space<vmem>>
        %dma_wait3A_684 = tpu.memref_squeeze %dma_wait3A_683 : memref<1x8x8x128xf32, #tpu.memory_space<vmem>> -> memref<8x8x128xf32, #tpu.memory_space<vmem>>
        tpu.wait_dma2 semaphore(%dma_wait3A_674 : memref<!tpu.dma_semaphore, #tpu.memory_space<semaphore_mem>>) src(%dma_wait3A_684 : memref<8x8x128xf32, #tpu.memory_space<vmem>>) dst(%dma_wait3A_679 : memref<8x8x128xf32, #tpu.memory_space<hbm>>)
      } else {
      }
      %scan3A_261 = arith.constant 0 : i32
      %scan3A_262 = arith.constant 16 : i32
      %scan3A_263 = arith.addi %scan3A_261, %scan3A_262 : i32
      %scan3A_264 = arith.constant 1 : i32
      %scan3A_265 = scf.for %scan3A_630 = %scan3A_261 to %scan3A_263 step %scan3A_264 iter_args(%scan3A_631 = %add3A_60) -> (vector<16xi32>)  : i32 {
        %add3A_632 = arith.constant 0 : i32
        %add3A_633 = vector.broadcast %add3A_632 : i32 to vector<16xi32>
        %add3A_634 = arith.addi %scan3A_631, %add3A_633 : vector<16xi32>
        %shift_right_arithmetic3A = arith.constant 3 : i32
        %shift_right_arithmetic3A_635 = vector.broadcast %shift_right_arithmetic3A : i32 to vector<16xi32>
        %shift_right_arithmetic3A_636 = arith.shrsi %add3A_634, %shift_right_arithmetic3A_635 : vector<16xi32>
        %and3A_637 = arith.constant 7 : i32
        %and3A_638 = vector.broadcast %and3A_637 : i32 to vector<16xi32>
        %and3A_639 = arith.andi %add3A_634, %and3A_638 : vector<16xi32>
        %gather3A = arith.constant 0 : i32
        %gather3A_640 = arith.constant 0 : i32
        %gather3A_641 = arith.constant 0 : i32
        %gather3A_642 = tpu.memref_slice %arg6[%gather3A, %gather3A_640, %gather3A_641] : memref<4x128x64xf32, #tpu.memory_space<vmem>> -> memref<1x128x64xf32, #tpu.memory_space<vmem>>
        %gather3A_643 = tpu.memref_squeeze %gather3A_642 : memref<1x128x64xf32, #tpu.memory_space<vmem>> -> memref<128x64xf32, #tpu.memory_space<vmem>>
        %gather3A_644 = tpu.vector_load_idx %gather3A_643[%add3A_60, %add3A_634] : memref<128x64xf32, #tpu.memory_space<vmem>>[vector<16xi32>, vector<16xi32>], vector<16xf32>,
        %mul3A_645 = arith.constant 8.000000e+00 : f32
        %mul3A_646 = vector.broadcast %mul3A_645 : f32 to vector<16xf32>
        %mul3A_647 = arith.mulf %gather3A_644, %mul3A_646 : vector<16xf32>
        %scatter3A = arith.constant 0 : i32
        %scatter3A_648 = arith.constant 0 : i32
        %scatter3A_649 = arith.constant 0 : i32
        %scatter3A_650 = arith.constant 0 : i32
        %scatter3A_651 = tpu.memref_slice %arg7[%scatter3A, %scatter3A_648, %scatter3A_649, %scatter3A_650] : memref<4x8x8x128xf32, #tpu.memory_space<vmem>> -> memref<1x8x8x128xf32, #tpu.memory_space<vmem>>
        %scatter3A_652 = tpu.memref_squeeze %scatter3A_651 : memref<1x8x8x128xf32, #tpu.memory_space<vmem>> -> memref<8x8x128xf32, #tpu.memory_space<vmem>>
        tpu.vector_store_idx %scatter3A_652[%shift_right_arithmetic3A_636, %and3A_639, %add3A_60], %mul3A_647 : memref<8x8x128xf32, #tpu.memory_space<vmem>>[vector<16xi32>, vector<16xi32>, vector<16xi32>], vector<16xf32>,
        %gather3A_653 = arith.constant 0 : i32
        %gather3A_654 = arith.constant 0 : i32
        %gather3A_655 = arith.constant 0 : i32
        %gather3A_656 = tpu.memref_slice %arg6[%gather3A_653, %gather3A_654, %gather3A_655] : memref<4x128x64xf32, #tpu.memory_space<vmem>> -> memref<1x128x64xf32, #tpu.memory_space<vmem>>
        %gather3A_657 = tpu.memref_squeeze %gather3A_656 : memref<1x128x64xf32, #tpu.memory_space<vmem>> -> memref<128x64xf32, #tpu.memory_space<vmem>>
        %gather3A_658 = tpu.vector_load_idx %gather3A_657[%add3A_64, %add3A_634] : memref<128x64xf32, #tpu.memory_space<vmem>>[vector<16xi32>, vector<16xi32>], vector<16xf32>,
        %mul3A_659 = arith.constant 8.000000e+00 : f32
        %mul3A_660 = vector.broadcast %mul3A_659 : f32 to vector<16xf32>
        %mul3A_661 = arith.mulf %gather3A_658, %mul3A_660 : vector<16xf32>
        %scatter3A_662 = arith.constant 0 : i32
        %scatter3A_663 = arith.constant 0 : i32
        %scatter3A_664 = arith.constant 0 : i32
        %scatter3A_665 = arith.constant 0 : i32
        %scatter3A_666 = tpu.memref_slice %arg7[%scatter3A_662, %scatter3A_663, %scatter3A_664, %scatter3A_665] : memref<4x8x8x128xf32, #tpu.memory_space<vmem>> -> memref<1x8x8x128xf32, #tpu.memory_space<vmem>>
        %scatter3A_667 = tpu.memref_squeeze %scatter3A_666 : memref<1x8x8x128xf32, #tpu.memory_space<vmem>> -> memref<8x8x128xf32, #tpu.memory_space<vmem>>
        tpu.vector_store_idx %scatter3A_667[%shift_right_arithmetic3A_636, %and3A_639, %add3A_64], %mul3A_661 : memref<8x8x128xf32, #tpu.memory_space<vmem>>[vector<16xi32>, vector<16xi32>, vector<16xi32>], vector<16xf32>,
        %gather3A_668 = arith.constant 0 : i32
        %gather3A_669 = arith.constant 0 : i32
        %gather3A_670 = arith.constant 0 : i32
        %gather3A_671 = tpu.memref_slice %arg6[%gather3A_668, %gather3A_669, %gather3A_670] : memref<4x128x64xf32, #tpu.memory_space<vmem>> -> memref<1x128x64xf32, #tpu.memory_space<vmem>>
        %gather3A_672 = tpu.memref_squeeze %gather3A_671 : memref<1x128x64xf32, #tpu.memory_space<vmem>> -> memref<128x64xf32, #tpu.memory_space<vmem>>
        %gather3A_673 = tpu.vector_load_idx %gather3A_672[%add3A_68, %add3A_634] : memref<128x64xf32, #tpu.memory_space<vmem>>[vector<16xi32>, vector<16xi32>], vector<16xf32>,
        %mul3A_674 = arith.constant 8.000000e+00 : f32
        %mul3A_675 = vector.broadcast %mul3A_674 : f32 to vector<16xf32>
        %mul3A_676 = arith.mulf %gather3A_673, %mul3A_675 : vector<16xf32>
        %scatter3A_677 = arith.constant 0 : i32
        %scatter3A_678 = arith.constant 0 : i32
        %scatter3A_679 = arith.constant 0 : i32
        %scatter3A_680 = arith.constant 0 : i32
        %scatter3A_681 = tpu.memref_slice %arg7[%scatter3A_677, %scatter3A_678, %scatter3A_679, %scatter3A_680] : memref<4x8x8x128xf32, #tpu.memory_space<vmem>> -> memref<1x8x8x128xf32, #tpu.memory_space<vmem>>
        %scatter3A_682 = tpu.memref_squeeze %scatter3A_681 : memref<1x8x8x128xf32, #tpu.memory_space<vmem>> -> memref<8x8x128xf32, #tpu.memory_space<vmem>>
        tpu.vector_store_idx %scatter3A_682[%shift_right_arithmetic3A_636, %and3A_639, %add3A_68], %mul3A_676 : memref<8x8x128xf32, #tpu.memory_space<vmem>>[vector<16xi32>, vector<16xi32>, vector<16xi32>], vector<16xf32>,
        %gather3A_683 = arith.constant 0 : i32
        %gather3A_684 = arith.constant 0 : i32
        %gather3A_685 = arith.constant 0 : i32
        %gather3A_686 = tpu.memref_slice %arg6[%gather3A_683, %gather3A_684, %gather3A_685] : memref<4x128x64xf32, #tpu.memory_space<vmem>> -> memref<1x128x64xf32, #tpu.memory_space<vmem>>
        %gather3A_687 = tpu.memref_squeeze %gather3A_686 : memref<1x128x64xf32, #tpu.memory_space<vmem>> -> memref<128x64xf32, #tpu.memory_space<vmem>>
        %gather3A_688 = tpu.vector_load_idx %gather3A_687[%add3A_72, %add3A_634] : memref<128x64xf32, #tpu.memory_space<vmem>>[vector<16xi32>, vector<16xi32>], vector<16xf32>,
        %mul3A_689 = arith.constant 8.000000e+00 : f32
        %mul3A_690 = vector.broadcast %mul3A_689 : f32 to vector<16xf32>
        %mul3A_691 = arith.mulf %gather3A_688, %mul3A_690 : vector<16xf32>
        %scatter3A_692 = arith.constant 0 : i32
        %scatter3A_693 = arith.constant 0 : i32
        %scatter3A_694 = arith.constant 0 : i32
        %scatter3A_695 = arith.constant 0 : i32
        %scatter3A_696 = tpu.memref_slice %arg7[%scatter3A_692, %scatter3A_693, %scatter3A_694, %scatter3A_695] : memref<4x8x8x128xf32, #tpu.memory_space<vmem>> -> memref<1x8x8x128xf32, #tpu.memory_space<vmem>>
        %scatter3A_697 = tpu.memref_squeeze %scatter3A_696 : memref<1x8x8x128xf32, #tpu.memory_space<vmem>> -> memref<8x8x128xf32, #tpu.memory_space<vmem>>
        tpu.vector_store_idx %scatter3A_697[%shift_right_arithmetic3A_636, %and3A_639, %add3A_72], %mul3A_691 : memref<8x8x128xf32, #tpu.memory_space<vmem>>[vector<16xi32>, vector<16xi32>, vector<16xi32>], vector<16xf32>,
        %gather3A_698 = arith.constant 0 : i32
        %gather3A_699 = arith.constant 0 : i32
        %gather3A_700 = arith.constant 0 : i32
        %gather3A_701 = tpu.memref_slice %arg6[%gather3A_698, %gather3A_699, %gather3A_700] : memref<4x128x64xf32, #tpu.memory_space<vmem>> -> memref<1x128x64xf32, #tpu.memory_space<vmem>>
        %gather3A_702 = tpu.memref_squeeze %gather3A_701 : memref<1x128x64xf32, #tpu.memory_space<vmem>> -> memref<128x64xf32, #tpu.memory_space<vmem>>
        %gather3A_703 = tpu.vector_load_idx %gather3A_702[%add3A_76, %add3A_634] : memref<128x64xf32, #tpu.memory_space<vmem>>[vector<16xi32>, vector<16xi32>], vector<16xf32>,
        %mul3A_704 = arith.constant 8.000000e+00 : f32
        %mul3A_705 = vector.broadcast %mul3A_704 : f32 to vector<16xf32>
        %mul3A_706 = arith.mulf %gather3A_703, %mul3A_705 : vector<16xf32>
        %scatter3A_707 = arith.constant 0 : i32
        %scatter3A_708 = arith.constant 0 : i32
        %scatter3A_709 = arith.constant 0 : i32
        %scatter3A_710 = arith.constant 0 : i32
        %scatter3A_711 = tpu.memref_slice %arg7[%scatter3A_707, %scatter3A_708, %scatter3A_709, %scatter3A_710] : memref<4x8x8x128xf32, #tpu.memory_space<vmem>> -> memref<1x8x8x128xf32, #tpu.memory_space<vmem>>
        %scatter3A_712 = tpu.memref_squeeze %scatter3A_711 : memref<1x8x8x128xf32, #tpu.memory_space<vmem>> -> memref<8x8x128xf32, #tpu.memory_space<vmem>>
        tpu.vector_store_idx %scatter3A_712[%shift_right_arithmetic3A_636, %and3A_639, %add3A_76], %mul3A_706 : memref<8x8x128xf32, #tpu.memory_space<vmem>>[vector<16xi32>, vector<16xi32>, vector<16xi32>], vector<16xf32>,
        %gather3A_713 = arith.constant 0 : i32
        %gather3A_714 = arith.constant 0 : i32
        %gather3A_715 = arith.constant 0 : i32
        %gather3A_716 = tpu.memref_slice %arg6[%gather3A_713, %gather3A_714, %gather3A_715] : memref<4x128x64xf32, #tpu.memory_space<vmem>> -> memref<1x128x64xf32, #tpu.memory_space<vmem>>
        %gather3A_717 = tpu.memref_squeeze %gather3A_716 : memref<1x128x64xf32, #tpu.memory_space<vmem>> -> memref<128x64xf32, #tpu.memory_space<vmem>>
        %gather3A_718 = tpu.vector_load_idx %gather3A_717[%add3A_80, %add3A_634] : memref<128x64xf32, #tpu.memory_space<vmem>>[vector<16xi32>, vector<16xi32>], vector<16xf32>,
        %mul3A_719 = arith.constant 8.000000e+00 : f32
        %mul3A_720 = vector.broadcast %mul3A_719 : f32 to vector<16xf32>
        %mul3A_721 = arith.mulf %gather3A_718, %mul3A_720 : vector<16xf32>
        %scatter3A_722 = arith.constant 0 : i32
        %scatter3A_723 = arith.constant 0 : i32
        %scatter3A_724 = arith.constant 0 : i32
        %scatter3A_725 = arith.constant 0 : i32
        %scatter3A_726 = tpu.memref_slice %arg7[%scatter3A_722, %scatter3A_723, %scatter3A_724, %scatter3A_725] : memref<4x8x8x128xf32, #tpu.memory_space<vmem>> -> memref<1x8x8x128xf32, #tpu.memory_space<vmem>>
        %scatter3A_727 = tpu.memref_squeeze %scatter3A_726 : memref<1x8x8x128xf32, #tpu.memory_space<vmem>> -> memref<8x8x128xf32, #tpu.memory_space<vmem>>
        tpu.vector_store_idx %scatter3A_727[%shift_right_arithmetic3A_636, %and3A_639, %add3A_80], %mul3A_721 : memref<8x8x128xf32, #tpu.memory_space<vmem>>[vector<16xi32>, vector<16xi32>, vector<16xi32>], vector<16xf32>,
        %gather3A_728 = arith.constant 0 : i32
        %gather3A_729 = arith.constant 0 : i32
        %gather3A_730 = arith.constant 0 : i32
        %gather3A_731 = tpu.memref_slice %arg6[%gather3A_728, %gather3A_729, %gather3A_730] : memref<4x128x64xf32, #tpu.memory_space<vmem>> -> memref<1x128x64xf32, #tpu.memory_space<vmem>>
        %gather3A_732 = tpu.memref_squeeze %gather3A_731 : memref<1x128x64xf32, #tpu.memory_space<vmem>> -> memref<128x64xf32, #tpu.memory_space<vmem>>
        %gather3A_733 = tpu.vector_load_idx %gather3A_732[%add3A_84, %add3A_634] : memref<128x64xf32, #tpu.memory_space<vmem>>[vector<16xi32>, vector<16xi32>], vector<16xf32>,
        %mul3A_734 = arith.constant 8.000000e+00 : f32
        %mul3A_735 = vector.broadcast %mul3A_734 : f32 to vector<16xf32>
        %mul3A_736 = arith.mulf %gather3A_733, %mul3A_735 : vector<16xf32>
        %scatter3A_737 = arith.constant 0 : i32
        %scatter3A_738 = arith.constant 0 : i32
        %scatter3A_739 = arith.constant 0 : i32
        %scatter3A_740 = arith.constant 0 : i32
        %scatter3A_741 = tpu.memref_slice %arg7[%scatter3A_737, %scatter3A_738, %scatter3A_739, %scatter3A_740] : memref<4x8x8x128xf32, #tpu.memory_space<vmem>> -> memref<1x8x8x128xf32, #tpu.memory_space<vmem>>
        %scatter3A_742 = tpu.memref_squeeze %scatter3A_741 : memref<1x8x8x128xf32, #tpu.memory_space<vmem>> -> memref<8x8x128xf32, #tpu.memory_space<vmem>>
        tpu.vector_store_idx %scatter3A_742[%shift_right_arithmetic3A_636, %and3A_639, %add3A_84], %mul3A_736 : memref<8x8x128xf32, #tpu.memory_space<vmem>>[vector<16xi32>, vector<16xi32>, vector<16xi32>], vector<16xf32>,
        %gather3A_743 = arith.constant 0 : i32
        %gather3A_744 = arith.constant 0 : i32
        %gather3A_745 = arith.constant 0 : i32
        %gather3A_746 = tpu.memref_slice %arg6[%gather3A_743, %gather3A_744, %gather3A_745] : memref<4x128x64xf32, #tpu.memory_space<vmem>> -> memref<1x128x64xf32, #tpu.memory_space<vmem>>
        %gather3A_747 = tpu.memref_squeeze %gather3A_746 : memref<1x128x64xf32, #tpu.memory_space<vmem>> -> memref<128x64xf32, #tpu.memory_space<vmem>>
        %gather3A_748 = tpu.vector_load_idx %gather3A_747[%add3A_88, %add3A_634] : memref<128x64xf32, #tpu.memory_space<vmem>>[vector<16xi32>, vector<16xi32>], vector<16xf32>,
        %mul3A_749 = arith.constant 8.000000e+00 : f32
        %mul3A_750 = vector.broadcast %mul3A_749 : f32 to vector<16xf32>
        %mul3A_751 = arith.mulf %gather3A_748, %mul3A_750 : vector<16xf32>
        %scatter3A_752 = arith.constant 0 : i32
        %scatter3A_753 = arith.constant 0 : i32
        %scatter3A_754 = arith.constant 0 : i32
        %scatter3A_755 = arith.constant 0 : i32
        %scatter3A_756 = tpu.memref_slice %arg7[%scatter3A_752, %scatter3A_753, %scatter3A_754, %scatter3A_755] : memref<4x8x8x128xf32, #tpu.memory_space<vmem>> -> memref<1x8x8x128xf32, #tpu.memory_space<vmem>>
        %scatter3A_757 = tpu.memref_squeeze %scatter3A_756 : memref<1x8x8x128xf32, #tpu.memory_space<vmem>> -> memref<8x8x128xf32, #tpu.memory_space<vmem>>
        tpu.vector_store_idx %scatter3A_757[%shift_right_arithmetic3A_636, %and3A_639, %add3A_88], %mul3A_751 : memref<8x8x128xf32, #tpu.memory_space<vmem>>[vector<16xi32>, vector<16xi32>, vector<16xi32>], vector<16xf32>,
        %add3A_758 = arith.constant 1 : i32
        %add3A_759 = vector.broadcast %add3A_758 : i32 to vector<16xi32>
        %add3A_760 = arith.addi %scan3A_631, %add3A_759 : vector<16xi32>
        %and3A_761 = arith.constant 15 : i32
        %and3A_762 = vector.broadcast %and3A_761 : i32 to vector<16xi32>
        %and3A_763 = arith.andi %add3A_760, %and3A_762 : vector<16xi32>
        scf.yield %and3A_763 : vector<16xi32>
      }
      %scan3A_266 = arith.constant 16 : i32
      %scan3A_267 = arith.constant 0 : i32
      %scan3A_268 = arith.constant 16 : i32
      %scan3A_269 = arith.addi %scan3A_267, %scan3A_268 : i32
      %scan3A_270 = arith.constant 1 : i32
      %scan3A_271 = scf.for %scan3A_630 = %scan3A_267 to %scan3A_269 step %scan3A_270 iter_args(%scan3A_631 = %add3A_60) -> (vector<16xi32>)  : i32 {
        %add3A_632 = arith.constant 16 : i32
        %add3A_633 = vector.broadcast %add3A_632 : i32 to vector<16xi32>
        %add3A_634 = arith.addi %scan3A_631, %add3A_633 : vector<16xi32>
        %shift_right_arithmetic3A = arith.constant 3 : i32
        %shift_right_arithmetic3A_635 = vector.broadcast %shift_right_arithmetic3A : i32 to vector<16xi32>
        %shift_right_arithmetic3A_636 = arith.shrsi %add3A_634, %shift_right_arithmetic3A_635 : vector<16xi32>
        %and3A_637 = arith.constant 7 : i32
        %and3A_638 = vector.broadcast %and3A_637 : i32 to vector<16xi32>
        %and3A_639 = arith.andi %add3A_634, %and3A_638 : vector<16xi32>
        %gather3A = arith.constant 0 : i32
        %gather3A_640 = arith.constant 0 : i32
        %gather3A_641 = arith.constant 0 : i32
        %gather3A_642 = tpu.memref_slice %arg6[%gather3A, %gather3A_640, %gather3A_641] : memref<4x128x64xf32, #tpu.memory_space<vmem>> -> memref<1x128x64xf32, #tpu.memory_space<vmem>>
        %gather3A_643 = tpu.memref_squeeze %gather3A_642 : memref<1x128x64xf32, #tpu.memory_space<vmem>> -> memref<128x64xf32, #tpu.memory_space<vmem>>
        %gather3A_644 = tpu.vector_load_idx %gather3A_643[%add3A_60, %add3A_634] : memref<128x64xf32, #tpu.memory_space<vmem>>[vector<16xi32>, vector<16xi32>], vector<16xf32>,
        %mul3A_645 = arith.constant 8.000000e+00 : f32
        %mul3A_646 = vector.broadcast %mul3A_645 : f32 to vector<16xf32>
        %mul3A_647 = arith.mulf %gather3A_644, %mul3A_646 : vector<16xf32>
        %scatter3A = arith.constant 0 : i32
        %scatter3A_648 = arith.constant 0 : i32
        %scatter3A_649 = arith.constant 0 : i32
        %scatter3A_650 = arith.constant 0 : i32
        %scatter3A_651 = tpu.memref_slice %arg7[%scatter3A, %scatter3A_648, %scatter3A_649, %scatter3A_650] : memref<4x8x8x128xf32, #tpu.memory_space<vmem>> -> memref<1x8x8x128xf32, #tpu.memory_space<vmem>>
        %scatter3A_652 = tpu.memref_squeeze %scatter3A_651 : memref<1x8x8x128xf32, #tpu.memory_space<vmem>> -> memref<8x8x128xf32, #tpu.memory_space<vmem>>
        tpu.vector_store_idx %scatter3A_652[%shift_right_arithmetic3A_636, %and3A_639, %add3A_60], %mul3A_647 : memref<8x8x128xf32, #tpu.memory_space<vmem>>[vector<16xi32>, vector<16xi32>, vector<16xi32>], vector<16xf32>,
        %gather3A_653 = arith.constant 0 : i32
        %gather3A_654 = arith.constant 0 : i32
        %gather3A_655 = arith.constant 0 : i32
        %gather3A_656 = tpu.memref_slice %arg6[%gather3A_653, %gather3A_654, %gather3A_655] : memref<4x128x64xf32, #tpu.memory_space<vmem>> -> memref<1x128x64xf32, #tpu.memory_space<vmem>>
        %gather3A_657 = tpu.memref_squeeze %gather3A_656 : memref<1x128x64xf32, #tpu.memory_space<vmem>> -> memref<128x64xf32, #tpu.memory_space<vmem>>
        %gather3A_658 = tpu.vector_load_idx %gather3A_657[%add3A_64, %add3A_634] : memref<128x64xf32, #tpu.memory_space<vmem>>[vector<16xi32>, vector<16xi32>], vector<16xf32>,
        %mul3A_659 = arith.constant 8.000000e+00 : f32
        %mul3A_660 = vector.broadcast %mul3A_659 : f32 to vector<16xf32>
        %mul3A_661 = arith.mulf %gather3A_658, %mul3A_660 : vector<16xf32>
        %scatter3A_662 = arith.constant 0 : i32
        %scatter3A_663 = arith.constant 0 : i32
        %scatter3A_664 = arith.constant 0 : i32
        %scatter3A_665 = arith.constant 0 : i32
        %scatter3A_666 = tpu.memref_slice %arg7[%scatter3A_662, %scatter3A_663, %scatter3A_664, %scatter3A_665] : memref<4x8x8x128xf32, #tpu.memory_space<vmem>> -> memref<1x8x8x128xf32, #tpu.memory_space<vmem>>
        %scatter3A_667 = tpu.memref_squeeze %scatter3A_666 : memref<1x8x8x128xf32, #tpu.memory_space<vmem>> -> memref<8x8x128xf32, #tpu.memory_space<vmem>>
        tpu.vector_store_idx %scatter3A_667[%shift_right_arithmetic3A_636, %and3A_639, %add3A_64], %mul3A_661 : memref<8x8x128xf32, #tpu.memory_space<vmem>>[vector<16xi32>, vector<16xi32>, vector<16xi32>], vector<16xf32>,
        %gather3A_668 = arith.constant 0 : i32
        %gather3A_669 = arith.constant 0 : i32
        %gather3A_670 = arith.constant 0 : i32
        %gather3A_671 = tpu.memref_slice %arg6[%gather3A_668, %gather3A_669, %gather3A_670] : memref<4x128x64xf32, #tpu.memory_space<vmem>> -> memref<1x128x64xf32, #tpu.memory_space<vmem>>
        %gather3A_672 = tpu.memref_squeeze %gather3A_671 : memref<1x128x64xf32, #tpu.memory_space<vmem>> -> memref<128x64xf32, #tpu.memory_space<vmem>>
        %gather3A_673 = tpu.vector_load_idx %gather3A_672[%add3A_68, %add3A_634] : memref<128x64xf32, #tpu.memory_space<vmem>>[vector<16xi32>, vector<16xi32>], vector<16xf32>,
        %mul3A_674 = arith.constant 8.000000e+00 : f32
        %mul3A_675 = vector.broadcast %mul3A_674 : f32 to vector<16xf32>
        %mul3A_676 = arith.mulf %gather3A_673, %mul3A_675 : vector<16xf32>
        %scatter3A_677 = arith.constant 0 : i32
        %scatter3A_678 = arith.constant 0 : i32
        %scatter3A_679 = arith.constant 0 : i32
        %scatter3A_680 = arith.constant 0 : i32
        %scatter3A_681 = tpu.memref_slice %arg7[%scatter3A_677, %scatter3A_678, %scatter3A_679, %scatter3A_680] : memref<4x8x8x128xf32, #tpu.memory_space<vmem>> -> memref<1x8x8x128xf32, #tpu.memory_space<vmem>>
        %scatter3A_682 = tpu.memref_squeeze %scatter3A_681 : memref<1x8x8x128xf32, #tpu.memory_space<vmem>> -> memref<8x8x128xf32, #tpu.memory_space<vmem>>
        tpu.vector_store_idx %scatter3A_682[%shift_right_arithmetic3A_636, %and3A_639, %add3A_68], %mul3A_676 : memref<8x8x128xf32, #tpu.memory_space<vmem>>[vector<16xi32>, vector<16xi32>, vector<16xi32>], vector<16xf32>,
        %gather3A_683 = arith.constant 0 : i32
        %gather3A_684 = arith.constant 0 : i32
        %gather3A_685 = arith.constant 0 : i32
        %gather3A_686 = tpu.memref_slice %arg6[%gather3A_683, %gather3A_684, %gather3A_685] : memref<4x128x64xf32, #tpu.memory_space<vmem>> -> memref<1x128x64xf32, #tpu.memory_space<vmem>>
        %gather3A_687 = tpu.memref_squeeze %gather3A_686 : memref<1x128x64xf32, #tpu.memory_space<vmem>> -> memref<128x64xf32, #tpu.memory_space<vmem>>
        %gather3A_688 = tpu.vector_load_idx %gather3A_687[%add3A_72, %add3A_634] : memref<128x64xf32, #tpu.memory_space<vmem>>[vector<16xi32>, vector<16xi32>], vector<16xf32>,
        %mul3A_689 = arith.constant 8.000000e+00 : f32
        %mul3A_690 = vector.broadcast %mul3A_689 : f32 to vector<16xf32>
        %mul3A_691 = arith.mulf %gather3A_688, %mul3A_690 : vector<16xf32>
        %scatter3A_692 = arith.constant 0 : i32
        %scatter3A_693 = arith.constant 0 : i32
        %scatter3A_694 = arith.constant 0 : i32
        %scatter3A_695 = arith.constant 0 : i32
        %scatter3A_696 = tpu.memref_slice %arg7[%scatter3A_692, %scatter3A_693, %scatter3A_694, %scatter3A_695] : memref<4x8x8x128xf32, #tpu.memory_space<vmem>> -> memref<1x8x8x128xf32, #tpu.memory_space<vmem>>
        %scatter3A_697 = tpu.memref_squeeze %scatter3A_696 : memref<1x8x8x128xf32, #tpu.memory_space<vmem>> -> memref<8x8x128xf32, #tpu.memory_space<vmem>>
        tpu.vector_store_idx %scatter3A_697[%shift_right_arithmetic3A_636, %and3A_639, %add3A_72], %mul3A_691 : memref<8x8x128xf32, #tpu.memory_space<vmem>>[vector<16xi32>, vector<16xi32>, vector<16xi32>], vector<16xf32>,
        %gather3A_698 = arith.constant 0 : i32
        %gather3A_699 = arith.constant 0 : i32
        %gather3A_700 = arith.constant 0 : i32
        %gather3A_701 = tpu.memref_slice %arg6[%gather3A_698, %gather3A_699, %gather3A_700] : memref<4x128x64xf32, #tpu.memory_space<vmem>> -> memref<1x128x64xf32, #tpu.memory_space<vmem>>
        %gather3A_702 = tpu.memref_squeeze %gather3A_701 : memref<1x128x64xf32, #tpu.memory_space<vmem>> -> memref<128x64xf32, #tpu.memory_space<vmem>>
        %gather3A_703 = tpu.vector_load_idx %gather3A_702[%add3A_76, %add3A_634] : memref<128x64xf32, #tpu.memory_space<vmem>>[vector<16xi32>, vector<16xi32>], vector<16xf32>,
        %mul3A_704 = arith.constant 8.000000e+00 : f32
        %mul3A_705 = vector.broadcast %mul3A_704 : f32 to vector<16xf32>
        %mul3A_706 = arith.mulf %gather3A_703, %mul3A_705 : vector<16xf32>
        %scatter3A_707 = arith.constant 0 : i32
        %scatter3A_708 = arith.constant 0 : i32
        %scatter3A_709 = arith.constant 0 : i32
        %scatter3A_710 = arith.constant 0 : i32
        %scatter3A_711 = tpu.memref_slice %arg7[%scatter3A_707, %scatter3A_708, %scatter3A_709, %scatter3A_710] : memref<4x8x8x128xf32, #tpu.memory_space<vmem>> -> memref<1x8x8x128xf32, #tpu.memory_space<vmem>>
        %scatter3A_712 = tpu.memref_squeeze %scatter3A_711 : memref<1x8x8x128xf32, #tpu.memory_space<vmem>> -> memref<8x8x128xf32, #tpu.memory_space<vmem>>
        tpu.vector_store_idx %scatter3A_712[%shift_right_arithmetic3A_636, %and3A_639, %add3A_76], %mul3A_706 : memref<8x8x128xf32, #tpu.memory_space<vmem>>[vector<16xi32>, vector<16xi32>, vector<16xi32>], vector<16xf32>,
        %gather3A_713 = arith.constant 0 : i32
        %gather3A_714 = arith.constant 0 : i32
        %gather3A_715 = arith.constant 0 : i32
        %gather3A_716 = tpu.memref_slice %arg6[%gather3A_713, %gather3A_714, %gather3A_715] : memref<4x128x64xf32, #tpu.memory_space<vmem>> -> memref<1x128x64xf32, #tpu.memory_space<vmem>>
        %gather3A_717 = tpu.memref_squeeze %gather3A_716 : memref<1x128x64xf32, #tpu.memory_space<vmem>> -> memref<128x64xf32, #tpu.memory_space<vmem>>
        %gather3A_718 = tpu.vector_load_idx %gather3A_717[%add3A_80, %add3A_634] : memref<128x64xf32, #tpu.memory_space<vmem>>[vector<16xi32>, vector<16xi32>], vector<16xf32>,
        %mul3A_719 = arith.constant 8.000000e+00 : f32
        %mul3A_720 = vector.broadcast %mul3A_719 : f32 to vector<16xf32>
        %mul3A_721 = arith.mulf %gather3A_718, %mul3A_720 : vector<16xf32>
        %scatter3A_722 = arith.constant 0 : i32
        %scatter3A_723 = arith.constant 0 : i32
        %scatter3A_724 = arith.constant 0 : i32
        %scatter3A_725 = arith.constant 0 : i32
        %scatter3A_726 = tpu.memref_slice %arg7[%scatter3A_722, %scatter3A_723, %scatter3A_724, %scatter3A_725] : memref<4x8x8x128xf32, #tpu.memory_space<vmem>> -> memref<1x8x8x128xf32, #tpu.memory_space<vmem>>
        %scatter3A_727 = tpu.memref_squeeze %scatter3A_726 : memref<1x8x8x128xf32, #tpu.memory_space<vmem>> -> memref<8x8x128xf32, #tpu.memory_space<vmem>>
        tpu.vector_store_idx %scatter3A_727[%shift_right_arithmetic3A_636, %and3A_639, %add3A_80], %mul3A_721 : memref<8x8x128xf32, #tpu.memory_space<vmem>>[vector<16xi32>, vector<16xi32>, vector<16xi32>], vector<16xf32>,
        %gather3A_728 = arith.constant 0 : i32
        %gather3A_729 = arith.constant 0 : i32
        %gather3A_730 = arith.constant 0 : i32
        %gather3A_731 = tpu.memref_slice %arg6[%gather3A_728, %gather3A_729, %gather3A_730] : memref<4x128x64xf32, #tpu.memory_space<vmem>> -> memref<1x128x64xf32, #tpu.memory_space<vmem>>
        %gather3A_732 = tpu.memref_squeeze %gather3A_731 : memref<1x128x64xf32, #tpu.memory_space<vmem>> -> memref<128x64xf32, #tpu.memory_space<vmem>>
        %gather3A_733 = tpu.vector_load_idx %gather3A_732[%add3A_84, %add3A_634] : memref<128x64xf32, #tpu.memory_space<vmem>>[vector<16xi32>, vector<16xi32>], vector<16xf32>,
        %mul3A_734 = arith.constant 8.000000e+00 : f32
        %mul3A_735 = vector.broadcast %mul3A_734 : f32 to vector<16xf32>
        %mul3A_736 = arith.mulf %gather3A_733, %mul3A_735 : vector<16xf32>
        %scatter3A_737 = arith.constant 0 : i32
        %scatter3A_738 = arith.constant 0 : i32
        %scatter3A_739 = arith.constant 0 : i32
        %scatter3A_740 = arith.constant 0 : i32
        %scatter3A_741 = tpu.memref_slice %arg7[%scatter3A_737, %scatter3A_738, %scatter3A_739, %scatter3A_740] : memref<4x8x8x128xf32, #tpu.memory_space<vmem>> -> memref<1x8x8x128xf32, #tpu.memory_space<vmem>>
        %scatter3A_742 = tpu.memref_squeeze %scatter3A_741 : memref<1x8x8x128xf32, #tpu.memory_space<vmem>> -> memref<8x8x128xf32, #tpu.memory_space<vmem>>
        tpu.vector_store_idx %scatter3A_742[%shift_right_arithmetic3A_636, %and3A_639, %add3A_84], %mul3A_736 : memref<8x8x128xf32, #tpu.memory_space<vmem>>[vector<16xi32>, vector<16xi32>, vector<16xi32>], vector<16xf32>,
        %gather3A_743 = arith.constant 0 : i32
        %gather3A_744 = arith.constant 0 : i32
        %gather3A_745 = arith.constant 0 : i32
        %gather3A_746 = tpu.memref_slice %arg6[%gather3A_743, %gather3A_744, %gather3A_745] : memref<4x128x64xf32, #tpu.memory_space<vmem>> -> memref<1x128x64xf32, #tpu.memory_space<vmem>>
        %gather3A_747 = tpu.memref_squeeze %gather3A_746 : memref<1x128x64xf32, #tpu.memory_space<vmem>> -> memref<128x64xf32, #tpu.memory_space<vmem>>
        %gather3A_748 = tpu.vector_load_idx %gather3A_747[%add3A_88, %add3A_634] : memref<128x64xf32, #tpu.memory_space<vmem>>[vector<16xi32>, vector<16xi32>], vector<16xf32>,
        %mul3A_749 = arith.constant 8.000000e+00 : f32
        %mul3A_750 = vector.broadcast %mul3A_749 : f32 to vector<16xf32>
        %mul3A_751 = arith.mulf %gather3A_748, %mul3A_750 : vector<16xf32>
        %scatter3A_752 = arith.constant 0 : i32
        %scatter3A_753 = arith.constant 0 : i32
        %scatter3A_754 = arith.constant 0 : i32
        %scatter3A_755 = arith.constant 0 : i32
        %scatter3A_756 = tpu.memref_slice %arg7[%scatter3A_752, %scatter3A_753, %scatter3A_754, %scatter3A_755] : memref<4x8x8x128xf32, #tpu.memory_space<vmem>> -> memref<1x8x8x128xf32, #tpu.memory_space<vmem>>
        %scatter3A_757 = tpu.memref_squeeze %scatter3A_756 : memref<1x8x8x128xf32, #tpu.memory_space<vmem>> -> memref<8x8x128xf32, #tpu.memory_space<vmem>>
        tpu.vector_store_idx %scatter3A_757[%shift_right_arithmetic3A_636, %and3A_639, %add3A_88], %mul3A_751 : memref<8x8x128xf32, #tpu.memory_space<vmem>>[vector<16xi32>, vector<16xi32>, vector<16xi32>], vector<16xf32>,
        %add3A_758 = arith.constant 1 : i32
        %add3A_759 = vector.broadcast %add3A_758 : i32 to vector<16xi32>
        %add3A_760 = arith.addi %scan3A_631, %add3A_759 : vector<16xi32>
        %and3A_761 = arith.constant 15 : i32
        %and3A_762 = vector.broadcast %and3A_761 : i32 to vector<16xi32>
        %and3A_763 = arith.andi %add3A_760, %and3A_762 : vector<16xi32>
        scf.yield %and3A_763 : vector<16xi32>
      }
      %scan3A_272 = arith.constant 16 : i32
      %scan3A_273 = arith.constant 0 : i32
      %scan3A_274 = arith.constant 16 : i32
      %scan3A_275 = arith.addi %scan3A_273, %scan3A_274 : i32
      %scan3A_276 = arith.constant 1 : i32
      %scan3A_277 = scf.for %scan3A_630 = %scan3A_273 to %scan3A_275 step %scan3A_276 iter_args(%scan3A_631 = %add3A_60) -> (vector<16xi32>)  : i32 {
        %add3A_632 = arith.constant 32 : i32
        %add3A_633 = vector.broadcast %add3A_632 : i32 to vector<16xi32>
        %add3A_634 = arith.addi %scan3A_631, %add3A_633 : vector<16xi32>
        %shift_right_arithmetic3A = arith.constant 3 : i32
        %shift_right_arithmetic3A_635 = vector.broadcast %shift_right_arithmetic3A : i32 to vector<16xi32>
        %shift_right_arithmetic3A_636 = arith.shrsi %add3A_634, %shift_right_arithmetic3A_635 : vector<16xi32>
        %and3A_637 = arith.constant 7 : i32
        %and3A_638 = vector.broadcast %and3A_637 : i32 to vector<16xi32>
        %and3A_639 = arith.andi %add3A_634, %and3A_638 : vector<16xi32>
        %gather3A = arith.constant 0 : i32
        %gather3A_640 = arith.constant 0 : i32
        %gather3A_641 = arith.constant 0 : i32
        %gather3A_642 = tpu.memref_slice %arg6[%gather3A, %gather3A_640, %gather3A_641] : memref<4x128x64xf32, #tpu.memory_space<vmem>> -> memref<1x128x64xf32, #tpu.memory_space<vmem>>
        %gather3A_643 = tpu.memref_squeeze %gather3A_642 : memref<1x128x64xf32, #tpu.memory_space<vmem>> -> memref<128x64xf32, #tpu.memory_space<vmem>>
        %gather3A_644 = tpu.vector_load_idx %gather3A_643[%add3A_60, %add3A_634] : memref<128x64xf32, #tpu.memory_space<vmem>>[vector<16xi32>, vector<16xi32>], vector<16xf32>,
        %mul3A_645 = arith.constant 8.000000e+00 : f32
        %mul3A_646 = vector.broadcast %mul3A_645 : f32 to vector<16xf32>
        %mul3A_647 = arith.mulf %gather3A_644, %mul3A_646 : vector<16xf32>
        %scatter3A = arith.constant 0 : i32
        %scatter3A_648 = arith.constant 0 : i32
        %scatter3A_649 = arith.constant 0 : i32
        %scatter3A_650 = arith.constant 0 : i32
        %scatter3A_651 = tpu.memref_slice %arg7[%scatter3A, %scatter3A_648, %scatter3A_649, %scatter3A_650] : memref<4x8x8x128xf32, #tpu.memory_space<vmem>> -> memref<1x8x8x128xf32, #tpu.memory_space<vmem>>
        %scatter3A_652 = tpu.memref_squeeze %scatter3A_651 : memref<1x8x8x128xf32, #tpu.memory_space<vmem>> -> memref<8x8x128xf32, #tpu.memory_space<vmem>>
        tpu.vector_store_idx %scatter3A_652[%shift_right_arithmetic3A_636, %and3A_639, %add3A_60], %mul3A_647 : memref<8x8x128xf32, #tpu.memory_space<vmem>>[vector<16xi32>, vector<16xi32>, vector<16xi32>], vector<16xf32>,
        %gather3A_653 = arith.constant 0 : i32
        %gather3A_654 = arith.constant 0 : i32
        %gather3A_655 = arith.constant 0 : i32
        %gather3A_656 = tpu.memref_slice %arg6[%gather3A_653, %gather3A_654, %gather3A_655] : memref<4x128x64xf32, #tpu.memory_space<vmem>> -> memref<1x128x64xf32, #tpu.memory_space<vmem>>
        %gather3A_657 = tpu.memref_squeeze %gather3A_656 : memref<1x128x64xf32, #tpu.memory_space<vmem>> -> memref<128x64xf32, #tpu.memory_space<vmem>>
        %gather3A_658 = tpu.vector_load_idx %gather3A_657[%add3A_64, %add3A_634] : memref<128x64xf32, #tpu.memory_space<vmem>>[vector<16xi32>, vector<16xi32>], vector<16xf32>,
        %mul3A_659 = arith.constant 8.000000e+00 : f32
        %mul3A_660 = vector.broadcast %mul3A_659 : f32 to vector<16xf32>
        %mul3A_661 = arith.mulf %gather3A_658, %mul3A_660 : vector<16xf32>
        %scatter3A_662 = arith.constant 0 : i32
        %scatter3A_663 = arith.constant 0 : i32
        %scatter3A_664 = arith.constant 0 : i32
        %scatter3A_665 = arith.constant 0 : i32
        %scatter3A_666 = tpu.memref_slice %arg7[%scatter3A_662, %scatter3A_663, %scatter3A_664, %scatter3A_665] : memref<4x8x8x128xf32, #tpu.memory_space<vmem>> -> memref<1x8x8x128xf32, #tpu.memory_space<vmem>>
        %scatter3A_667 = tpu.memref_squeeze %scatter3A_666 : memref<1x8x8x128xf32, #tpu.memory_space<vmem>> -> memref<8x8x128xf32, #tpu.memory_space<vmem>>
        tpu.vector_store_idx %scatter3A_667[%shift_right_arithmetic3A_636, %and3A_639, %add3A_64], %mul3A_661 : memref<8x8x128xf32, #tpu.memory_space<vmem>>[vector<16xi32>, vector<16xi32>, vector<16xi32>], vector<16xf32>,
        %gather3A_668 = arith.constant 0 : i32
        %gather3A_669 = arith.constant 0 : i32
        %gather3A_670 = arith.constant 0 : i32
        %gather3A_671 = tpu.memref_slice %arg6[%gather3A_668, %gather3A_669, %gather3A_670] : memref<4x128x64xf32, #tpu.memory_space<vmem>> -> memref<1x128x64xf32, #tpu.memory_space<vmem>>
        %gather3A_672 = tpu.memref_squeeze %gather3A_671 : memref<1x128x64xf32, #tpu.memory_space<vmem>> -> memref<128x64xf32, #tpu.memory_space<vmem>>
        %gather3A_673 = tpu.vector_load_idx %gather3A_672[%add3A_68, %add3A_634] : memref<128x64xf32, #tpu.memory_space<vmem>>[vector<16xi32>, vector<16xi32>], vector<16xf32>,
        %mul3A_674 = arith.constant 8.000000e+00 : f32
        %mul3A_675 = vector.broadcast %mul3A_674 : f32 to vector<16xf32>
        %mul3A_676 = arith.mulf %gather3A_673, %mul3A_675 : vector<16xf32>
        %scatter3A_677 = arith.constant 0 : i32
        %scatter3A_678 = arith.constant 0 : i32
        %scatter3A_679 = arith.constant 0 : i32
        %scatter3A_680 = arith.constant 0 : i32
        %scatter3A_681 = tpu.memref_slice %arg7[%scatter3A_677, %scatter3A_678, %scatter3A_679, %scatter3A_680] : memref<4x8x8x128xf32, #tpu.memory_space<vmem>> -> memref<1x8x8x128xf32, #tpu.memory_space<vmem>>
        %scatter3A_682 = tpu.memref_squeeze %scatter3A_681 : memref<1x8x8x128xf32, #tpu.memory_space<vmem>> -> memref<8x8x128xf32, #tpu.memory_space<vmem>>
        tpu.vector_store_idx %scatter3A_682[%shift_right_arithmetic3A_636, %and3A_639, %add3A_68], %mul3A_676 : memref<8x8x128xf32, #tpu.memory_space<vmem>>[vector<16xi32>, vector<16xi32>, vector<16xi32>], vector<16xf32>,
        %gather3A_683 = arith.constant 0 : i32
        %gather3A_684 = arith.constant 0 : i32
        %gather3A_685 = arith.constant 0 : i32
        %gather3A_686 = tpu.memref_slice %arg6[%gather3A_683, %gather3A_684, %gather3A_685] : memref<4x128x64xf32, #tpu.memory_space<vmem>> -> memref<1x128x64xf32, #tpu.memory_space<vmem>>
        %gather3A_687 = tpu.memref_squeeze %gather3A_686 : memref<1x128x64xf32, #tpu.memory_space<vmem>> -> memref<128x64xf32, #tpu.memory_space<vmem>>
        %gather3A_688 = tpu.vector_load_idx %gather3A_687[%add3A_72, %add3A_634] : memref<128x64xf32, #tpu.memory_space<vmem>>[vector<16xi32>, vector<16xi32>], vector<16xf32>,
        %mul3A_689 = arith.constant 8.000000e+00 : f32
        %mul3A_690 = vector.broadcast %mul3A_689 : f32 to vector<16xf32>
        %mul3A_691 = arith.mulf %gather3A_688, %mul3A_690 : vector<16xf32>
        %scatter3A_692 = arith.constant 0 : i32
        %scatter3A_693 = arith.constant 0 : i32
        %scatter3A_694 = arith.constant 0 : i32
        %scatter3A_695 = arith.constant 0 : i32
        %scatter3A_696 = tpu.memref_slice %arg7[%scatter3A_692, %scatter3A_693, %scatter3A_694, %scatter3A_695] : memref<4x8x8x128xf32, #tpu.memory_space<vmem>> -> memref<1x8x8x128xf32, #tpu.memory_space<vmem>>
        %scatter3A_697 = tpu.memref_squeeze %scatter3A_696 : memref<1x8x8x128xf32, #tpu.memory_space<vmem>> -> memref<8x8x128xf32, #tpu.memory_space<vmem>>
        tpu.vector_store_idx %scatter3A_697[%shift_right_arithmetic3A_636, %and3A_639, %add3A_72], %mul3A_691 : memref<8x8x128xf32, #tpu.memory_space<vmem>>[vector<16xi32>, vector<16xi32>, vector<16xi32>], vector<16xf32>,
        %gather3A_698 = arith.constant 0 : i32
        %gather3A_699 = arith.constant 0 : i32
        %gather3A_700 = arith.constant 0 : i32
        %gather3A_701 = tpu.memref_slice %arg6[%gather3A_698, %gather3A_699, %gather3A_700] : memref<4x128x64xf32, #tpu.memory_space<vmem>> -> memref<1x128x64xf32, #tpu.memory_space<vmem>>
        %gather3A_702 = tpu.memref_squeeze %gather3A_701 : memref<1x128x64xf32, #tpu.memory_space<vmem>> -> memref<128x64xf32, #tpu.memory_space<vmem>>
        %gather3A_703 = tpu.vector_load_idx %gather3A_702[%add3A_76, %add3A_634] : memref<128x64xf32, #tpu.memory_space<vmem>>[vector<16xi32>, vector<16xi32>], vector<16xf32>,
        %mul3A_704 = arith.constant 8.000000e+00 : f32
        %mul3A_705 = vector.broadcast %mul3A_704 : f32 to vector<16xf32>
        %mul3A_706 = arith.mulf %gather3A_703, %mul3A_705 : vector<16xf32>
        %scatter3A_707 = arith.constant 0 : i32
        %scatter3A_708 = arith.constant 0 : i32
        %scatter3A_709 = arith.constant 0 : i32
        %scatter3A_710 = arith.constant 0 : i32
        %scatter3A_711 = tpu.memref_slice %arg7[%scatter3A_707, %scatter3A_708, %scatter3A_709, %scatter3A_710] : memref<4x8x8x128xf32, #tpu.memory_space<vmem>> -> memref<1x8x8x128xf32, #tpu.memory_space<vmem>>
        %scatter3A_712 = tpu.memref_squeeze %scatter3A_711 : memref<1x8x8x128xf32, #tpu.memory_space<vmem>> -> memref<8x8x128xf32, #tpu.memory_space<vmem>>
        tpu.vector_store_idx %scatter3A_712[%shift_right_arithmetic3A_636, %and3A_639, %add3A_76], %mul3A_706 : memref<8x8x128xf32, #tpu.memory_space<vmem>>[vector<16xi32>, vector<16xi32>, vector<16xi32>], vector<16xf32>,
        %gather3A_713 = arith.constant 0 : i32
        %gather3A_714 = arith.constant 0 : i32
        %gather3A_715 = arith.constant 0 : i32
        %gather3A_716 = tpu.memref_slice %arg6[%gather3A_713, %gather3A_714, %gather3A_715] : memref<4x128x64xf32, #tpu.memory_space<vmem>> -> memref<1x128x64xf32, #tpu.memory_space<vmem>>
        %gather3A_717 = tpu.memref_squeeze %gather3A_716 : memref<1x128x64xf32, #tpu.memory_space<vmem>> -> memref<128x64xf32, #tpu.memory_space<vmem>>
        %gather3A_718 = tpu.vector_load_idx %gather3A_717[%add3A_80, %add3A_634] : memref<128x64xf32, #tpu.memory_space<vmem>>[vector<16xi32>, vector<16xi32>], vector<16xf32>,
        %mul3A_719 = arith.constant 8.000000e+00 : f32
        %mul3A_720 = vector.broadcast %mul3A_719 : f32 to vector<16xf32>
        %mul3A_721 = arith.mulf %gather3A_718, %mul3A_720 : vector<16xf32>
        %scatter3A_722 = arith.constant 0 : i32
        %scatter3A_723 = arith.constant 0 : i32
        %scatter3A_724 = arith.constant 0 : i32
        %scatter3A_725 = arith.constant 0 : i32
        %scatter3A_726 = tpu.memref_slice %arg7[%scatter3A_722, %scatter3A_723, %scatter3A_724, %scatter3A_725] : memref<4x8x8x128xf32, #tpu.memory_space<vmem>> -> memref<1x8x8x128xf32, #tpu.memory_space<vmem>>
        %scatter3A_727 = tpu.memref_squeeze %scatter3A_726 : memref<1x8x8x128xf32, #tpu.memory_space<vmem>> -> memref<8x8x128xf32, #tpu.memory_space<vmem>>
        tpu.vector_store_idx %scatter3A_727[%shift_right_arithmetic3A_636, %and3A_639, %add3A_80], %mul3A_721 : memref<8x8x128xf32, #tpu.memory_space<vmem>>[vector<16xi32>, vector<16xi32>, vector<16xi32>], vector<16xf32>,
        %gather3A_728 = arith.constant 0 : i32
        %gather3A_729 = arith.constant 0 : i32
        %gather3A_730 = arith.constant 0 : i32
        %gather3A_731 = tpu.memref_slice %arg6[%gather3A_728, %gather3A_729, %gather3A_730] : memref<4x128x64xf32, #tpu.memory_space<vmem>> -> memref<1x128x64xf32, #tpu.memory_space<vmem>>
        %gather3A_732 = tpu.memref_squeeze %gather3A_731 : memref<1x128x64xf32, #tpu.memory_space<vmem>> -> memref<128x64xf32, #tpu.memory_space<vmem>>
        %gather3A_733 = tpu.vector_load_idx %gather3A_732[%add3A_84, %add3A_634] : memref<128x64xf32, #tpu.memory_space<vmem>>[vector<16xi32>, vector<16xi32>], vector<16xf32>,
        %mul3A_734 = arith.constant 8.000000e+00 : f32
        %mul3A_735 = vector.broadcast %mul3A_734 : f32 to vector<16xf32>
        %mul3A_736 = arith.mulf %gather3A_733, %mul3A_735 : vector<16xf32>
        %scatter3A_737 = arith.constant 0 : i32
        %scatter3A_738 = arith.constant 0 : i32
        %scatter3A_739 = arith.constant 0 : i32
        %scatter3A_740 = arith.constant 0 : i32
        %scatter3A_741 = tpu.memref_slice %arg7[%scatter3A_737, %scatter3A_738, %scatter3A_739, %scatter3A_740] : memref<4x8x8x128xf32, #tpu.memory_space<vmem>> -> memref<1x8x8x128xf32, #tpu.memory_space<vmem>>
        %scatter3A_742 = tpu.memref_squeeze %scatter3A_741 : memref<1x8x8x128xf32, #tpu.memory_space<vmem>> -> memref<8x8x128xf32, #tpu.memory_space<vmem>>
        tpu.vector_store_idx %scatter3A_742[%shift_right_arithmetic3A_636, %and3A_639, %add3A_84], %mul3A_736 : memref<8x8x128xf32, #tpu.memory_space<vmem>>[vector<16xi32>, vector<16xi32>, vector<16xi32>], vector<16xf32>,
        %gather3A_743 = arith.constant 0 : i32
        %gather3A_744 = arith.constant 0 : i32
        %gather3A_745 = arith.constant 0 : i32
        %gather3A_746 = tpu.memref_slice %arg6[%gather3A_743, %gather3A_744, %gather3A_745] : memref<4x128x64xf32, #tpu.memory_space<vmem>> -> memref<1x128x64xf32, #tpu.memory_space<vmem>>
        %gather3A_747 = tpu.memref_squeeze %gather3A_746 : memref<1x128x64xf32, #tpu.memory_space<vmem>> -> memref<128x64xf32, #tpu.memory_space<vmem>>
        %gather3A_748 = tpu.vector_load_idx %gather3A_747[%add3A_88, %add3A_634] : memref<128x64xf32, #tpu.memory_space<vmem>>[vector<16xi32>, vector<16xi32>], vector<16xf32>,
        %mul3A_749 = arith.constant 8.000000e+00 : f32
        %mul3A_750 = vector.broadcast %mul3A_749 : f32 to vector<16xf32>
        %mul3A_751 = arith.mulf %gather3A_748, %mul3A_750 : vector<16xf32>
        %scatter3A_752 = arith.constant 0 : i32
        %scatter3A_753 = arith.constant 0 : i32
        %scatter3A_754 = arith.constant 0 : i32
        %scatter3A_755 = arith.constant 0 : i32
        %scatter3A_756 = tpu.memref_slice %arg7[%scatter3A_752, %scatter3A_753, %scatter3A_754, %scatter3A_755] : memref<4x8x8x128xf32, #tpu.memory_space<vmem>> -> memref<1x8x8x128xf32, #tpu.memory_space<vmem>>
        %scatter3A_757 = tpu.memref_squeeze %scatter3A_756 : memref<1x8x8x128xf32, #tpu.memory_space<vmem>> -> memref<8x8x128xf32, #tpu.memory_space<vmem>>
        tpu.vector_store_idx %scatter3A_757[%shift_right_arithmetic3A_636, %and3A_639, %add3A_88], %mul3A_751 : memref<8x8x128xf32, #tpu.memory_space<vmem>>[vector<16xi32>, vector<16xi32>, vector<16xi32>], vector<16xf32>,
        %add3A_758 = arith.constant 1 : i32
        %add3A_759 = vector.broadcast %add3A_758 : i32 to vector<16xi32>
        %add3A_760 = arith.addi %scan3A_631, %add3A_759 : vector<16xi32>
        %and3A_761 = arith.constant 15 : i32
        %and3A_762 = vector.broadcast %and3A_761 : i32 to vector<16xi32>
        %and3A_763 = arith.andi %add3A_760, %and3A_762 : vector<16xi32>
        scf.yield %and3A_763 : vector<16xi32>
      }
      %scan3A_278 = arith.constant 16 : i32
      %scan3A_279 = arith.constant 0 : i32
      %scan3A_280 = arith.constant 16 : i32
      %scan3A_281 = arith.addi %scan3A_279, %scan3A_280 : i32
      %scan3A_282 = arith.constant 1 : i32
      %scan3A_283 = scf.for %scan3A_630 = %scan3A_279 to %scan3A_281 step %scan3A_282 iter_args(%scan3A_631 = %add3A_60) -> (vector<16xi32>)  : i32 {
        %add3A_632 = arith.constant 48 : i32
        %add3A_633 = vector.broadcast %add3A_632 : i32 to vector<16xi32>
        %add3A_634 = arith.addi %scan3A_631, %add3A_633 : vector<16xi32>
        %shift_right_arithmetic3A = arith.constant 3 : i32
        %shift_right_arithmetic3A_635 = vector.broadcast %shift_right_arithmetic3A : i32 to vector<16xi32>
        %shift_right_arithmetic3A_636 = arith.shrsi %add3A_634, %shift_right_arithmetic3A_635 : vector<16xi32>
        %and3A_637 = arith.constant 7 : i32
        %and3A_638 = vector.broadcast %and3A_637 : i32 to vector<16xi32>
        %and3A_639 = arith.andi %add3A_634, %and3A_638 : vector<16xi32>
        %gather3A = arith.constant 0 : i32
        %gather3A_640 = arith.constant 0 : i32
        %gather3A_641 = arith.constant 0 : i32
        %gather3A_642 = tpu.memref_slice %arg6[%gather3A, %gather3A_640, %gather3A_641] : memref<4x128x64xf32, #tpu.memory_space<vmem>> -> memref<1x128x64xf32, #tpu.memory_space<vmem>>
        %gather3A_643 = tpu.memref_squeeze %gather3A_642 : memref<1x128x64xf32, #tpu.memory_space<vmem>> -> memref<128x64xf32, #tpu.memory_space<vmem>>
        %gather3A_644 = tpu.vector_load_idx %gather3A_643[%add3A_60, %add3A_634] : memref<128x64xf32, #tpu.memory_space<vmem>>[vector<16xi32>, vector<16xi32>], vector<16xf32>,
        %mul3A_645 = arith.constant 8.000000e+00 : f32
        %mul3A_646 = vector.broadcast %mul3A_645 : f32 to vector<16xf32>
        %mul3A_647 = arith.mulf %gather3A_644, %mul3A_646 : vector<16xf32>
        %scatter3A = arith.constant 0 : i32
        %scatter3A_648 = arith.constant 0 : i32
        %scatter3A_649 = arith.constant 0 : i32
        %scatter3A_650 = arith.constant 0 : i32
        %scatter3A_651 = tpu.memref_slice %arg7[%scatter3A, %scatter3A_648, %scatter3A_649, %scatter3A_650] : memref<4x8x8x128xf32, #tpu.memory_space<vmem>> -> memref<1x8x8x128xf32, #tpu.memory_space<vmem>>
        %scatter3A_652 = tpu.memref_squeeze %scatter3A_651 : memref<1x8x8x128xf32, #tpu.memory_space<vmem>> -> memref<8x8x128xf32, #tpu.memory_space<vmem>>
        tpu.vector_store_idx %scatter3A_652[%shift_right_arithmetic3A_636, %and3A_639, %add3A_60], %mul3A_647 : memref<8x8x128xf32, #tpu.memory_space<vmem>>[vector<16xi32>, vector<16xi32>, vector<16xi32>], vector<16xf32>,
        %gather3A_653 = arith.constant 0 : i32
        %gather3A_654 = arith.constant 0 : i32
        %gather3A_655 = arith.constant 0 : i32
        %gather3A_656 = tpu.memref_slice %arg6[%gather3A_653, %gather3A_654, %gather3A_655] : memref<4x128x64xf32, #tpu.memory_space<vmem>> -> memref<1x128x64xf32, #tpu.memory_space<vmem>>
        %gather3A_657 = tpu.memref_squeeze %gather3A_656 : memref<1x128x64xf32, #tpu.memory_space<vmem>> -> memref<128x64xf32, #tpu.memory_space<vmem>>
        %gather3A_658 = tpu.vector_load_idx %gather3A_657[%add3A_64, %add3A_634] : memref<128x64xf32, #tpu.memory_space<vmem>>[vector<16xi32>, vector<16xi32>], vector<16xf32>,
        %mul3A_659 = arith.constant 8.000000e+00 : f32
        %mul3A_660 = vector.broadcast %mul3A_659 : f32 to vector<16xf32>
        %mul3A_661 = arith.mulf %gather3A_658, %mul3A_660 : vector<16xf32>
        %scatter3A_662 = arith.constant 0 : i32
        %scatter3A_663 = arith.constant 0 : i32
        %scatter3A_664 = arith.constant 0 : i32
        %scatter3A_665 = arith.constant 0 : i32
        %scatter3A_666 = tpu.memref_slice %arg7[%scatter3A_662, %scatter3A_663, %scatter3A_664, %scatter3A_665] : memref<4x8x8x128xf32, #tpu.memory_space<vmem>> -> memref<1x8x8x128xf32, #tpu.memory_space<vmem>>
        %scatter3A_667 = tpu.memref_squeeze %scatter3A_666 : memref<1x8x8x128xf32, #tpu.memory_space<vmem>> -> memref<8x8x128xf32, #tpu.memory_space<vmem>>
        tpu.vector_store_idx %scatter3A_667[%shift_right_arithmetic3A_636, %and3A_639, %add3A_64], %mul3A_661 : memref<8x8x128xf32, #tpu.memory_space<vmem>>[vector<16xi32>, vector<16xi32>, vector<16xi32>], vector<16xf32>,
        %gather3A_668 = arith.constant 0 : i32
        %gather3A_669 = arith.constant 0 : i32
        %gather3A_670 = arith.constant 0 : i32
        %gather3A_671 = tpu.memref_slice %arg6[%gather3A_668, %gather3A_669, %gather3A_670] : memref<4x128x64xf32, #tpu.memory_space<vmem>> -> memref<1x128x64xf32, #tpu.memory_space<vmem>>
        %gather3A_672 = tpu.memref_squeeze %gather3A_671 : memref<1x128x64xf32, #tpu.memory_space<vmem>> -> memref<128x64xf32, #tpu.memory_space<vmem>>
        %gather3A_673 = tpu.vector_load_idx %gather3A_672[%add3A_68, %add3A_634] : memref<128x64xf32, #tpu.memory_space<vmem>>[vector<16xi32>, vector<16xi32>], vector<16xf32>,
        %mul3A_674 = arith.constant 8.000000e+00 : f32
        %mul3A_675 = vector.broadcast %mul3A_674 : f32 to vector<16xf32>
        %mul3A_676 = arith.mulf %gather3A_673, %mul3A_675 : vector<16xf32>
        %scatter3A_677 = arith.constant 0 : i32
        %scatter3A_678 = arith.constant 0 : i32
        %scatter3A_679 = arith.constant 0 : i32
        %scatter3A_680 = arith.constant 0 : i32
        %scatter3A_681 = tpu.memref_slice %arg7[%scatter3A_677, %scatter3A_678, %scatter3A_679, %scatter3A_680] : memref<4x8x8x128xf32, #tpu.memory_space<vmem>> -> memref<1x8x8x128xf32, #tpu.memory_space<vmem>>
        %scatter3A_682 = tpu.memref_squeeze %scatter3A_681 : memref<1x8x8x128xf32, #tpu.memory_space<vmem>> -> memref<8x8x128xf32, #tpu.memory_space<vmem>>
        tpu.vector_store_idx %scatter3A_682[%shift_right_arithmetic3A_636, %and3A_639, %add3A_68], %mul3A_676 : memref<8x8x128xf32, #tpu.memory_space<vmem>>[vector<16xi32>, vector<16xi32>, vector<16xi32>], vector<16xf32>,
        %gather3A_683 = arith.constant 0 : i32
        %gather3A_684 = arith.constant 0 : i32
        %gather3A_685 = arith.constant 0 : i32
        %gather3A_686 = tpu.memref_slice %arg6[%gather3A_683, %gather3A_684, %gather3A_685] : memref<4x128x64xf32, #tpu.memory_space<vmem>> -> memref<1x128x64xf32, #tpu.memory_space<vmem>>
        %gather3A_687 = tpu.memref_squeeze %gather3A_686 : memref<1x128x64xf32, #tpu.memory_space<vmem>> -> memref<128x64xf32, #tpu.memory_space<vmem>>
        %gather3A_688 = tpu.vector_load_idx %gather3A_687[%add3A_72, %add3A_634] : memref<128x64xf32, #tpu.memory_space<vmem>>[vector<16xi32>, vector<16xi32>], vector<16xf32>,
        %mul3A_689 = arith.constant 8.000000e+00 : f32
        %mul3A_690 = vector.broadcast %mul3A_689 : f32 to vector<16xf32>
        %mul3A_691 = arith.mulf %gather3A_688, %mul3A_690 : vector<16xf32>
        %scatter3A_692 = arith.constant 0 : i32
        %scatter3A_693 = arith.constant 0 : i32
        %scatter3A_694 = arith.constant 0 : i32
        %scatter3A_695 = arith.constant 0 : i32
        %scatter3A_696 = tpu.memref_slice %arg7[%scatter3A_692, %scatter3A_693, %scatter3A_694, %scatter3A_695] : memref<4x8x8x128xf32, #tpu.memory_space<vmem>> -> memref<1x8x8x128xf32, #tpu.memory_space<vmem>>
        %scatter3A_697 = tpu.memref_squeeze %scatter3A_696 : memref<1x8x8x128xf32, #tpu.memory_space<vmem>> -> memref<8x8x128xf32, #tpu.memory_space<vmem>>
        tpu.vector_store_idx %scatter3A_697[%shift_right_arithmetic3A_636, %and3A_639, %add3A_72], %mul3A_691 : memref<8x8x128xf32, #tpu.memory_space<vmem>>[vector<16xi32>, vector<16xi32>, vector<16xi32>], vector<16xf32>,
        %gather3A_698 = arith.constant 0 : i32
        %gather3A_699 = arith.constant 0 : i32
        %gather3A_700 = arith.constant 0 : i32
        %gather3A_701 = tpu.memref_slice %arg6[%gather3A_698, %gather3A_699, %gather3A_700] : memref<4x128x64xf32, #tpu.memory_space<vmem>> -> memref<1x128x64xf32, #tpu.memory_space<vmem>>
        %gather3A_702 = tpu.memref_squeeze %gather3A_701 : memref<1x128x64xf32, #tpu.memory_space<vmem>> -> memref<128x64xf32, #tpu.memory_space<vmem>>
        %gather3A_703 = tpu.vector_load_idx %gather3A_702[%add3A_76, %add3A_634] : memref<128x64xf32, #tpu.memory_space<vmem>>[vector<16xi32>, vector<16xi32>], vector<16xf32>,
        %mul3A_704 = arith.constant 8.000000e+00 : f32
        %mul3A_705 = vector.broadcast %mul3A_704 : f32 to vector<16xf32>
        %mul3A_706 = arith.mulf %gather3A_703, %mul3A_705 : vector<16xf32>
        %scatter3A_707 = arith.constant 0 : i32
        %scatter3A_708 = arith.constant 0 : i32
        %scatter3A_709 = arith.constant 0 : i32
        %scatter3A_710 = arith.constant 0 : i32
        %scatter3A_711 = tpu.memref_slice %arg7[%scatter3A_707, %scatter3A_708, %scatter3A_709, %scatter3A_710] : memref<4x8x8x128xf32, #tpu.memory_space<vmem>> -> memref<1x8x8x128xf32, #tpu.memory_space<vmem>>
        %scatter3A_712 = tpu.memref_squeeze %scatter3A_711 : memref<1x8x8x128xf32, #tpu.memory_space<vmem>> -> memref<8x8x128xf32, #tpu.memory_space<vmem>>
        tpu.vector_store_idx %scatter3A_712[%shift_right_arithmetic3A_636, %and3A_639, %add3A_76], %mul3A_706 : memref<8x8x128xf32, #tpu.memory_space<vmem>>[vector<16xi32>, vector<16xi32>, vector<16xi32>], vector<16xf32>,
        %gather3A_713 = arith.constant 0 : i32
        %gather3A_714 = arith.constant 0 : i32
        %gather3A_715 = arith.constant 0 : i32
        %gather3A_716 = tpu.memref_slice %arg6[%gather3A_713, %gather3A_714, %gather3A_715] : memref<4x128x64xf32, #tpu.memory_space<vmem>> -> memref<1x128x64xf32, #tpu.memory_space<vmem>>
        %gather3A_717 = tpu.memref_squeeze %gather3A_716 : memref<1x128x64xf32, #tpu.memory_space<vmem>> -> memref<128x64xf32, #tpu.memory_space<vmem>>
        %gather3A_718 = tpu.vector_load_idx %gather3A_717[%add3A_80, %add3A_634] : memref<128x64xf32, #tpu.memory_space<vmem>>[vector<16xi32>, vector<16xi32>], vector<16xf32>,
        %mul3A_719 = arith.constant 8.000000e+00 : f32
        %mul3A_720 = vector.broadcast %mul3A_719 : f32 to vector<16xf32>
        %mul3A_721 = arith.mulf %gather3A_718, %mul3A_720 : vector<16xf32>
        %scatter3A_722 = arith.constant 0 : i32
        %scatter3A_723 = arith.constant 0 : i32
        %scatter3A_724 = arith.constant 0 : i32
        %scatter3A_725 = arith.constant 0 : i32
        %scatter3A_726 = tpu.memref_slice %arg7[%scatter3A_722, %scatter3A_723, %scatter3A_724, %scatter3A_725] : memref<4x8x8x128xf32, #tpu.memory_space<vmem>> -> memref<1x8x8x128xf32, #tpu.memory_space<vmem>>
        %scatter3A_727 = tpu.memref_squeeze %scatter3A_726 : memref<1x8x8x128xf32, #tpu.memory_space<vmem>> -> memref<8x8x128xf32, #tpu.memory_space<vmem>>
        tpu.vector_store_idx %scatter3A_727[%shift_right_arithmetic3A_636, %and3A_639, %add3A_80], %mul3A_721 : memref<8x8x128xf32, #tpu.memory_space<vmem>>[vector<16xi32>, vector<16xi32>, vector<16xi32>], vector<16xf32>,
        %gather3A_728 = arith.constant 0 : i32
        %gather3A_729 = arith.constant 0 : i32
        %gather3A_730 = arith.constant 0 : i32
        %gather3A_731 = tpu.memref_slice %arg6[%gather3A_728, %gather3A_729, %gather3A_730] : memref<4x128x64xf32, #tpu.memory_space<vmem>> -> memref<1x128x64xf32, #tpu.memory_space<vmem>>
        %gather3A_732 = tpu.memref_squeeze %gather3A_731 : memref<1x128x64xf32, #tpu.memory_space<vmem>> -> memref<128x64xf32, #tpu.memory_space<vmem>>
        %gather3A_733 = tpu.vector_load_idx %gather3A_732[%add3A_84, %add3A_634] : memref<128x64xf32, #tpu.memory_space<vmem>>[vector<16xi32>, vector<16xi32>], vector<16xf32>,
        %mul3A_734 = arith.constant 8.000000e+00 : f32
        %mul3A_735 = vector.broadcast %mul3A_734 : f32 to vector<16xf32>
        %mul3A_736 = arith.mulf %gather3A_733, %mul3A_735 : vector<16xf32>
        %scatter3A_737 = arith.constant 0 : i32
        %scatter3A_738 = arith.constant 0 : i32
        %scatter3A_739 = arith.constant 0 : i32
        %scatter3A_740 = arith.constant 0 : i32
        %scatter3A_741 = tpu.memref_slice %arg7[%scatter3A_737, %scatter3A_738, %scatter3A_739, %scatter3A_740] : memref<4x8x8x128xf32, #tpu.memory_space<vmem>> -> memref<1x8x8x128xf32, #tpu.memory_space<vmem>>
        %scatter3A_742 = tpu.memref_squeeze %scatter3A_741 : memref<1x8x8x128xf32, #tpu.memory_space<vmem>> -> memref<8x8x128xf32, #tpu.memory_space<vmem>>
        tpu.vector_store_idx %scatter3A_742[%shift_right_arithmetic3A_636, %and3A_639, %add3A_84], %mul3A_736 : memref<8x8x128xf32, #tpu.memory_space<vmem>>[vector<16xi32>, vector<16xi32>, vector<16xi32>], vector<16xf32>,
        %gather3A_743 = arith.constant 0 : i32
        %gather3A_744 = arith.constant 0 : i32
        %gather3A_745 = arith.constant 0 : i32
        %gather3A_746 = tpu.memref_slice %arg6[%gather3A_743, %gather3A_744, %gather3A_745] : memref<4x128x64xf32, #tpu.memory_space<vmem>> -> memref<1x128x64xf32, #tpu.memory_space<vmem>>
        %gather3A_747 = tpu.memref_squeeze %gather3A_746 : memref<1x128x64xf32, #tpu.memory_space<vmem>> -> memref<128x64xf32, #tpu.memory_space<vmem>>
        %gather3A_748 = tpu.vector_load_idx %gather3A_747[%add3A_88, %add3A_634] : memref<128x64xf32, #tpu.memory_space<vmem>>[vector<16xi32>, vector<16xi32>], vector<16xf32>,
        %mul3A_749 = arith.constant 8.000000e+00 : f32
        %mul3A_750 = vector.broadcast %mul3A_749 : f32 to vector<16xf32>
        %mul3A_751 = arith.mulf %gather3A_748, %mul3A_750 : vector<16xf32>
        %scatter3A_752 = arith.constant 0 : i32
        %scatter3A_753 = arith.constant 0 : i32
        %scatter3A_754 = arith.constant 0 : i32
        %scatter3A_755 = arith.constant 0 : i32
        %scatter3A_756 = tpu.memref_slice %arg7[%scatter3A_752, %scatter3A_753, %scatter3A_754, %scatter3A_755] : memref<4x8x8x128xf32, #tpu.memory_space<vmem>> -> memref<1x8x8x128xf32, #tpu.memory_space<vmem>>
        %scatter3A_757 = tpu.memref_squeeze %scatter3A_756 : memref<1x8x8x128xf32, #tpu.memory_space<vmem>> -> memref<8x8x128xf32, #tpu.memory_space<vmem>>
        tpu.vector_store_idx %scatter3A_757[%shift_right_arithmetic3A_636, %and3A_639, %add3A_88], %mul3A_751 : memref<8x8x128xf32, #tpu.memory_space<vmem>>[vector<16xi32>, vector<16xi32>, vector<16xi32>], vector<16xf32>,
        %add3A_758 = arith.constant 1 : i32
        %add3A_759 = vector.broadcast %add3A_758 : i32 to vector<16xi32>
        %add3A_760 = arith.addi %scan3A_631, %add3A_759 : vector<16xi32>
        %and3A_761 = arith.constant 15 : i32
        %and3A_762 = vector.broadcast %and3A_761 : i32 to vector<16xi32>
        %and3A_763 = arith.andi %add3A_760, %and3A_762 : vector<16xi32>
        scf.yield %and3A_763 : vector<16xi32>
      }
      %scan3A_284 = arith.constant 16 : i32
      %dma_start3A_285 = arith.constant 0 : i32
      %dma_start3A_286 = arith.constant 0 : i32
      %dma_start3A_287 = arith.constant 0 : i32
      %dma_start3A_288 = arith.constant 0 : i32
      %dma_start3A_289 = arith.constant 0 : i32
      %dma_start3A_290 = tpu.memref_slice %arg7[%dma_start3A_285, %dma_start3A_287, %dma_start3A_288, %dma_start3A_289] : memref<4x8x8x128xf32, #tpu.memory_space<vmem>> -> memref<1x8x8x128xf32, #tpu.memory_space<vmem>>
      %dma_start3A_291 = tpu.memref_squeeze %dma_start3A_290 : memref<1x8x8x128xf32, #tpu.memory_space<vmem>> -> memref<8x8x128xf32, #tpu.memory_space<vmem>>
      %dma_start3A_292 = arith.constant 0 : i32
      %dma_start3A_293 = arith.constant 0 : i32
      %dma_start3A_294 = arith.constant 0 : i32
      %dma_start3A_295 = tpu.memref_slice %arg4[%select_n3A, %dma_start3A_292, %add3A_244, %dma_start3A_293, %dma_start3A_294] : memref<50x8x128x8x128xf32, #tpu.memory_space<hbm>> -> memref<1x8x1x8x128xf32, #tpu.memory_space<hbm>>
      %dma_start3A_296 = tpu.memref_squeeze %dma_start3A_295 : memref<1x8x1x8x128xf32, #tpu.memory_space<hbm>> -> memref<8x8x128xf32, #tpu.memory_space<hbm>>
      %dma_start3A_297 = tpu.memref_slice %arg10[%dma_start3A_286] : memref<4x!tpu.dma_semaphore, #tpu.memory_space<semaphore_mem>> -> memref<1x!tpu.dma_semaphore, #tpu.memory_space<semaphore_mem>>
      %dma_start3A_298 = tpu.memref_squeeze %dma_start3A_297 : memref<1x!tpu.dma_semaphore, #tpu.memory_space<semaphore_mem>> -> memref<!tpu.dma_semaphore, #tpu.memory_space<semaphore_mem>>
      %dma_start3A_299 = arith.constant 0 : i32
      %dma_start3A_300 = arith.constant 0 : i32
      %dma_start3A_301 = arith.constant 0 : i32
      %dma_start3A_302 = tpu.memref_slice %arg4[%select_n3A, %dma_start3A_299, %add3A_244, %dma_start3A_300, %dma_start3A_301] : memref<50x8x128x8x128xf32, #tpu.memory_space<hbm>> -> memref<1x8x1x8x128xf32, #tpu.memory_space<hbm>>
      %dma_start3A_303 = tpu.memref_squeeze %dma_start3A_302 : memref<1x8x1x8x128xf32, #tpu.memory_space<hbm>> -> memref<8x8x128xf32, #tpu.memory_space<hbm>>
      %dma_start3A_304 = arith.constant 0 : i32
      %dma_start3A_305 = arith.constant 0 : i32
      %dma_start3A_306 = arith.constant 0 : i32
      %dma_start3A_307 = tpu.memref_slice %arg7[%dma_start3A_285, %dma_start3A_304, %dma_start3A_305, %dma_start3A_306] : memref<4x8x8x128xf32, #tpu.memory_space<vmem>> -> memref<1x8x8x128xf32, #tpu.memory_space<vmem>>
      %dma_start3A_308 = tpu.memref_squeeze %dma_start3A_307 : memref<1x8x8x128xf32, #tpu.memory_space<vmem>> -> memref<8x8x128xf32, #tpu.memory_space<vmem>>
      tpu.enqueue_dma source(%dma_start3A_308 : memref<8x8x128xf32, #tpu.memory_space<vmem>>) target(%dma_start3A_303 : memref<8x8x128xf32, #tpu.memory_space<hbm>>) target_semaphore(%dma_start3A_298 : memref<!tpu.dma_semaphore, #tpu.memory_space<semaphore_mem>>)
      %add3A_309 = arith.constant 3 : i32
      %add3A_310 = arith.addi %add3A_222, %add3A_309 : i32
      %lt3A = arith.constant 200 : i32
      %lt3A_311 = arith.cmpi slt, %add3A_310, %lt3A : i32
      %convert_element_type3A_312 = arith.extui %lt3A_311 : i1 to i32
      %cond3A_313 = arith.constant 0 : i32
      %cond3A_314 = arith.cmpi ne, %convert_element_type3A_312, %cond3A_313 : i32
      scf.if %cond3A_314 {
        %dma_start3A_630 = arith.constant 3 : i32
        %dma_start3A_631 = arith.constant 3 : i32
        %dma_start3A_632 = arith.constant 0 : i32
        %dma_start3A_633 = arith.constant 0 : i32
        %dma_start3A_634 = tpu.memref_slice %arg6[%dma_start3A_630, %dma_start3A_632, %dma_start3A_633] : memref<4x128x64xf32, #tpu.memory_space<vmem>> -> memref<1x128x64xf32, #tpu.memory_space<vmem>>
        %dma_start3A_635 = tpu.memref_squeeze %dma_start3A_634 : memref<1x128x64xf32, #tpu.memory_space<vmem>> -> memref<128x64xf32, #tpu.memory_space<vmem>>
        %dma_start3A_636 = arith.constant 0 : i32
        %dma_start3A_637 = tpu.memref_slice %arg5[%add3A_310, %dma_start3A_636] : memref<200x128xi32, #tpu.memory_space<vmem>> -> memref<1x128xi32, #tpu.memory_space<vmem>>
        %dma_start3A_638 = tpu.memref_squeeze %dma_start3A_637 : memref<1x128xi32, #tpu.memory_space<vmem>> -> memref<128xi32, #tpu.memory_space<vmem>>
        %dma_start3A_639 = arith.constant 0 : i32
        %dma_start3A_640 = arith.constant 0 : i32
        %dma_start3A_641 = tpu.memref_slice %arg3[%dma_start3A_639, %dma_start3A_640] : memref<1000000x64xf32, #tpu.memory_space<hbm>> -> memref<1000000x64xf32, #tpu.memory_space<hbm>>
        %dma_start3A_642 = tpu.memref_slice %arg9[%dma_start3A_631] : memref<4x!tpu.dma_semaphore, #tpu.memory_space<semaphore_mem>> -> memref<1x!tpu.dma_semaphore, #tpu.memory_space<semaphore_mem>>
        %dma_start3A_643 = tpu.memref_squeeze %dma_start3A_642 : memref<1x!tpu.dma_semaphore, #tpu.memory_space<semaphore_mem>> -> memref<!tpu.dma_semaphore, #tpu.memory_space<semaphore_mem>>
        tpu.enqueue_indirect_dma source(%dma_start3A_641 : memref<1000000x64xf32, #tpu.memory_space<hbm>>) target(%dma_start3A_635 : memref<128x64xf32, #tpu.memory_space<vmem>>) offsets(%dma_start3A_638 : memref<128xi32, #tpu.memory_space<vmem>>) semaphore(%dma_start3A_643 : memref<!tpu.dma_semaphore, #tpu.memory_space<semaphore_mem>>)
      } else {
      }
      %add3A_315 = arith.constant 1 : i32
      %add3A_316 = arith.addi %add3A_220, %add3A_315 : i32
      %jit3A_317 = arith.constant 4 : i32
      %div3A_318 = arith.divsi %add3A_316, %jit3A_317 : i32
      %sign3A_319 = arith.constant 0 : i32
      %sign3A_320 = arith.cmpi sgt, %add3A_316, %sign3A_319 : i32
      %sign3A_321 = arith.extui %sign3A_320 : i1 to i32
      %sign3A_322 = arith.constant 0 : i32
      %sign3A_323 = arith.cmpi slt, %add3A_316, %sign3A_322 : i32
      %sign3A_324 = arith.extui %sign3A_323 : i1 to i32
      %sign3A_325 = arith.subi %sign3A_321, %sign3A_324 : i32
      %sign3A_326 = arith.constant 0 : i32
      %sign3A_327 = arith.cmpi sgt, %jit3A_317, %sign3A_326 : i32
      %sign3A_328 = arith.extui %sign3A_327 : i1 to i32
      %sign3A_329 = arith.constant 0 : i32
      %sign3A_330 = arith.cmpi slt, %jit3A_317, %sign3A_329 : i32
      %sign3A_331 = arith.extui %sign3A_330 : i1 to i32
      %sign3A_332 = arith.subi %sign3A_328, %sign3A_331 : i32
      %ne3A_333 = arith.cmpi ne, %sign3A_325, %sign3A_332 : i32
      %rem3A_334 = arith.remsi %add3A_316, %jit3A_317 : i32
      %ne3A_335 = arith.constant 0 : i32
      %ne3A_336 = arith.cmpi ne, %rem3A_334, %ne3A_335 : i32
      %and3A_337 = arith.andi %ne3A_333, %ne3A_336 : i1
      %sub3A_338 = arith.constant 1 : i32
      %sub3A_339 = arith.subi %div3A_318, %sub3A_338 : i32
      %select_n3A_340 = arith.select %and3A_337, %sub3A_339, %div3A_318 : i32
      %mul3A_341 = arith.constant 4 : i32
      %mul3A_342 = arith.muli %add3A, %mul3A_341 : i32
      %rem3A_343 = arith.constant 4 : i32
      %rem3A_344 = arith.remsi %add3A_316, %rem3A_343 : i32
      %add3A_345 = arith.addi %mul3A_342, %rem3A_344 : i32
      %dma_wait3A_346 = arith.constant 1 : i32
      %dma_wait3A_347 = arith.constant 1 : i32
      %dma_wait3A_348 = arith.constant 0 : i32
      %dma_wait3A_349 = arith.constant 0 : i32
      %dma_wait3A_350 = tpu.memref_slice %arg6[%dma_wait3A_346, %dma_wait3A_348, %dma_wait3A_349] : memref<4x128x64xf32, #tpu.memory_space<vmem>> -> memref<1x128x64xf32, #tpu.memory_space<vmem>>
      %dma_wait3A_351 = tpu.memref_squeeze %dma_wait3A_350 : memref<1x128x64xf32, #tpu.memory_space<vmem>> -> memref<128x64xf32, #tpu.memory_space<vmem>>
      %dma_wait3A_352 = arith.constant 0 : i32
      %dma_wait3A_353 = tpu.memref_slice %arg5[%add3A_316, %dma_wait3A_352] : memref<200x128xi32, #tpu.memory_space<vmem>> -> memref<1x128xi32, #tpu.memory_space<vmem>>
      %dma_wait3A_354 = tpu.memref_squeeze %dma_wait3A_353 : memref<1x128xi32, #tpu.memory_space<vmem>> -> memref<128xi32, #tpu.memory_space<vmem>>
      %dma_wait3A_355 = arith.constant 0 : i32
      %dma_wait3A_356 = arith.constant 0 : i32
      %dma_wait3A_357 = tpu.memref_slice %arg3[%dma_wait3A_355, %dma_wait3A_356] : memref<1000000x64xf32, #tpu.memory_space<hbm>> -> memref<1000000x64xf32, #tpu.memory_space<hbm>>
      %dma_wait3A_358 = tpu.memref_slice %arg9[%dma_wait3A_347] : memref<4x!tpu.dma_semaphore, #tpu.memory_space<semaphore_mem>> -> memref<1x!tpu.dma_semaphore, #tpu.memory_space<semaphore_mem>>
      %dma_wait3A_359 = tpu.memref_squeeze %dma_wait3A_358 : memref<1x!tpu.dma_semaphore, #tpu.memory_space<semaphore_mem>> -> memref<!tpu.dma_semaphore, #tpu.memory_space<semaphore_mem>>
      tpu.wait_indirect_dma semaphore(%dma_wait3A_359 : memref<!tpu.dma_semaphore, #tpu.memory_space<semaphore_mem>>) src(%dma_wait3A_357 : memref<1000000x64xf32, #tpu.memory_space<hbm>>) dst(%dma_wait3A_351 : memref<128x64xf32, #tpu.memory_space<vmem>>)
      %ge3A_360 = arith.constant 4 : i32
      %ge3A_361 = arith.cmpi sge, %add3A_316, %ge3A_360 : i32
      %convert_element_type3A_362 = arith.extui %ge3A_361 : i1 to i32
      %cond3A_363 = arith.constant 0 : i32
      %cond3A_364 = arith.cmpi ne, %convert_element_type3A_362, %cond3A_363 : i32
      scf.if %cond3A_364 {
        %sub3A_630 = arith.constant 4 : i32
        %sub3A_631 = arith.subi %add3A_316, %sub3A_630 : i32
        %jit3A_632 = arith.constant 4 : i32
        %div3A_633 = arith.divsi %sub3A_631, %jit3A_632 : i32
        %sign3A_634 = arith.constant 0 : i32
        %sign3A_635 = arith.cmpi sgt, %sub3A_631, %sign3A_634 : i32
        %sign3A_636 = arith.extui %sign3A_635 : i1 to i32
        %sign3A_637 = arith.constant 0 : i32
        %sign3A_638 = arith.cmpi slt, %sub3A_631, %sign3A_637 : i32
        %sign3A_639 = arith.extui %sign3A_638 : i1 to i32
        %sign3A_640 = arith.subi %sign3A_636, %sign3A_639 : i32
        %sign3A_641 = arith.constant 0 : i32
        %sign3A_642 = arith.cmpi sgt, %jit3A_632, %sign3A_641 : i32
        %sign3A_643 = arith.extui %sign3A_642 : i1 to i32
        %sign3A_644 = arith.constant 0 : i32
        %sign3A_645 = arith.cmpi slt, %jit3A_632, %sign3A_644 : i32
        %sign3A_646 = arith.extui %sign3A_645 : i1 to i32
        %sign3A_647 = arith.subi %sign3A_643, %sign3A_646 : i32
        %ne3A_648 = arith.cmpi ne, %sign3A_640, %sign3A_647 : i32
        %rem3A_649 = arith.remsi %sub3A_631, %jit3A_632 : i32
        %ne3A_650 = arith.constant 0 : i32
        %ne3A_651 = arith.cmpi ne, %rem3A_649, %ne3A_650 : i32
        %and3A_652 = arith.andi %ne3A_648, %ne3A_651 : i1
        %sub3A_653 = arith.constant 1 : i32
        %sub3A_654 = arith.subi %div3A_633, %sub3A_653 : i32
        %select_n3A_655 = arith.select %and3A_652, %sub3A_654, %div3A_633 : i32
        %mul3A_656 = arith.constant 4 : i32
        %mul3A_657 = arith.muli %add3A, %mul3A_656 : i32
        %rem3A_658 = arith.constant 4 : i32
        %rem3A_659 = arith.remsi %sub3A_631, %rem3A_658 : i32
        %add3A_660 = arith.addi %mul3A_657, %rem3A_659 : i32
        %dma_wait3A_661 = arith.constant 1 : i32
        %dma_wait3A_662 = arith.constant 1 : i32
        %dma_wait3A_663 = arith.constant 0 : i32
        %dma_wait3A_664 = arith.constant 0 : i32
        %dma_wait3A_665 = arith.constant 0 : i32
        %dma_wait3A_666 = tpu.memref_slice %arg7[%dma_wait3A_661, %dma_wait3A_663, %dma_wait3A_664, %dma_wait3A_665] : memref<4x8x8x128xf32, #tpu.memory_space<vmem>> -> memref<1x8x8x128xf32, #tpu.memory_space<vmem>>
        %dma_wait3A_667 = tpu.memref_squeeze %dma_wait3A_666 : memref<1x8x8x128xf32, #tpu.memory_space<vmem>> -> memref<8x8x128xf32, #tpu.memory_space<vmem>>
        %dma_wait3A_668 = arith.constant 0 : i32
        %dma_wait3A_669 = arith.constant 0 : i32
        %dma_wait3A_670 = arith.constant 0 : i32
        %dma_wait3A_671 = tpu.memref_slice %arg4[%select_n3A_655, %dma_wait3A_668, %add3A_660, %dma_wait3A_669, %dma_wait3A_670] : memref<50x8x128x8x128xf32, #tpu.memory_space<hbm>> -> memref<1x8x1x8x128xf32, #tpu.memory_space<hbm>>
        %dma_wait3A_672 = tpu.memref_squeeze %dma_wait3A_671 : memref<1x8x1x8x128xf32, #tpu.memory_space<hbm>> -> memref<8x8x128xf32, #tpu.memory_space<hbm>>
        %dma_wait3A_673 = tpu.memref_slice %arg10[%dma_wait3A_662] : memref<4x!tpu.dma_semaphore, #tpu.memory_space<semaphore_mem>> -> memref<1x!tpu.dma_semaphore, #tpu.memory_space<semaphore_mem>>
        %dma_wait3A_674 = tpu.memref_squeeze %dma_wait3A_673 : memref<1x!tpu.dma_semaphore, #tpu.memory_space<semaphore_mem>> -> memref<!tpu.dma_semaphore, #tpu.memory_space<semaphore_mem>>
        %dma_wait3A_675 = arith.constant 0 : i32
        %dma_wait3A_676 = arith.constant 0 : i32
        %dma_wait3A_677 = arith.constant 0 : i32
        %dma_wait3A_678 = tpu.memref_slice %arg4[%select_n3A_655, %dma_wait3A_675, %add3A_660, %dma_wait3A_676, %dma_wait3A_677] : memref<50x8x128x8x128xf32, #tpu.memory_space<hbm>> -> memref<1x8x1x8x128xf32, #tpu.memory_space<hbm>>
        %dma_wait3A_679 = tpu.memref_squeeze %dma_wait3A_678 : memref<1x8x1x8x128xf32, #tpu.memory_space<hbm>> -> memref<8x8x128xf32, #tpu.memory_space<hbm>>
        %dma_wait3A_680 = arith.constant 0 : i32
        %dma_wait3A_681 = arith.constant 0 : i32
        %dma_wait3A_682 = arith.constant 0 : i32
        %dma_wait3A_683 = tpu.memref_slice %arg7[%dma_wait3A_661, %dma_wait3A_680, %dma_wait3A_681, %dma_wait3A_682] : memref<4x8x8x128xf32, #tpu.memory_space<vmem>> -> memref<1x8x8x128xf32, #tpu.memory_space<vmem>>
        %dma_wait3A_684 = tpu.memref_squeeze %dma_wait3A_683 : memref<1x8x8x128xf32, #tpu.memory_space<vmem>> -> memref<8x8x128xf32, #tpu.memory_space<vmem>>
        tpu.wait_dma2 semaphore(%dma_wait3A_674 : memref<!tpu.dma_semaphore, #tpu.memory_space<semaphore_mem>>) src(%dma_wait3A_684 : memref<8x8x128xf32, #tpu.memory_space<vmem>>) dst(%dma_wait3A_679 : memref<8x8x128xf32, #tpu.memory_space<hbm>>)
      } else {
      }
      %scan3A_365 = arith.constant 0 : i32
      %scan3A_366 = arith.constant 16 : i32
      %scan3A_367 = arith.addi %scan3A_365, %scan3A_366 : i32
      %scan3A_368 = arith.constant 1 : i32
      %scan3A_369 = scf.for %scan3A_630 = %scan3A_365 to %scan3A_367 step %scan3A_368 iter_args(%scan3A_631 = %add3A_60) -> (vector<16xi32>)  : i32 {
        %add3A_632 = arith.constant 0 : i32
        %add3A_633 = vector.broadcast %add3A_632 : i32 to vector<16xi32>
        %add3A_634 = arith.addi %scan3A_631, %add3A_633 : vector<16xi32>
        %shift_right_arithmetic3A = arith.constant 3 : i32
        %shift_right_arithmetic3A_635 = vector.broadcast %shift_right_arithmetic3A : i32 to vector<16xi32>
        %shift_right_arithmetic3A_636 = arith.shrsi %add3A_634, %shift_right_arithmetic3A_635 : vector<16xi32>
        %and3A_637 = arith.constant 7 : i32
        %and3A_638 = vector.broadcast %and3A_637 : i32 to vector<16xi32>
        %and3A_639 = arith.andi %add3A_634, %and3A_638 : vector<16xi32>
        %gather3A = arith.constant 1 : i32
        %gather3A_640 = arith.constant 0 : i32
        %gather3A_641 = arith.constant 0 : i32
        %gather3A_642 = tpu.memref_slice %arg6[%gather3A, %gather3A_640, %gather3A_641] : memref<4x128x64xf32, #tpu.memory_space<vmem>> -> memref<1x128x64xf32, #tpu.memory_space<vmem>>
        %gather3A_643 = tpu.memref_squeeze %gather3A_642 : memref<1x128x64xf32, #tpu.memory_space<vmem>> -> memref<128x64xf32, #tpu.memory_space<vmem>>
        %gather3A_644 = tpu.vector_load_idx %gather3A_643[%add3A_60, %add3A_634] : memref<128x64xf32, #tpu.memory_space<vmem>>[vector<16xi32>, vector<16xi32>], vector<16xf32>,
        %mul3A_645 = arith.constant 8.000000e+00 : f32
        %mul3A_646 = vector.broadcast %mul3A_645 : f32 to vector<16xf32>
        %mul3A_647 = arith.mulf %gather3A_644, %mul3A_646 : vector<16xf32>
        %scatter3A = arith.constant 1 : i32
        %scatter3A_648 = arith.constant 0 : i32
        %scatter3A_649 = arith.constant 0 : i32
        %scatter3A_650 = arith.constant 0 : i32
        %scatter3A_651 = tpu.memref_slice %arg7[%scatter3A, %scatter3A_648, %scatter3A_649, %scatter3A_650] : memref<4x8x8x128xf32, #tpu.memory_space<vmem>> -> memref<1x8x8x128xf32, #tpu.memory_space<vmem>>
        %scatter3A_652 = tpu.memref_squeeze %scatter3A_651 : memref<1x8x8x128xf32, #tpu.memory_space<vmem>> -> memref<8x8x128xf32, #tpu.memory_space<vmem>>
        tpu.vector_store_idx %scatter3A_652[%shift_right_arithmetic3A_636, %and3A_639, %add3A_60], %mul3A_647 : memref<8x8x128xf32, #tpu.memory_space<vmem>>[vector<16xi32>, vector<16xi32>, vector<16xi32>], vector<16xf32>,
        %gather3A_653 = arith.constant 1 : i32
        %gather3A_654 = arith.constant 0 : i32
        %gather3A_655 = arith.constant 0 : i32
        %gather3A_656 = tpu.memref_slice %arg6[%gather3A_653, %gather3A_654, %gather3A_655] : memref<4x128x64xf32, #tpu.memory_space<vmem>> -> memref<1x128x64xf32, #tpu.memory_space<vmem>>
        %gather3A_657 = tpu.memref_squeeze %gather3A_656 : memref<1x128x64xf32, #tpu.memory_space<vmem>> -> memref<128x64xf32, #tpu.memory_space<vmem>>
        %gather3A_658 = tpu.vector_load_idx %gather3A_657[%add3A_64, %add3A_634] : memref<128x64xf32, #tpu.memory_space<vmem>>[vector<16xi32>, vector<16xi32>], vector<16xf32>,
        %mul3A_659 = arith.constant 8.000000e+00 : f32
        %mul3A_660 = vector.broadcast %mul3A_659 : f32 to vector<16xf32>
        %mul3A_661 = arith.mulf %gather3A_658, %mul3A_660 : vector<16xf32>
        %scatter3A_662 = arith.constant 1 : i32
        %scatter3A_663 = arith.constant 0 : i32
        %scatter3A_664 = arith.constant 0 : i32
        %scatter3A_665 = arith.constant 0 : i32
        %scatter3A_666 = tpu.memref_slice %arg7[%scatter3A_662, %scatter3A_663, %scatter3A_664, %scatter3A_665] : memref<4x8x8x128xf32, #tpu.memory_space<vmem>> -> memref<1x8x8x128xf32, #tpu.memory_space<vmem>>
        %scatter3A_667 = tpu.memref_squeeze %scatter3A_666 : memref<1x8x8x128xf32, #tpu.memory_space<vmem>> -> memref<8x8x128xf32, #tpu.memory_space<vmem>>
        tpu.vector_store_idx %scatter3A_667[%shift_right_arithmetic3A_636, %and3A_639, %add3A_64], %mul3A_661 : memref<8x8x128xf32, #tpu.memory_space<vmem>>[vector<16xi32>, vector<16xi32>, vector<16xi32>], vector<16xf32>,
        %gather3A_668 = arith.constant 1 : i32
        %gather3A_669 = arith.constant 0 : i32
        %gather3A_670 = arith.constant 0 : i32
        %gather3A_671 = tpu.memref_slice %arg6[%gather3A_668, %gather3A_669, %gather3A_670] : memref<4x128x64xf32, #tpu.memory_space<vmem>> -> memref<1x128x64xf32, #tpu.memory_space<vmem>>
        %gather3A_672 = tpu.memref_squeeze %gather3A_671 : memref<1x128x64xf32, #tpu.memory_space<vmem>> -> memref<128x64xf32, #tpu.memory_space<vmem>>
        %gather3A_673 = tpu.vector_load_idx %gather3A_672[%add3A_68, %add3A_634] : memref<128x64xf32, #tpu.memory_space<vmem>>[vector<16xi32>, vector<16xi32>], vector<16xf32>,
        %mul3A_674 = arith.constant 8.000000e+00 : f32
        %mul3A_675 = vector.broadcast %mul3A_674 : f32 to vector<16xf32>
        %mul3A_676 = arith.mulf %gather3A_673, %mul3A_675 : vector<16xf32>
        %scatter3A_677 = arith.constant 1 : i32
        %scatter3A_678 = arith.constant 0 : i32
        %scatter3A_679 = arith.constant 0 : i32
        %scatter3A_680 = arith.constant 0 : i32
        %scatter3A_681 = tpu.memref_slice %arg7[%scatter3A_677, %scatter3A_678, %scatter3A_679, %scatter3A_680] : memref<4x8x8x128xf32, #tpu.memory_space<vmem>> -> memref<1x8x8x128xf32, #tpu.memory_space<vmem>>
        %scatter3A_682 = tpu.memref_squeeze %scatter3A_681 : memref<1x8x8x128xf32, #tpu.memory_space<vmem>> -> memref<8x8x128xf32, #tpu.memory_space<vmem>>
        tpu.vector_store_idx %scatter3A_682[%shift_right_arithmetic3A_636, %and3A_639, %add3A_68], %mul3A_676 : memref<8x8x128xf32, #tpu.memory_space<vmem>>[vector<16xi32>, vector<16xi32>, vector<16xi32>], vector<16xf32>,
        %gather3A_683 = arith.constant 1 : i32
        %gather3A_684 = arith.constant 0 : i32
        %gather3A_685 = arith.constant 0 : i32
        %gather3A_686 = tpu.memref_slice %arg6[%gather3A_683, %gather3A_684, %gather3A_685] : memref<4x128x64xf32, #tpu.memory_space<vmem>> -> memref<1x128x64xf32, #tpu.memory_space<vmem>>
        %gather3A_687 = tpu.memref_squeeze %gather3A_686 : memref<1x128x64xf32, #tpu.memory_space<vmem>> -> memref<128x64xf32, #tpu.memory_space<vmem>>
        %gather3A_688 = tpu.vector_load_idx %gather3A_687[%add3A_72, %add3A_634] : memref<128x64xf32, #tpu.memory_space<vmem>>[vector<16xi32>, vector<16xi32>], vector<16xf32>,
        %mul3A_689 = arith.constant 8.000000e+00 : f32
        %mul3A_690 = vector.broadcast %mul3A_689 : f32 to vector<16xf32>
        %mul3A_691 = arith.mulf %gather3A_688, %mul3A_690 : vector<16xf32>
        %scatter3A_692 = arith.constant 1 : i32
        %scatter3A_693 = arith.constant 0 : i32
        %scatter3A_694 = arith.constant 0 : i32
        %scatter3A_695 = arith.constant 0 : i32
        %scatter3A_696 = tpu.memref_slice %arg7[%scatter3A_692, %scatter3A_693, %scatter3A_694, %scatter3A_695] : memref<4x8x8x128xf32, #tpu.memory_space<vmem>> -> memref<1x8x8x128xf32, #tpu.memory_space<vmem>>
        %scatter3A_697 = tpu.memref_squeeze %scatter3A_696 : memref<1x8x8x128xf32, #tpu.memory_space<vmem>> -> memref<8x8x128xf32, #tpu.memory_space<vmem>>
        tpu.vector_store_idx %scatter3A_697[%shift_right_arithmetic3A_636, %and3A_639, %add3A_72], %mul3A_691 : memref<8x8x128xf32, #tpu.memory_space<vmem>>[vector<16xi32>, vector<16xi32>, vector<16xi32>], vector<16xf32>,
        %gather3A_698 = arith.constant 1 : i32
        %gather3A_699 = arith.constant 0 : i32
        %gather3A_700 = arith.constant 0 : i32
        %gather3A_701 = tpu.memref_slice %arg6[%gather3A_698, %gather3A_699, %gather3A_700] : memref<4x128x64xf32, #tpu.memory_space<vmem>> -> memref<1x128x64xf32, #tpu.memory_space<vmem>>
        %gather3A_702 = tpu.memref_squeeze %gather3A_701 : memref<1x128x64xf32, #tpu.memory_space<vmem>> -> memref<128x64xf32, #tpu.memory_space<vmem>>
        %gather3A_703 = tpu.vector_load_idx %gather3A_702[%add3A_76, %add3A_634] : memref<128x64xf32, #tpu.memory_space<vmem>>[vector<16xi32>, vector<16xi32>], vector<16xf32>,
        %mul3A_704 = arith.constant 8.000000e+00 : f32
        %mul3A_705 = vector.broadcast %mul3A_704 : f32 to vector<16xf32>
        %mul3A_706 = arith.mulf %gather3A_703, %mul3A_705 : vector<16xf32>
        %scatter3A_707 = arith.constant 1 : i32
        %scatter3A_708 = arith.constant 0 : i32
        %scatter3A_709 = arith.constant 0 : i32
        %scatter3A_710 = arith.constant 0 : i32
        %scatter3A_711 = tpu.memref_slice %arg7[%scatter3A_707, %scatter3A_708, %scatter3A_709, %scatter3A_710] : memref<4x8x8x128xf32, #tpu.memory_space<vmem>> -> memref<1x8x8x128xf32, #tpu.memory_space<vmem>>
        %scatter3A_712 = tpu.memref_squeeze %scatter3A_711 : memref<1x8x8x128xf32, #tpu.memory_space<vmem>> -> memref<8x8x128xf32, #tpu.memory_space<vmem>>
        tpu.vector_store_idx %scatter3A_712[%shift_right_arithmetic3A_636, %and3A_639, %add3A_76], %mul3A_706 : memref<8x8x128xf32, #tpu.memory_space<vmem>>[vector<16xi32>, vector<16xi32>, vector<16xi32>], vector<16xf32>,
        %gather3A_713 = arith.constant 1 : i32
        %gather3A_714 = arith.constant 0 : i32
        %gather3A_715 = arith.constant 0 : i32
        %gather3A_716 = tpu.memref_slice %arg6[%gather3A_713, %gather3A_714, %gather3A_715] : memref<4x128x64xf32, #tpu.memory_space<vmem>> -> memref<1x128x64xf32, #tpu.memory_space<vmem>>
        %gather3A_717 = tpu.memref_squeeze %gather3A_716 : memref<1x128x64xf32, #tpu.memory_space<vmem>> -> memref<128x64xf32, #tpu.memory_space<vmem>>
        %gather3A_718 = tpu.vector_load_idx %gather3A_717[%add3A_80, %add3A_634] : memref<128x64xf32, #tpu.memory_space<vmem>>[vector<16xi32>, vector<16xi32>], vector<16xf32>,
        %mul3A_719 = arith.constant 8.000000e+00 : f32
        %mul3A_720 = vector.broadcast %mul3A_719 : f32 to vector<16xf32>
        %mul3A_721 = arith.mulf %gather3A_718, %mul3A_720 : vector<16xf32>
        %scatter3A_722 = arith.constant 1 : i32
        %scatter3A_723 = arith.constant 0 : i32
        %scatter3A_724 = arith.constant 0 : i32
        %scatter3A_725 = arith.constant 0 : i32
        %scatter3A_726 = tpu.memref_slice %arg7[%scatter3A_722, %scatter3A_723, %scatter3A_724, %scatter3A_725] : memref<4x8x8x128xf32, #tpu.memory_space<vmem>> -> memref<1x8x8x128xf32, #tpu.memory_space<vmem>>
        %scatter3A_727 = tpu.memref_squeeze %scatter3A_726 : memref<1x8x8x128xf32, #tpu.memory_space<vmem>> -> memref<8x8x128xf32, #tpu.memory_space<vmem>>
        tpu.vector_store_idx %scatter3A_727[%shift_right_arithmetic3A_636, %and3A_639, %add3A_80], %mul3A_721 : memref<8x8x128xf32, #tpu.memory_space<vmem>>[vector<16xi32>, vector<16xi32>, vector<16xi32>], vector<16xf32>,
        %gather3A_728 = arith.constant 1 : i32
        %gather3A_729 = arith.constant 0 : i32
        %gather3A_730 = arith.constant 0 : i32
        %gather3A_731 = tpu.memref_slice %arg6[%gather3A_728, %gather3A_729, %gather3A_730] : memref<4x128x64xf32, #tpu.memory_space<vmem>> -> memref<1x128x64xf32, #tpu.memory_space<vmem>>
        %gather3A_732 = tpu.memref_squeeze %gather3A_731 : memref<1x128x64xf32, #tpu.memory_space<vmem>> -> memref<128x64xf32, #tpu.memory_space<vmem>>
        %gather3A_733 = tpu.vector_load_idx %gather3A_732[%add3A_84, %add3A_634] : memref<128x64xf32, #tpu.memory_space<vmem>>[vector<16xi32>, vector<16xi32>], vector<16xf32>,
        %mul3A_734 = arith.constant 8.000000e+00 : f32
        %mul3A_735 = vector.broadcast %mul3A_734 : f32 to vector<16xf32>
        %mul3A_736 = arith.mulf %gather3A_733, %mul3A_735 : vector<16xf32>
        %scatter3A_737 = arith.constant 1 : i32
        %scatter3A_738 = arith.constant 0 : i32
        %scatter3A_739 = arith.constant 0 : i32
        %scatter3A_740 = arith.constant 0 : i32
        %scatter3A_741 = tpu.memref_slice %arg7[%scatter3A_737, %scatter3A_738, %scatter3A_739, %scatter3A_740] : memref<4x8x8x128xf32, #tpu.memory_space<vmem>> -> memref<1x8x8x128xf32, #tpu.memory_space<vmem>>
        %scatter3A_742 = tpu.memref_squeeze %scatter3A_741 : memref<1x8x8x128xf32, #tpu.memory_space<vmem>> -> memref<8x8x128xf32, #tpu.memory_space<vmem>>
        tpu.vector_store_idx %scatter3A_742[%shift_right_arithmetic3A_636, %and3A_639, %add3A_84], %mul3A_736 : memref<8x8x128xf32, #tpu.memory_space<vmem>>[vector<16xi32>, vector<16xi32>, vector<16xi32>], vector<16xf32>,
        %gather3A_743 = arith.constant 1 : i32
        %gather3A_744 = arith.constant 0 : i32
        %gather3A_745 = arith.constant 0 : i32
        %gather3A_746 = tpu.memref_slice %arg6[%gather3A_743, %gather3A_744, %gather3A_745] : memref<4x128x64xf32, #tpu.memory_space<vmem>> -> memref<1x128x64xf32, #tpu.memory_space<vmem>>
        %gather3A_747 = tpu.memref_squeeze %gather3A_746 : memref<1x128x64xf32, #tpu.memory_space<vmem>> -> memref<128x64xf32, #tpu.memory_space<vmem>>
        %gather3A_748 = tpu.vector_load_idx %gather3A_747[%add3A_88, %add3A_634] : memref<128x64xf32, #tpu.memory_space<vmem>>[vector<16xi32>, vector<16xi32>], vector<16xf32>,
        %mul3A_749 = arith.constant 8.000000e+00 : f32
        %mul3A_750 = vector.broadcast %mul3A_749 : f32 to vector<16xf32>
        %mul3A_751 = arith.mulf %gather3A_748, %mul3A_750 : vector<16xf32>
        %scatter3A_752 = arith.constant 1 : i32
        %scatter3A_753 = arith.constant 0 : i32
        %scatter3A_754 = arith.constant 0 : i32
        %scatter3A_755 = arith.constant 0 : i32
        %scatter3A_756 = tpu.memref_slice %arg7[%scatter3A_752, %scatter3A_753, %scatter3A_754, %scatter3A_755] : memref<4x8x8x128xf32, #tpu.memory_space<vmem>> -> memref<1x8x8x128xf32, #tpu.memory_space<vmem>>
        %scatter3A_757 = tpu.memref_squeeze %scatter3A_756 : memref<1x8x8x128xf32, #tpu.memory_space<vmem>> -> memref<8x8x128xf32, #tpu.memory_space<vmem>>
        tpu.vector_store_idx %scatter3A_757[%shift_right_arithmetic3A_636, %and3A_639, %add3A_88], %mul3A_751 : memref<8x8x128xf32, #tpu.memory_space<vmem>>[vector<16xi32>, vector<16xi32>, vector<16xi32>], vector<16xf32>,
        %add3A_758 = arith.constant 1 : i32
        %add3A_759 = vector.broadcast %add3A_758 : i32 to vector<16xi32>
        %add3A_760 = arith.addi %scan3A_631, %add3A_759 : vector<16xi32>
        %and3A_761 = arith.constant 15 : i32
        %and3A_762 = vector.broadcast %and3A_761 : i32 to vector<16xi32>
        %and3A_763 = arith.andi %add3A_760, %and3A_762 : vector<16xi32>
        scf.yield %and3A_763 : vector<16xi32>
      }
      %scan3A_370 = arith.constant 16 : i32
      %scan3A_371 = arith.constant 0 : i32
      %scan3A_372 = arith.constant 16 : i32
      %scan3A_373 = arith.addi %scan3A_371, %scan3A_372 : i32
      %scan3A_374 = arith.constant 1 : i32
      %scan3A_375 = scf.for %scan3A_630 = %scan3A_371 to %scan3A_373 step %scan3A_374 iter_args(%scan3A_631 = %add3A_60) -> (vector<16xi32>)  : i32 {
        %add3A_632 = arith.constant 16 : i32
        %add3A_633 = vector.broadcast %add3A_632 : i32 to vector<16xi32>
        %add3A_634 = arith.addi %scan3A_631, %add3A_633 : vector<16xi32>
        %shift_right_arithmetic3A = arith.constant 3 : i32
        %shift_right_arithmetic3A_635 = vector.broadcast %shift_right_arithmetic3A : i32 to vector<16xi32>
        %shift_right_arithmetic3A_636 = arith.shrsi %add3A_634, %shift_right_arithmetic3A_635 : vector<16xi32>
        %and3A_637 = arith.constant 7 : i32
        %and3A_638 = vector.broadcast %and3A_637 : i32 to vector<16xi32>
        %and3A_639 = arith.andi %add3A_634, %and3A_638 : vector<16xi32>
        %gather3A = arith.constant 1 : i32
        %gather3A_640 = arith.constant 0 : i32
        %gather3A_641 = arith.constant 0 : i32
        %gather3A_642 = tpu.memref_slice %arg6[%gather3A, %gather3A_640, %gather3A_641] : memref<4x128x64xf32, #tpu.memory_space<vmem>> -> memref<1x128x64xf32, #tpu.memory_space<vmem>>
        %gather3A_643 = tpu.memref_squeeze %gather3A_642 : memref<1x128x64xf32, #tpu.memory_space<vmem>> -> memref<128x64xf32, #tpu.memory_space<vmem>>
        %gather3A_644 = tpu.vector_load_idx %gather3A_643[%add3A_60, %add3A_634] : memref<128x64xf32, #tpu.memory_space<vmem>>[vector<16xi32>, vector<16xi32>], vector<16xf32>,
        %mul3A_645 = arith.constant 8.000000e+00 : f32
        %mul3A_646 = vector.broadcast %mul3A_645 : f32 to vector<16xf32>
        %mul3A_647 = arith.mulf %gather3A_644, %mul3A_646 : vector<16xf32>
        %scatter3A = arith.constant 1 : i32
        %scatter3A_648 = arith.constant 0 : i32
        %scatter3A_649 = arith.constant 0 : i32
        %scatter3A_650 = arith.constant 0 : i32
        %scatter3A_651 = tpu.memref_slice %arg7[%scatter3A, %scatter3A_648, %scatter3A_649, %scatter3A_650] : memref<4x8x8x128xf32, #tpu.memory_space<vmem>> -> memref<1x8x8x128xf32, #tpu.memory_space<vmem>>
        %scatter3A_652 = tpu.memref_squeeze %scatter3A_651 : memref<1x8x8x128xf32, #tpu.memory_space<vmem>> -> memref<8x8x128xf32, #tpu.memory_space<vmem>>
        tpu.vector_store_idx %scatter3A_652[%shift_right_arithmetic3A_636, %and3A_639, %add3A_60], %mul3A_647 : memref<8x8x128xf32, #tpu.memory_space<vmem>>[vector<16xi32>, vector<16xi32>, vector<16xi32>], vector<16xf32>,
        %gather3A_653 = arith.constant 1 : i32
        %gather3A_654 = arith.constant 0 : i32
        %gather3A_655 = arith.constant 0 : i32
        %gather3A_656 = tpu.memref_slice %arg6[%gather3A_653, %gather3A_654, %gather3A_655] : memref<4x128x64xf32, #tpu.memory_space<vmem>> -> memref<1x128x64xf32, #tpu.memory_space<vmem>>
        %gather3A_657 = tpu.memref_squeeze %gather3A_656 : memref<1x128x64xf32, #tpu.memory_space<vmem>> -> memref<128x64xf32, #tpu.memory_space<vmem>>
        %gather3A_658 = tpu.vector_load_idx %gather3A_657[%add3A_64, %add3A_634] : memref<128x64xf32, #tpu.memory_space<vmem>>[vector<16xi32>, vector<16xi32>], vector<16xf32>,
        %mul3A_659 = arith.constant 8.000000e+00 : f32
        %mul3A_660 = vector.broadcast %mul3A_659 : f32 to vector<16xf32>
        %mul3A_661 = arith.mulf %gather3A_658, %mul3A_660 : vector<16xf32>
        %scatter3A_662 = arith.constant 1 : i32
        %scatter3A_663 = arith.constant 0 : i32
        %scatter3A_664 = arith.constant 0 : i32
        %scatter3A_665 = arith.constant 0 : i32
        %scatter3A_666 = tpu.memref_slice %arg7[%scatter3A_662, %scatter3A_663, %scatter3A_664, %scatter3A_665] : memref<4x8x8x128xf32, #tpu.memory_space<vmem>> -> memref<1x8x8x128xf32, #tpu.memory_space<vmem>>
        %scatter3A_667 = tpu.memref_squeeze %scatter3A_666 : memref<1x8x8x128xf32, #tpu.memory_space<vmem>> -> memref<8x8x128xf32, #tpu.memory_space<vmem>>
        tpu.vector_store_idx %scatter3A_667[%shift_right_arithmetic3A_636, %and3A_639, %add3A_64], %mul3A_661 : memref<8x8x128xf32, #tpu.memory_space<vmem>>[vector<16xi32>, vector<16xi32>, vector<16xi32>], vector<16xf32>,
        %gather3A_668 = arith.constant 1 : i32
        %gather3A_669 = arith.constant 0 : i32
        %gather3A_670 = arith.constant 0 : i32
        %gather3A_671 = tpu.memref_slice %arg6[%gather3A_668, %gather3A_669, %gather3A_670] : memref<4x128x64xf32, #tpu.memory_space<vmem>> -> memref<1x128x64xf32, #tpu.memory_space<vmem>>
        %gather3A_672 = tpu.memref_squeeze %gather3A_671 : memref<1x128x64xf32, #tpu.memory_space<vmem>> -> memref<128x64xf32, #tpu.memory_space<vmem>>
        %gather3A_673 = tpu.vector_load_idx %gather3A_672[%add3A_68, %add3A_634] : memref<128x64xf32, #tpu.memory_space<vmem>>[vector<16xi32>, vector<16xi32>], vector<16xf32>,
        %mul3A_674 = arith.constant 8.000000e+00 : f32
        %mul3A_675 = vector.broadcast %mul3A_674 : f32 to vector<16xf32>
        %mul3A_676 = arith.mulf %gather3A_673, %mul3A_675 : vector<16xf32>
        %scatter3A_677 = arith.constant 1 : i32
        %scatter3A_678 = arith.constant 0 : i32
        %scatter3A_679 = arith.constant 0 : i32
        %scatter3A_680 = arith.constant 0 : i32
        %scatter3A_681 = tpu.memref_slice %arg7[%scatter3A_677, %scatter3A_678, %scatter3A_679, %scatter3A_680] : memref<4x8x8x128xf32, #tpu.memory_space<vmem>> -> memref<1x8x8x128xf32, #tpu.memory_space<vmem>>
        %scatter3A_682 = tpu.memref_squeeze %scatter3A_681 : memref<1x8x8x128xf32, #tpu.memory_space<vmem>> -> memref<8x8x128xf32, #tpu.memory_space<vmem>>
        tpu.vector_store_idx %scatter3A_682[%shift_right_arithmetic3A_636, %and3A_639, %add3A_68], %mul3A_676 : memref<8x8x128xf32, #tpu.memory_space<vmem>>[vector<16xi32>, vector<16xi32>, vector<16xi32>], vector<16xf32>,
        %gather3A_683 = arith.constant 1 : i32
        %gather3A_684 = arith.constant 0 : i32
        %gather3A_685 = arith.constant 0 : i32
        %gather3A_686 = tpu.memref_slice %arg6[%gather3A_683, %gather3A_684, %gather3A_685] : memref<4x128x64xf32, #tpu.memory_space<vmem>> -> memref<1x128x64xf32, #tpu.memory_space<vmem>>
        %gather3A_687 = tpu.memref_squeeze %gather3A_686 : memref<1x128x64xf32, #tpu.memory_space<vmem>> -> memref<128x64xf32, #tpu.memory_space<vmem>>
        %gather3A_688 = tpu.vector_load_idx %gather3A_687[%add3A_72, %add3A_634] : memref<128x64xf32, #tpu.memory_space<vmem>>[vector<16xi32>, vector<16xi32>], vector<16xf32>,
        %mul3A_689 = arith.constant 8.000000e+00 : f32
        %mul3A_690 = vector.broadcast %mul3A_689 : f32 to vector<16xf32>
        %mul3A_691 = arith.mulf %gather3A_688, %mul3A_690 : vector<16xf32>
        %scatter3A_692 = arith.constant 1 : i32
        %scatter3A_693 = arith.constant 0 : i32
        %scatter3A_694 = arith.constant 0 : i32
        %scatter3A_695 = arith.constant 0 : i32
        %scatter3A_696 = tpu.memref_slice %arg7[%scatter3A_692, %scatter3A_693, %scatter3A_694, %scatter3A_695] : memref<4x8x8x128xf32, #tpu.memory_space<vmem>> -> memref<1x8x8x128xf32, #tpu.memory_space<vmem>>
        %scatter3A_697 = tpu.memref_squeeze %scatter3A_696 : memref<1x8x8x128xf32, #tpu.memory_space<vmem>> -> memref<8x8x128xf32, #tpu.memory_space<vmem>>
        tpu.vector_store_idx %scatter3A_697[%shift_right_arithmetic3A_636, %and3A_639, %add3A_72], %mul3A_691 : memref<8x8x128xf32, #tpu.memory_space<vmem>>[vector<16xi32>, vector<16xi32>, vector<16xi32>], vector<16xf32>,
        %gather3A_698 = arith.constant 1 : i32
        %gather3A_699 = arith.constant 0 : i32
        %gather3A_700 = arith.constant 0 : i32
        %gather3A_701 = tpu.memref_slice %arg6[%gather3A_698, %gather3A_699, %gather3A_700] : memref<4x128x64xf32, #tpu.memory_space<vmem>> -> memref<1x128x64xf32, #tpu.memory_space<vmem>>
        %gather3A_702 = tpu.memref_squeeze %gather3A_701 : memref<1x128x64xf32, #tpu.memory_space<vmem>> -> memref<128x64xf32, #tpu.memory_space<vmem>>
        %gather3A_703 = tpu.vector_load_idx %gather3A_702[%add3A_76, %add3A_634] : memref<128x64xf32, #tpu.memory_space<vmem>>[vector<16xi32>, vector<16xi32>], vector<16xf32>,
        %mul3A_704 = arith.constant 8.000000e+00 : f32
        %mul3A_705 = vector.broadcast %mul3A_704 : f32 to vector<16xf32>
        %mul3A_706 = arith.mulf %gather3A_703, %mul3A_705 : vector<16xf32>
        %scatter3A_707 = arith.constant 1 : i32
        %scatter3A_708 = arith.constant 0 : i32
        %scatter3A_709 = arith.constant 0 : i32
        %scatter3A_710 = arith.constant 0 : i32
        %scatter3A_711 = tpu.memref_slice %arg7[%scatter3A_707, %scatter3A_708, %scatter3A_709, %scatter3A_710] : memref<4x8x8x128xf32, #tpu.memory_space<vmem>> -> memref<1x8x8x128xf32, #tpu.memory_space<vmem>>
        %scatter3A_712 = tpu.memref_squeeze %scatter3A_711 : memref<1x8x8x128xf32, #tpu.memory_space<vmem>> -> memref<8x8x128xf32, #tpu.memory_space<vmem>>
        tpu.vector_store_idx %scatter3A_712[%shift_right_arithmetic3A_636, %and3A_639, %add3A_76], %mul3A_706 : memref<8x8x128xf32, #tpu.memory_space<vmem>>[vector<16xi32>, vector<16xi32>, vector<16xi32>], vector<16xf32>,
        %gather3A_713 = arith.constant 1 : i32
        %gather3A_714 = arith.constant 0 : i32
        %gather3A_715 = arith.constant 0 : i32
        %gather3A_716 = tpu.memref_slice %arg6[%gather3A_713, %gather3A_714, %gather3A_715] : memref<4x128x64xf32, #tpu.memory_space<vmem>> -> memref<1x128x64xf32, #tpu.memory_space<vmem>>
        %gather3A_717 = tpu.memref_squeeze %gather3A_716 : memref<1x128x64xf32, #tpu.memory_space<vmem>> -> memref<128x64xf32, #tpu.memory_space<vmem>>
        %gather3A_718 = tpu.vector_load_idx %gather3A_717[%add3A_80, %add3A_634] : memref<128x64xf32, #tpu.memory_space<vmem>>[vector<16xi32>, vector<16xi32>], vector<16xf32>,
        %mul3A_719 = arith.constant 8.000000e+00 : f32
        %mul3A_720 = vector.broadcast %mul3A_719 : f32 to vector<16xf32>
        %mul3A_721 = arith.mulf %gather3A_718, %mul3A_720 : vector<16xf32>
        %scatter3A_722 = arith.constant 1 : i32
        %scatter3A_723 = arith.constant 0 : i32
        %scatter3A_724 = arith.constant 0 : i32
        %scatter3A_725 = arith.constant 0 : i32
        %scatter3A_726 = tpu.memref_slice %arg7[%scatter3A_722, %scatter3A_723, %scatter3A_724, %scatter3A_725] : memref<4x8x8x128xf32, #tpu.memory_space<vmem>> -> memref<1x8x8x128xf32, #tpu.memory_space<vmem>>
        %scatter3A_727 = tpu.memref_squeeze %scatter3A_726 : memref<1x8x8x128xf32, #tpu.memory_space<vmem>> -> memref<8x8x128xf32, #tpu.memory_space<vmem>>
        tpu.vector_store_idx %scatter3A_727[%shift_right_arithmetic3A_636, %and3A_639, %add3A_80], %mul3A_721 : memref<8x8x128xf32, #tpu.memory_space<vmem>>[vector<16xi32>, vector<16xi32>, vector<16xi32>], vector<16xf32>,
        %gather3A_728 = arith.constant 1 : i32
        %gather3A_729 = arith.constant 0 : i32
        %gather3A_730 = arith.constant 0 : i32
        %gather3A_731 = tpu.memref_slice %arg6[%gather3A_728, %gather3A_729, %gather3A_730] : memref<4x128x64xf32, #tpu.memory_space<vmem>> -> memref<1x128x64xf32, #tpu.memory_space<vmem>>
        %gather3A_732 = tpu.memref_squeeze %gather3A_731 : memref<1x128x64xf32, #tpu.memory_space<vmem>> -> memref<128x64xf32, #tpu.memory_space<vmem>>
        %gather3A_733 = tpu.vector_load_idx %gather3A_732[%add3A_84, %add3A_634] : memref<128x64xf32, #tpu.memory_space<vmem>>[vector<16xi32>, vector<16xi32>], vector<16xf32>,
        %mul3A_734 = arith.constant 8.000000e+00 : f32
        %mul3A_735 = vector.broadcast %mul3A_734 : f32 to vector<16xf32>
        %mul3A_736 = arith.mulf %gather3A_733, %mul3A_735 : vector<16xf32>
        %scatter3A_737 = arith.constant 1 : i32
        %scatter3A_738 = arith.constant 0 : i32
        %scatter3A_739 = arith.constant 0 : i32
        %scatter3A_740 = arith.constant 0 : i32
        %scatter3A_741 = tpu.memref_slice %arg7[%scatter3A_737, %scatter3A_738, %scatter3A_739, %scatter3A_740] : memref<4x8x8x128xf32, #tpu.memory_space<vmem>> -> memref<1x8x8x128xf32, #tpu.memory_space<vmem>>
        %scatter3A_742 = tpu.memref_squeeze %scatter3A_741 : memref<1x8x8x128xf32, #tpu.memory_space<vmem>> -> memref<8x8x128xf32, #tpu.memory_space<vmem>>
        tpu.vector_store_idx %scatter3A_742[%shift_right_arithmetic3A_636, %and3A_639, %add3A_84], %mul3A_736 : memref<8x8x128xf32, #tpu.memory_space<vmem>>[vector<16xi32>, vector<16xi32>, vector<16xi32>], vector<16xf32>,
        %gather3A_743 = arith.constant 1 : i32
        %gather3A_744 = arith.constant 0 : i32
        %gather3A_745 = arith.constant 0 : i32
        %gather3A_746 = tpu.memref_slice %arg6[%gather3A_743, %gather3A_744, %gather3A_745] : memref<4x128x64xf32, #tpu.memory_space<vmem>> -> memref<1x128x64xf32, #tpu.memory_space<vmem>>
        %gather3A_747 = tpu.memref_squeeze %gather3A_746 : memref<1x128x64xf32, #tpu.memory_space<vmem>> -> memref<128x64xf32, #tpu.memory_space<vmem>>
        %gather3A_748 = tpu.vector_load_idx %gather3A_747[%add3A_88, %add3A_634] : memref<128x64xf32, #tpu.memory_space<vmem>>[vector<16xi32>, vector<16xi32>], vector<16xf32>,
        %mul3A_749 = arith.constant 8.000000e+00 : f32
        %mul3A_750 = vector.broadcast %mul3A_749 : f32 to vector<16xf32>
        %mul3A_751 = arith.mulf %gather3A_748, %mul3A_750 : vector<16xf32>
        %scatter3A_752 = arith.constant 1 : i32
        %scatter3A_753 = arith.constant 0 : i32
        %scatter3A_754 = arith.constant 0 : i32
        %scatter3A_755 = arith.constant 0 : i32
        %scatter3A_756 = tpu.memref_slice %arg7[%scatter3A_752, %scatter3A_753, %scatter3A_754, %scatter3A_755] : memref<4x8x8x128xf32, #tpu.memory_space<vmem>> -> memref<1x8x8x128xf32, #tpu.memory_space<vmem>>
        %scatter3A_757 = tpu.memref_squeeze %scatter3A_756 : memref<1x8x8x128xf32, #tpu.memory_space<vmem>> -> memref<8x8x128xf32, #tpu.memory_space<vmem>>
        tpu.vector_store_idx %scatter3A_757[%shift_right_arithmetic3A_636, %and3A_639, %add3A_88], %mul3A_751 : memref<8x8x128xf32, #tpu.memory_space<vmem>>[vector<16xi32>, vector<16xi32>, vector<16xi32>], vector<16xf32>,
        %add3A_758 = arith.constant 1 : i32
        %add3A_759 = vector.broadcast %add3A_758 : i32 to vector<16xi32>
        %add3A_760 = arith.addi %scan3A_631, %add3A_759 : vector<16xi32>
        %and3A_761 = arith.constant 15 : i32
        %and3A_762 = vector.broadcast %and3A_761 : i32 to vector<16xi32>
        %and3A_763 = arith.andi %add3A_760, %and3A_762 : vector<16xi32>
        scf.yield %and3A_763 : vector<16xi32>
      }
      %scan3A_376 = arith.constant 16 : i32
      %scan3A_377 = arith.constant 0 : i32
      %scan3A_378 = arith.constant 16 : i32
      %scan3A_379 = arith.addi %scan3A_377, %scan3A_378 : i32
      %scan3A_380 = arith.constant 1 : i32
      %scan3A_381 = scf.for %scan3A_630 = %scan3A_377 to %scan3A_379 step %scan3A_380 iter_args(%scan3A_631 = %add3A_60) -> (vector<16xi32>)  : i32 {
        %add3A_632 = arith.constant 32 : i32
        %add3A_633 = vector.broadcast %add3A_632 : i32 to vector<16xi32>
        %add3A_634 = arith.addi %scan3A_631, %add3A_633 : vector<16xi32>
        %shift_right_arithmetic3A = arith.constant 3 : i32
        %shift_right_arithmetic3A_635 = vector.broadcast %shift_right_arithmetic3A : i32 to vector<16xi32>
        %shift_right_arithmetic3A_636 = arith.shrsi %add3A_634, %shift_right_arithmetic3A_635 : vector<16xi32>
        %and3A_637 = arith.constant 7 : i32
        %and3A_638 = vector.broadcast %and3A_637 : i32 to vector<16xi32>
        %and3A_639 = arith.andi %add3A_634, %and3A_638 : vector<16xi32>
        %gather3A = arith.constant 1 : i32
        %gather3A_640 = arith.constant 0 : i32
        %gather3A_641 = arith.constant 0 : i32
        %gather3A_642 = tpu.memref_slice %arg6[%gather3A, %gather3A_640, %gather3A_641] : memref<4x128x64xf32, #tpu.memory_space<vmem>> -> memref<1x128x64xf32, #tpu.memory_space<vmem>>
        %gather3A_643 = tpu.memref_squeeze %gather3A_642 : memref<1x128x64xf32, #tpu.memory_space<vmem>> -> memref<128x64xf32, #tpu.memory_space<vmem>>
        %gather3A_644 = tpu.vector_load_idx %gather3A_643[%add3A_60, %add3A_634] : memref<128x64xf32, #tpu.memory_space<vmem>>[vector<16xi32>, vector<16xi32>], vector<16xf32>,
        %mul3A_645 = arith.constant 8.000000e+00 : f32
        %mul3A_646 = vector.broadcast %mul3A_645 : f32 to vector<16xf32>
        %mul3A_647 = arith.mulf %gather3A_644, %mul3A_646 : vector<16xf32>
        %scatter3A = arith.constant 1 : i32
        %scatter3A_648 = arith.constant 0 : i32
        %scatter3A_649 = arith.constant 0 : i32
        %scatter3A_650 = arith.constant 0 : i32
        %scatter3A_651 = tpu.memref_slice %arg7[%scatter3A, %scatter3A_648, %scatter3A_649, %scatter3A_650] : memref<4x8x8x128xf32, #tpu.memory_space<vmem>> -> memref<1x8x8x128xf32, #tpu.memory_space<vmem>>
        %scatter3A_652 = tpu.memref_squeeze %scatter3A_651 : memref<1x8x8x128xf32, #tpu.memory_space<vmem>> -> memref<8x8x128xf32, #tpu.memory_space<vmem>>
        tpu.vector_store_idx %scatter3A_652[%shift_right_arithmetic3A_636, %and3A_639, %add3A_60], %mul3A_647 : memref<8x8x128xf32, #tpu.memory_space<vmem>>[vector<16xi32>, vector<16xi32>, vector<16xi32>], vector<16xf32>,
        %gather3A_653 = arith.constant 1 : i32
        %gather3A_654 = arith.constant 0 : i32
        %gather3A_655 = arith.constant 0 : i32
        %gather3A_656 = tpu.memref_slice %arg6[%gather3A_653, %gather3A_654, %gather3A_655] : memref<4x128x64xf32, #tpu.memory_space<vmem>> -> memref<1x128x64xf32, #tpu.memory_space<vmem>>
        %gather3A_657 = tpu.memref_squeeze %gather3A_656 : memref<1x128x64xf32, #tpu.memory_space<vmem>> -> memref<128x64xf32, #tpu.memory_space<vmem>>
        %gather3A_658 = tpu.vector_load_idx %gather3A_657[%add3A_64, %add3A_634] : memref<128x64xf32, #tpu.memory_space<vmem>>[vector<16xi32>, vector<16xi32>], vector<16xf32>,
        %mul3A_659 = arith.constant 8.000000e+00 : f32
        %mul3A_660 = vector.broadcast %mul3A_659 : f32 to vector<16xf32>
        %mul3A_661 = arith.mulf %gather3A_658, %mul3A_660 : vector<16xf32>
        %scatter3A_662 = arith.constant 1 : i32
        %scatter3A_663 = arith.constant 0 : i32
        %scatter3A_664 = arith.constant 0 : i32
        %scatter3A_665 = arith.constant 0 : i32
        %scatter3A_666 = tpu.memref_slice %arg7[%scatter3A_662, %scatter3A_663, %scatter3A_664, %scatter3A_665] : memref<4x8x8x128xf32, #tpu.memory_space<vmem>> -> memref<1x8x8x128xf32, #tpu.memory_space<vmem>>
        %scatter3A_667 = tpu.memref_squeeze %scatter3A_666 : memref<1x8x8x128xf32, #tpu.memory_space<vmem>> -> memref<8x8x128xf32, #tpu.memory_space<vmem>>
        tpu.vector_store_idx %scatter3A_667[%shift_right_arithmetic3A_636, %and3A_639, %add3A_64], %mul3A_661 : memref<8x8x128xf32, #tpu.memory_space<vmem>>[vector<16xi32>, vector<16xi32>, vector<16xi32>], vector<16xf32>,
        %gather3A_668 = arith.constant 1 : i32
        %gather3A_669 = arith.constant 0 : i32
        %gather3A_670 = arith.constant 0 : i32
        %gather3A_671 = tpu.memref_slice %arg6[%gather3A_668, %gather3A_669, %gather3A_670] : memref<4x128x64xf32, #tpu.memory_space<vmem>> -> memref<1x128x64xf32, #tpu.memory_space<vmem>>
        %gather3A_672 = tpu.memref_squeeze %gather3A_671 : memref<1x128x64xf32, #tpu.memory_space<vmem>> -> memref<128x64xf32, #tpu.memory_space<vmem>>
        %gather3A_673 = tpu.vector_load_idx %gather3A_672[%add3A_68, %add3A_634] : memref<128x64xf32, #tpu.memory_space<vmem>>[vector<16xi32>, vector<16xi32>], vector<16xf32>,
        %mul3A_674 = arith.constant 8.000000e+00 : f32
        %mul3A_675 = vector.broadcast %mul3A_674 : f32 to vector<16xf32>
        %mul3A_676 = arith.mulf %gather3A_673, %mul3A_675 : vector<16xf32>
        %scatter3A_677 = arith.constant 1 : i32
        %scatter3A_678 = arith.constant 0 : i32
        %scatter3A_679 = arith.constant 0 : i32
        %scatter3A_680 = arith.constant 0 : i32
        %scatter3A_681 = tpu.memref_slice %arg7[%scatter3A_677, %scatter3A_678, %scatter3A_679, %scatter3A_680] : memref<4x8x8x128xf32, #tpu.memory_space<vmem>> -> memref<1x8x8x128xf32, #tpu.memory_space<vmem>>
        %scatter3A_682 = tpu.memref_squeeze %scatter3A_681 : memref<1x8x8x128xf32, #tpu.memory_space<vmem>> -> memref<8x8x128xf32, #tpu.memory_space<vmem>>
        tpu.vector_store_idx %scatter3A_682[%shift_right_arithmetic3A_636, %and3A_639, %add3A_68], %mul3A_676 : memref<8x8x128xf32, #tpu.memory_space<vmem>>[vector<16xi32>, vector<16xi32>, vector<16xi32>], vector<16xf32>,
        %gather3A_683 = arith.constant 1 : i32
        %gather3A_684 = arith.constant 0 : i32
        %gather3A_685 = arith.constant 0 : i32
        %gather3A_686 = tpu.memref_slice %arg6[%gather3A_683, %gather3A_684, %gather3A_685] : memref<4x128x64xf32, #tpu.memory_space<vmem>> -> memref<1x128x64xf32, #tpu.memory_space<vmem>>
        %gather3A_687 = tpu.memref_squeeze %gather3A_686 : memref<1x128x64xf32, #tpu.memory_space<vmem>> -> memref<128x64xf32, #tpu.memory_space<vmem>>
        %gather3A_688 = tpu.vector_load_idx %gather3A_687[%add3A_72, %add3A_634] : memref<128x64xf32, #tpu.memory_space<vmem>>[vector<16xi32>, vector<16xi32>], vector<16xf32>,
        %mul3A_689 = arith.constant 8.000000e+00 : f32
        %mul3A_690 = vector.broadcast %mul3A_689 : f32 to vector<16xf32>
        %mul3A_691 = arith.mulf %gather3A_688, %mul3A_690 : vector<16xf32>
        %scatter3A_692 = arith.constant 1 : i32
        %scatter3A_693 = arith.constant 0 : i32
        %scatter3A_694 = arith.constant 0 : i32
        %scatter3A_695 = arith.constant 0 : i32
        %scatter3A_696 = tpu.memref_slice %arg7[%scatter3A_692, %scatter3A_693, %scatter3A_694, %scatter3A_695] : memref<4x8x8x128xf32, #tpu.memory_space<vmem>> -> memref<1x8x8x128xf32, #tpu.memory_space<vmem>>
        %scatter3A_697 = tpu.memref_squeeze %scatter3A_696 : memref<1x8x8x128xf32, #tpu.memory_space<vmem>> -> memref<8x8x128xf32, #tpu.memory_space<vmem>>
        tpu.vector_store_idx %scatter3A_697[%shift_right_arithmetic3A_636, %and3A_639, %add3A_72], %mul3A_691 : memref<8x8x128xf32, #tpu.memory_space<vmem>>[vector<16xi32>, vector<16xi32>, vector<16xi32>], vector<16xf32>,
        %gather3A_698 = arith.constant 1 : i32
        %gather3A_699 = arith.constant 0 : i32
        %gather3A_700 = arith.constant 0 : i32
        %gather3A_701 = tpu.memref_slice %arg6[%gather3A_698, %gather3A_699, %gather3A_700] : memref<4x128x64xf32, #tpu.memory_space<vmem>> -> memref<1x128x64xf32, #tpu.memory_space<vmem>>
        %gather3A_702 = tpu.memref_squeeze %gather3A_701 : memref<1x128x64xf32, #tpu.memory_space<vmem>> -> memref<128x64xf32, #tpu.memory_space<vmem>>
        %gather3A_703 = tpu.vector_load_idx %gather3A_702[%add3A_76, %add3A_634] : memref<128x64xf32, #tpu.memory_space<vmem>>[vector<16xi32>, vector<16xi32>], vector<16xf32>,
        %mul3A_704 = arith.constant 8.000000e+00 : f32
        %mul3A_705 = vector.broadcast %mul3A_704 : f32 to vector<16xf32>
        %mul3A_706 = arith.mulf %gather3A_703, %mul3A_705 : vector<16xf32>
        %scatter3A_707 = arith.constant 1 : i32
        %scatter3A_708 = arith.constant 0 : i32
        %scatter3A_709 = arith.constant 0 : i32
        %scatter3A_710 = arith.constant 0 : i32
        %scatter3A_711 = tpu.memref_slice %arg7[%scatter3A_707, %scatter3A_708, %scatter3A_709, %scatter3A_710] : memref<4x8x8x128xf32, #tpu.memory_space<vmem>> -> memref<1x8x8x128xf32, #tpu.memory_space<vmem>>
        %scatter3A_712 = tpu.memref_squeeze %scatter3A_711 : memref<1x8x8x128xf32, #tpu.memory_space<vmem>> -> memref<8x8x128xf32, #tpu.memory_space<vmem>>
        tpu.vector_store_idx %scatter3A_712[%shift_right_arithmetic3A_636, %and3A_639, %add3A_76], %mul3A_706 : memref<8x8x128xf32, #tpu.memory_space<vmem>>[vector<16xi32>, vector<16xi32>, vector<16xi32>], vector<16xf32>,
        %gather3A_713 = arith.constant 1 : i32
        %gather3A_714 = arith.constant 0 : i32
        %gather3A_715 = arith.constant 0 : i32
        %gather3A_716 = tpu.memref_slice %arg6[%gather3A_713, %gather3A_714, %gather3A_715] : memref<4x128x64xf32, #tpu.memory_space<vmem>> -> memref<1x128x64xf32, #tpu.memory_space<vmem>>
        %gather3A_717 = tpu.memref_squeeze %gather3A_716 : memref<1x128x64xf32, #tpu.memory_space<vmem>> -> memref<128x64xf32, #tpu.memory_space<vmem>>
        %gather3A_718 = tpu.vector_load_idx %gather3A_717[%add3A_80, %add3A_634] : memref<128x64xf32, #tpu.memory_space<vmem>>[vector<16xi32>, vector<16xi32>], vector<16xf32>,
        %mul3A_719 = arith.constant 8.000000e+00 : f32
        %mul3A_720 = vector.broadcast %mul3A_719 : f32 to vector<16xf32>
        %mul3A_721 = arith.mulf %gather3A_718, %mul3A_720 : vector<16xf32>
        %scatter3A_722 = arith.constant 1 : i32
        %scatter3A_723 = arith.constant 0 : i32
        %scatter3A_724 = arith.constant 0 : i32
        %scatter3A_725 = arith.constant 0 : i32
        %scatter3A_726 = tpu.memref_slice %arg7[%scatter3A_722, %scatter3A_723, %scatter3A_724, %scatter3A_725] : memref<4x8x8x128xf32, #tpu.memory_space<vmem>> -> memref<1x8x8x128xf32, #tpu.memory_space<vmem>>
        %scatter3A_727 = tpu.memref_squeeze %scatter3A_726 : memref<1x8x8x128xf32, #tpu.memory_space<vmem>> -> memref<8x8x128xf32, #tpu.memory_space<vmem>>
        tpu.vector_store_idx %scatter3A_727[%shift_right_arithmetic3A_636, %and3A_639, %add3A_80], %mul3A_721 : memref<8x8x128xf32, #tpu.memory_space<vmem>>[vector<16xi32>, vector<16xi32>, vector<16xi32>], vector<16xf32>,
        %gather3A_728 = arith.constant 1 : i32
        %gather3A_729 = arith.constant 0 : i32
        %gather3A_730 = arith.constant 0 : i32
        %gather3A_731 = tpu.memref_slice %arg6[%gather3A_728, %gather3A_729, %gather3A_730] : memref<4x128x64xf32, #tpu.memory_space<vmem>> -> memref<1x128x64xf32, #tpu.memory_space<vmem>>
        %gather3A_732 = tpu.memref_squeeze %gather3A_731 : memref<1x128x64xf32, #tpu.memory_space<vmem>> -> memref<128x64xf32, #tpu.memory_space<vmem>>
        %gather3A_733 = tpu.vector_load_idx %gather3A_732[%add3A_84, %add3A_634] : memref<128x64xf32, #tpu.memory_space<vmem>>[vector<16xi32>, vector<16xi32>], vector<16xf32>,
        %mul3A_734 = arith.constant 8.000000e+00 : f32
        %mul3A_735 = vector.broadcast %mul3A_734 : f32 to vector<16xf32>
        %mul3A_736 = arith.mulf %gather3A_733, %mul3A_735 : vector<16xf32>
        %scatter3A_737 = arith.constant 1 : i32
        %scatter3A_738 = arith.constant 0 : i32
        %scatter3A_739 = arith.constant 0 : i32
        %scatter3A_740 = arith.constant 0 : i32
        %scatter3A_741 = tpu.memref_slice %arg7[%scatter3A_737, %scatter3A_738, %scatter3A_739, %scatter3A_740] : memref<4x8x8x128xf32, #tpu.memory_space<vmem>> -> memref<1x8x8x128xf32, #tpu.memory_space<vmem>>
        %scatter3A_742 = tpu.memref_squeeze %scatter3A_741 : memref<1x8x8x128xf32, #tpu.memory_space<vmem>> -> memref<8x8x128xf32, #tpu.memory_space<vmem>>
        tpu.vector_store_idx %scatter3A_742[%shift_right_arithmetic3A_636, %and3A_639, %add3A_84], %mul3A_736 : memref<8x8x128xf32, #tpu.memory_space<vmem>>[vector<16xi32>, vector<16xi32>, vector<16xi32>], vector<16xf32>,
        %gather3A_743 = arith.constant 1 : i32
        %gather3A_744 = arith.constant 0 : i32
        %gather3A_745 = arith.constant 0 : i32
        %gather3A_746 = tpu.memref_slice %arg6[%gather3A_743, %gather3A_744, %gather3A_745] : memref<4x128x64xf32, #tpu.memory_space<vmem>> -> memref<1x128x64xf32, #tpu.memory_space<vmem>>
        %gather3A_747 = tpu.memref_squeeze %gather3A_746 : memref<1x128x64xf32, #tpu.memory_space<vmem>> -> memref<128x64xf32, #tpu.memory_space<vmem>>
        %gather3A_748 = tpu.vector_load_idx %gather3A_747[%add3A_88, %add3A_634] : memref<128x64xf32, #tpu.memory_space<vmem>>[vector<16xi32>, vector<16xi32>], vector<16xf32>,
        %mul3A_749 = arith.constant 8.000000e+00 : f32
        %mul3A_750 = vector.broadcast %mul3A_749 : f32 to vector<16xf32>
        %mul3A_751 = arith.mulf %gather3A_748, %mul3A_750 : vector<16xf32>
        %scatter3A_752 = arith.constant 1 : i32
        %scatter3A_753 = arith.constant 0 : i32
        %scatter3A_754 = arith.constant 0 : i32
        %scatter3A_755 = arith.constant 0 : i32
        %scatter3A_756 = tpu.memref_slice %arg7[%scatter3A_752, %scatter3A_753, %scatter3A_754, %scatter3A_755] : memref<4x8x8x128xf32, #tpu.memory_space<vmem>> -> memref<1x8x8x128xf32, #tpu.memory_space<vmem>>
        %scatter3A_757 = tpu.memref_squeeze %scatter3A_756 : memref<1x8x8x128xf32, #tpu.memory_space<vmem>> -> memref<8x8x128xf32, #tpu.memory_space<vmem>>
        tpu.vector_store_idx %scatter3A_757[%shift_right_arithmetic3A_636, %and3A_639, %add3A_88], %mul3A_751 : memref<8x8x128xf32, #tpu.memory_space<vmem>>[vector<16xi32>, vector<16xi32>, vector<16xi32>], vector<16xf32>,
        %add3A_758 = arith.constant 1 : i32
        %add3A_759 = vector.broadcast %add3A_758 : i32 to vector<16xi32>
        %add3A_760 = arith.addi %scan3A_631, %add3A_759 : vector<16xi32>
        %and3A_761 = arith.constant 15 : i32
        %and3A_762 = vector.broadcast %and3A_761 : i32 to vector<16xi32>
        %and3A_763 = arith.andi %add3A_760, %and3A_762 : vector<16xi32>
        scf.yield %and3A_763 : vector<16xi32>
      }
      %scan3A_382 = arith.constant 16 : i32
      %scan3A_383 = arith.constant 0 : i32
      %scan3A_384 = arith.constant 16 : i32
      %scan3A_385 = arith.addi %scan3A_383, %scan3A_384 : i32
      %scan3A_386 = arith.constant 1 : i32
      %scan3A_387 = scf.for %scan3A_630 = %scan3A_383 to %scan3A_385 step %scan3A_386 iter_args(%scan3A_631 = %add3A_60) -> (vector<16xi32>)  : i32 {
        %add3A_632 = arith.constant 48 : i32
        %add3A_633 = vector.broadcast %add3A_632 : i32 to vector<16xi32>
        %add3A_634 = arith.addi %scan3A_631, %add3A_633 : vector<16xi32>
        %shift_right_arithmetic3A = arith.constant 3 : i32
        %shift_right_arithmetic3A_635 = vector.broadcast %shift_right_arithmetic3A : i32 to vector<16xi32>
        %shift_right_arithmetic3A_636 = arith.shrsi %add3A_634, %shift_right_arithmetic3A_635 : vector<16xi32>
        %and3A_637 = arith.constant 7 : i32
        %and3A_638 = vector.broadcast %and3A_637 : i32 to vector<16xi32>
        %and3A_639 = arith.andi %add3A_634, %and3A_638 : vector<16xi32>
        %gather3A = arith.constant 1 : i32
        %gather3A_640 = arith.constant 0 : i32
        %gather3A_641 = arith.constant 0 : i32
        %gather3A_642 = tpu.memref_slice %arg6[%gather3A, %gather3A_640, %gather3A_641] : memref<4x128x64xf32, #tpu.memory_space<vmem>> -> memref<1x128x64xf32, #tpu.memory_space<vmem>>
        %gather3A_643 = tpu.memref_squeeze %gather3A_642 : memref<1x128x64xf32, #tpu.memory_space<vmem>> -> memref<128x64xf32, #tpu.memory_space<vmem>>
        %gather3A_644 = tpu.vector_load_idx %gather3A_643[%add3A_60, %add3A_634] : memref<128x64xf32, #tpu.memory_space<vmem>>[vector<16xi32>, vector<16xi32>], vector<16xf32>,
        %mul3A_645 = arith.constant 8.000000e+00 : f32
        %mul3A_646 = vector.broadcast %mul3A_645 : f32 to vector<16xf32>
        %mul3A_647 = arith.mulf %gather3A_644, %mul3A_646 : vector<16xf32>
        %scatter3A = arith.constant 1 : i32
        %scatter3A_648 = arith.constant 0 : i32
        %scatter3A_649 = arith.constant 0 : i32
        %scatter3A_650 = arith.constant 0 : i32
        %scatter3A_651 = tpu.memref_slice %arg7[%scatter3A, %scatter3A_648, %scatter3A_649, %scatter3A_650] : memref<4x8x8x128xf32, #tpu.memory_space<vmem>> -> memref<1x8x8x128xf32, #tpu.memory_space<vmem>>
        %scatter3A_652 = tpu.memref_squeeze %scatter3A_651 : memref<1x8x8x128xf32, #tpu.memory_space<vmem>> -> memref<8x8x128xf32, #tpu.memory_space<vmem>>
        tpu.vector_store_idx %scatter3A_652[%shift_right_arithmetic3A_636, %and3A_639, %add3A_60], %mul3A_647 : memref<8x8x128xf32, #tpu.memory_space<vmem>>[vector<16xi32>, vector<16xi32>, vector<16xi32>], vector<16xf32>,
        %gather3A_653 = arith.constant 1 : i32
        %gather3A_654 = arith.constant 0 : i32
        %gather3A_655 = arith.constant 0 : i32
        %gather3A_656 = tpu.memref_slice %arg6[%gather3A_653, %gather3A_654, %gather3A_655] : memref<4x128x64xf32, #tpu.memory_space<vmem>> -> memref<1x128x64xf32, #tpu.memory_space<vmem>>
        %gather3A_657 = tpu.memref_squeeze %gather3A_656 : memref<1x128x64xf32, #tpu.memory_space<vmem>> -> memref<128x64xf32, #tpu.memory_space<vmem>>
        %gather3A_658 = tpu.vector_load_idx %gather3A_657[%add3A_64, %add3A_634] : memref<128x64xf32, #tpu.memory_space<vmem>>[vector<16xi32>, vector<16xi32>], vector<16xf32>,
        %mul3A_659 = arith.constant 8.000000e+00 : f32
        %mul3A_660 = vector.broadcast %mul3A_659 : f32 to vector<16xf32>
        %mul3A_661 = arith.mulf %gather3A_658, %mul3A_660 : vector<16xf32>
        %scatter3A_662 = arith.constant 1 : i32
        %scatter3A_663 = arith.constant 0 : i32
        %scatter3A_664 = arith.constant 0 : i32
        %scatter3A_665 = arith.constant 0 : i32
        %scatter3A_666 = tpu.memref_slice %arg7[%scatter3A_662, %scatter3A_663, %scatter3A_664, %scatter3A_665] : memref<4x8x8x128xf32, #tpu.memory_space<vmem>> -> memref<1x8x8x128xf32, #tpu.memory_space<vmem>>
        %scatter3A_667 = tpu.memref_squeeze %scatter3A_666 : memref<1x8x8x128xf32, #tpu.memory_space<vmem>> -> memref<8x8x128xf32, #tpu.memory_space<vmem>>
        tpu.vector_store_idx %scatter3A_667[%shift_right_arithmetic3A_636, %and3A_639, %add3A_64], %mul3A_661 : memref<8x8x128xf32, #tpu.memory_space<vmem>>[vector<16xi32>, vector<16xi32>, vector<16xi32>], vector<16xf32>,
        %gather3A_668 = arith.constant 1 : i32
        %gather3A_669 = arith.constant 0 : i32
        %gather3A_670 = arith.constant 0 : i32
        %gather3A_671 = tpu.memref_slice %arg6[%gather3A_668, %gather3A_669, %gather3A_670] : memref<4x128x64xf32, #tpu.memory_space<vmem>> -> memref<1x128x64xf32, #tpu.memory_space<vmem>>
        %gather3A_672 = tpu.memref_squeeze %gather3A_671 : memref<1x128x64xf32, #tpu.memory_space<vmem>> -> memref<128x64xf32, #tpu.memory_space<vmem>>
        %gather3A_673 = tpu.vector_load_idx %gather3A_672[%add3A_68, %add3A_634] : memref<128x64xf32, #tpu.memory_space<vmem>>[vector<16xi32>, vector<16xi32>], vector<16xf32>,
        %mul3A_674 = arith.constant 8.000000e+00 : f32
        %mul3A_675 = vector.broadcast %mul3A_674 : f32 to vector<16xf32>
        %mul3A_676 = arith.mulf %gather3A_673, %mul3A_675 : vector<16xf32>
        %scatter3A_677 = arith.constant 1 : i32
        %scatter3A_678 = arith.constant 0 : i32
        %scatter3A_679 = arith.constant 0 : i32
        %scatter3A_680 = arith.constant 0 : i32
        %scatter3A_681 = tpu.memref_slice %arg7[%scatter3A_677, %scatter3A_678, %scatter3A_679, %scatter3A_680] : memref<4x8x8x128xf32, #tpu.memory_space<vmem>> -> memref<1x8x8x128xf32, #tpu.memory_space<vmem>>
        %scatter3A_682 = tpu.memref_squeeze %scatter3A_681 : memref<1x8x8x128xf32, #tpu.memory_space<vmem>> -> memref<8x8x128xf32, #tpu.memory_space<vmem>>
        tpu.vector_store_idx %scatter3A_682[%shift_right_arithmetic3A_636, %and3A_639, %add3A_68], %mul3A_676 : memref<8x8x128xf32, #tpu.memory_space<vmem>>[vector<16xi32>, vector<16xi32>, vector<16xi32>], vector<16xf32>,
        %gather3A_683 = arith.constant 1 : i32
        %gather3A_684 = arith.constant 0 : i32
        %gather3A_685 = arith.constant 0 : i32
        %gather3A_686 = tpu.memref_slice %arg6[%gather3A_683, %gather3A_684, %gather3A_685] : memref<4x128x64xf32, #tpu.memory_space<vmem>> -> memref<1x128x64xf32, #tpu.memory_space<vmem>>
        %gather3A_687 = tpu.memref_squeeze %gather3A_686 : memref<1x128x64xf32, #tpu.memory_space<vmem>> -> memref<128x64xf32, #tpu.memory_space<vmem>>
        %gather3A_688 = tpu.vector_load_idx %gather3A_687[%add3A_72, %add3A_634] : memref<128x64xf32, #tpu.memory_space<vmem>>[vector<16xi32>, vector<16xi32>], vector<16xf32>,
        %mul3A_689 = arith.constant 8.000000e+00 : f32
        %mul3A_690 = vector.broadcast %mul3A_689 : f32 to vector<16xf32>
        %mul3A_691 = arith.mulf %gather3A_688, %mul3A_690 : vector<16xf32>
        %scatter3A_692 = arith.constant 1 : i32
        %scatter3A_693 = arith.constant 0 : i32
        %scatter3A_694 = arith.constant 0 : i32
        %scatter3A_695 = arith.constant 0 : i32
        %scatter3A_696 = tpu.memref_slice %arg7[%scatter3A_692, %scatter3A_693, %scatter3A_694, %scatter3A_695] : memref<4x8x8x128xf32, #tpu.memory_space<vmem>> -> memref<1x8x8x128xf32, #tpu.memory_space<vmem>>
        %scatter3A_697 = tpu.memref_squeeze %scatter3A_696 : memref<1x8x8x128xf32, #tpu.memory_space<vmem>> -> memref<8x8x128xf32, #tpu.memory_space<vmem>>
        tpu.vector_store_idx %scatter3A_697[%shift_right_arithmetic3A_636, %and3A_639, %add3A_72], %mul3A_691 : memref<8x8x128xf32, #tpu.memory_space<vmem>>[vector<16xi32>, vector<16xi32>, vector<16xi32>], vector<16xf32>,
        %gather3A_698 = arith.constant 1 : i32
        %gather3A_699 = arith.constant 0 : i32
        %gather3A_700 = arith.constant 0 : i32
        %gather3A_701 = tpu.memref_slice %arg6[%gather3A_698, %gather3A_699, %gather3A_700] : memref<4x128x64xf32, #tpu.memory_space<vmem>> -> memref<1x128x64xf32, #tpu.memory_space<vmem>>
        %gather3A_702 = tpu.memref_squeeze %gather3A_701 : memref<1x128x64xf32, #tpu.memory_space<vmem>> -> memref<128x64xf32, #tpu.memory_space<vmem>>
        %gather3A_703 = tpu.vector_load_idx %gather3A_702[%add3A_76, %add3A_634] : memref<128x64xf32, #tpu.memory_space<vmem>>[vector<16xi32>, vector<16xi32>], vector<16xf32>,
        %mul3A_704 = arith.constant 8.000000e+00 : f32
        %mul3A_705 = vector.broadcast %mul3A_704 : f32 to vector<16xf32>
        %mul3A_706 = arith.mulf %gather3A_703, %mul3A_705 : vector<16xf32>
        %scatter3A_707 = arith.constant 1 : i32
        %scatter3A_708 = arith.constant 0 : i32
        %scatter3A_709 = arith.constant 0 : i32
        %scatter3A_710 = arith.constant 0 : i32
        %scatter3A_711 = tpu.memref_slice %arg7[%scatter3A_707, %scatter3A_708, %scatter3A_709, %scatter3A_710] : memref<4x8x8x128xf32, #tpu.memory_space<vmem>> -> memref<1x8x8x128xf32, #tpu.memory_space<vmem>>
        %scatter3A_712 = tpu.memref_squeeze %scatter3A_711 : memref<1x8x8x128xf32, #tpu.memory_space<vmem>> -> memref<8x8x128xf32, #tpu.memory_space<vmem>>
        tpu.vector_store_idx %scatter3A_712[%shift_right_arithmetic3A_636, %and3A_639, %add3A_76], %mul3A_706 : memref<8x8x128xf32, #tpu.memory_space<vmem>>[vector<16xi32>, vector<16xi32>, vector<16xi32>], vector<16xf32>,
        %gather3A_713 = arith.constant 1 : i32
        %gather3A_714 = arith.constant 0 : i32
        %gather3A_715 = arith.constant 0 : i32
        %gather3A_716 = tpu.memref_slice %arg6[%gather3A_713, %gather3A_714, %gather3A_715] : memref<4x128x64xf32, #tpu.memory_space<vmem>> -> memref<1x128x64xf32, #tpu.memory_space<vmem>>
        %gather3A_717 = tpu.memref_squeeze %gather3A_716 : memref<1x128x64xf32, #tpu.memory_space<vmem>> -> memref<128x64xf32, #tpu.memory_space<vmem>>
        %gather3A_718 = tpu.vector_load_idx %gather3A_717[%add3A_80, %add3A_634] : memref<128x64xf32, #tpu.memory_space<vmem>>[vector<16xi32>, vector<16xi32>], vector<16xf32>,
        %mul3A_719 = arith.constant 8.000000e+00 : f32
        %mul3A_720 = vector.broadcast %mul3A_719 : f32 to vector<16xf32>
        %mul3A_721 = arith.mulf %gather3A_718, %mul3A_720 : vector<16xf32>
        %scatter3A_722 = arith.constant 1 : i32
        %scatter3A_723 = arith.constant 0 : i32
        %scatter3A_724 = arith.constant 0 : i32
        %scatter3A_725 = arith.constant 0 : i32
        %scatter3A_726 = tpu.memref_slice %arg7[%scatter3A_722, %scatter3A_723, %scatter3A_724, %scatter3A_725] : memref<4x8x8x128xf32, #tpu.memory_space<vmem>> -> memref<1x8x8x128xf32, #tpu.memory_space<vmem>>
        %scatter3A_727 = tpu.memref_squeeze %scatter3A_726 : memref<1x8x8x128xf32, #tpu.memory_space<vmem>> -> memref<8x8x128xf32, #tpu.memory_space<vmem>>
        tpu.vector_store_idx %scatter3A_727[%shift_right_arithmetic3A_636, %and3A_639, %add3A_80], %mul3A_721 : memref<8x8x128xf32, #tpu.memory_space<vmem>>[vector<16xi32>, vector<16xi32>, vector<16xi32>], vector<16xf32>,
        %gather3A_728 = arith.constant 1 : i32
        %gather3A_729 = arith.constant 0 : i32
        %gather3A_730 = arith.constant 0 : i32
        %gather3A_731 = tpu.memref_slice %arg6[%gather3A_728, %gather3A_729, %gather3A_730] : memref<4x128x64xf32, #tpu.memory_space<vmem>> -> memref<1x128x64xf32, #tpu.memory_space<vmem>>
        %gather3A_732 = tpu.memref_squeeze %gather3A_731 : memref<1x128x64xf32, #tpu.memory_space<vmem>> -> memref<128x64xf32, #tpu.memory_space<vmem>>
        %gather3A_733 = tpu.vector_load_idx %gather3A_732[%add3A_84, %add3A_634] : memref<128x64xf32, #tpu.memory_space<vmem>>[vector<16xi32>, vector<16xi32>], vector<16xf32>,
        %mul3A_734 = arith.constant 8.000000e+00 : f32
        %mul3A_735 = vector.broadcast %mul3A_734 : f32 to vector<16xf32>
        %mul3A_736 = arith.mulf %gather3A_733, %mul3A_735 : vector<16xf32>
        %scatter3A_737 = arith.constant 1 : i32
        %scatter3A_738 = arith.constant 0 : i32
        %scatter3A_739 = arith.constant 0 : i32
        %scatter3A_740 = arith.constant 0 : i32
        %scatter3A_741 = tpu.memref_slice %arg7[%scatter3A_737, %scatter3A_738, %scatter3A_739, %scatter3A_740] : memref<4x8x8x128xf32, #tpu.memory_space<vmem>> -> memref<1x8x8x128xf32, #tpu.memory_space<vmem>>
        %scatter3A_742 = tpu.memref_squeeze %scatter3A_741 : memref<1x8x8x128xf32, #tpu.memory_space<vmem>> -> memref<8x8x128xf32, #tpu.memory_space<vmem>>
        tpu.vector_store_idx %scatter3A_742[%shift_right_arithmetic3A_636, %and3A_639, %add3A_84], %mul3A_736 : memref<8x8x128xf32, #tpu.memory_space<vmem>>[vector<16xi32>, vector<16xi32>, vector<16xi32>], vector<16xf32>,
        %gather3A_743 = arith.constant 1 : i32
        %gather3A_744 = arith.constant 0 : i32
        %gather3A_745 = arith.constant 0 : i32
        %gather3A_746 = tpu.memref_slice %arg6[%gather3A_743, %gather3A_744, %gather3A_745] : memref<4x128x64xf32, #tpu.memory_space<vmem>> -> memref<1x128x64xf32, #tpu.memory_space<vmem>>
        %gather3A_747 = tpu.memref_squeeze %gather3A_746 : memref<1x128x64xf32, #tpu.memory_space<vmem>> -> memref<128x64xf32, #tpu.memory_space<vmem>>
        %gather3A_748 = tpu.vector_load_idx %gather3A_747[%add3A_88, %add3A_634] : memref<128x64xf32, #tpu.memory_space<vmem>>[vector<16xi32>, vector<16xi32>], vector<16xf32>,
        %mul3A_749 = arith.constant 8.000000e+00 : f32
        %mul3A_750 = vector.broadcast %mul3A_749 : f32 to vector<16xf32>
        %mul3A_751 = arith.mulf %gather3A_748, %mul3A_750 : vector<16xf32>
        %scatter3A_752 = arith.constant 1 : i32
        %scatter3A_753 = arith.constant 0 : i32
        %scatter3A_754 = arith.constant 0 : i32
        %scatter3A_755 = arith.constant 0 : i32
        %scatter3A_756 = tpu.memref_slice %arg7[%scatter3A_752, %scatter3A_753, %scatter3A_754, %scatter3A_755] : memref<4x8x8x128xf32, #tpu.memory_space<vmem>> -> memref<1x8x8x128xf32, #tpu.memory_space<vmem>>
        %scatter3A_757 = tpu.memref_squeeze %scatter3A_756 : memref<1x8x8x128xf32, #tpu.memory_space<vmem>> -> memref<8x8x128xf32, #tpu.memory_space<vmem>>
        tpu.vector_store_idx %scatter3A_757[%shift_right_arithmetic3A_636, %and3A_639, %add3A_88], %mul3A_751 : memref<8x8x128xf32, #tpu.memory_space<vmem>>[vector<16xi32>, vector<16xi32>, vector<16xi32>], vector<16xf32>,
        %add3A_758 = arith.constant 1 : i32
        %add3A_759 = vector.broadcast %add3A_758 : i32 to vector<16xi32>
        %add3A_760 = arith.addi %scan3A_631, %add3A_759 : vector<16xi32>
        %and3A_761 = arith.constant 15 : i32
        %and3A_762 = vector.broadcast %and3A_761 : i32 to vector<16xi32>
        %and3A_763 = arith.andi %add3A_760, %and3A_762 : vector<16xi32>
        scf.yield %and3A_763 : vector<16xi32>
      }
      %scan3A_388 = arith.constant 16 : i32
      %dma_start3A_389 = arith.constant 1 : i32
      %dma_start3A_390 = arith.constant 1 : i32
      %dma_start3A_391 = arith.constant 0 : i32
      %dma_start3A_392 = arith.constant 0 : i32
      %dma_start3A_393 = arith.constant 0 : i32
      %dma_start3A_394 = tpu.memref_slice %arg7[%dma_start3A_389, %dma_start3A_391, %dma_start3A_392, %dma_start3A_393] : memref<4x8x8x128xf32, #tpu.memory_space<vmem>> -> memref<1x8x8x128xf32, #tpu.memory_space<vmem>>
      %dma_start3A_395 = tpu.memref_squeeze %dma_start3A_394 : memref<1x8x8x128xf32, #tpu.memory_space<vmem>> -> memref<8x8x128xf32, #tpu.memory_space<vmem>>
      %dma_start3A_396 = arith.constant 0 : i32
      %dma_start3A_397 = arith.constant 0 : i32
      %dma_start3A_398 = arith.constant 0 : i32
      %dma_start3A_399 = tpu.memref_slice %arg4[%select_n3A_340, %dma_start3A_396, %add3A_345, %dma_start3A_397, %dma_start3A_398] : memref<50x8x128x8x128xf32, #tpu.memory_space<hbm>> -> memref<1x8x1x8x128xf32, #tpu.memory_space<hbm>>
      %dma_start3A_400 = tpu.memref_squeeze %dma_start3A_399 : memref<1x8x1x8x128xf32, #tpu.memory_space<hbm>> -> memref<8x8x128xf32, #tpu.memory_space<hbm>>
      %dma_start3A_401 = tpu.memref_slice %arg10[%dma_start3A_390] : memref<4x!tpu.dma_semaphore, #tpu.memory_space<semaphore_mem>> -> memref<1x!tpu.dma_semaphore, #tpu.memory_space<semaphore_mem>>
      %dma_start3A_402 = tpu.memref_squeeze %dma_start3A_401 : memref<1x!tpu.dma_semaphore, #tpu.memory_space<semaphore_mem>> -> memref<!tpu.dma_semaphore, #tpu.memory_space<semaphore_mem>>
      %dma_start3A_403 = arith.constant 0 : i32
      %dma_start3A_404 = arith.constant 0 : i32
      %dma_start3A_405 = arith.constant 0 : i32
      %dma_start3A_406 = tpu.memref_slice %arg4[%select_n3A_340, %dma_start3A_403, %add3A_345, %dma_start3A_404, %dma_start3A_405] : memref<50x8x128x8x128xf32, #tpu.memory_space<hbm>> -> memref<1x8x1x8x128xf32, #tpu.memory_space<hbm>>
      %dma_start3A_407 = tpu.memref_squeeze %dma_start3A_406 : memref<1x8x1x8x128xf32, #tpu.memory_space<hbm>> -> memref<8x8x128xf32, #tpu.memory_space<hbm>>
      %dma_start3A_408 = arith.constant 0 : i32
      %dma_start3A_409 = arith.constant 0 : i32
      %dma_start3A_410 = arith.constant 0 : i32
      %dma_start3A_411 = tpu.memref_slice %arg7[%dma_start3A_389, %dma_start3A_408, %dma_start3A_409, %dma_start3A_410] : memref<4x8x8x128xf32, #tpu.memory_space<vmem>> -> memref<1x8x8x128xf32, #tpu.memory_space<vmem>>
      %dma_start3A_412 = tpu.memref_squeeze %dma_start3A_411 : memref<1x8x8x128xf32, #tpu.memory_space<vmem>> -> memref<8x8x128xf32, #tpu.memory_space<vmem>>
      tpu.enqueue_dma source(%dma_start3A_412 : memref<8x8x128xf32, #tpu.memory_space<vmem>>) target(%dma_start3A_407 : memref<8x8x128xf32, #tpu.memory_space<hbm>>) target_semaphore(%dma_start3A_402 : memref<!tpu.dma_semaphore, #tpu.memory_space<semaphore_mem>>)
      %add3A_413 = arith.constant 3 : i32
      %add3A_414 = arith.addi %add3A_316, %add3A_413 : i32
      %lt3A_415 = arith.constant 200 : i32
      %lt3A_416 = arith.cmpi slt, %add3A_414, %lt3A_415 : i32
      %convert_element_type3A_417 = arith.extui %lt3A_416 : i1 to i32
      %cond3A_418 = arith.constant 0 : i32
      %cond3A_419 = arith.cmpi ne, %convert_element_type3A_417, %cond3A_418 : i32
      scf.if %cond3A_419 {
        %dma_start3A_630 = arith.constant 0 : i32
        %dma_start3A_631 = arith.constant 0 : i32
        %dma_start3A_632 = arith.constant 0 : i32
        %dma_start3A_633 = arith.constant 0 : i32
        %dma_start3A_634 = tpu.memref_slice %arg6[%dma_start3A_630, %dma_start3A_632, %dma_start3A_633] : memref<4x128x64xf32, #tpu.memory_space<vmem>> -> memref<1x128x64xf32, #tpu.memory_space<vmem>>
        %dma_start3A_635 = tpu.memref_squeeze %dma_start3A_634 : memref<1x128x64xf32, #tpu.memory_space<vmem>> -> memref<128x64xf32, #tpu.memory_space<vmem>>
        %dma_start3A_636 = arith.constant 0 : i32
        %dma_start3A_637 = tpu.memref_slice %arg5[%add3A_414, %dma_start3A_636] : memref<200x128xi32, #tpu.memory_space<vmem>> -> memref<1x128xi32, #tpu.memory_space<vmem>>
        %dma_start3A_638 = tpu.memref_squeeze %dma_start3A_637 : memref<1x128xi32, #tpu.memory_space<vmem>> -> memref<128xi32, #tpu.memory_space<vmem>>
        %dma_start3A_639 = arith.constant 0 : i32
        %dma_start3A_640 = arith.constant 0 : i32
        %dma_start3A_641 = tpu.memref_slice %arg3[%dma_start3A_639, %dma_start3A_640] : memref<1000000x64xf32, #tpu.memory_space<hbm>> -> memref<1000000x64xf32, #tpu.memory_space<hbm>>
        %dma_start3A_642 = tpu.memref_slice %arg9[%dma_start3A_631] : memref<4x!tpu.dma_semaphore, #tpu.memory_space<semaphore_mem>> -> memref<1x!tpu.dma_semaphore, #tpu.memory_space<semaphore_mem>>
        %dma_start3A_643 = tpu.memref_squeeze %dma_start3A_642 : memref<1x!tpu.dma_semaphore, #tpu.memory_space<semaphore_mem>> -> memref<!tpu.dma_semaphore, #tpu.memory_space<semaphore_mem>>
        tpu.enqueue_indirect_dma source(%dma_start3A_641 : memref<1000000x64xf32, #tpu.memory_space<hbm>>) target(%dma_start3A_635 : memref<128x64xf32, #tpu.memory_space<vmem>>) offsets(%dma_start3A_638 : memref<128xi32, #tpu.memory_space<vmem>>) semaphore(%dma_start3A_643 : memref<!tpu.dma_semaphore, #tpu.memory_space<semaphore_mem>>)
      } else {
      }
      %add3A_420 = arith.constant 2 : i32
      %add3A_421 = arith.addi %add3A_220, %add3A_420 : i32
      %jit3A_422 = arith.constant 4 : i32
      %div3A_423 = arith.divsi %add3A_421, %jit3A_422 : i32
      %sign3A_424 = arith.constant 0 : i32
      %sign3A_425 = arith.cmpi sgt, %add3A_421, %sign3A_424 : i32
      %sign3A_426 = arith.extui %sign3A_425 : i1 to i32
      %sign3A_427 = arith.constant 0 : i32
      %sign3A_428 = arith.cmpi slt, %add3A_421, %sign3A_427 : i32
      %sign3A_429 = arith.extui %sign3A_428 : i1 to i32
      %sign3A_430 = arith.subi %sign3A_426, %sign3A_429 : i32
      %sign3A_431 = arith.constant 0 : i32
      %sign3A_432 = arith.cmpi sgt, %jit3A_422, %sign3A_431 : i32
      %sign3A_433 = arith.extui %sign3A_432 : i1 to i32
      %sign3A_434 = arith.constant 0 : i32
      %sign3A_435 = arith.cmpi slt, %jit3A_422, %sign3A_434 : i32
      %sign3A_436 = arith.extui %sign3A_435 : i1 to i32
      %sign3A_437 = arith.subi %sign3A_433, %sign3A_436 : i32
      %ne3A_438 = arith.cmpi ne, %sign3A_430, %sign3A_437 : i32
      %rem3A_439 = arith.remsi %add3A_421, %jit3A_422 : i32
      %ne3A_440 = arith.constant 0 : i32
      %ne3A_441 = arith.cmpi ne, %rem3A_439, %ne3A_440 : i32
      %and3A_442 = arith.andi %ne3A_438, %ne3A_441 : i1
      %sub3A_443 = arith.constant 1 : i32
      %sub3A_444 = arith.subi %div3A_423, %sub3A_443 : i32
      %select_n3A_445 = arith.select %and3A_442, %sub3A_444, %div3A_423 : i32
      %mul3A_446 = arith.constant 4 : i32
      %mul3A_447 = arith.muli %add3A, %mul3A_446 : i32
      %rem3A_448 = arith.constant 4 : i32
      %rem3A_449 = arith.remsi %add3A_421, %rem3A_448 : i32
      %add3A_450 = arith.addi %mul3A_447, %rem3A_449 : i32
      %dma_wait3A_451 = arith.constant 2 : i32
      %dma_wait3A_452 = arith.constant 2 : i32
      %dma_wait3A_453 = arith.constant 0 : i32
      %dma_wait3A_454 = arith.constant 0 : i32
      %dma_wait3A_455 = tpu.memref_slice %arg6[%dma_wait3A_451, %dma_wait3A_453, %dma_wait3A_454] : memref<4x128x64xf32, #tpu.memory_space<vmem>> -> memref<1x128x64xf32, #tpu.memory_space<vmem>>
      %dma_wait3A_456 = tpu.memref_squeeze %dma_wait3A_455 : memref<1x128x64xf32, #tpu.memory_space<vmem>> -> memref<128x64xf32, #tpu.memory_space<vmem>>
      %dma_wait3A_457 = arith.constant 0 : i32
      %dma_wait3A_458 = tpu.memref_slice %arg5[%add3A_421, %dma_wait3A_457] : memref<200x128xi32, #tpu.memory_space<vmem>> -> memref<1x128xi32, #tpu.memory_space<vmem>>
      %dma_wait3A_459 = tpu.memref_squeeze %dma_wait3A_458 : memref<1x128xi32, #tpu.memory_space<vmem>> -> memref<128xi32, #tpu.memory_space<vmem>>
      %dma_wait3A_460 = arith.constant 0 : i32
      %dma_wait3A_461 = arith.constant 0 : i32
      %dma_wait3A_462 = tpu.memref_slice %arg3[%dma_wait3A_460, %dma_wait3A_461] : memref<1000000x64xf32, #tpu.memory_space<hbm>> -> memref<1000000x64xf32, #tpu.memory_space<hbm>>
      %dma_wait3A_463 = tpu.memref_slice %arg9[%dma_wait3A_452] : memref<4x!tpu.dma_semaphore, #tpu.memory_space<semaphore_mem>> -> memref<1x!tpu.dma_semaphore, #tpu.memory_space<semaphore_mem>>
      %dma_wait3A_464 = tpu.memref_squeeze %dma_wait3A_463 : memref<1x!tpu.dma_semaphore, #tpu.memory_space<semaphore_mem>> -> memref<!tpu.dma_semaphore, #tpu.memory_space<semaphore_mem>>
      tpu.wait_indirect_dma semaphore(%dma_wait3A_464 : memref<!tpu.dma_semaphore, #tpu.memory_space<semaphore_mem>>) src(%dma_wait3A_462 : memref<1000000x64xf32, #tpu.memory_space<hbm>>) dst(%dma_wait3A_456 : memref<128x64xf32, #tpu.memory_space<vmem>>)
      %ge3A_465 = arith.constant 4 : i32
      %ge3A_466 = arith.cmpi sge, %add3A_421, %ge3A_465 : i32
      %convert_element_type3A_467 = arith.extui %ge3A_466 : i1 to i32
      %cond3A_468 = arith.constant 0 : i32
      %cond3A_469 = arith.cmpi ne, %convert_element_type3A_467, %cond3A_468 : i32
      scf.if %cond3A_469 {
        %sub3A_630 = arith.constant 4 : i32
        %sub3A_631 = arith.subi %add3A_421, %sub3A_630 : i32
        %jit3A_632 = arith.constant 4 : i32
        %div3A_633 = arith.divsi %sub3A_631, %jit3A_632 : i32
        %sign3A_634 = arith.constant 0 : i32
        %sign3A_635 = arith.cmpi sgt, %sub3A_631, %sign3A_634 : i32
        %sign3A_636 = arith.extui %sign3A_635 : i1 to i32
        %sign3A_637 = arith.constant 0 : i32
        %sign3A_638 = arith.cmpi slt, %sub3A_631, %sign3A_637 : i32
        %sign3A_639 = arith.extui %sign3A_638 : i1 to i32
        %sign3A_640 = arith.subi %sign3A_636, %sign3A_639 : i32
        %sign3A_641 = arith.constant 0 : i32
        %sign3A_642 = arith.cmpi sgt, %jit3A_632, %sign3A_641 : i32
        %sign3A_643 = arith.extui %sign3A_642 : i1 to i32
        %sign3A_644 = arith.constant 0 : i32
        %sign3A_645 = arith.cmpi slt, %jit3A_632, %sign3A_644 : i32
        %sign3A_646 = arith.extui %sign3A_645 : i1 to i32
        %sign3A_647 = arith.subi %sign3A_643, %sign3A_646 : i32
        %ne3A_648 = arith.cmpi ne, %sign3A_640, %sign3A_647 : i32
        %rem3A_649 = arith.remsi %sub3A_631, %jit3A_632 : i32
        %ne3A_650 = arith.constant 0 : i32
        %ne3A_651 = arith.cmpi ne, %rem3A_649, %ne3A_650 : i32
        %and3A_652 = arith.andi %ne3A_648, %ne3A_651 : i1
        %sub3A_653 = arith.constant 1 : i32
        %sub3A_654 = arith.subi %div3A_633, %sub3A_653 : i32
        %select_n3A_655 = arith.select %and3A_652, %sub3A_654, %div3A_633 : i32
        %mul3A_656 = arith.constant 4 : i32
        %mul3A_657 = arith.muli %add3A, %mul3A_656 : i32
        %rem3A_658 = arith.constant 4 : i32
        %rem3A_659 = arith.remsi %sub3A_631, %rem3A_658 : i32
        %add3A_660 = arith.addi %mul3A_657, %rem3A_659 : i32
        %dma_wait3A_661 = arith.constant 2 : i32
        %dma_wait3A_662 = arith.constant 2 : i32
        %dma_wait3A_663 = arith.constant 0 : i32
        %dma_wait3A_664 = arith.constant 0 : i32
        %dma_wait3A_665 = arith.constant 0 : i32
        %dma_wait3A_666 = tpu.memref_slice %arg7[%dma_wait3A_661, %dma_wait3A_663, %dma_wait3A_664, %dma_wait3A_665] : memref<4x8x8x128xf32, #tpu.memory_space<vmem>> -> memref<1x8x8x128xf32, #tpu.memory_space<vmem>>
        %dma_wait3A_667 = tpu.memref_squeeze %dma_wait3A_666 : memref<1x8x8x128xf32, #tpu.memory_space<vmem>> -> memref<8x8x128xf32, #tpu.memory_space<vmem>>
        %dma_wait3A_668 = arith.constant 0 : i32
        %dma_wait3A_669 = arith.constant 0 : i32
        %dma_wait3A_670 = arith.constant 0 : i32
        %dma_wait3A_671 = tpu.memref_slice %arg4[%select_n3A_655, %dma_wait3A_668, %add3A_660, %dma_wait3A_669, %dma_wait3A_670] : memref<50x8x128x8x128xf32, #tpu.memory_space<hbm>> -> memref<1x8x1x8x128xf32, #tpu.memory_space<hbm>>
        %dma_wait3A_672 = tpu.memref_squeeze %dma_wait3A_671 : memref<1x8x1x8x128xf32, #tpu.memory_space<hbm>> -> memref<8x8x128xf32, #tpu.memory_space<hbm>>
        %dma_wait3A_673 = tpu.memref_slice %arg10[%dma_wait3A_662] : memref<4x!tpu.dma_semaphore, #tpu.memory_space<semaphore_mem>> -> memref<1x!tpu.dma_semaphore, #tpu.memory_space<semaphore_mem>>
        %dma_wait3A_674 = tpu.memref_squeeze %dma_wait3A_673 : memref<1x!tpu.dma_semaphore, #tpu.memory_space<semaphore_mem>> -> memref<!tpu.dma_semaphore, #tpu.memory_space<semaphore_mem>>
        %dma_wait3A_675 = arith.constant 0 : i32
        %dma_wait3A_676 = arith.constant 0 : i32
        %dma_wait3A_677 = arith.constant 0 : i32
        %dma_wait3A_678 = tpu.memref_slice %arg4[%select_n3A_655, %dma_wait3A_675, %add3A_660, %dma_wait3A_676, %dma_wait3A_677] : memref<50x8x128x8x128xf32, #tpu.memory_space<hbm>> -> memref<1x8x1x8x128xf32, #tpu.memory_space<hbm>>
        %dma_wait3A_679 = tpu.memref_squeeze %dma_wait3A_678 : memref<1x8x1x8x128xf32, #tpu.memory_space<hbm>> -> memref<8x8x128xf32, #tpu.memory_space<hbm>>
        %dma_wait3A_680 = arith.constant 0 : i32
        %dma_wait3A_681 = arith.constant 0 : i32
        %dma_wait3A_682 = arith.constant 0 : i32
        %dma_wait3A_683 = tpu.memref_slice %arg7[%dma_wait3A_661, %dma_wait3A_680, %dma_wait3A_681, %dma_wait3A_682] : memref<4x8x8x128xf32, #tpu.memory_space<vmem>> -> memref<1x8x8x128xf32, #tpu.memory_space<vmem>>
        %dma_wait3A_684 = tpu.memref_squeeze %dma_wait3A_683 : memref<1x8x8x128xf32, #tpu.memory_space<vmem>> -> memref<8x8x128xf32, #tpu.memory_space<vmem>>
        tpu.wait_dma2 semaphore(%dma_wait3A_674 : memref<!tpu.dma_semaphore, #tpu.memory_space<semaphore_mem>>) src(%dma_wait3A_684 : memref<8x8x128xf32, #tpu.memory_space<vmem>>) dst(%dma_wait3A_679 : memref<8x8x128xf32, #tpu.memory_space<hbm>>)
      } else {
      }
      %scan3A_470 = arith.constant 0 : i32
      %scan3A_471 = arith.constant 16 : i32
      %scan3A_472 = arith.addi %scan3A_470, %scan3A_471 : i32
      %scan3A_473 = arith.constant 1 : i32
      %scan3A_474 = scf.for %scan3A_630 = %scan3A_470 to %scan3A_472 step %scan3A_473 iter_args(%scan3A_631 = %add3A_60) -> (vector<16xi32>)  : i32 {
        %add3A_632 = arith.constant 0 : i32
        %add3A_633 = vector.broadcast %add3A_632 : i32 to vector<16xi32>
        %add3A_634 = arith.addi %scan3A_631, %add3A_633 : vector<16xi32>
        %shift_right_arithmetic3A = arith.constant 3 : i32
        %shift_right_arithmetic3A_635 = vector.broadcast %shift_right_arithmetic3A : i32 to vector<16xi32>
        %shift_right_arithmetic3A_636 = arith.shrsi %add3A_634, %shift_right_arithmetic3A_635 : vector<16xi32>
        %and3A_637 = arith.constant 7 : i32
        %and3A_638 = vector.broadcast %and3A_637 : i32 to vector<16xi32>
        %and3A_639 = arith.andi %add3A_634, %and3A_638 : vector<16xi32>
        %gather3A = arith.constant 2 : i32
        %gather3A_640 = arith.constant 0 : i32
        %gather3A_641 = arith.constant 0 : i32
        %gather3A_642 = tpu.memref_slice %arg6[%gather3A, %gather3A_640, %gather3A_641] : memref<4x128x64xf32, #tpu.memory_space<vmem>> -> memref<1x128x64xf32, #tpu.memory_space<vmem>>
        %gather3A_643 = tpu.memref_squeeze %gather3A_642 : memref<1x128x64xf32, #tpu.memory_space<vmem>> -> memref<128x64xf32, #tpu.memory_space<vmem>>
        %gather3A_644 = tpu.vector_load_idx %gather3A_643[%add3A_60, %add3A_634] : memref<128x64xf32, #tpu.memory_space<vmem>>[vector<16xi32>, vector<16xi32>], vector<16xf32>,
        %mul3A_645 = arith.constant 8.000000e+00 : f32
        %mul3A_646 = vector.broadcast %mul3A_645 : f32 to vector<16xf32>
        %mul3A_647 = arith.mulf %gather3A_644, %mul3A_646 : vector<16xf32>
        %scatter3A = arith.constant 2 : i32
        %scatter3A_648 = arith.constant 0 : i32
        %scatter3A_649 = arith.constant 0 : i32
        %scatter3A_650 = arith.constant 0 : i32
        %scatter3A_651 = tpu.memref_slice %arg7[%scatter3A, %scatter3A_648, %scatter3A_649, %scatter3A_650] : memref<4x8x8x128xf32, #tpu.memory_space<vmem>> -> memref<1x8x8x128xf32, #tpu.memory_space<vmem>>
        %scatter3A_652 = tpu.memref_squeeze %scatter3A_651 : memref<1x8x8x128xf32, #tpu.memory_space<vmem>> -> memref<8x8x128xf32, #tpu.memory_space<vmem>>
        tpu.vector_store_idx %scatter3A_652[%shift_right_arithmetic3A_636, %and3A_639, %add3A_60], %mul3A_647 : memref<8x8x128xf32, #tpu.memory_space<vmem>>[vector<16xi32>, vector<16xi32>, vector<16xi32>], vector<16xf32>,
        %gather3A_653 = arith.constant 2 : i32
        %gather3A_654 = arith.constant 0 : i32
        %gather3A_655 = arith.constant 0 : i32
        %gather3A_656 = tpu.memref_slice %arg6[%gather3A_653, %gather3A_654, %gather3A_655] : memref<4x128x64xf32, #tpu.memory_space<vmem>> -> memref<1x128x64xf32, #tpu.memory_space<vmem>>
        %gather3A_657 = tpu.memref_squeeze %gather3A_656 : memref<1x128x64xf32, #tpu.memory_space<vmem>> -> memref<128x64xf32, #tpu.memory_space<vmem>>
        %gather3A_658 = tpu.vector_load_idx %gather3A_657[%add3A_64, %add3A_634] : memref<128x64xf32, #tpu.memory_space<vmem>>[vector<16xi32>, vector<16xi32>], vector<16xf32>,
        %mul3A_659 = arith.constant 8.000000e+00 : f32
        %mul3A_660 = vector.broadcast %mul3A_659 : f32 to vector<16xf32>
        %mul3A_661 = arith.mulf %gather3A_658, %mul3A_660 : vector<16xf32>
        %scatter3A_662 = arith.constant 2 : i32
        %scatter3A_663 = arith.constant 0 : i32
        %scatter3A_664 = arith.constant 0 : i32
        %scatter3A_665 = arith.constant 0 : i32
        %scatter3A_666 = tpu.memref_slice %arg7[%scatter3A_662, %scatter3A_663, %scatter3A_664, %scatter3A_665] : memref<4x8x8x128xf32, #tpu.memory_space<vmem>> -> memref<1x8x8x128xf32, #tpu.memory_space<vmem>>
        %scatter3A_667 = tpu.memref_squeeze %scatter3A_666 : memref<1x8x8x128xf32, #tpu.memory_space<vmem>> -> memref<8x8x128xf32, #tpu.memory_space<vmem>>
        tpu.vector_store_idx %scatter3A_667[%shift_right_arithmetic3A_636, %and3A_639, %add3A_64], %mul3A_661 : memref<8x8x128xf32, #tpu.memory_space<vmem>>[vector<16xi32>, vector<16xi32>, vector<16xi32>], vector<16xf32>,
        %gather3A_668 = arith.constant 2 : i32
        %gather3A_669 = arith.constant 0 : i32
        %gather3A_670 = arith.constant 0 : i32
        %gather3A_671 = tpu.memref_slice %arg6[%gather3A_668, %gather3A_669, %gather3A_670] : memref<4x128x64xf32, #tpu.memory_space<vmem>> -> memref<1x128x64xf32, #tpu.memory_space<vmem>>
        %gather3A_672 = tpu.memref_squeeze %gather3A_671 : memref<1x128x64xf32, #tpu.memory_space<vmem>> -> memref<128x64xf32, #tpu.memory_space<vmem>>
        %gather3A_673 = tpu.vector_load_idx %gather3A_672[%add3A_68, %add3A_634] : memref<128x64xf32, #tpu.memory_space<vmem>>[vector<16xi32>, vector<16xi32>], vector<16xf32>,
        %mul3A_674 = arith.constant 8.000000e+00 : f32
        %mul3A_675 = vector.broadcast %mul3A_674 : f32 to vector<16xf32>
        %mul3A_676 = arith.mulf %gather3A_673, %mul3A_675 : vector<16xf32>
        %scatter3A_677 = arith.constant 2 : i32
        %scatter3A_678 = arith.constant 0 : i32
        %scatter3A_679 = arith.constant 0 : i32
        %scatter3A_680 = arith.constant 0 : i32
        %scatter3A_681 = tpu.memref_slice %arg7[%scatter3A_677, %scatter3A_678, %scatter3A_679, %scatter3A_680] : memref<4x8x8x128xf32, #tpu.memory_space<vmem>> -> memref<1x8x8x128xf32, #tpu.memory_space<vmem>>
        %scatter3A_682 = tpu.memref_squeeze %scatter3A_681 : memref<1x8x8x128xf32, #tpu.memory_space<vmem>> -> memref<8x8x128xf32, #tpu.memory_space<vmem>>
        tpu.vector_store_idx %scatter3A_682[%shift_right_arithmetic3A_636, %and3A_639, %add3A_68], %mul3A_676 : memref<8x8x128xf32, #tpu.memory_space<vmem>>[vector<16xi32>, vector<16xi32>, vector<16xi32>], vector<16xf32>,
        %gather3A_683 = arith.constant 2 : i32
        %gather3A_684 = arith.constant 0 : i32
        %gather3A_685 = arith.constant 0 : i32
        %gather3A_686 = tpu.memref_slice %arg6[%gather3A_683, %gather3A_684, %gather3A_685] : memref<4x128x64xf32, #tpu.memory_space<vmem>> -> memref<1x128x64xf32, #tpu.memory_space<vmem>>
        %gather3A_687 = tpu.memref_squeeze %gather3A_686 : memref<1x128x64xf32, #tpu.memory_space<vmem>> -> memref<128x64xf32, #tpu.memory_space<vmem>>
        %gather3A_688 = tpu.vector_load_idx %gather3A_687[%add3A_72, %add3A_634] : memref<128x64xf32, #tpu.memory_space<vmem>>[vector<16xi32>, vector<16xi32>], vector<16xf32>,
        %mul3A_689 = arith.constant 8.000000e+00 : f32
        %mul3A_690 = vector.broadcast %mul3A_689 : f32 to vector<16xf32>
        %mul3A_691 = arith.mulf %gather3A_688, %mul3A_690 : vector<16xf32>
        %scatter3A_692 = arith.constant 2 : i32
        %scatter3A_693 = arith.constant 0 : i32
        %scatter3A_694 = arith.constant 0 : i32
        %scatter3A_695 = arith.constant 0 : i32
        %scatter3A_696 = tpu.memref_slice %arg7[%scatter3A_692, %scatter3A_693, %scatter3A_694, %scatter3A_695] : memref<4x8x8x128xf32, #tpu.memory_space<vmem>> -> memref<1x8x8x128xf32, #tpu.memory_space<vmem>>
        %scatter3A_697 = tpu.memref_squeeze %scatter3A_696 : memref<1x8x8x128xf32, #tpu.memory_space<vmem>> -> memref<8x8x128xf32, #tpu.memory_space<vmem>>
        tpu.vector_store_idx %scatter3A_697[%shift_right_arithmetic3A_636, %and3A_639, %add3A_72], %mul3A_691 : memref<8x8x128xf32, #tpu.memory_space<vmem>>[vector<16xi32>, vector<16xi32>, vector<16xi32>], vector<16xf32>,
        %gather3A_698 = arith.constant 2 : i32
        %gather3A_699 = arith.constant 0 : i32
        %gather3A_700 = arith.constant 0 : i32
        %gather3A_701 = tpu.memref_slice %arg6[%gather3A_698, %gather3A_699, %gather3A_700] : memref<4x128x64xf32, #tpu.memory_space<vmem>> -> memref<1x128x64xf32, #tpu.memory_space<vmem>>
        %gather3A_702 = tpu.memref_squeeze %gather3A_701 : memref<1x128x64xf32, #tpu.memory_space<vmem>> -> memref<128x64xf32, #tpu.memory_space<vmem>>
        %gather3A_703 = tpu.vector_load_idx %gather3A_702[%add3A_76, %add3A_634] : memref<128x64xf32, #tpu.memory_space<vmem>>[vector<16xi32>, vector<16xi32>], vector<16xf32>,
        %mul3A_704 = arith.constant 8.000000e+00 : f32
        %mul3A_705 = vector.broadcast %mul3A_704 : f32 to vector<16xf32>
        %mul3A_706 = arith.mulf %gather3A_703, %mul3A_705 : vector<16xf32>
        %scatter3A_707 = arith.constant 2 : i32
        %scatter3A_708 = arith.constant 0 : i32
        %scatter3A_709 = arith.constant 0 : i32
        %scatter3A_710 = arith.constant 0 : i32
        %scatter3A_711 = tpu.memref_slice %arg7[%scatter3A_707, %scatter3A_708, %scatter3A_709, %scatter3A_710] : memref<4x8x8x128xf32, #tpu.memory_space<vmem>> -> memref<1x8x8x128xf32, #tpu.memory_space<vmem>>
        %scatter3A_712 = tpu.memref_squeeze %scatter3A_711 : memref<1x8x8x128xf32, #tpu.memory_space<vmem>> -> memref<8x8x128xf32, #tpu.memory_space<vmem>>
        tpu.vector_store_idx %scatter3A_712[%shift_right_arithmetic3A_636, %and3A_639, %add3A_76], %mul3A_706 : memref<8x8x128xf32, #tpu.memory_space<vmem>>[vector<16xi32>, vector<16xi32>, vector<16xi32>], vector<16xf32>,
        %gather3A_713 = arith.constant 2 : i32
        %gather3A_714 = arith.constant 0 : i32
        %gather3A_715 = arith.constant 0 : i32
        %gather3A_716 = tpu.memref_slice %arg6[%gather3A_713, %gather3A_714, %gather3A_715] : memref<4x128x64xf32, #tpu.memory_space<vmem>> -> memref<1x128x64xf32, #tpu.memory_space<vmem>>
        %gather3A_717 = tpu.memref_squeeze %gather3A_716 : memref<1x128x64xf32, #tpu.memory_space<vmem>> -> memref<128x64xf32, #tpu.memory_space<vmem>>
        %gather3A_718 = tpu.vector_load_idx %gather3A_717[%add3A_80, %add3A_634] : memref<128x64xf32, #tpu.memory_space<vmem>>[vector<16xi32>, vector<16xi32>], vector<16xf32>,
        %mul3A_719 = arith.constant 8.000000e+00 : f32
        %mul3A_720 = vector.broadcast %mul3A_719 : f32 to vector<16xf32>
        %mul3A_721 = arith.mulf %gather3A_718, %mul3A_720 : vector<16xf32>
        %scatter3A_722 = arith.constant 2 : i32
        %scatter3A_723 = arith.constant 0 : i32
        %scatter3A_724 = arith.constant 0 : i32
        %scatter3A_725 = arith.constant 0 : i32
        %scatter3A_726 = tpu.memref_slice %arg7[%scatter3A_722, %scatter3A_723, %scatter3A_724, %scatter3A_725] : memref<4x8x8x128xf32, #tpu.memory_space<vmem>> -> memref<1x8x8x128xf32, #tpu.memory_space<vmem>>
        %scatter3A_727 = tpu.memref_squeeze %scatter3A_726 : memref<1x8x8x128xf32, #tpu.memory_space<vmem>> -> memref<8x8x128xf32, #tpu.memory_space<vmem>>
        tpu.vector_store_idx %scatter3A_727[%shift_right_arithmetic3A_636, %and3A_639, %add3A_80], %mul3A_721 : memref<8x8x128xf32, #tpu.memory_space<vmem>>[vector<16xi32>, vector<16xi32>, vector<16xi32>], vector<16xf32>,
        %gather3A_728 = arith.constant 2 : i32
        %gather3A_729 = arith.constant 0 : i32
        %gather3A_730 = arith.constant 0 : i32
        %gather3A_731 = tpu.memref_slice %arg6[%gather3A_728, %gather3A_729, %gather3A_730] : memref<4x128x64xf32, #tpu.memory_space<vmem>> -> memref<1x128x64xf32, #tpu.memory_space<vmem>>
        %gather3A_732 = tpu.memref_squeeze %gather3A_731 : memref<1x128x64xf32, #tpu.memory_space<vmem>> -> memref<128x64xf32, #tpu.memory_space<vmem>>
        %gather3A_733 = tpu.vector_load_idx %gather3A_732[%add3A_84, %add3A_634] : memref<128x64xf32, #tpu.memory_space<vmem>>[vector<16xi32>, vector<16xi32>], vector<16xf32>,
        %mul3A_734 = arith.constant 8.000000e+00 : f32
        %mul3A_735 = vector.broadcast %mul3A_734 : f32 to vector<16xf32>
        %mul3A_736 = arith.mulf %gather3A_733, %mul3A_735 : vector<16xf32>
        %scatter3A_737 = arith.constant 2 : i32
        %scatter3A_738 = arith.constant 0 : i32
        %scatter3A_739 = arith.constant 0 : i32
        %scatter3A_740 = arith.constant 0 : i32
        %scatter3A_741 = tpu.memref_slice %arg7[%scatter3A_737, %scatter3A_738, %scatter3A_739, %scatter3A_740] : memref<4x8x8x128xf32, #tpu.memory_space<vmem>> -> memref<1x8x8x128xf32, #tpu.memory_space<vmem>>
        %scatter3A_742 = tpu.memref_squeeze %scatter3A_741 : memref<1x8x8x128xf32, #tpu.memory_space<vmem>> -> memref<8x8x128xf32, #tpu.memory_space<vmem>>
        tpu.vector_store_idx %scatter3A_742[%shift_right_arithmetic3A_636, %and3A_639, %add3A_84], %mul3A_736 : memref<8x8x128xf32, #tpu.memory_space<vmem>>[vector<16xi32>, vector<16xi32>, vector<16xi32>], vector<16xf32>,
        %gather3A_743 = arith.constant 2 : i32
        %gather3A_744 = arith.constant 0 : i32
        %gather3A_745 = arith.constant 0 : i32
        %gather3A_746 = tpu.memref_slice %arg6[%gather3A_743, %gather3A_744, %gather3A_745] : memref<4x128x64xf32, #tpu.memory_space<vmem>> -> memref<1x128x64xf32, #tpu.memory_space<vmem>>
        %gather3A_747 = tpu.memref_squeeze %gather3A_746 : memref<1x128x64xf32, #tpu.memory_space<vmem>> -> memref<128x64xf32, #tpu.memory_space<vmem>>
        %gather3A_748 = tpu.vector_load_idx %gather3A_747[%add3A_88, %add3A_634] : memref<128x64xf32, #tpu.memory_space<vmem>>[vector<16xi32>, vector<16xi32>], vector<16xf32>,
        %mul3A_749 = arith.constant 8.000000e+00 : f32
        %mul3A_750 = vector.broadcast %mul3A_749 : f32 to vector<16xf32>
        %mul3A_751 = arith.mulf %gather3A_748, %mul3A_750 : vector<16xf32>
        %scatter3A_752 = arith.constant 2 : i32
        %scatter3A_753 = arith.constant 0 : i32
        %scatter3A_754 = arith.constant 0 : i32
        %scatter3A_755 = arith.constant 0 : i32
        %scatter3A_756 = tpu.memref_slice %arg7[%scatter3A_752, %scatter3A_753, %scatter3A_754, %scatter3A_755] : memref<4x8x8x128xf32, #tpu.memory_space<vmem>> -> memref<1x8x8x128xf32, #tpu.memory_space<vmem>>
        %scatter3A_757 = tpu.memref_squeeze %scatter3A_756 : memref<1x8x8x128xf32, #tpu.memory_space<vmem>> -> memref<8x8x128xf32, #tpu.memory_space<vmem>>
        tpu.vector_store_idx %scatter3A_757[%shift_right_arithmetic3A_636, %and3A_639, %add3A_88], %mul3A_751 : memref<8x8x128xf32, #tpu.memory_space<vmem>>[vector<16xi32>, vector<16xi32>, vector<16xi32>], vector<16xf32>,
        %add3A_758 = arith.constant 1 : i32
        %add3A_759 = vector.broadcast %add3A_758 : i32 to vector<16xi32>
        %add3A_760 = arith.addi %scan3A_631, %add3A_759 : vector<16xi32>
        %and3A_761 = arith.constant 15 : i32
        %and3A_762 = vector.broadcast %and3A_761 : i32 to vector<16xi32>
        %and3A_763 = arith.andi %add3A_760, %and3A_762 : vector<16xi32>
        scf.yield %and3A_763 : vector<16xi32>
      }
      %scan3A_475 = arith.constant 16 : i32
      %scan3A_476 = arith.constant 0 : i32
      %scan3A_477 = arith.constant 16 : i32
      %scan3A_478 = arith.addi %scan3A_476, %scan3A_477 : i32
      %scan3A_479 = arith.constant 1 : i32
      %scan3A_480 = scf.for %scan3A_630 = %scan3A_476 to %scan3A_478 step %scan3A_479 iter_args(%scan3A_631 = %add3A_60) -> (vector<16xi32>)  : i32 {
        %add3A_632 = arith.constant 16 : i32
        %add3A_633 = vector.broadcast %add3A_632 : i32 to vector<16xi32>
        %add3A_634 = arith.addi %scan3A_631, %add3A_633 : vector<16xi32>
        %shift_right_arithmetic3A = arith.constant 3 : i32
        %shift_right_arithmetic3A_635 = vector.broadcast %shift_right_arithmetic3A : i32 to vector<16xi32>
        %shift_right_arithmetic3A_636 = arith.shrsi %add3A_634, %shift_right_arithmetic3A_635 : vector<16xi32>
        %and3A_637 = arith.constant 7 : i32
        %and3A_638 = vector.broadcast %and3A_637 : i32 to vector<16xi32>
        %and3A_639 = arith.andi %add3A_634, %and3A_638 : vector<16xi32>
        %gather3A = arith.constant 2 : i32
        %gather3A_640 = arith.constant 0 : i32
        %gather3A_641 = arith.constant 0 : i32
        %gather3A_642 = tpu.memref_slice %arg6[%gather3A, %gather3A_640, %gather3A_641] : memref<4x128x64xf32, #tpu.memory_space<vmem>> -> memref<1x128x64xf32, #tpu.memory_space<vmem>>
        %gather3A_643 = tpu.memref_squeeze %gather3A_642 : memref<1x128x64xf32, #tpu.memory_space<vmem>> -> memref<128x64xf32, #tpu.memory_space<vmem>>
        %gather3A_644 = tpu.vector_load_idx %gather3A_643[%add3A_60, %add3A_634] : memref<128x64xf32, #tpu.memory_space<vmem>>[vector<16xi32>, vector<16xi32>], vector<16xf32>,
        %mul3A_645 = arith.constant 8.000000e+00 : f32
        %mul3A_646 = vector.broadcast %mul3A_645 : f32 to vector<16xf32>
        %mul3A_647 = arith.mulf %gather3A_644, %mul3A_646 : vector<16xf32>
        %scatter3A = arith.constant 2 : i32
        %scatter3A_648 = arith.constant 0 : i32
        %scatter3A_649 = arith.constant 0 : i32
        %scatter3A_650 = arith.constant 0 : i32
        %scatter3A_651 = tpu.memref_slice %arg7[%scatter3A, %scatter3A_648, %scatter3A_649, %scatter3A_650] : memref<4x8x8x128xf32, #tpu.memory_space<vmem>> -> memref<1x8x8x128xf32, #tpu.memory_space<vmem>>
        %scatter3A_652 = tpu.memref_squeeze %scatter3A_651 : memref<1x8x8x128xf32, #tpu.memory_space<vmem>> -> memref<8x8x128xf32, #tpu.memory_space<vmem>>
        tpu.vector_store_idx %scatter3A_652[%shift_right_arithmetic3A_636, %and3A_639, %add3A_60], %mul3A_647 : memref<8x8x128xf32, #tpu.memory_space<vmem>>[vector<16xi32>, vector<16xi32>, vector<16xi32>], vector<16xf32>,
        %gather3A_653 = arith.constant 2 : i32
        %gather3A_654 = arith.constant 0 : i32
        %gather3A_655 = arith.constant 0 : i32
        %gather3A_656 = tpu.memref_slice %arg6[%gather3A_653, %gather3A_654, %gather3A_655] : memref<4x128x64xf32, #tpu.memory_space<vmem>> -> memref<1x128x64xf32, #tpu.memory_space<vmem>>
        %gather3A_657 = tpu.memref_squeeze %gather3A_656 : memref<1x128x64xf32, #tpu.memory_space<vmem>> -> memref<128x64xf32, #tpu.memory_space<vmem>>
        %gather3A_658 = tpu.vector_load_idx %gather3A_657[%add3A_64, %add3A_634] : memref<128x64xf32, #tpu.memory_space<vmem>>[vector<16xi32>, vector<16xi32>], vector<16xf32>,
        %mul3A_659 = arith.constant 8.000000e+00 : f32
        %mul3A_660 = vector.broadcast %mul3A_659 : f32 to vector<16xf32>
        %mul3A_661 = arith.mulf %gather3A_658, %mul3A_660 : vector<16xf32>
        %scatter3A_662 = arith.constant 2 : i32
        %scatter3A_663 = arith.constant 0 : i32
        %scatter3A_664 = arith.constant 0 : i32
        %scatter3A_665 = arith.constant 0 : i32
        %scatter3A_666 = tpu.memref_slice %arg7[%scatter3A_662, %scatter3A_663, %scatter3A_664, %scatter3A_665] : memref<4x8x8x128xf32, #tpu.memory_space<vmem>> -> memref<1x8x8x128xf32, #tpu.memory_space<vmem>>
        %scatter3A_667 = tpu.memref_squeeze %scatter3A_666 : memref<1x8x8x128xf32, #tpu.memory_space<vmem>> -> memref<8x8x128xf32, #tpu.memory_space<vmem>>
        tpu.vector_store_idx %scatter3A_667[%shift_right_arithmetic3A_636, %and3A_639, %add3A_64], %mul3A_661 : memref<8x8x128xf32, #tpu.memory_space<vmem>>[vector<16xi32>, vector<16xi32>, vector<16xi32>], vector<16xf32>,
        %gather3A_668 = arith.constant 2 : i32
        %gather3A_669 = arith.constant 0 : i32
        %gather3A_670 = arith.constant 0 : i32
        %gather3A_671 = tpu.memref_slice %arg6[%gather3A_668, %gather3A_669, %gather3A_670] : memref<4x128x64xf32, #tpu.memory_space<vmem>> -> memref<1x128x64xf32, #tpu.memory_space<vmem>>
        %gather3A_672 = tpu.memref_squeeze %gather3A_671 : memref<1x128x64xf32, #tpu.memory_space<vmem>> -> memref<128x64xf32, #tpu.memory_space<vmem>>
        %gather3A_673 = tpu.vector_load_idx %gather3A_672[%add3A_68, %add3A_634] : memref<128x64xf32, #tpu.memory_space<vmem>>[vector<16xi32>, vector<16xi32>], vector<16xf32>,
        %mul3A_674 = arith.constant 8.000000e+00 : f32
        %mul3A_675 = vector.broadcast %mul3A_674 : f32 to vector<16xf32>
        %mul3A_676 = arith.mulf %gather3A_673, %mul3A_675 : vector<16xf32>
        %scatter3A_677 = arith.constant 2 : i32
        %scatter3A_678 = arith.constant 0 : i32
        %scatter3A_679 = arith.constant 0 : i32
        %scatter3A_680 = arith.constant 0 : i32
        %scatter3A_681 = tpu.memref_slice %arg7[%scatter3A_677, %scatter3A_678, %scatter3A_679, %scatter3A_680] : memref<4x8x8x128xf32, #tpu.memory_space<vmem>> -> memref<1x8x8x128xf32, #tpu.memory_space<vmem>>
        %scatter3A_682 = tpu.memref_squeeze %scatter3A_681 : memref<1x8x8x128xf32, #tpu.memory_space<vmem>> -> memref<8x8x128xf32, #tpu.memory_space<vmem>>
        tpu.vector_store_idx %scatter3A_682[%shift_right_arithmetic3A_636, %and3A_639, %add3A_68], %mul3A_676 : memref<8x8x128xf32, #tpu.memory_space<vmem>>[vector<16xi32>, vector<16xi32>, vector<16xi32>], vector<16xf32>,
        %gather3A_683 = arith.constant 2 : i32
        %gather3A_684 = arith.constant 0 : i32
        %gather3A_685 = arith.constant 0 : i32
        %gather3A_686 = tpu.memref_slice %arg6[%gather3A_683, %gather3A_684, %gather3A_685] : memref<4x128x64xf32, #tpu.memory_space<vmem>> -> memref<1x128x64xf32, #tpu.memory_space<vmem>>
        %gather3A_687 = tpu.memref_squeeze %gather3A_686 : memref<1x128x64xf32, #tpu.memory_space<vmem>> -> memref<128x64xf32, #tpu.memory_space<vmem>>
        %gather3A_688 = tpu.vector_load_idx %gather3A_687[%add3A_72, %add3A_634] : memref<128x64xf32, #tpu.memory_space<vmem>>[vector<16xi32>, vector<16xi32>], vector<16xf32>,
        %mul3A_689 = arith.constant 8.000000e+00 : f32
        %mul3A_690 = vector.broadcast %mul3A_689 : f32 to vector<16xf32>
        %mul3A_691 = arith.mulf %gather3A_688, %mul3A_690 : vector<16xf32>
        %scatter3A_692 = arith.constant 2 : i32
        %scatter3A_693 = arith.constant 0 : i32
        %scatter3A_694 = arith.constant 0 : i32
        %scatter3A_695 = arith.constant 0 : i32
        %scatter3A_696 = tpu.memref_slice %arg7[%scatter3A_692, %scatter3A_693, %scatter3A_694, %scatter3A_695] : memref<4x8x8x128xf32, #tpu.memory_space<vmem>> -> memref<1x8x8x128xf32, #tpu.memory_space<vmem>>
        %scatter3A_697 = tpu.memref_squeeze %scatter3A_696 : memref<1x8x8x128xf32, #tpu.memory_space<vmem>> -> memref<8x8x128xf32, #tpu.memory_space<vmem>>
        tpu.vector_store_idx %scatter3A_697[%shift_right_arithmetic3A_636, %and3A_639, %add3A_72], %mul3A_691 : memref<8x8x128xf32, #tpu.memory_space<vmem>>[vector<16xi32>, vector<16xi32>, vector<16xi32>], vector<16xf32>,
        %gather3A_698 = arith.constant 2 : i32
        %gather3A_699 = arith.constant 0 : i32
        %gather3A_700 = arith.constant 0 : i32
        %gather3A_701 = tpu.memref_slice %arg6[%gather3A_698, %gather3A_699, %gather3A_700] : memref<4x128x64xf32, #tpu.memory_space<vmem>> -> memref<1x128x64xf32, #tpu.memory_space<vmem>>
        %gather3A_702 = tpu.memref_squeeze %gather3A_701 : memref<1x128x64xf32, #tpu.memory_space<vmem>> -> memref<128x64xf32, #tpu.memory_space<vmem>>
        %gather3A_703 = tpu.vector_load_idx %gather3A_702[%add3A_76, %add3A_634] : memref<128x64xf32, #tpu.memory_space<vmem>>[vector<16xi32>, vector<16xi32>], vector<16xf32>,
        %mul3A_704 = arith.constant 8.000000e+00 : f32
        %mul3A_705 = vector.broadcast %mul3A_704 : f32 to vector<16xf32>
        %mul3A_706 = arith.mulf %gather3A_703, %mul3A_705 : vector<16xf32>
        %scatter3A_707 = arith.constant 2 : i32
        %scatter3A_708 = arith.constant 0 : i32
        %scatter3A_709 = arith.constant 0 : i32
        %scatter3A_710 = arith.constant 0 : i32
        %scatter3A_711 = tpu.memref_slice %arg7[%scatter3A_707, %scatter3A_708, %scatter3A_709, %scatter3A_710] : memref<4x8x8x128xf32, #tpu.memory_space<vmem>> -> memref<1x8x8x128xf32, #tpu.memory_space<vmem>>
        %scatter3A_712 = tpu.memref_squeeze %scatter3A_711 : memref<1x8x8x128xf32, #tpu.memory_space<vmem>> -> memref<8x8x128xf32, #tpu.memory_space<vmem>>
        tpu.vector_store_idx %scatter3A_712[%shift_right_arithmetic3A_636, %and3A_639, %add3A_76], %mul3A_706 : memref<8x8x128xf32, #tpu.memory_space<vmem>>[vector<16xi32>, vector<16xi32>, vector<16xi32>], vector<16xf32>,
        %gather3A_713 = arith.constant 2 : i32
        %gather3A_714 = arith.constant 0 : i32
        %gather3A_715 = arith.constant 0 : i32
        %gather3A_716 = tpu.memref_slice %arg6[%gather3A_713, %gather3A_714, %gather3A_715] : memref<4x128x64xf32, #tpu.memory_space<vmem>> -> memref<1x128x64xf32, #tpu.memory_space<vmem>>
        %gather3A_717 = tpu.memref_squeeze %gather3A_716 : memref<1x128x64xf32, #tpu.memory_space<vmem>> -> memref<128x64xf32, #tpu.memory_space<vmem>>
        %gather3A_718 = tpu.vector_load_idx %gather3A_717[%add3A_80, %add3A_634] : memref<128x64xf32, #tpu.memory_space<vmem>>[vector<16xi32>, vector<16xi32>], vector<16xf32>,
        %mul3A_719 = arith.constant 8.000000e+00 : f32
        %mul3A_720 = vector.broadcast %mul3A_719 : f32 to vector<16xf32>
        %mul3A_721 = arith.mulf %gather3A_718, %mul3A_720 : vector<16xf32>
        %scatter3A_722 = arith.constant 2 : i32
        %scatter3A_723 = arith.constant 0 : i32
        %scatter3A_724 = arith.constant 0 : i32
        %scatter3A_725 = arith.constant 0 : i32
        %scatter3A_726 = tpu.memref_slice %arg7[%scatter3A_722, %scatter3A_723, %scatter3A_724, %scatter3A_725] : memref<4x8x8x128xf32, #tpu.memory_space<vmem>> -> memref<1x8x8x128xf32, #tpu.memory_space<vmem>>
        %scatter3A_727 = tpu.memref_squeeze %scatter3A_726 : memref<1x8x8x128xf32, #tpu.memory_space<vmem>> -> memref<8x8x128xf32, #tpu.memory_space<vmem>>
        tpu.vector_store_idx %scatter3A_727[%shift_right_arithmetic3A_636, %and3A_639, %add3A_80], %mul3A_721 : memref<8x8x128xf32, #tpu.memory_space<vmem>>[vector<16xi32>, vector<16xi32>, vector<16xi32>], vector<16xf32>,
        %gather3A_728 = arith.constant 2 : i32
        %gather3A_729 = arith.constant 0 : i32
        %gather3A_730 = arith.constant 0 : i32
        %gather3A_731 = tpu.memref_slice %arg6[%gather3A_728, %gather3A_729, %gather3A_730] : memref<4x128x64xf32, #tpu.memory_space<vmem>> -> memref<1x128x64xf32, #tpu.memory_space<vmem>>
        %gather3A_732 = tpu.memref_squeeze %gather3A_731 : memref<1x128x64xf32, #tpu.memory_space<vmem>> -> memref<128x64xf32, #tpu.memory_space<vmem>>
        %gather3A_733 = tpu.vector_load_idx %gather3A_732[%add3A_84, %add3A_634] : memref<128x64xf32, #tpu.memory_space<vmem>>[vector<16xi32>, vector<16xi32>], vector<16xf32>,
        %mul3A_734 = arith.constant 8.000000e+00 : f32
        %mul3A_735 = vector.broadcast %mul3A_734 : f32 to vector<16xf32>
        %mul3A_736 = arith.mulf %gather3A_733, %mul3A_735 : vector<16xf32>
        %scatter3A_737 = arith.constant 2 : i32
        %scatter3A_738 = arith.constant 0 : i32
        %scatter3A_739 = arith.constant 0 : i32
        %scatter3A_740 = arith.constant 0 : i32
        %scatter3A_741 = tpu.memref_slice %arg7[%scatter3A_737, %scatter3A_738, %scatter3A_739, %scatter3A_740] : memref<4x8x8x128xf32, #tpu.memory_space<vmem>> -> memref<1x8x8x128xf32, #tpu.memory_space<vmem>>
        %scatter3A_742 = tpu.memref_squeeze %scatter3A_741 : memref<1x8x8x128xf32, #tpu.memory_space<vmem>> -> memref<8x8x128xf32, #tpu.memory_space<vmem>>
        tpu.vector_store_idx %scatter3A_742[%shift_right_arithmetic3A_636, %and3A_639, %add3A_84], %mul3A_736 : memref<8x8x128xf32, #tpu.memory_space<vmem>>[vector<16xi32>, vector<16xi32>, vector<16xi32>], vector<16xf32>,
        %gather3A_743 = arith.constant 2 : i32
        %gather3A_744 = arith.constant 0 : i32
        %gather3A_745 = arith.constant 0 : i32
        %gather3A_746 = tpu.memref_slice %arg6[%gather3A_743, %gather3A_744, %gather3A_745] : memref<4x128x64xf32, #tpu.memory_space<vmem>> -> memref<1x128x64xf32, #tpu.memory_space<vmem>>
        %gather3A_747 = tpu.memref_squeeze %gather3A_746 : memref<1x128x64xf32, #tpu.memory_space<vmem>> -> memref<128x64xf32, #tpu.memory_space<vmem>>
        %gather3A_748 = tpu.vector_load_idx %gather3A_747[%add3A_88, %add3A_634] : memref<128x64xf32, #tpu.memory_space<vmem>>[vector<16xi32>, vector<16xi32>], vector<16xf32>,
        %mul3A_749 = arith.constant 8.000000e+00 : f32
        %mul3A_750 = vector.broadcast %mul3A_749 : f32 to vector<16xf32>
        %mul3A_751 = arith.mulf %gather3A_748, %mul3A_750 : vector<16xf32>
        %scatter3A_752 = arith.constant 2 : i32
        %scatter3A_753 = arith.constant 0 : i32
        %scatter3A_754 = arith.constant 0 : i32
        %scatter3A_755 = arith.constant 0 : i32
        %scatter3A_756 = tpu.memref_slice %arg7[%scatter3A_752, %scatter3A_753, %scatter3A_754, %scatter3A_755] : memref<4x8x8x128xf32, #tpu.memory_space<vmem>> -> memref<1x8x8x128xf32, #tpu.memory_space<vmem>>
        %scatter3A_757 = tpu.memref_squeeze %scatter3A_756 : memref<1x8x8x128xf32, #tpu.memory_space<vmem>> -> memref<8x8x128xf32, #tpu.memory_space<vmem>>
        tpu.vector_store_idx %scatter3A_757[%shift_right_arithmetic3A_636, %and3A_639, %add3A_88], %mul3A_751 : memref<8x8x128xf32, #tpu.memory_space<vmem>>[vector<16xi32>, vector<16xi32>, vector<16xi32>], vector<16xf32>,
        %add3A_758 = arith.constant 1 : i32
        %add3A_759 = vector.broadcast %add3A_758 : i32 to vector<16xi32>
        %add3A_760 = arith.addi %scan3A_631, %add3A_759 : vector<16xi32>
        %and3A_761 = arith.constant 15 : i32
        %and3A_762 = vector.broadcast %and3A_761 : i32 to vector<16xi32>
        %and3A_763 = arith.andi %add3A_760, %and3A_762 : vector<16xi32>
        scf.yield %and3A_763 : vector<16xi32>
      }
      %scan3A_481 = arith.constant 16 : i32
      %scan3A_482 = arith.constant 0 : i32
      %scan3A_483 = arith.constant 16 : i32
      %scan3A_484 = arith.addi %scan3A_482, %scan3A_483 : i32
      %scan3A_485 = arith.constant 1 : i32
      %scan3A_486 = scf.for %scan3A_630 = %scan3A_482 to %scan3A_484 step %scan3A_485 iter_args(%scan3A_631 = %add3A_60) -> (vector<16xi32>)  : i32 {
        %add3A_632 = arith.constant 32 : i32
        %add3A_633 = vector.broadcast %add3A_632 : i32 to vector<16xi32>
        %add3A_634 = arith.addi %scan3A_631, %add3A_633 : vector<16xi32>
        %shift_right_arithmetic3A = arith.constant 3 : i32
        %shift_right_arithmetic3A_635 = vector.broadcast %shift_right_arithmetic3A : i32 to vector<16xi32>
        %shift_right_arithmetic3A_636 = arith.shrsi %add3A_634, %shift_right_arithmetic3A_635 : vector<16xi32>
        %and3A_637 = arith.constant 7 : i32
        %and3A_638 = vector.broadcast %and3A_637 : i32 to vector<16xi32>
        %and3A_639 = arith.andi %add3A_634, %and3A_638 : vector<16xi32>
        %gather3A = arith.constant 2 : i32
        %gather3A_640 = arith.constant 0 : i32
        %gather3A_641 = arith.constant 0 : i32
        %gather3A_642 = tpu.memref_slice %arg6[%gather3A, %gather3A_640, %gather3A_641] : memref<4x128x64xf32, #tpu.memory_space<vmem>> -> memref<1x128x64xf32, #tpu.memory_space<vmem>>
        %gather3A_643 = tpu.memref_squeeze %gather3A_642 : memref<1x128x64xf32, #tpu.memory_space<vmem>> -> memref<128x64xf32, #tpu.memory_space<vmem>>
        %gather3A_644 = tpu.vector_load_idx %gather3A_643[%add3A_60, %add3A_634] : memref<128x64xf32, #tpu.memory_space<vmem>>[vector<16xi32>, vector<16xi32>], vector<16xf32>,
        %mul3A_645 = arith.constant 8.000000e+00 : f32
        %mul3A_646 = vector.broadcast %mul3A_645 : f32 to vector<16xf32>
        %mul3A_647 = arith.mulf %gather3A_644, %mul3A_646 : vector<16xf32>
        %scatter3A = arith.constant 2 : i32
        %scatter3A_648 = arith.constant 0 : i32
        %scatter3A_649 = arith.constant 0 : i32
        %scatter3A_650 = arith.constant 0 : i32
        %scatter3A_651 = tpu.memref_slice %arg7[%scatter3A, %scatter3A_648, %scatter3A_649, %scatter3A_650] : memref<4x8x8x128xf32, #tpu.memory_space<vmem>> -> memref<1x8x8x128xf32, #tpu.memory_space<vmem>>
        %scatter3A_652 = tpu.memref_squeeze %scatter3A_651 : memref<1x8x8x128xf32, #tpu.memory_space<vmem>> -> memref<8x8x128xf32, #tpu.memory_space<vmem>>
        tpu.vector_store_idx %scatter3A_652[%shift_right_arithmetic3A_636, %and3A_639, %add3A_60], %mul3A_647 : memref<8x8x128xf32, #tpu.memory_space<vmem>>[vector<16xi32>, vector<16xi32>, vector<16xi32>], vector<16xf32>,
        %gather3A_653 = arith.constant 2 : i32
        %gather3A_654 = arith.constant 0 : i32
        %gather3A_655 = arith.constant 0 : i32
        %gather3A_656 = tpu.memref_slice %arg6[%gather3A_653, %gather3A_654, %gather3A_655] : memref<4x128x64xf32, #tpu.memory_space<vmem>> -> memref<1x128x64xf32, #tpu.memory_space<vmem>>
        %gather3A_657 = tpu.memref_squeeze %gather3A_656 : memref<1x128x64xf32, #tpu.memory_space<vmem>> -> memref<128x64xf32, #tpu.memory_space<vmem>>
        %gather3A_658 = tpu.vector_load_idx %gather3A_657[%add3A_64, %add3A_634] : memref<128x64xf32, #tpu.memory_space<vmem>>[vector<16xi32>, vector<16xi32>], vector<16xf32>,
        %mul3A_659 = arith.constant 8.000000e+00 : f32
        %mul3A_660 = vector.broadcast %mul3A_659 : f32 to vector<16xf32>
        %mul3A_661 = arith.mulf %gather3A_658, %mul3A_660 : vector<16xf32>
        %scatter3A_662 = arith.constant 2 : i32
        %scatter3A_663 = arith.constant 0 : i32
        %scatter3A_664 = arith.constant 0 : i32
        %scatter3A_665 = arith.constant 0 : i32
        %scatter3A_666 = tpu.memref_slice %arg7[%scatter3A_662, %scatter3A_663, %scatter3A_664, %scatter3A_665] : memref<4x8x8x128xf32, #tpu.memory_space<vmem>> -> memref<1x8x8x128xf32, #tpu.memory_space<vmem>>
        %scatter3A_667 = tpu.memref_squeeze %scatter3A_666 : memref<1x8x8x128xf32, #tpu.memory_space<vmem>> -> memref<8x8x128xf32, #tpu.memory_space<vmem>>
        tpu.vector_store_idx %scatter3A_667[%shift_right_arithmetic3A_636, %and3A_639, %add3A_64], %mul3A_661 : memref<8x8x128xf32, #tpu.memory_space<vmem>>[vector<16xi32>, vector<16xi32>, vector<16xi32>], vector<16xf32>,
        %gather3A_668 = arith.constant 2 : i32
        %gather3A_669 = arith.constant 0 : i32
        %gather3A_670 = arith.constant 0 : i32
        %gather3A_671 = tpu.memref_slice %arg6[%gather3A_668, %gather3A_669, %gather3A_670] : memref<4x128x64xf32, #tpu.memory_space<vmem>> -> memref<1x128x64xf32, #tpu.memory_space<vmem>>
        %gather3A_672 = tpu.memref_squeeze %gather3A_671 : memref<1x128x64xf32, #tpu.memory_space<vmem>> -> memref<128x64xf32, #tpu.memory_space<vmem>>
        %gather3A_673 = tpu.vector_load_idx %gather3A_672[%add3A_68, %add3A_634] : memref<128x64xf32, #tpu.memory_space<vmem>>[vector<16xi32>, vector<16xi32>], vector<16xf32>,
        %mul3A_674 = arith.constant 8.000000e+00 : f32
        %mul3A_675 = vector.broadcast %mul3A_674 : f32 to vector<16xf32>
        %mul3A_676 = arith.mulf %gather3A_673, %mul3A_675 : vector<16xf32>
        %scatter3A_677 = arith.constant 2 : i32
        %scatter3A_678 = arith.constant 0 : i32
        %scatter3A_679 = arith.constant 0 : i32
        %scatter3A_680 = arith.constant 0 : i32
        %scatter3A_681 = tpu.memref_slice %arg7[%scatter3A_677, %scatter3A_678, %scatter3A_679, %scatter3A_680] : memref<4x8x8x128xf32, #tpu.memory_space<vmem>> -> memref<1x8x8x128xf32, #tpu.memory_space<vmem>>
        %scatter3A_682 = tpu.memref_squeeze %scatter3A_681 : memref<1x8x8x128xf32, #tpu.memory_space<vmem>> -> memref<8x8x128xf32, #tpu.memory_space<vmem>>
        tpu.vector_store_idx %scatter3A_682[%shift_right_arithmetic3A_636, %and3A_639, %add3A_68], %mul3A_676 : memref<8x8x128xf32, #tpu.memory_space<vmem>>[vector<16xi32>, vector<16xi32>, vector<16xi32>], vector<16xf32>,
        %gather3A_683 = arith.constant 2 : i32
        %gather3A_684 = arith.constant 0 : i32
        %gather3A_685 = arith.constant 0 : i32
        %gather3A_686 = tpu.memref_slice %arg6[%gather3A_683, %gather3A_684, %gather3A_685] : memref<4x128x64xf32, #tpu.memory_space<vmem>> -> memref<1x128x64xf32, #tpu.memory_space<vmem>>
        %gather3A_687 = tpu.memref_squeeze %gather3A_686 : memref<1x128x64xf32, #tpu.memory_space<vmem>> -> memref<128x64xf32, #tpu.memory_space<vmem>>
        %gather3A_688 = tpu.vector_load_idx %gather3A_687[%add3A_72, %add3A_634] : memref<128x64xf32, #tpu.memory_space<vmem>>[vector<16xi32>, vector<16xi32>], vector<16xf32>,
        %mul3A_689 = arith.constant 8.000000e+00 : f32
        %mul3A_690 = vector.broadcast %mul3A_689 : f32 to vector<16xf32>
        %mul3A_691 = arith.mulf %gather3A_688, %mul3A_690 : vector<16xf32>
        %scatter3A_692 = arith.constant 2 : i32
        %scatter3A_693 = arith.constant 0 : i32
        %scatter3A_694 = arith.constant 0 : i32
        %scatter3A_695 = arith.constant 0 : i32
        %scatter3A_696 = tpu.memref_slice %arg7[%scatter3A_692, %scatter3A_693, %scatter3A_694, %scatter3A_695] : memref<4x8x8x128xf32, #tpu.memory_space<vmem>> -> memref<1x8x8x128xf32, #tpu.memory_space<vmem>>
        %scatter3A_697 = tpu.memref_squeeze %scatter3A_696 : memref<1x8x8x128xf32, #tpu.memory_space<vmem>> -> memref<8x8x128xf32, #tpu.memory_space<vmem>>
        tpu.vector_store_idx %scatter3A_697[%shift_right_arithmetic3A_636, %and3A_639, %add3A_72], %mul3A_691 : memref<8x8x128xf32, #tpu.memory_space<vmem>>[vector<16xi32>, vector<16xi32>, vector<16xi32>], vector<16xf32>,
        %gather3A_698 = arith.constant 2 : i32
        %gather3A_699 = arith.constant 0 : i32
        %gather3A_700 = arith.constant 0 : i32
        %gather3A_701 = tpu.memref_slice %arg6[%gather3A_698, %gather3A_699, %gather3A_700] : memref<4x128x64xf32, #tpu.memory_space<vmem>> -> memref<1x128x64xf32, #tpu.memory_space<vmem>>
        %gather3A_702 = tpu.memref_squeeze %gather3A_701 : memref<1x128x64xf32, #tpu.memory_space<vmem>> -> memref<128x64xf32, #tpu.memory_space<vmem>>
        %gather3A_703 = tpu.vector_load_idx %gather3A_702[%add3A_76, %add3A_634] : memref<128x64xf32, #tpu.memory_space<vmem>>[vector<16xi32>, vector<16xi32>], vector<16xf32>,
        %mul3A_704 = arith.constant 8.000000e+00 : f32
        %mul3A_705 = vector.broadcast %mul3A_704 : f32 to vector<16xf32>
        %mul3A_706 = arith.mulf %gather3A_703, %mul3A_705 : vector<16xf32>
        %scatter3A_707 = arith.constant 2 : i32
        %scatter3A_708 = arith.constant 0 : i32
        %scatter3A_709 = arith.constant 0 : i32
        %scatter3A_710 = arith.constant 0 : i32
        %scatter3A_711 = tpu.memref_slice %arg7[%scatter3A_707, %scatter3A_708, %scatter3A_709, %scatter3A_710] : memref<4x8x8x128xf32, #tpu.memory_space<vmem>> -> memref<1x8x8x128xf32, #tpu.memory_space<vmem>>
        %scatter3A_712 = tpu.memref_squeeze %scatter3A_711 : memref<1x8x8x128xf32, #tpu.memory_space<vmem>> -> memref<8x8x128xf32, #tpu.memory_space<vmem>>
        tpu.vector_store_idx %scatter3A_712[%shift_right_arithmetic3A_636, %and3A_639, %add3A_76], %mul3A_706 : memref<8x8x128xf32, #tpu.memory_space<vmem>>[vector<16xi32>, vector<16xi32>, vector<16xi32>], vector<16xf32>,
        %gather3A_713 = arith.constant 2 : i32
        %gather3A_714 = arith.constant 0 : i32
        %gather3A_715 = arith.constant 0 : i32
        %gather3A_716 = tpu.memref_slice %arg6[%gather3A_713, %gather3A_714, %gather3A_715] : memref<4x128x64xf32, #tpu.memory_space<vmem>> -> memref<1x128x64xf32, #tpu.memory_space<vmem>>
        %gather3A_717 = tpu.memref_squeeze %gather3A_716 : memref<1x128x64xf32, #tpu.memory_space<vmem>> -> memref<128x64xf32, #tpu.memory_space<vmem>>
        %gather3A_718 = tpu.vector_load_idx %gather3A_717[%add3A_80, %add3A_634] : memref<128x64xf32, #tpu.memory_space<vmem>>[vector<16xi32>, vector<16xi32>], vector<16xf32>,
        %mul3A_719 = arith.constant 8.000000e+00 : f32
        %mul3A_720 = vector.broadcast %mul3A_719 : f32 to vector<16xf32>
        %mul3A_721 = arith.mulf %gather3A_718, %mul3A_720 : vector<16xf32>
        %scatter3A_722 = arith.constant 2 : i32
        %scatter3A_723 = arith.constant 0 : i32
        %scatter3A_724 = arith.constant 0 : i32
        %scatter3A_725 = arith.constant 0 : i32
        %scatter3A_726 = tpu.memref_slice %arg7[%scatter3A_722, %scatter3A_723, %scatter3A_724, %scatter3A_725] : memref<4x8x8x128xf32, #tpu.memory_space<vmem>> -> memref<1x8x8x128xf32, #tpu.memory_space<vmem>>
        %scatter3A_727 = tpu.memref_squeeze %scatter3A_726 : memref<1x8x8x128xf32, #tpu.memory_space<vmem>> -> memref<8x8x128xf32, #tpu.memory_space<vmem>>
        tpu.vector_store_idx %scatter3A_727[%shift_right_arithmetic3A_636, %and3A_639, %add3A_80], %mul3A_721 : memref<8x8x128xf32, #tpu.memory_space<vmem>>[vector<16xi32>, vector<16xi32>, vector<16xi32>], vector<16xf32>,
        %gather3A_728 = arith.constant 2 : i32
        %gather3A_729 = arith.constant 0 : i32
        %gather3A_730 = arith.constant 0 : i32
        %gather3A_731 = tpu.memref_slice %arg6[%gather3A_728, %gather3A_729, %gather3A_730] : memref<4x128x64xf32, #tpu.memory_space<vmem>> -> memref<1x128x64xf32, #tpu.memory_space<vmem>>
        %gather3A_732 = tpu.memref_squeeze %gather3A_731 : memref<1x128x64xf32, #tpu.memory_space<vmem>> -> memref<128x64xf32, #tpu.memory_space<vmem>>
        %gather3A_733 = tpu.vector_load_idx %gather3A_732[%add3A_84, %add3A_634] : memref<128x64xf32, #tpu.memory_space<vmem>>[vector<16xi32>, vector<16xi32>], vector<16xf32>,
        %mul3A_734 = arith.constant 8.000000e+00 : f32
        %mul3A_735 = vector.broadcast %mul3A_734 : f32 to vector<16xf32>
        %mul3A_736 = arith.mulf %gather3A_733, %mul3A_735 : vector<16xf32>
        %scatter3A_737 = arith.constant 2 : i32
        %scatter3A_738 = arith.constant 0 : i32
        %scatter3A_739 = arith.constant 0 : i32
        %scatter3A_740 = arith.constant 0 : i32
        %scatter3A_741 = tpu.memref_slice %arg7[%scatter3A_737, %scatter3A_738, %scatter3A_739, %scatter3A_740] : memref<4x8x8x128xf32, #tpu.memory_space<vmem>> -> memref<1x8x8x128xf32, #tpu.memory_space<vmem>>
        %scatter3A_742 = tpu.memref_squeeze %scatter3A_741 : memref<1x8x8x128xf32, #tpu.memory_space<vmem>> -> memref<8x8x128xf32, #tpu.memory_space<vmem>>
        tpu.vector_store_idx %scatter3A_742[%shift_right_arithmetic3A_636, %and3A_639, %add3A_84], %mul3A_736 : memref<8x8x128xf32, #tpu.memory_space<vmem>>[vector<16xi32>, vector<16xi32>, vector<16xi32>], vector<16xf32>,
        %gather3A_743 = arith.constant 2 : i32
        %gather3A_744 = arith.constant 0 : i32
        %gather3A_745 = arith.constant 0 : i32
        %gather3A_746 = tpu.memref_slice %arg6[%gather3A_743, %gather3A_744, %gather3A_745] : memref<4x128x64xf32, #tpu.memory_space<vmem>> -> memref<1x128x64xf32, #tpu.memory_space<vmem>>
        %gather3A_747 = tpu.memref_squeeze %gather3A_746 : memref<1x128x64xf32, #tpu.memory_space<vmem>> -> memref<128x64xf32, #tpu.memory_space<vmem>>
        %gather3A_748 = tpu.vector_load_idx %gather3A_747[%add3A_88, %add3A_634] : memref<128x64xf32, #tpu.memory_space<vmem>>[vector<16xi32>, vector<16xi32>], vector<16xf32>,
        %mul3A_749 = arith.constant 8.000000e+00 : f32
        %mul3A_750 = vector.broadcast %mul3A_749 : f32 to vector<16xf32>
        %mul3A_751 = arith.mulf %gather3A_748, %mul3A_750 : vector<16xf32>
        %scatter3A_752 = arith.constant 2 : i32
        %scatter3A_753 = arith.constant 0 : i32
        %scatter3A_754 = arith.constant 0 : i32
        %scatter3A_755 = arith.constant 0 : i32
        %scatter3A_756 = tpu.memref_slice %arg7[%scatter3A_752, %scatter3A_753, %scatter3A_754, %scatter3A_755] : memref<4x8x8x128xf32, #tpu.memory_space<vmem>> -> memref<1x8x8x128xf32, #tpu.memory_space<vmem>>
        %scatter3A_757 = tpu.memref_squeeze %scatter3A_756 : memref<1x8x8x128xf32, #tpu.memory_space<vmem>> -> memref<8x8x128xf32, #tpu.memory_space<vmem>>
        tpu.vector_store_idx %scatter3A_757[%shift_right_arithmetic3A_636, %and3A_639, %add3A_88], %mul3A_751 : memref<8x8x128xf32, #tpu.memory_space<vmem>>[vector<16xi32>, vector<16xi32>, vector<16xi32>], vector<16xf32>,
        %add3A_758 = arith.constant 1 : i32
        %add3A_759 = vector.broadcast %add3A_758 : i32 to vector<16xi32>
        %add3A_760 = arith.addi %scan3A_631, %add3A_759 : vector<16xi32>
        %and3A_761 = arith.constant 15 : i32
        %and3A_762 = vector.broadcast %and3A_761 : i32 to vector<16xi32>
        %and3A_763 = arith.andi %add3A_760, %and3A_762 : vector<16xi32>
        scf.yield %and3A_763 : vector<16xi32>
      }
      %scan3A_487 = arith.constant 16 : i32
      %scan3A_488 = arith.constant 0 : i32
      %scan3A_489 = arith.constant 16 : i32
      %scan3A_490 = arith.addi %scan3A_488, %scan3A_489 : i32
      %scan3A_491 = arith.constant 1 : i32
      %scan3A_492 = scf.for %scan3A_630 = %scan3A_488 to %scan3A_490 step %scan3A_491 iter_args(%scan3A_631 = %add3A_60) -> (vector<16xi32>)  : i32 {
        %add3A_632 = arith.constant 48 : i32
        %add3A_633 = vector.broadcast %add3A_632 : i32 to vector<16xi32>
        %add3A_634 = arith.addi %scan3A_631, %add3A_633 : vector<16xi32>
        %shift_right_arithmetic3A = arith.constant 3 : i32
        %shift_right_arithmetic3A_635 = vector.broadcast %shift_right_arithmetic3A : i32 to vector<16xi32>
        %shift_right_arithmetic3A_636 = arith.shrsi %add3A_634, %shift_right_arithmetic3A_635 : vector<16xi32>
        %and3A_637 = arith.constant 7 : i32
        %and3A_638 = vector.broadcast %and3A_637 : i32 to vector<16xi32>
        %and3A_639 = arith.andi %add3A_634, %and3A_638 : vector<16xi32>
        %gather3A = arith.constant 2 : i32
        %gather3A_640 = arith.constant 0 : i32
        %gather3A_641 = arith.constant 0 : i32
        %gather3A_642 = tpu.memref_slice %arg6[%gather3A, %gather3A_640, %gather3A_641] : memref<4x128x64xf32, #tpu.memory_space<vmem>> -> memref<1x128x64xf32, #tpu.memory_space<vmem>>
        %gather3A_643 = tpu.memref_squeeze %gather3A_642 : memref<1x128x64xf32, #tpu.memory_space<vmem>> -> memref<128x64xf32, #tpu.memory_space<vmem>>
        %gather3A_644 = tpu.vector_load_idx %gather3A_643[%add3A_60, %add3A_634] : memref<128x64xf32, #tpu.memory_space<vmem>>[vector<16xi32>, vector<16xi32>], vector<16xf32>,
        %mul3A_645 = arith.constant 8.000000e+00 : f32
        %mul3A_646 = vector.broadcast %mul3A_645 : f32 to vector<16xf32>
        %mul3A_647 = arith.mulf %gather3A_644, %mul3A_646 : vector<16xf32>
        %scatter3A = arith.constant 2 : i32
        %scatter3A_648 = arith.constant 0 : i32
        %scatter3A_649 = arith.constant 0 : i32
        %scatter3A_650 = arith.constant 0 : i32
        %scatter3A_651 = tpu.memref_slice %arg7[%scatter3A, %scatter3A_648, %scatter3A_649, %scatter3A_650] : memref<4x8x8x128xf32, #tpu.memory_space<vmem>> -> memref<1x8x8x128xf32, #tpu.memory_space<vmem>>
        %scatter3A_652 = tpu.memref_squeeze %scatter3A_651 : memref<1x8x8x128xf32, #tpu.memory_space<vmem>> -> memref<8x8x128xf32, #tpu.memory_space<vmem>>
        tpu.vector_store_idx %scatter3A_652[%shift_right_arithmetic3A_636, %and3A_639, %add3A_60], %mul3A_647 : memref<8x8x128xf32, #tpu.memory_space<vmem>>[vector<16xi32>, vector<16xi32>, vector<16xi32>], vector<16xf32>,
        %gather3A_653 = arith.constant 2 : i32
        %gather3A_654 = arith.constant 0 : i32
        %gather3A_655 = arith.constant 0 : i32
        %gather3A_656 = tpu.memref_slice %arg6[%gather3A_653, %gather3A_654, %gather3A_655] : memref<4x128x64xf32, #tpu.memory_space<vmem>> -> memref<1x128x64xf32, #tpu.memory_space<vmem>>
        %gather3A_657 = tpu.memref_squeeze %gather3A_656 : memref<1x128x64xf32, #tpu.memory_space<vmem>> -> memref<128x64xf32, #tpu.memory_space<vmem>>
        %gather3A_658 = tpu.vector_load_idx %gather3A_657[%add3A_64, %add3A_634] : memref<128x64xf32, #tpu.memory_space<vmem>>[vector<16xi32>, vector<16xi32>], vector<16xf32>,
        %mul3A_659 = arith.constant 8.000000e+00 : f32
        %mul3A_660 = vector.broadcast %mul3A_659 : f32 to vector<16xf32>
        %mul3A_661 = arith.mulf %gather3A_658, %mul3A_660 : vector<16xf32>
        %scatter3A_662 = arith.constant 2 : i32
        %scatter3A_663 = arith.constant 0 : i32
        %scatter3A_664 = arith.constant 0 : i32
        %scatter3A_665 = arith.constant 0 : i32
        %scatter3A_666 = tpu.memref_slice %arg7[%scatter3A_662, %scatter3A_663, %scatter3A_664, %scatter3A_665] : memref<4x8x8x128xf32, #tpu.memory_space<vmem>> -> memref<1x8x8x128xf32, #tpu.memory_space<vmem>>
        %scatter3A_667 = tpu.memref_squeeze %scatter3A_666 : memref<1x8x8x128xf32, #tpu.memory_space<vmem>> -> memref<8x8x128xf32, #tpu.memory_space<vmem>>
        tpu.vector_store_idx %scatter3A_667[%shift_right_arithmetic3A_636, %and3A_639, %add3A_64], %mul3A_661 : memref<8x8x128xf32, #tpu.memory_space<vmem>>[vector<16xi32>, vector<16xi32>, vector<16xi32>], vector<16xf32>,
        %gather3A_668 = arith.constant 2 : i32
        %gather3A_669 = arith.constant 0 : i32
        %gather3A_670 = arith.constant 0 : i32
        %gather3A_671 = tpu.memref_slice %arg6[%gather3A_668, %gather3A_669, %gather3A_670] : memref<4x128x64xf32, #tpu.memory_space<vmem>> -> memref<1x128x64xf32, #tpu.memory_space<vmem>>
        %gather3A_672 = tpu.memref_squeeze %gather3A_671 : memref<1x128x64xf32, #tpu.memory_space<vmem>> -> memref<128x64xf32, #tpu.memory_space<vmem>>
        %gather3A_673 = tpu.vector_load_idx %gather3A_672[%add3A_68, %add3A_634] : memref<128x64xf32, #tpu.memory_space<vmem>>[vector<16xi32>, vector<16xi32>], vector<16xf32>,
        %mul3A_674 = arith.constant 8.000000e+00 : f32
        %mul3A_675 = vector.broadcast %mul3A_674 : f32 to vector<16xf32>
        %mul3A_676 = arith.mulf %gather3A_673, %mul3A_675 : vector<16xf32>
        %scatter3A_677 = arith.constant 2 : i32
        %scatter3A_678 = arith.constant 0 : i32
        %scatter3A_679 = arith.constant 0 : i32
        %scatter3A_680 = arith.constant 0 : i32
        %scatter3A_681 = tpu.memref_slice %arg7[%scatter3A_677, %scatter3A_678, %scatter3A_679, %scatter3A_680] : memref<4x8x8x128xf32, #tpu.memory_space<vmem>> -> memref<1x8x8x128xf32, #tpu.memory_space<vmem>>
        %scatter3A_682 = tpu.memref_squeeze %scatter3A_681 : memref<1x8x8x128xf32, #tpu.memory_space<vmem>> -> memref<8x8x128xf32, #tpu.memory_space<vmem>>
        tpu.vector_store_idx %scatter3A_682[%shift_right_arithmetic3A_636, %and3A_639, %add3A_68], %mul3A_676 : memref<8x8x128xf32, #tpu.memory_space<vmem>>[vector<16xi32>, vector<16xi32>, vector<16xi32>], vector<16xf32>,
        %gather3A_683 = arith.constant 2 : i32
        %gather3A_684 = arith.constant 0 : i32
        %gather3A_685 = arith.constant 0 : i32
        %gather3A_686 = tpu.memref_slice %arg6[%gather3A_683, %gather3A_684, %gather3A_685] : memref<4x128x64xf32, #tpu.memory_space<vmem>> -> memref<1x128x64xf32, #tpu.memory_space<vmem>>
        %gather3A_687 = tpu.memref_squeeze %gather3A_686 : memref<1x128x64xf32, #tpu.memory_space<vmem>> -> memref<128x64xf32, #tpu.memory_space<vmem>>
        %gather3A_688 = tpu.vector_load_idx %gather3A_687[%add3A_72, %add3A_634] : memref<128x64xf32, #tpu.memory_space<vmem>>[vector<16xi32>, vector<16xi32>], vector<16xf32>,
        %mul3A_689 = arith.constant 8.000000e+00 : f32
        %mul3A_690 = vector.broadcast %mul3A_689 : f32 to vector<16xf32>
        %mul3A_691 = arith.mulf %gather3A_688, %mul3A_690 : vector<16xf32>
        %scatter3A_692 = arith.constant 2 : i32
        %scatter3A_693 = arith.constant 0 : i32
        %scatter3A_694 = arith.constant 0 : i32
        %scatter3A_695 = arith.constant 0 : i32
        %scatter3A_696 = tpu.memref_slice %arg7[%scatter3A_692, %scatter3A_693, %scatter3A_694, %scatter3A_695] : memref<4x8x8x128xf32, #tpu.memory_space<vmem>> -> memref<1x8x8x128xf32, #tpu.memory_space<vmem>>
        %scatter3A_697 = tpu.memref_squeeze %scatter3A_696 : memref<1x8x8x128xf32, #tpu.memory_space<vmem>> -> memref<8x8x128xf32, #tpu.memory_space<vmem>>
        tpu.vector_store_idx %scatter3A_697[%shift_right_arithmetic3A_636, %and3A_639, %add3A_72], %mul3A_691 : memref<8x8x128xf32, #tpu.memory_space<vmem>>[vector<16xi32>, vector<16xi32>, vector<16xi32>], vector<16xf32>,
        %gather3A_698 = arith.constant 2 : i32
        %gather3A_699 = arith.constant 0 : i32
        %gather3A_700 = arith.constant 0 : i32
        %gather3A_701 = tpu.memref_slice %arg6[%gather3A_698, %gather3A_699, %gather3A_700] : memref<4x128x64xf32, #tpu.memory_space<vmem>> -> memref<1x128x64xf32, #tpu.memory_space<vmem>>
        %gather3A_702 = tpu.memref_squeeze %gather3A_701 : memref<1x128x64xf32, #tpu.memory_space<vmem>> -> memref<128x64xf32, #tpu.memory_space<vmem>>
        %gather3A_703 = tpu.vector_load_idx %gather3A_702[%add3A_76, %add3A_634] : memref<128x64xf32, #tpu.memory_space<vmem>>[vector<16xi32>, vector<16xi32>], vector<16xf32>,
        %mul3A_704 = arith.constant 8.000000e+00 : f32
        %mul3A_705 = vector.broadcast %mul3A_704 : f32 to vector<16xf32>
        %mul3A_706 = arith.mulf %gather3A_703, %mul3A_705 : vector<16xf32>
        %scatter3A_707 = arith.constant 2 : i32
        %scatter3A_708 = arith.constant 0 : i32
        %scatter3A_709 = arith.constant 0 : i32
        %scatter3A_710 = arith.constant 0 : i32
        %scatter3A_711 = tpu.memref_slice %arg7[%scatter3A_707, %scatter3A_708, %scatter3A_709, %scatter3A_710] : memref<4x8x8x128xf32, #tpu.memory_space<vmem>> -> memref<1x8x8x128xf32, #tpu.memory_space<vmem>>
        %scatter3A_712 = tpu.memref_squeeze %scatter3A_711 : memref<1x8x8x128xf32, #tpu.memory_space<vmem>> -> memref<8x8x128xf32, #tpu.memory_space<vmem>>
        tpu.vector_store_idx %scatter3A_712[%shift_right_arithmetic3A_636, %and3A_639, %add3A_76], %mul3A_706 : memref<8x8x128xf32, #tpu.memory_space<vmem>>[vector<16xi32>, vector<16xi32>, vector<16xi32>], vector<16xf32>,
        %gather3A_713 = arith.constant 2 : i32
        %gather3A_714 = arith.constant 0 : i32
        %gather3A_715 = arith.constant 0 : i32
        %gather3A_716 = tpu.memref_slice %arg6[%gather3A_713, %gather3A_714, %gather3A_715] : memref<4x128x64xf32, #tpu.memory_space<vmem>> -> memref<1x128x64xf32, #tpu.memory_space<vmem>>
        %gather3A_717 = tpu.memref_squeeze %gather3A_716 : memref<1x128x64xf32, #tpu.memory_space<vmem>> -> memref<128x64xf32, #tpu.memory_space<vmem>>
        %gather3A_718 = tpu.vector_load_idx %gather3A_717[%add3A_80, %add3A_634] : memref<128x64xf32, #tpu.memory_space<vmem>>[vector<16xi32>, vector<16xi32>], vector<16xf32>,
        %mul3A_719 = arith.constant 8.000000e+00 : f32
        %mul3A_720 = vector.broadcast %mul3A_719 : f32 to vector<16xf32>
        %mul3A_721 = arith.mulf %gather3A_718, %mul3A_720 : vector<16xf32>
        %scatter3A_722 = arith.constant 2 : i32
        %scatter3A_723 = arith.constant 0 : i32
        %scatter3A_724 = arith.constant 0 : i32
        %scatter3A_725 = arith.constant 0 : i32
        %scatter3A_726 = tpu.memref_slice %arg7[%scatter3A_722, %scatter3A_723, %scatter3A_724, %scatter3A_725] : memref<4x8x8x128xf32, #tpu.memory_space<vmem>> -> memref<1x8x8x128xf32, #tpu.memory_space<vmem>>
        %scatter3A_727 = tpu.memref_squeeze %scatter3A_726 : memref<1x8x8x128xf32, #tpu.memory_space<vmem>> -> memref<8x8x128xf32, #tpu.memory_space<vmem>>
        tpu.vector_store_idx %scatter3A_727[%shift_right_arithmetic3A_636, %and3A_639, %add3A_80], %mul3A_721 : memref<8x8x128xf32, #tpu.memory_space<vmem>>[vector<16xi32>, vector<16xi32>, vector<16xi32>], vector<16xf32>,
        %gather3A_728 = arith.constant 2 : i32
        %gather3A_729 = arith.constant 0 : i32
        %gather3A_730 = arith.constant 0 : i32
        %gather3A_731 = tpu.memref_slice %arg6[%gather3A_728, %gather3A_729, %gather3A_730] : memref<4x128x64xf32, #tpu.memory_space<vmem>> -> memref<1x128x64xf32, #tpu.memory_space<vmem>>
        %gather3A_732 = tpu.memref_squeeze %gather3A_731 : memref<1x128x64xf32, #tpu.memory_space<vmem>> -> memref<128x64xf32, #tpu.memory_space<vmem>>
        %gather3A_733 = tpu.vector_load_idx %gather3A_732[%add3A_84, %add3A_634] : memref<128x64xf32, #tpu.memory_space<vmem>>[vector<16xi32>, vector<16xi32>], vector<16xf32>,
        %mul3A_734 = arith.constant 8.000000e+00 : f32
        %mul3A_735 = vector.broadcast %mul3A_734 : f32 to vector<16xf32>
        %mul3A_736 = arith.mulf %gather3A_733, %mul3A_735 : vector<16xf32>
        %scatter3A_737 = arith.constant 2 : i32
        %scatter3A_738 = arith.constant 0 : i32
        %scatter3A_739 = arith.constant 0 : i32
        %scatter3A_740 = arith.constant 0 : i32
        %scatter3A_741 = tpu.memref_slice %arg7[%scatter3A_737, %scatter3A_738, %scatter3A_739, %scatter3A_740] : memref<4x8x8x128xf32, #tpu.memory_space<vmem>> -> memref<1x8x8x128xf32, #tpu.memory_space<vmem>>
        %scatter3A_742 = tpu.memref_squeeze %scatter3A_741 : memref<1x8x8x128xf32, #tpu.memory_space<vmem>> -> memref<8x8x128xf32, #tpu.memory_space<vmem>>
        tpu.vector_store_idx %scatter3A_742[%shift_right_arithmetic3A_636, %and3A_639, %add3A_84], %mul3A_736 : memref<8x8x128xf32, #tpu.memory_space<vmem>>[vector<16xi32>, vector<16xi32>, vector<16xi32>], vector<16xf32>,
        %gather3A_743 = arith.constant 2 : i32
        %gather3A_744 = arith.constant 0 : i32
        %gather3A_745 = arith.constant 0 : i32
        %gather3A_746 = tpu.memref_slice %arg6[%gather3A_743, %gather3A_744, %gather3A_745] : memref<4x128x64xf32, #tpu.memory_space<vmem>> -> memref<1x128x64xf32, #tpu.memory_space<vmem>>
        %gather3A_747 = tpu.memref_squeeze %gather3A_746 : memref<1x128x64xf32, #tpu.memory_space<vmem>> -> memref<128x64xf32, #tpu.memory_space<vmem>>
        %gather3A_748 = tpu.vector_load_idx %gather3A_747[%add3A_88, %add3A_634] : memref<128x64xf32, #tpu.memory_space<vmem>>[vector<16xi32>, vector<16xi32>], vector<16xf32>,
        %mul3A_749 = arith.constant 8.000000e+00 : f32
        %mul3A_750 = vector.broadcast %mul3A_749 : f32 to vector<16xf32>
        %mul3A_751 = arith.mulf %gather3A_748, %mul3A_750 : vector<16xf32>
        %scatter3A_752 = arith.constant 2 : i32
        %scatter3A_753 = arith.constant 0 : i32
        %scatter3A_754 = arith.constant 0 : i32
        %scatter3A_755 = arith.constant 0 : i32
        %scatter3A_756 = tpu.memref_slice %arg7[%scatter3A_752, %scatter3A_753, %scatter3A_754, %scatter3A_755] : memref<4x8x8x128xf32, #tpu.memory_space<vmem>> -> memref<1x8x8x128xf32, #tpu.memory_space<vmem>>
        %scatter3A_757 = tpu.memref_squeeze %scatter3A_756 : memref<1x8x8x128xf32, #tpu.memory_space<vmem>> -> memref<8x8x128xf32, #tpu.memory_space<vmem>>
        tpu.vector_store_idx %scatter3A_757[%shift_right_arithmetic3A_636, %and3A_639, %add3A_88], %mul3A_751 : memref<8x8x128xf32, #tpu.memory_space<vmem>>[vector<16xi32>, vector<16xi32>, vector<16xi32>], vector<16xf32>,
        %add3A_758 = arith.constant 1 : i32
        %add3A_759 = vector.broadcast %add3A_758 : i32 to vector<16xi32>
        %add3A_760 = arith.addi %scan3A_631, %add3A_759 : vector<16xi32>
        %and3A_761 = arith.constant 15 : i32
        %and3A_762 = vector.broadcast %and3A_761 : i32 to vector<16xi32>
        %and3A_763 = arith.andi %add3A_760, %and3A_762 : vector<16xi32>
        scf.yield %and3A_763 : vector<16xi32>
      }
      %scan3A_493 = arith.constant 16 : i32
      %dma_start3A_494 = arith.constant 2 : i32
      %dma_start3A_495 = arith.constant 2 : i32
      %dma_start3A_496 = arith.constant 0 : i32
      %dma_start3A_497 = arith.constant 0 : i32
      %dma_start3A_498 = arith.constant 0 : i32
      %dma_start3A_499 = tpu.memref_slice %arg7[%dma_start3A_494, %dma_start3A_496, %dma_start3A_497, %dma_start3A_498] : memref<4x8x8x128xf32, #tpu.memory_space<vmem>> -> memref<1x8x8x128xf32, #tpu.memory_space<vmem>>
      %dma_start3A_500 = tpu.memref_squeeze %dma_start3A_499 : memref<1x8x8x128xf32, #tpu.memory_space<vmem>> -> memref<8x8x128xf32, #tpu.memory_space<vmem>>
      %dma_start3A_501 = arith.constant 0 : i32
      %dma_start3A_502 = arith.constant 0 : i32
      %dma_start3A_503 = arith.constant 0 : i32
      %dma_start3A_504 = tpu.memref_slice %arg4[%select_n3A_445, %dma_start3A_501, %add3A_450, %dma_start3A_502, %dma_start3A_503] : memref<50x8x128x8x128xf32, #tpu.memory_space<hbm>> -> memref<1x8x1x8x128xf32, #tpu.memory_space<hbm>>
      %dma_start3A_505 = tpu.memref_squeeze %dma_start3A_504 : memref<1x8x1x8x128xf32, #tpu.memory_space<hbm>> -> memref<8x8x128xf32, #tpu.memory_space<hbm>>
      %dma_start3A_506 = tpu.memref_slice %arg10[%dma_start3A_495] : memref<4x!tpu.dma_semaphore, #tpu.memory_space<semaphore_mem>> -> memref<1x!tpu.dma_semaphore, #tpu.memory_space<semaphore_mem>>
      %dma_start3A_507 = tpu.memref_squeeze %dma_start3A_506 : memref<1x!tpu.dma_semaphore, #tpu.memory_space<semaphore_mem>> -> memref<!tpu.dma_semaphore, #tpu.memory_space<semaphore_mem>>
      %dma_start3A_508 = arith.constant 0 : i32
      %dma_start3A_509 = arith.constant 0 : i32
      %dma_start3A_510 = arith.constant 0 : i32
      %dma_start3A_511 = tpu.memref_slice %arg4[%select_n3A_445, %dma_start3A_508, %add3A_450, %dma_start3A_509, %dma_start3A_510] : memref<50x8x128x8x128xf32, #tpu.memory_space<hbm>> -> memref<1x8x1x8x128xf32, #tpu.memory_space<hbm>>
      %dma_start3A_512 = tpu.memref_squeeze %dma_start3A_511 : memref<1x8x1x8x128xf32, #tpu.memory_space<hbm>> -> memref<8x8x128xf32, #tpu.memory_space<hbm>>
      %dma_start3A_513 = arith.constant 0 : i32
      %dma_start3A_514 = arith.constant 0 : i32
      %dma_start3A_515 = arith.constant 0 : i32
      %dma_start3A_516 = tpu.memref_slice %arg7[%dma_start3A_494, %dma_start3A_513, %dma_start3A_514, %dma_start3A_515] : memref<4x8x8x128xf32, #tpu.memory_space<vmem>> -> memref<1x8x8x128xf32, #tpu.memory_space<vmem>>
      %dma_start3A_517 = tpu.memref_squeeze %dma_start3A_516 : memref<1x8x8x128xf32, #tpu.memory_space<vmem>> -> memref<8x8x128xf32, #tpu.memory_space<vmem>>
      tpu.enqueue_dma source(%dma_start3A_517 : memref<8x8x128xf32, #tpu.memory_space<vmem>>) target(%dma_start3A_512 : memref<8x8x128xf32, #tpu.memory_space<hbm>>) target_semaphore(%dma_start3A_507 : memref<!tpu.dma_semaphore, #tpu.memory_space<semaphore_mem>>)
      %add3A_518 = arith.constant 3 : i32
      %add3A_519 = arith.addi %add3A_421, %add3A_518 : i32
      %lt3A_520 = arith.constant 200 : i32
      %lt3A_521 = arith.cmpi slt, %add3A_519, %lt3A_520 : i32
      %convert_element_type3A_522 = arith.extui %lt3A_521 : i1 to i32
      %cond3A_523 = arith.constant 0 : i32
      %cond3A_524 = arith.cmpi ne, %convert_element_type3A_522, %cond3A_523 : i32
      scf.if %cond3A_524 {
        %dma_start3A_630 = arith.constant 1 : i32
        %dma_start3A_631 = arith.constant 1 : i32
        %dma_start3A_632 = arith.constant 0 : i32
        %dma_start3A_633 = arith.constant 0 : i32
        %dma_start3A_634 = tpu.memref_slice %arg6[%dma_start3A_630, %dma_start3A_632, %dma_start3A_633] : memref<4x128x64xf32, #tpu.memory_space<vmem>> -> memref<1x128x64xf32, #tpu.memory_space<vmem>>
        %dma_start3A_635 = tpu.memref_squeeze %dma_start3A_634 : memref<1x128x64xf32, #tpu.memory_space<vmem>> -> memref<128x64xf32, #tpu.memory_space<vmem>>
        %dma_start3A_636 = arith.constant 0 : i32
        %dma_start3A_637 = tpu.memref_slice %arg5[%add3A_519, %dma_start3A_636] : memref<200x128xi32, #tpu.memory_space<vmem>> -> memref<1x128xi32, #tpu.memory_space<vmem>>
        %dma_start3A_638 = tpu.memref_squeeze %dma_start3A_637 : memref<1x128xi32, #tpu.memory_space<vmem>> -> memref<128xi32, #tpu.memory_space<vmem>>
        %dma_start3A_639 = arith.constant 0 : i32
        %dma_start3A_640 = arith.constant 0 : i32
        %dma_start3A_641 = tpu.memref_slice %arg3[%dma_start3A_639, %dma_start3A_640] : memref<1000000x64xf32, #tpu.memory_space<hbm>> -> memref<1000000x64xf32, #tpu.memory_space<hbm>>
        %dma_start3A_642 = tpu.memref_slice %arg9[%dma_start3A_631] : memref<4x!tpu.dma_semaphore, #tpu.memory_space<semaphore_mem>> -> memref<1x!tpu.dma_semaphore, #tpu.memory_space<semaphore_mem>>
        %dma_start3A_643 = tpu.memref_squeeze %dma_start3A_642 : memref<1x!tpu.dma_semaphore, #tpu.memory_space<semaphore_mem>> -> memref<!tpu.dma_semaphore, #tpu.memory_space<semaphore_mem>>
        tpu.enqueue_indirect_dma source(%dma_start3A_641 : memref<1000000x64xf32, #tpu.memory_space<hbm>>) target(%dma_start3A_635 : memref<128x64xf32, #tpu.memory_space<vmem>>) offsets(%dma_start3A_638 : memref<128xi32, #tpu.memory_space<vmem>>) semaphore(%dma_start3A_643 : memref<!tpu.dma_semaphore, #tpu.memory_space<semaphore_mem>>)
      } else {
      }
      %add3A_525 = arith.constant 3 : i32
      %add3A_526 = arith.addi %add3A_220, %add3A_525 : i32
      %jit3A_527 = arith.constant 4 : i32
      %div3A_528 = arith.divsi %add3A_526, %jit3A_527 : i32
      %sign3A_529 = arith.constant 0 : i32
      %sign3A_530 = arith.cmpi sgt, %add3A_526, %sign3A_529 : i32
      %sign3A_531 = arith.extui %sign3A_530 : i1 to i32
      %sign3A_532 = arith.constant 0 : i32
      %sign3A_533 = arith.cmpi slt, %add3A_526, %sign3A_532 : i32
      %sign3A_534 = arith.extui %sign3A_533 : i1 to i32
      %sign3A_535 = arith.subi %sign3A_531, %sign3A_534 : i32
      %sign3A_536 = arith.constant 0 : i32
      %sign3A_537 = arith.cmpi sgt, %jit3A_527, %sign3A_536 : i32
      %sign3A_538 = arith.extui %sign3A_537 : i1 to i32
      %sign3A_539 = arith.constant 0 : i32
      %sign3A_540 = arith.cmpi slt, %jit3A_527, %sign3A_539 : i32
      %sign3A_541 = arith.extui %sign3A_540 : i1 to i32
      %sign3A_542 = arith.subi %sign3A_538, %sign3A_541 : i32
      %ne3A_543 = arith.cmpi ne, %sign3A_535, %sign3A_542 : i32
      %rem3A_544 = arith.remsi %add3A_526, %jit3A_527 : i32
      %ne3A_545 = arith.constant 0 : i32
      %ne3A_546 = arith.cmpi ne, %rem3A_544, %ne3A_545 : i32
      %and3A_547 = arith.andi %ne3A_543, %ne3A_546 : i1
      %sub3A_548 = arith.constant 1 : i32
      %sub3A_549 = arith.subi %div3A_528, %sub3A_548 : i32
      %select_n3A_550 = arith.select %and3A_547, %sub3A_549, %div3A_528 : i32
      %mul3A_551 = arith.constant 4 : i32
      %mul3A_552 = arith.muli %add3A, %mul3A_551 : i32
      %rem3A_553 = arith.constant 4 : i32
      %rem3A_554 = arith.remsi %add3A_526, %rem3A_553 : i32
      %add3A_555 = arith.addi %mul3A_552, %rem3A_554 : i32
      %dma_wait3A_556 = arith.constant 3 : i32
      %dma_wait3A_557 = arith.constant 3 : i32
      %dma_wait3A_558 = arith.constant 0 : i32
      %dma_wait3A_559 = arith.constant 0 : i32
      %dma_wait3A_560 = tpu.memref_slice %arg6[%dma_wait3A_556, %dma_wait3A_558, %dma_wait3A_559] : memref<4x128x64xf32, #tpu.memory_space<vmem>> -> memref<1x128x64xf32, #tpu.memory_space<vmem>>
      %dma_wait3A_561 = tpu.memref_squeeze %dma_wait3A_560 : memref<1x128x64xf32, #tpu.memory_space<vmem>> -> memref<128x64xf32, #tpu.memory_space<vmem>>
      %dma_wait3A_562 = arith.constant 0 : i32
      %dma_wait3A_563 = tpu.memref_slice %arg5[%add3A_526, %dma_wait3A_562] : memref<200x128xi32, #tpu.memory_space<vmem>> -> memref<1x128xi32, #tpu.memory_space<vmem>>
      %dma_wait3A_564 = tpu.memref_squeeze %dma_wait3A_563 : memref<1x128xi32, #tpu.memory_space<vmem>> -> memref<128xi32, #tpu.memory_space<vmem>>
      %dma_wait3A_565 = arith.constant 0 : i32
      %dma_wait3A_566 = arith.constant 0 : i32
      %dma_wait3A_567 = tpu.memref_slice %arg3[%dma_wait3A_565, %dma_wait3A_566] : memref<1000000x64xf32, #tpu.memory_space<hbm>> -> memref<1000000x64xf32, #tpu.memory_space<hbm>>
      %dma_wait3A_568 = tpu.memref_slice %arg9[%dma_wait3A_557] : memref<4x!tpu.dma_semaphore, #tpu.memory_space<semaphore_mem>> -> memref<1x!tpu.dma_semaphore, #tpu.memory_space<semaphore_mem>>
      %dma_wait3A_569 = tpu.memref_squeeze %dma_wait3A_568 : memref<1x!tpu.dma_semaphore, #tpu.memory_space<semaphore_mem>> -> memref<!tpu.dma_semaphore, #tpu.memory_space<semaphore_mem>>
      tpu.wait_indirect_dma semaphore(%dma_wait3A_569 : memref<!tpu.dma_semaphore, #tpu.memory_space<semaphore_mem>>) src(%dma_wait3A_567 : memref<1000000x64xf32, #tpu.memory_space<hbm>>) dst(%dma_wait3A_561 : memref<128x64xf32, #tpu.memory_space<vmem>>)
      %ge3A_570 = arith.constant 4 : i32
      %ge3A_571 = arith.cmpi sge, %add3A_526, %ge3A_570 : i32
      %convert_element_type3A_572 = arith.extui %ge3A_571 : i1 to i32
      %cond3A_573 = arith.constant 0 : i32
      %cond3A_574 = arith.cmpi ne, %convert_element_type3A_572, %cond3A_573 : i32
      scf.if %cond3A_574 {
        %sub3A_630 = arith.constant 4 : i32
        %sub3A_631 = arith.subi %add3A_526, %sub3A_630 : i32
        %jit3A_632 = arith.constant 4 : i32
        %div3A_633 = arith.divsi %sub3A_631, %jit3A_632 : i32
        %sign3A_634 = arith.constant 0 : i32
        %sign3A_635 = arith.cmpi sgt, %sub3A_631, %sign3A_634 : i32
        %sign3A_636 = arith.extui %sign3A_635 : i1 to i32
        %sign3A_637 = arith.constant 0 : i32
        %sign3A_638 = arith.cmpi slt, %sub3A_631, %sign3A_637 : i32
        %sign3A_639 = arith.extui %sign3A_638 : i1 to i32
        %sign3A_640 = arith.subi %sign3A_636, %sign3A_639 : i32
        %sign3A_641 = arith.constant 0 : i32
        %sign3A_642 = arith.cmpi sgt, %jit3A_632, %sign3A_641 : i32
        %sign3A_643 = arith.extui %sign3A_642 : i1 to i32
        %sign3A_644 = arith.constant 0 : i32
        %sign3A_645 = arith.cmpi slt, %jit3A_632, %sign3A_644 : i32
        %sign3A_646 = arith.extui %sign3A_645 : i1 to i32
        %sign3A_647 = arith.subi %sign3A_643, %sign3A_646 : i32
        %ne3A_648 = arith.cmpi ne, %sign3A_640, %sign3A_647 : i32
        %rem3A_649 = arith.remsi %sub3A_631, %jit3A_632 : i32
        %ne3A_650 = arith.constant 0 : i32
        %ne3A_651 = arith.cmpi ne, %rem3A_649, %ne3A_650 : i32
        %and3A_652 = arith.andi %ne3A_648, %ne3A_651 : i1
        %sub3A_653 = arith.constant 1 : i32
        %sub3A_654 = arith.subi %div3A_633, %sub3A_653 : i32
        %select_n3A_655 = arith.select %and3A_652, %sub3A_654, %div3A_633 : i32
        %mul3A_656 = arith.constant 4 : i32
        %mul3A_657 = arith.muli %add3A, %mul3A_656 : i32
        %rem3A_658 = arith.constant 4 : i32
        %rem3A_659 = arith.remsi %sub3A_631, %rem3A_658 : i32
        %add3A_660 = arith.addi %mul3A_657, %rem3A_659 : i32
        %dma_wait3A_661 = arith.constant 3 : i32
        %dma_wait3A_662 = arith.constant 3 : i32
        %dma_wait3A_663 = arith.constant 0 : i32
        %dma_wait3A_664 = arith.constant 0 : i32
        %dma_wait3A_665 = arith.constant 0 : i32
        %dma_wait3A_666 = tpu.memref_slice %arg7[%dma_wait3A_661, %dma_wait3A_663, %dma_wait3A_664, %dma_wait3A_665] : memref<4x8x8x128xf32, #tpu.memory_space<vmem>> -> memref<1x8x8x128xf32, #tpu.memory_space<vmem>>
        %dma_wait3A_667 = tpu.memref_squeeze %dma_wait3A_666 : memref<1x8x8x128xf32, #tpu.memory_space<vmem>> -> memref<8x8x128xf32, #tpu.memory_space<vmem>>
        %dma_wait3A_668 = arith.constant 0 : i32
        %dma_wait3A_669 = arith.constant 0 : i32
        %dma_wait3A_670 = arith.constant 0 : i32
        %dma_wait3A_671 = tpu.memref_slice %arg4[%select_n3A_655, %dma_wait3A_668, %add3A_660, %dma_wait3A_669, %dma_wait3A_670] : memref<50x8x128x8x128xf32, #tpu.memory_space<hbm>> -> memref<1x8x1x8x128xf32, #tpu.memory_space<hbm>>
        %dma_wait3A_672 = tpu.memref_squeeze %dma_wait3A_671 : memref<1x8x1x8x128xf32, #tpu.memory_space<hbm>> -> memref<8x8x128xf32, #tpu.memory_space<hbm>>
        %dma_wait3A_673 = tpu.memref_slice %arg10[%dma_wait3A_662] : memref<4x!tpu.dma_semaphore, #tpu.memory_space<semaphore_mem>> -> memref<1x!tpu.dma_semaphore, #tpu.memory_space<semaphore_mem>>
        %dma_wait3A_674 = tpu.memref_squeeze %dma_wait3A_673 : memref<1x!tpu.dma_semaphore, #tpu.memory_space<semaphore_mem>> -> memref<!tpu.dma_semaphore, #tpu.memory_space<semaphore_mem>>
        %dma_wait3A_675 = arith.constant 0 : i32
        %dma_wait3A_676 = arith.constant 0 : i32
        %dma_wait3A_677 = arith.constant 0 : i32
        %dma_wait3A_678 = tpu.memref_slice %arg4[%select_n3A_655, %dma_wait3A_675, %add3A_660, %dma_wait3A_676, %dma_wait3A_677] : memref<50x8x128x8x128xf32, #tpu.memory_space<hbm>> -> memref<1x8x1x8x128xf32, #tpu.memory_space<hbm>>
        %dma_wait3A_679 = tpu.memref_squeeze %dma_wait3A_678 : memref<1x8x1x8x128xf32, #tpu.memory_space<hbm>> -> memref<8x8x128xf32, #tpu.memory_space<hbm>>
        %dma_wait3A_680 = arith.constant 0 : i32
        %dma_wait3A_681 = arith.constant 0 : i32
        %dma_wait3A_682 = arith.constant 0 : i32
        %dma_wait3A_683 = tpu.memref_slice %arg7[%dma_wait3A_661, %dma_wait3A_680, %dma_wait3A_681, %dma_wait3A_682] : memref<4x8x8x128xf32, #tpu.memory_space<vmem>> -> memref<1x8x8x128xf32, #tpu.memory_space<vmem>>
        %dma_wait3A_684 = tpu.memref_squeeze %dma_wait3A_683 : memref<1x8x8x128xf32, #tpu.memory_space<vmem>> -> memref<8x8x128xf32, #tpu.memory_space<vmem>>
        tpu.wait_dma2 semaphore(%dma_wait3A_674 : memref<!tpu.dma_semaphore, #tpu.memory_space<semaphore_mem>>) src(%dma_wait3A_684 : memref<8x8x128xf32, #tpu.memory_space<vmem>>) dst(%dma_wait3A_679 : memref<8x8x128xf32, #tpu.memory_space<hbm>>)
      } else {
      }
      %scan3A_575 = arith.constant 0 : i32
      %scan3A_576 = arith.constant 16 : i32
      %scan3A_577 = arith.addi %scan3A_575, %scan3A_576 : i32
      %scan3A_578 = arith.constant 1 : i32
      %scan3A_579 = scf.for %scan3A_630 = %scan3A_575 to %scan3A_577 step %scan3A_578 iter_args(%scan3A_631 = %add3A_60) -> (vector<16xi32>)  : i32 {
        %add3A_632 = arith.constant 0 : i32
        %add3A_633 = vector.broadcast %add3A_632 : i32 to vector<16xi32>
        %add3A_634 = arith.addi %scan3A_631, %add3A_633 : vector<16xi32>
        %shift_right_arithmetic3A = arith.constant 3 : i32
        %shift_right_arithmetic3A_635 = vector.broadcast %shift_right_arithmetic3A : i32 to vector<16xi32>
        %shift_right_arithmetic3A_636 = arith.shrsi %add3A_634, %shift_right_arithmetic3A_635 : vector<16xi32>
        %and3A_637 = arith.constant 7 : i32
        %and3A_638 = vector.broadcast %and3A_637 : i32 to vector<16xi32>
        %and3A_639 = arith.andi %add3A_634, %and3A_638 : vector<16xi32>
        %gather3A = arith.constant 3 : i32
        %gather3A_640 = arith.constant 0 : i32
        %gather3A_641 = arith.constant 0 : i32
        %gather3A_642 = tpu.memref_slice %arg6[%gather3A, %gather3A_640, %gather3A_641] : memref<4x128x64xf32, #tpu.memory_space<vmem>> -> memref<1x128x64xf32, #tpu.memory_space<vmem>>
        %gather3A_643 = tpu.memref_squeeze %gather3A_642 : memref<1x128x64xf32, #tpu.memory_space<vmem>> -> memref<128x64xf32, #tpu.memory_space<vmem>>
        %gather3A_644 = tpu.vector_load_idx %gather3A_643[%add3A_60, %add3A_634] : memref<128x64xf32, #tpu.memory_space<vmem>>[vector<16xi32>, vector<16xi32>], vector<16xf32>,
        %mul3A_645 = arith.constant 8.000000e+00 : f32
        %mul3A_646 = vector.broadcast %mul3A_645 : f32 to vector<16xf32>
        %mul3A_647 = arith.mulf %gather3A_644, %mul3A_646 : vector<16xf32>
        %scatter3A = arith.constant 3 : i32
        %scatter3A_648 = arith.constant 0 : i32
        %scatter3A_649 = arith.constant 0 : i32
        %scatter3A_650 = arith.constant 0 : i32
        %scatter3A_651 = tpu.memref_slice %arg7[%scatter3A, %scatter3A_648, %scatter3A_649, %scatter3A_650] : memref<4x8x8x128xf32, #tpu.memory_space<vmem>> -> memref<1x8x8x128xf32, #tpu.memory_space<vmem>>
        %scatter3A_652 = tpu.memref_squeeze %scatter3A_651 : memref<1x8x8x128xf32, #tpu.memory_space<vmem>> -> memref<8x8x128xf32, #tpu.memory_space<vmem>>
        tpu.vector_store_idx %scatter3A_652[%shift_right_arithmetic3A_636, %and3A_639, %add3A_60], %mul3A_647 : memref<8x8x128xf32, #tpu.memory_space<vmem>>[vector<16xi32>, vector<16xi32>, vector<16xi32>], vector<16xf32>,
        %gather3A_653 = arith.constant 3 : i32
        %gather3A_654 = arith.constant 0 : i32
        %gather3A_655 = arith.constant 0 : i32
        %gather3A_656 = tpu.memref_slice %arg6[%gather3A_653, %gather3A_654, %gather3A_655] : memref<4x128x64xf32, #tpu.memory_space<vmem>> -> memref<1x128x64xf32, #tpu.memory_space<vmem>>
        %gather3A_657 = tpu.memref_squeeze %gather3A_656 : memref<1x128x64xf32, #tpu.memory_space<vmem>> -> memref<128x64xf32, #tpu.memory_space<vmem>>
        %gather3A_658 = tpu.vector_load_idx %gather3A_657[%add3A_64, %add3A_634] : memref<128x64xf32, #tpu.memory_space<vmem>>[vector<16xi32>, vector<16xi32>], vector<16xf32>,
        %mul3A_659 = arith.constant 8.000000e+00 : f32
        %mul3A_660 = vector.broadcast %mul3A_659 : f32 to vector<16xf32>
        %mul3A_661 = arith.mulf %gather3A_658, %mul3A_660 : vector<16xf32>
        %scatter3A_662 = arith.constant 3 : i32
        %scatter3A_663 = arith.constant 0 : i32
        %scatter3A_664 = arith.constant 0 : i32
        %scatter3A_665 = arith.constant 0 : i32
        %scatter3A_666 = tpu.memref_slice %arg7[%scatter3A_662, %scatter3A_663, %scatter3A_664, %scatter3A_665] : memref<4x8x8x128xf32, #tpu.memory_space<vmem>> -> memref<1x8x8x128xf32, #tpu.memory_space<vmem>>
        %scatter3A_667 = tpu.memref_squeeze %scatter3A_666 : memref<1x8x8x128xf32, #tpu.memory_space<vmem>> -> memref<8x8x128xf32, #tpu.memory_space<vmem>>
        tpu.vector_store_idx %scatter3A_667[%shift_right_arithmetic3A_636, %and3A_639, %add3A_64], %mul3A_661 : memref<8x8x128xf32, #tpu.memory_space<vmem>>[vector<16xi32>, vector<16xi32>, vector<16xi32>], vector<16xf32>,
        %gather3A_668 = arith.constant 3 : i32
        %gather3A_669 = arith.constant 0 : i32
        %gather3A_670 = arith.constant 0 : i32
        %gather3A_671 = tpu.memref_slice %arg6[%gather3A_668, %gather3A_669, %gather3A_670] : memref<4x128x64xf32, #tpu.memory_space<vmem>> -> memref<1x128x64xf32, #tpu.memory_space<vmem>>
        %gather3A_672 = tpu.memref_squeeze %gather3A_671 : memref<1x128x64xf32, #tpu.memory_space<vmem>> -> memref<128x64xf32, #tpu.memory_space<vmem>>
        %gather3A_673 = tpu.vector_load_idx %gather3A_672[%add3A_68, %add3A_634] : memref<128x64xf32, #tpu.memory_space<vmem>>[vector<16xi32>, vector<16xi32>], vector<16xf32>,
        %mul3A_674 = arith.constant 8.000000e+00 : f32
        %mul3A_675 = vector.broadcast %mul3A_674 : f32 to vector<16xf32>
        %mul3A_676 = arith.mulf %gather3A_673, %mul3A_675 : vector<16xf32>
        %scatter3A_677 = arith.constant 3 : i32
        %scatter3A_678 = arith.constant 0 : i32
        %scatter3A_679 = arith.constant 0 : i32
        %scatter3A_680 = arith.constant 0 : i32
        %scatter3A_681 = tpu.memref_slice %arg7[%scatter3A_677, %scatter3A_678, %scatter3A_679, %scatter3A_680] : memref<4x8x8x128xf32, #tpu.memory_space<vmem>> -> memref<1x8x8x128xf32, #tpu.memory_space<vmem>>
        %scatter3A_682 = tpu.memref_squeeze %scatter3A_681 : memref<1x8x8x128xf32, #tpu.memory_space<vmem>> -> memref<8x8x128xf32, #tpu.memory_space<vmem>>
        tpu.vector_store_idx %scatter3A_682[%shift_right_arithmetic3A_636, %and3A_639, %add3A_68], %mul3A_676 : memref<8x8x128xf32, #tpu.memory_space<vmem>>[vector<16xi32>, vector<16xi32>, vector<16xi32>], vector<16xf32>,
        %gather3A_683 = arith.constant 3 : i32
        %gather3A_684 = arith.constant 0 : i32
        %gather3A_685 = arith.constant 0 : i32
        %gather3A_686 = tpu.memref_slice %arg6[%gather3A_683, %gather3A_684, %gather3A_685] : memref<4x128x64xf32, #tpu.memory_space<vmem>> -> memref<1x128x64xf32, #tpu.memory_space<vmem>>
        %gather3A_687 = tpu.memref_squeeze %gather3A_686 : memref<1x128x64xf32, #tpu.memory_space<vmem>> -> memref<128x64xf32, #tpu.memory_space<vmem>>
        %gather3A_688 = tpu.vector_load_idx %gather3A_687[%add3A_72, %add3A_634] : memref<128x64xf32, #tpu.memory_space<vmem>>[vector<16xi32>, vector<16xi32>], vector<16xf32>,
        %mul3A_689 = arith.constant 8.000000e+00 : f32
        %mul3A_690 = vector.broadcast %mul3A_689 : f32 to vector<16xf32>
        %mul3A_691 = arith.mulf %gather3A_688, %mul3A_690 : vector<16xf32>
        %scatter3A_692 = arith.constant 3 : i32
        %scatter3A_693 = arith.constant 0 : i32
        %scatter3A_694 = arith.constant 0 : i32
        %scatter3A_695 = arith.constant 0 : i32
        %scatter3A_696 = tpu.memref_slice %arg7[%scatter3A_692, %scatter3A_693, %scatter3A_694, %scatter3A_695] : memref<4x8x8x128xf32, #tpu.memory_space<vmem>> -> memref<1x8x8x128xf32, #tpu.memory_space<vmem>>
        %scatter3A_697 = tpu.memref_squeeze %scatter3A_696 : memref<1x8x8x128xf32, #tpu.memory_space<vmem>> -> memref<8x8x128xf32, #tpu.memory_space<vmem>>
        tpu.vector_store_idx %scatter3A_697[%shift_right_arithmetic3A_636, %and3A_639, %add3A_72], %mul3A_691 : memref<8x8x128xf32, #tpu.memory_space<vmem>>[vector<16xi32>, vector<16xi32>, vector<16xi32>], vector<16xf32>,
        %gather3A_698 = arith.constant 3 : i32
        %gather3A_699 = arith.constant 0 : i32
        %gather3A_700 = arith.constant 0 : i32
        %gather3A_701 = tpu.memref_slice %arg6[%gather3A_698, %gather3A_699, %gather3A_700] : memref<4x128x64xf32, #tpu.memory_space<vmem>> -> memref<1x128x64xf32, #tpu.memory_space<vmem>>
        %gather3A_702 = tpu.memref_squeeze %gather3A_701 : memref<1x128x64xf32, #tpu.memory_space<vmem>> -> memref<128x64xf32, #tpu.memory_space<vmem>>
        %gather3A_703 = tpu.vector_load_idx %gather3A_702[%add3A_76, %add3A_634] : memref<128x64xf32, #tpu.memory_space<vmem>>[vector<16xi32>, vector<16xi32>], vector<16xf32>,
        %mul3A_704 = arith.constant 8.000000e+00 : f32
        %mul3A_705 = vector.broadcast %mul3A_704 : f32 to vector<16xf32>
        %mul3A_706 = arith.mulf %gather3A_703, %mul3A_705 : vector<16xf32>
        %scatter3A_707 = arith.constant 3 : i32
        %scatter3A_708 = arith.constant 0 : i32
        %scatter3A_709 = arith.constant 0 : i32
        %scatter3A_710 = arith.constant 0 : i32
        %scatter3A_711 = tpu.memref_slice %arg7[%scatter3A_707, %scatter3A_708, %scatter3A_709, %scatter3A_710] : memref<4x8x8x128xf32, #tpu.memory_space<vmem>> -> memref<1x8x8x128xf32, #tpu.memory_space<vmem>>
        %scatter3A_712 = tpu.memref_squeeze %scatter3A_711 : memref<1x8x8x128xf32, #tpu.memory_space<vmem>> -> memref<8x8x128xf32, #tpu.memory_space<vmem>>
        tpu.vector_store_idx %scatter3A_712[%shift_right_arithmetic3A_636, %and3A_639, %add3A_76], %mul3A_706 : memref<8x8x128xf32, #tpu.memory_space<vmem>>[vector<16xi32>, vector<16xi32>, vector<16xi32>], vector<16xf32>,
        %gather3A_713 = arith.constant 3 : i32
        %gather3A_714 = arith.constant 0 : i32
        %gather3A_715 = arith.constant 0 : i32
        %gather3A_716 = tpu.memref_slice %arg6[%gather3A_713, %gather3A_714, %gather3A_715] : memref<4x128x64xf32, #tpu.memory_space<vmem>> -> memref<1x128x64xf32, #tpu.memory_space<vmem>>
        %gather3A_717 = tpu.memref_squeeze %gather3A_716 : memref<1x128x64xf32, #tpu.memory_space<vmem>> -> memref<128x64xf32, #tpu.memory_space<vmem>>
        %gather3A_718 = tpu.vector_load_idx %gather3A_717[%add3A_80, %add3A_634] : memref<128x64xf32, #tpu.memory_space<vmem>>[vector<16xi32>, vector<16xi32>], vector<16xf32>,
        %mul3A_719 = arith.constant 8.000000e+00 : f32
        %mul3A_720 = vector.broadcast %mul3A_719 : f32 to vector<16xf32>
        %mul3A_721 = arith.mulf %gather3A_718, %mul3A_720 : vector<16xf32>
        %scatter3A_722 = arith.constant 3 : i32
        %scatter3A_723 = arith.constant 0 : i32
        %scatter3A_724 = arith.constant 0 : i32
        %scatter3A_725 = arith.constant 0 : i32
        %scatter3A_726 = tpu.memref_slice %arg7[%scatter3A_722, %scatter3A_723, %scatter3A_724, %scatter3A_725] : memref<4x8x8x128xf32, #tpu.memory_space<vmem>> -> memref<1x8x8x128xf32, #tpu.memory_space<vmem>>
        %scatter3A_727 = tpu.memref_squeeze %scatter3A_726 : memref<1x8x8x128xf32, #tpu.memory_space<vmem>> -> memref<8x8x128xf32, #tpu.memory_space<vmem>>
        tpu.vector_store_idx %scatter3A_727[%shift_right_arithmetic3A_636, %and3A_639, %add3A_80], %mul3A_721 : memref<8x8x128xf32, #tpu.memory_space<vmem>>[vector<16xi32>, vector<16xi32>, vector<16xi32>], vector<16xf32>,
        %gather3A_728 = arith.constant 3 : i32
        %gather3A_729 = arith.constant 0 : i32
        %gather3A_730 = arith.constant 0 : i32
        %gather3A_731 = tpu.memref_slice %arg6[%gather3A_728, %gather3A_729, %gather3A_730] : memref<4x128x64xf32, #tpu.memory_space<vmem>> -> memref<1x128x64xf32, #tpu.memory_space<vmem>>
        %gather3A_732 = tpu.memref_squeeze %gather3A_731 : memref<1x128x64xf32, #tpu.memory_space<vmem>> -> memref<128x64xf32, #tpu.memory_space<vmem>>
        %gather3A_733 = tpu.vector_load_idx %gather3A_732[%add3A_84, %add3A_634] : memref<128x64xf32, #tpu.memory_space<vmem>>[vector<16xi32>, vector<16xi32>], vector<16xf32>,
        %mul3A_734 = arith.constant 8.000000e+00 : f32
        %mul3A_735 = vector.broadcast %mul3A_734 : f32 to vector<16xf32>
        %mul3A_736 = arith.mulf %gather3A_733, %mul3A_735 : vector<16xf32>
        %scatter3A_737 = arith.constant 3 : i32
        %scatter3A_738 = arith.constant 0 : i32
        %scatter3A_739 = arith.constant 0 : i32
        %scatter3A_740 = arith.constant 0 : i32
        %scatter3A_741 = tpu.memref_slice %arg7[%scatter3A_737, %scatter3A_738, %scatter3A_739, %scatter3A_740] : memref<4x8x8x128xf32, #tpu.memory_space<vmem>> -> memref<1x8x8x128xf32, #tpu.memory_space<vmem>>
        %scatter3A_742 = tpu.memref_squeeze %scatter3A_741 : memref<1x8x8x128xf32, #tpu.memory_space<vmem>> -> memref<8x8x128xf32, #tpu.memory_space<vmem>>
        tpu.vector_store_idx %scatter3A_742[%shift_right_arithmetic3A_636, %and3A_639, %add3A_84], %mul3A_736 : memref<8x8x128xf32, #tpu.memory_space<vmem>>[vector<16xi32>, vector<16xi32>, vector<16xi32>], vector<16xf32>,
        %gather3A_743 = arith.constant 3 : i32
        %gather3A_744 = arith.constant 0 : i32
        %gather3A_745 = arith.constant 0 : i32
        %gather3A_746 = tpu.memref_slice %arg6[%gather3A_743, %gather3A_744, %gather3A_745] : memref<4x128x64xf32, #tpu.memory_space<vmem>> -> memref<1x128x64xf32, #tpu.memory_space<vmem>>
        %gather3A_747 = tpu.memref_squeeze %gather3A_746 : memref<1x128x64xf32, #tpu.memory_space<vmem>> -> memref<128x64xf32, #tpu.memory_space<vmem>>
        %gather3A_748 = tpu.vector_load_idx %gather3A_747[%add3A_88, %add3A_634] : memref<128x64xf32, #tpu.memory_space<vmem>>[vector<16xi32>, vector<16xi32>], vector<16xf32>,
        %mul3A_749 = arith.constant 8.000000e+00 : f32
        %mul3A_750 = vector.broadcast %mul3A_749 : f32 to vector<16xf32>
        %mul3A_751 = arith.mulf %gather3A_748, %mul3A_750 : vector<16xf32>
        %scatter3A_752 = arith.constant 3 : i32
        %scatter3A_753 = arith.constant 0 : i32
        %scatter3A_754 = arith.constant 0 : i32
        %scatter3A_755 = arith.constant 0 : i32
        %scatter3A_756 = tpu.memref_slice %arg7[%scatter3A_752, %scatter3A_753, %scatter3A_754, %scatter3A_755] : memref<4x8x8x128xf32, #tpu.memory_space<vmem>> -> memref<1x8x8x128xf32, #tpu.memory_space<vmem>>
        %scatter3A_757 = tpu.memref_squeeze %scatter3A_756 : memref<1x8x8x128xf32, #tpu.memory_space<vmem>> -> memref<8x8x128xf32, #tpu.memory_space<vmem>>
        tpu.vector_store_idx %scatter3A_757[%shift_right_arithmetic3A_636, %and3A_639, %add3A_88], %mul3A_751 : memref<8x8x128xf32, #tpu.memory_space<vmem>>[vector<16xi32>, vector<16xi32>, vector<16xi32>], vector<16xf32>,
        %add3A_758 = arith.constant 1 : i32
        %add3A_759 = vector.broadcast %add3A_758 : i32 to vector<16xi32>
        %add3A_760 = arith.addi %scan3A_631, %add3A_759 : vector<16xi32>
        %and3A_761 = arith.constant 15 : i32
        %and3A_762 = vector.broadcast %and3A_761 : i32 to vector<16xi32>
        %and3A_763 = arith.andi %add3A_760, %and3A_762 : vector<16xi32>
        scf.yield %and3A_763 : vector<16xi32>
      }
      %scan3A_580 = arith.constant 16 : i32
      %scan3A_581 = arith.constant 0 : i32
      %scan3A_582 = arith.constant 16 : i32
      %scan3A_583 = arith.addi %scan3A_581, %scan3A_582 : i32
      %scan3A_584 = arith.constant 1 : i32
      %scan3A_585 = scf.for %scan3A_630 = %scan3A_581 to %scan3A_583 step %scan3A_584 iter_args(%scan3A_631 = %add3A_60) -> (vector<16xi32>)  : i32 {
        %add3A_632 = arith.constant 16 : i32
        %add3A_633 = vector.broadcast %add3A_632 : i32 to vector<16xi32>
        %add3A_634 = arith.addi %scan3A_631, %add3A_633 : vector<16xi32>
        %shift_right_arithmetic3A = arith.constant 3 : i32
        %shift_right_arithmetic3A_635 = vector.broadcast %shift_right_arithmetic3A : i32 to vector<16xi32>
        %shift_right_arithmetic3A_636 = arith.shrsi %add3A_634, %shift_right_arithmetic3A_635 : vector<16xi32>
        %and3A_637 = arith.constant 7 : i32
        %and3A_638 = vector.broadcast %and3A_637 : i32 to vector<16xi32>
        %and3A_639 = arith.andi %add3A_634, %and3A_638 : vector<16xi32>
        %gather3A = arith.constant 3 : i32
        %gather3A_640 = arith.constant 0 : i32
        %gather3A_641 = arith.constant 0 : i32
        %gather3A_642 = tpu.memref_slice %arg6[%gather3A, %gather3A_640, %gather3A_641] : memref<4x128x64xf32, #tpu.memory_space<vmem>> -> memref<1x128x64xf32, #tpu.memory_space<vmem>>
        %gather3A_643 = tpu.memref_squeeze %gather3A_642 : memref<1x128x64xf32, #tpu.memory_space<vmem>> -> memref<128x64xf32, #tpu.memory_space<vmem>>
        %gather3A_644 = tpu.vector_load_idx %gather3A_643[%add3A_60, %add3A_634] : memref<128x64xf32, #tpu.memory_space<vmem>>[vector<16xi32>, vector<16xi32>], vector<16xf32>,
        %mul3A_645 = arith.constant 8.000000e+00 : f32
        %mul3A_646 = vector.broadcast %mul3A_645 : f32 to vector<16xf32>
        %mul3A_647 = arith.mulf %gather3A_644, %mul3A_646 : vector<16xf32>
        %scatter3A = arith.constant 3 : i32
        %scatter3A_648 = arith.constant 0 : i32
        %scatter3A_649 = arith.constant 0 : i32
        %scatter3A_650 = arith.constant 0 : i32
        %scatter3A_651 = tpu.memref_slice %arg7[%scatter3A, %scatter3A_648, %scatter3A_649, %scatter3A_650] : memref<4x8x8x128xf32, #tpu.memory_space<vmem>> -> memref<1x8x8x128xf32, #tpu.memory_space<vmem>>
        %scatter3A_652 = tpu.memref_squeeze %scatter3A_651 : memref<1x8x8x128xf32, #tpu.memory_space<vmem>> -> memref<8x8x128xf32, #tpu.memory_space<vmem>>
        tpu.vector_store_idx %scatter3A_652[%shift_right_arithmetic3A_636, %and3A_639, %add3A_60], %mul3A_647 : memref<8x8x128xf32, #tpu.memory_space<vmem>>[vector<16xi32>, vector<16xi32>, vector<16xi32>], vector<16xf32>,
        %gather3A_653 = arith.constant 3 : i32
        %gather3A_654 = arith.constant 0 : i32
        %gather3A_655 = arith.constant 0 : i32
        %gather3A_656 = tpu.memref_slice %arg6[%gather3A_653, %gather3A_654, %gather3A_655] : memref<4x128x64xf32, #tpu.memory_space<vmem>> -> memref<1x128x64xf32, #tpu.memory_space<vmem>>
        %gather3A_657 = tpu.memref_squeeze %gather3A_656 : memref<1x128x64xf32, #tpu.memory_space<vmem>> -> memref<128x64xf32, #tpu.memory_space<vmem>>
        %gather3A_658 = tpu.vector_load_idx %gather3A_657[%add3A_64, %add3A_634] : memref<128x64xf32, #tpu.memory_space<vmem>>[vector<16xi32>, vector<16xi32>], vector<16xf32>,
        %mul3A_659 = arith.constant 8.000000e+00 : f32
        %mul3A_660 = vector.broadcast %mul3A_659 : f32 to vector<16xf32>
        %mul3A_661 = arith.mulf %gather3A_658, %mul3A_660 : vector<16xf32>
        %scatter3A_662 = arith.constant 3 : i32
        %scatter3A_663 = arith.constant 0 : i32
        %scatter3A_664 = arith.constant 0 : i32
        %scatter3A_665 = arith.constant 0 : i32
        %scatter3A_666 = tpu.memref_slice %arg7[%scatter3A_662, %scatter3A_663, %scatter3A_664, %scatter3A_665] : memref<4x8x8x128xf32, #tpu.memory_space<vmem>> -> memref<1x8x8x128xf32, #tpu.memory_space<vmem>>
        %scatter3A_667 = tpu.memref_squeeze %scatter3A_666 : memref<1x8x8x128xf32, #tpu.memory_space<vmem>> -> memref<8x8x128xf32, #tpu.memory_space<vmem>>
        tpu.vector_store_idx %scatter3A_667[%shift_right_arithmetic3A_636, %and3A_639, %add3A_64], %mul3A_661 : memref<8x8x128xf32, #tpu.memory_space<vmem>>[vector<16xi32>, vector<16xi32>, vector<16xi32>], vector<16xf32>,
        %gather3A_668 = arith.constant 3 : i32
        %gather3A_669 = arith.constant 0 : i32
        %gather3A_670 = arith.constant 0 : i32
        %gather3A_671 = tpu.memref_slice %arg6[%gather3A_668, %gather3A_669, %gather3A_670] : memref<4x128x64xf32, #tpu.memory_space<vmem>> -> memref<1x128x64xf32, #tpu.memory_space<vmem>>
        %gather3A_672 = tpu.memref_squeeze %gather3A_671 : memref<1x128x64xf32, #tpu.memory_space<vmem>> -> memref<128x64xf32, #tpu.memory_space<vmem>>
        %gather3A_673 = tpu.vector_load_idx %gather3A_672[%add3A_68, %add3A_634] : memref<128x64xf32, #tpu.memory_space<vmem>>[vector<16xi32>, vector<16xi32>], vector<16xf32>,
        %mul3A_674 = arith.constant 8.000000e+00 : f32
        %mul3A_675 = vector.broadcast %mul3A_674 : f32 to vector<16xf32>
        %mul3A_676 = arith.mulf %gather3A_673, %mul3A_675 : vector<16xf32>
        %scatter3A_677 = arith.constant 3 : i32
        %scatter3A_678 = arith.constant 0 : i32
        %scatter3A_679 = arith.constant 0 : i32
        %scatter3A_680 = arith.constant 0 : i32
        %scatter3A_681 = tpu.memref_slice %arg7[%scatter3A_677, %scatter3A_678, %scatter3A_679, %scatter3A_680] : memref<4x8x8x128xf32, #tpu.memory_space<vmem>> -> memref<1x8x8x128xf32, #tpu.memory_space<vmem>>
        %scatter3A_682 = tpu.memref_squeeze %scatter3A_681 : memref<1x8x8x128xf32, #tpu.memory_space<vmem>> -> memref<8x8x128xf32, #tpu.memory_space<vmem>>
        tpu.vector_store_idx %scatter3A_682[%shift_right_arithmetic3A_636, %and3A_639, %add3A_68], %mul3A_676 : memref<8x8x128xf32, #tpu.memory_space<vmem>>[vector<16xi32>, vector<16xi32>, vector<16xi32>], vector<16xf32>,
        %gather3A_683 = arith.constant 3 : i32
        %gather3A_684 = arith.constant 0 : i32
        %gather3A_685 = arith.constant 0 : i32
        %gather3A_686 = tpu.memref_slice %arg6[%gather3A_683, %gather3A_684, %gather3A_685] : memref<4x128x64xf32, #tpu.memory_space<vmem>> -> memref<1x128x64xf32, #tpu.memory_space<vmem>>
        %gather3A_687 = tpu.memref_squeeze %gather3A_686 : memref<1x128x64xf32, #tpu.memory_space<vmem>> -> memref<128x64xf32, #tpu.memory_space<vmem>>
        %gather3A_688 = tpu.vector_load_idx %gather3A_687[%add3A_72, %add3A_634] : memref<128x64xf32, #tpu.memory_space<vmem>>[vector<16xi32>, vector<16xi32>], vector<16xf32>,
        %mul3A_689 = arith.constant 8.000000e+00 : f32
        %mul3A_690 = vector.broadcast %mul3A_689 : f32 to vector<16xf32>
        %mul3A_691 = arith.mulf %gather3A_688, %mul3A_690 : vector<16xf32>
        %scatter3A_692 = arith.constant 3 : i32
        %scatter3A_693 = arith.constant 0 : i32
        %scatter3A_694 = arith.constant 0 : i32
        %scatter3A_695 = arith.constant 0 : i32
        %scatter3A_696 = tpu.memref_slice %arg7[%scatter3A_692, %scatter3A_693, %scatter3A_694, %scatter3A_695] : memref<4x8x8x128xf32, #tpu.memory_space<vmem>> -> memref<1x8x8x128xf32, #tpu.memory_space<vmem>>
        %scatter3A_697 = tpu.memref_squeeze %scatter3A_696 : memref<1x8x8x128xf32, #tpu.memory_space<vmem>> -> memref<8x8x128xf32, #tpu.memory_space<vmem>>
        tpu.vector_store_idx %scatter3A_697[%shift_right_arithmetic3A_636, %and3A_639, %add3A_72], %mul3A_691 : memref<8x8x128xf32, #tpu.memory_space<vmem>>[vector<16xi32>, vector<16xi32>, vector<16xi32>], vector<16xf32>,
        %gather3A_698 = arith.constant 3 : i32
        %gather3A_699 = arith.constant 0 : i32
        %gather3A_700 = arith.constant 0 : i32
        %gather3A_701 = tpu.memref_slice %arg6[%gather3A_698, %gather3A_699, %gather3A_700] : memref<4x128x64xf32, #tpu.memory_space<vmem>> -> memref<1x128x64xf32, #tpu.memory_space<vmem>>
        %gather3A_702 = tpu.memref_squeeze %gather3A_701 : memref<1x128x64xf32, #tpu.memory_space<vmem>> -> memref<128x64xf32, #tpu.memory_space<vmem>>
        %gather3A_703 = tpu.vector_load_idx %gather3A_702[%add3A_76, %add3A_634] : memref<128x64xf32, #tpu.memory_space<vmem>>[vector<16xi32>, vector<16xi32>], vector<16xf32>,
        %mul3A_704 = arith.constant 8.000000e+00 : f32
        %mul3A_705 = vector.broadcast %mul3A_704 : f32 to vector<16xf32>
        %mul3A_706 = arith.mulf %gather3A_703, %mul3A_705 : vector<16xf32>
        %scatter3A_707 = arith.constant 3 : i32
        %scatter3A_708 = arith.constant 0 : i32
        %scatter3A_709 = arith.constant 0 : i32
        %scatter3A_710 = arith.constant 0 : i32
        %scatter3A_711 = tpu.memref_slice %arg7[%scatter3A_707, %scatter3A_708, %scatter3A_709, %scatter3A_710] : memref<4x8x8x128xf32, #tpu.memory_space<vmem>> -> memref<1x8x8x128xf32, #tpu.memory_space<vmem>>
        %scatter3A_712 = tpu.memref_squeeze %scatter3A_711 : memref<1x8x8x128xf32, #tpu.memory_space<vmem>> -> memref<8x8x128xf32, #tpu.memory_space<vmem>>
        tpu.vector_store_idx %scatter3A_712[%shift_right_arithmetic3A_636, %and3A_639, %add3A_76], %mul3A_706 : memref<8x8x128xf32, #tpu.memory_space<vmem>>[vector<16xi32>, vector<16xi32>, vector<16xi32>], vector<16xf32>,
        %gather3A_713 = arith.constant 3 : i32
        %gather3A_714 = arith.constant 0 : i32
        %gather3A_715 = arith.constant 0 : i32
        %gather3A_716 = tpu.memref_slice %arg6[%gather3A_713, %gather3A_714, %gather3A_715] : memref<4x128x64xf32, #tpu.memory_space<vmem>> -> memref<1x128x64xf32, #tpu.memory_space<vmem>>
        %gather3A_717 = tpu.memref_squeeze %gather3A_716 : memref<1x128x64xf32, #tpu.memory_space<vmem>> -> memref<128x64xf32, #tpu.memory_space<vmem>>
        %gather3A_718 = tpu.vector_load_idx %gather3A_717[%add3A_80, %add3A_634] : memref<128x64xf32, #tpu.memory_space<vmem>>[vector<16xi32>, vector<16xi32>], vector<16xf32>,
        %mul3A_719 = arith.constant 8.000000e+00 : f32
        %mul3A_720 = vector.broadcast %mul3A_719 : f32 to vector<16xf32>
        %mul3A_721 = arith.mulf %gather3A_718, %mul3A_720 : vector<16xf32>
        %scatter3A_722 = arith.constant 3 : i32
        %scatter3A_723 = arith.constant 0 : i32
        %scatter3A_724 = arith.constant 0 : i32
        %scatter3A_725 = arith.constant 0 : i32
        %scatter3A_726 = tpu.memref_slice %arg7[%scatter3A_722, %scatter3A_723, %scatter3A_724, %scatter3A_725] : memref<4x8x8x128xf32, #tpu.memory_space<vmem>> -> memref<1x8x8x128xf32, #tpu.memory_space<vmem>>
        %scatter3A_727 = tpu.memref_squeeze %scatter3A_726 : memref<1x8x8x128xf32, #tpu.memory_space<vmem>> -> memref<8x8x128xf32, #tpu.memory_space<vmem>>
        tpu.vector_store_idx %scatter3A_727[%shift_right_arithmetic3A_636, %and3A_639, %add3A_80], %mul3A_721 : memref<8x8x128xf32, #tpu.memory_space<vmem>>[vector<16xi32>, vector<16xi32>, vector<16xi32>], vector<16xf32>,
        %gather3A_728 = arith.constant 3 : i32
        %gather3A_729 = arith.constant 0 : i32
        %gather3A_730 = arith.constant 0 : i32
        %gather3A_731 = tpu.memref_slice %arg6[%gather3A_728, %gather3A_729, %gather3A_730] : memref<4x128x64xf32, #tpu.memory_space<vmem>> -> memref<1x128x64xf32, #tpu.memory_space<vmem>>
        %gather3A_732 = tpu.memref_squeeze %gather3A_731 : memref<1x128x64xf32, #tpu.memory_space<vmem>> -> memref<128x64xf32, #tpu.memory_space<vmem>>
        %gather3A_733 = tpu.vector_load_idx %gather3A_732[%add3A_84, %add3A_634] : memref<128x64xf32, #tpu.memory_space<vmem>>[vector<16xi32>, vector<16xi32>], vector<16xf32>,
        %mul3A_734 = arith.constant 8.000000e+00 : f32
        %mul3A_735 = vector.broadcast %mul3A_734 : f32 to vector<16xf32>
        %mul3A_736 = arith.mulf %gather3A_733, %mul3A_735 : vector<16xf32>
        %scatter3A_737 = arith.constant 3 : i32
        %scatter3A_738 = arith.constant 0 : i32
        %scatter3A_739 = arith.constant 0 : i32
        %scatter3A_740 = arith.constant 0 : i32
        %scatter3A_741 = tpu.memref_slice %arg7[%scatter3A_737, %scatter3A_738, %scatter3A_739, %scatter3A_740] : memref<4x8x8x128xf32, #tpu.memory_space<vmem>> -> memref<1x8x8x128xf32, #tpu.memory_space<vmem>>
        %scatter3A_742 = tpu.memref_squeeze %scatter3A_741 : memref<1x8x8x128xf32, #tpu.memory_space<vmem>> -> memref<8x8x128xf32, #tpu.memory_space<vmem>>
        tpu.vector_store_idx %scatter3A_742[%shift_right_arithmetic3A_636, %and3A_639, %add3A_84], %mul3A_736 : memref<8x8x128xf32, #tpu.memory_space<vmem>>[vector<16xi32>, vector<16xi32>, vector<16xi32>], vector<16xf32>,
        %gather3A_743 = arith.constant 3 : i32
        %gather3A_744 = arith.constant 0 : i32
        %gather3A_745 = arith.constant 0 : i32
        %gather3A_746 = tpu.memref_slice %arg6[%gather3A_743, %gather3A_744, %gather3A_745] : memref<4x128x64xf32, #tpu.memory_space<vmem>> -> memref<1x128x64xf32, #tpu.memory_space<vmem>>
        %gather3A_747 = tpu.memref_squeeze %gather3A_746 : memref<1x128x64xf32, #tpu.memory_space<vmem>> -> memref<128x64xf32, #tpu.memory_space<vmem>>
        %gather3A_748 = tpu.vector_load_idx %gather3A_747[%add3A_88, %add3A_634] : memref<128x64xf32, #tpu.memory_space<vmem>>[vector<16xi32>, vector<16xi32>], vector<16xf32>,
        %mul3A_749 = arith.constant 8.000000e+00 : f32
        %mul3A_750 = vector.broadcast %mul3A_749 : f32 to vector<16xf32>
        %mul3A_751 = arith.mulf %gather3A_748, %mul3A_750 : vector<16xf32>
        %scatter3A_752 = arith.constant 3 : i32
        %scatter3A_753 = arith.constant 0 : i32
        %scatter3A_754 = arith.constant 0 : i32
        %scatter3A_755 = arith.constant 0 : i32
        %scatter3A_756 = tpu.memref_slice %arg7[%scatter3A_752, %scatter3A_753, %scatter3A_754, %scatter3A_755] : memref<4x8x8x128xf32, #tpu.memory_space<vmem>> -> memref<1x8x8x128xf32, #tpu.memory_space<vmem>>
        %scatter3A_757 = tpu.memref_squeeze %scatter3A_756 : memref<1x8x8x128xf32, #tpu.memory_space<vmem>> -> memref<8x8x128xf32, #tpu.memory_space<vmem>>
        tpu.vector_store_idx %scatter3A_757[%shift_right_arithmetic3A_636, %and3A_639, %add3A_88], %mul3A_751 : memref<8x8x128xf32, #tpu.memory_space<vmem>>[vector<16xi32>, vector<16xi32>, vector<16xi32>], vector<16xf32>,
        %add3A_758 = arith.constant 1 : i32
        %add3A_759 = vector.broadcast %add3A_758 : i32 to vector<16xi32>
        %add3A_760 = arith.addi %scan3A_631, %add3A_759 : vector<16xi32>
        %and3A_761 = arith.constant 15 : i32
        %and3A_762 = vector.broadcast %and3A_761 : i32 to vector<16xi32>
        %and3A_763 = arith.andi %add3A_760, %and3A_762 : vector<16xi32>
        scf.yield %and3A_763 : vector<16xi32>
      }
      %scan3A_586 = arith.constant 16 : i32
      %scan3A_587 = arith.constant 0 : i32
      %scan3A_588 = arith.constant 16 : i32
      %scan3A_589 = arith.addi %scan3A_587, %scan3A_588 : i32
      %scan3A_590 = arith.constant 1 : i32
      %scan3A_591 = scf.for %scan3A_630 = %scan3A_587 to %scan3A_589 step %scan3A_590 iter_args(%scan3A_631 = %add3A_60) -> (vector<16xi32>)  : i32 {
        %add3A_632 = arith.constant 32 : i32
        %add3A_633 = vector.broadcast %add3A_632 : i32 to vector<16xi32>
        %add3A_634 = arith.addi %scan3A_631, %add3A_633 : vector<16xi32>
        %shift_right_arithmetic3A = arith.constant 3 : i32
        %shift_right_arithmetic3A_635 = vector.broadcast %shift_right_arithmetic3A : i32 to vector<16xi32>
        %shift_right_arithmetic3A_636 = arith.shrsi %add3A_634, %shift_right_arithmetic3A_635 : vector<16xi32>
        %and3A_637 = arith.constant 7 : i32
        %and3A_638 = vector.broadcast %and3A_637 : i32 to vector<16xi32>
        %and3A_639 = arith.andi %add3A_634, %and3A_638 : vector<16xi32>
        %gather3A = arith.constant 3 : i32
        %gather3A_640 = arith.constant 0 : i32
        %gather3A_641 = arith.constant 0 : i32
        %gather3A_642 = tpu.memref_slice %arg6[%gather3A, %gather3A_640, %gather3A_641] : memref<4x128x64xf32, #tpu.memory_space<vmem>> -> memref<1x128x64xf32, #tpu.memory_space<vmem>>
        %gather3A_643 = tpu.memref_squeeze %gather3A_642 : memref<1x128x64xf32, #tpu.memory_space<vmem>> -> memref<128x64xf32, #tpu.memory_space<vmem>>
        %gather3A_644 = tpu.vector_load_idx %gather3A_643[%add3A_60, %add3A_634] : memref<128x64xf32, #tpu.memory_space<vmem>>[vector<16xi32>, vector<16xi32>], vector<16xf32>,
        %mul3A_645 = arith.constant 8.000000e+00 : f32
        %mul3A_646 = vector.broadcast %mul3A_645 : f32 to vector<16xf32>
        %mul3A_647 = arith.mulf %gather3A_644, %mul3A_646 : vector<16xf32>
        %scatter3A = arith.constant 3 : i32
        %scatter3A_648 = arith.constant 0 : i32
        %scatter3A_649 = arith.constant 0 : i32
        %scatter3A_650 = arith.constant 0 : i32
        %scatter3A_651 = tpu.memref_slice %arg7[%scatter3A, %scatter3A_648, %scatter3A_649, %scatter3A_650] : memref<4x8x8x128xf32, #tpu.memory_space<vmem>> -> memref<1x8x8x128xf32, #tpu.memory_space<vmem>>
        %scatter3A_652 = tpu.memref_squeeze %scatter3A_651 : memref<1x8x8x128xf32, #tpu.memory_space<vmem>> -> memref<8x8x128xf32, #tpu.memory_space<vmem>>
        tpu.vector_store_idx %scatter3A_652[%shift_right_arithmetic3A_636, %and3A_639, %add3A_60], %mul3A_647 : memref<8x8x128xf32, #tpu.memory_space<vmem>>[vector<16xi32>, vector<16xi32>, vector<16xi32>], vector<16xf32>,
        %gather3A_653 = arith.constant 3 : i32
        %gather3A_654 = arith.constant 0 : i32
        %gather3A_655 = arith.constant 0 : i32
        %gather3A_656 = tpu.memref_slice %arg6[%gather3A_653, %gather3A_654, %gather3A_655] : memref<4x128x64xf32, #tpu.memory_space<vmem>> -> memref<1x128x64xf32, #tpu.memory_space<vmem>>
        %gather3A_657 = tpu.memref_squeeze %gather3A_656 : memref<1x128x64xf32, #tpu.memory_space<vmem>> -> memref<128x64xf32, #tpu.memory_space<vmem>>
        %gather3A_658 = tpu.vector_load_idx %gather3A_657[%add3A_64, %add3A_634] : memref<128x64xf32, #tpu.memory_space<vmem>>[vector<16xi32>, vector<16xi32>], vector<16xf32>,
        %mul3A_659 = arith.constant 8.000000e+00 : f32
        %mul3A_660 = vector.broadcast %mul3A_659 : f32 to vector<16xf32>
        %mul3A_661 = arith.mulf %gather3A_658, %mul3A_660 : vector<16xf32>
        %scatter3A_662 = arith.constant 3 : i32
        %scatter3A_663 = arith.constant 0 : i32
        %scatter3A_664 = arith.constant 0 : i32
        %scatter3A_665 = arith.constant 0 : i32
        %scatter3A_666 = tpu.memref_slice %arg7[%scatter3A_662, %scatter3A_663, %scatter3A_664, %scatter3A_665] : memref<4x8x8x128xf32, #tpu.memory_space<vmem>> -> memref<1x8x8x128xf32, #tpu.memory_space<vmem>>
        %scatter3A_667 = tpu.memref_squeeze %scatter3A_666 : memref<1x8x8x128xf32, #tpu.memory_space<vmem>> -> memref<8x8x128xf32, #tpu.memory_space<vmem>>
        tpu.vector_store_idx %scatter3A_667[%shift_right_arithmetic3A_636, %and3A_639, %add3A_64], %mul3A_661 : memref<8x8x128xf32, #tpu.memory_space<vmem>>[vector<16xi32>, vector<16xi32>, vector<16xi32>], vector<16xf32>,
        %gather3A_668 = arith.constant 3 : i32
        %gather3A_669 = arith.constant 0 : i32
        %gather3A_670 = arith.constant 0 : i32
        %gather3A_671 = tpu.memref_slice %arg6[%gather3A_668, %gather3A_669, %gather3A_670] : memref<4x128x64xf32, #tpu.memory_space<vmem>> -> memref<1x128x64xf32, #tpu.memory_space<vmem>>
        %gather3A_672 = tpu.memref_squeeze %gather3A_671 : memref<1x128x64xf32, #tpu.memory_space<vmem>> -> memref<128x64xf32, #tpu.memory_space<vmem>>
        %gather3A_673 = tpu.vector_load_idx %gather3A_672[%add3A_68, %add3A_634] : memref<128x64xf32, #tpu.memory_space<vmem>>[vector<16xi32>, vector<16xi32>], vector<16xf32>,
        %mul3A_674 = arith.constant 8.000000e+00 : f32
        %mul3A_675 = vector.broadcast %mul3A_674 : f32 to vector<16xf32>
        %mul3A_676 = arith.mulf %gather3A_673, %mul3A_675 : vector<16xf32>
        %scatter3A_677 = arith.constant 3 : i32
        %scatter3A_678 = arith.constant 0 : i32
        %scatter3A_679 = arith.constant 0 : i32
        %scatter3A_680 = arith.constant 0 : i32
        %scatter3A_681 = tpu.memref_slice %arg7[%scatter3A_677, %scatter3A_678, %scatter3A_679, %scatter3A_680] : memref<4x8x8x128xf32, #tpu.memory_space<vmem>> -> memref<1x8x8x128xf32, #tpu.memory_space<vmem>>
        %scatter3A_682 = tpu.memref_squeeze %scatter3A_681 : memref<1x8x8x128xf32, #tpu.memory_space<vmem>> -> memref<8x8x128xf32, #tpu.memory_space<vmem>>
        tpu.vector_store_idx %scatter3A_682[%shift_right_arithmetic3A_636, %and3A_639, %add3A_68], %mul3A_676 : memref<8x8x128xf32, #tpu.memory_space<vmem>>[vector<16xi32>, vector<16xi32>, vector<16xi32>], vector<16xf32>,
        %gather3A_683 = arith.constant 3 : i32
        %gather3A_684 = arith.constant 0 : i32
        %gather3A_685 = arith.constant 0 : i32
        %gather3A_686 = tpu.memref_slice %arg6[%gather3A_683, %gather3A_684, %gather3A_685] : memref<4x128x64xf32, #tpu.memory_space<vmem>> -> memref<1x128x64xf32, #tpu.memory_space<vmem>>
        %gather3A_687 = tpu.memref_squeeze %gather3A_686 : memref<1x128x64xf32, #tpu.memory_space<vmem>> -> memref<128x64xf32, #tpu.memory_space<vmem>>
        %gather3A_688 = tpu.vector_load_idx %gather3A_687[%add3A_72, %add3A_634] : memref<128x64xf32, #tpu.memory_space<vmem>>[vector<16xi32>, vector<16xi32>], vector<16xf32>,
        %mul3A_689 = arith.constant 8.000000e+00 : f32
        %mul3A_690 = vector.broadcast %mul3A_689 : f32 to vector<16xf32>
        %mul3A_691 = arith.mulf %gather3A_688, %mul3A_690 : vector<16xf32>
        %scatter3A_692 = arith.constant 3 : i32
        %scatter3A_693 = arith.constant 0 : i32
        %scatter3A_694 = arith.constant 0 : i32
        %scatter3A_695 = arith.constant 0 : i32
        %scatter3A_696 = tpu.memref_slice %arg7[%scatter3A_692, %scatter3A_693, %scatter3A_694, %scatter3A_695] : memref<4x8x8x128xf32, #tpu.memory_space<vmem>> -> memref<1x8x8x128xf32, #tpu.memory_space<vmem>>
        %scatter3A_697 = tpu.memref_squeeze %scatter3A_696 : memref<1x8x8x128xf32, #tpu.memory_space<vmem>> -> memref<8x8x128xf32, #tpu.memory_space<vmem>>
        tpu.vector_store_idx %scatter3A_697[%shift_right_arithmetic3A_636, %and3A_639, %add3A_72], %mul3A_691 : memref<8x8x128xf32, #tpu.memory_space<vmem>>[vector<16xi32>, vector<16xi32>, vector<16xi32>], vector<16xf32>,
        %gather3A_698 = arith.constant 3 : i32
        %gather3A_699 = arith.constant 0 : i32
        %gather3A_700 = arith.constant 0 : i32
        %gather3A_701 = tpu.memref_slice %arg6[%gather3A_698, %gather3A_699, %gather3A_700] : memref<4x128x64xf32, #tpu.memory_space<vmem>> -> memref<1x128x64xf32, #tpu.memory_space<vmem>>
        %gather3A_702 = tpu.memref_squeeze %gather3A_701 : memref<1x128x64xf32, #tpu.memory_space<vmem>> -> memref<128x64xf32, #tpu.memory_space<vmem>>
        %gather3A_703 = tpu.vector_load_idx %gather3A_702[%add3A_76, %add3A_634] : memref<128x64xf32, #tpu.memory_space<vmem>>[vector<16xi32>, vector<16xi32>], vector<16xf32>,
        %mul3A_704 = arith.constant 8.000000e+00 : f32
        %mul3A_705 = vector.broadcast %mul3A_704 : f32 to vector<16xf32>
        %mul3A_706 = arith.mulf %gather3A_703, %mul3A_705 : vector<16xf32>
        %scatter3A_707 = arith.constant 3 : i32
        %scatter3A_708 = arith.constant 0 : i32
        %scatter3A_709 = arith.constant 0 : i32
        %scatter3A_710 = arith.constant 0 : i32
        %scatter3A_711 = tpu.memref_slice %arg7[%scatter3A_707, %scatter3A_708, %scatter3A_709, %scatter3A_710] : memref<4x8x8x128xf32, #tpu.memory_space<vmem>> -> memref<1x8x8x128xf32, #tpu.memory_space<vmem>>
        %scatter3A_712 = tpu.memref_squeeze %scatter3A_711 : memref<1x8x8x128xf32, #tpu.memory_space<vmem>> -> memref<8x8x128xf32, #tpu.memory_space<vmem>>
        tpu.vector_store_idx %scatter3A_712[%shift_right_arithmetic3A_636, %and3A_639, %add3A_76], %mul3A_706 : memref<8x8x128xf32, #tpu.memory_space<vmem>>[vector<16xi32>, vector<16xi32>, vector<16xi32>], vector<16xf32>,
        %gather3A_713 = arith.constant 3 : i32
        %gather3A_714 = arith.constant 0 : i32
        %gather3A_715 = arith.constant 0 : i32
        %gather3A_716 = tpu.memref_slice %arg6[%gather3A_713, %gather3A_714, %gather3A_715] : memref<4x128x64xf32, #tpu.memory_space<vmem>> -> memref<1x128x64xf32, #tpu.memory_space<vmem>>
        %gather3A_717 = tpu.memref_squeeze %gather3A_716 : memref<1x128x64xf32, #tpu.memory_space<vmem>> -> memref<128x64xf32, #tpu.memory_space<vmem>>
        %gather3A_718 = tpu.vector_load_idx %gather3A_717[%add3A_80, %add3A_634] : memref<128x64xf32, #tpu.memory_space<vmem>>[vector<16xi32>, vector<16xi32>], vector<16xf32>,
        %mul3A_719 = arith.constant 8.000000e+00 : f32
        %mul3A_720 = vector.broadcast %mul3A_719 : f32 to vector<16xf32>
        %mul3A_721 = arith.mulf %gather3A_718, %mul3A_720 : vector<16xf32>
        %scatter3A_722 = arith.constant 3 : i32
        %scatter3A_723 = arith.constant 0 : i32
        %scatter3A_724 = arith.constant 0 : i32
        %scatter3A_725 = arith.constant 0 : i32
        %scatter3A_726 = tpu.memref_slice %arg7[%scatter3A_722, %scatter3A_723, %scatter3A_724, %scatter3A_725] : memref<4x8x8x128xf32, #tpu.memory_space<vmem>> -> memref<1x8x8x128xf32, #tpu.memory_space<vmem>>
        %scatter3A_727 = tpu.memref_squeeze %scatter3A_726 : memref<1x8x8x128xf32, #tpu.memory_space<vmem>> -> memref<8x8x128xf32, #tpu.memory_space<vmem>>
        tpu.vector_store_idx %scatter3A_727[%shift_right_arithmetic3A_636, %and3A_639, %add3A_80], %mul3A_721 : memref<8x8x128xf32, #tpu.memory_space<vmem>>[vector<16xi32>, vector<16xi32>, vector<16xi32>], vector<16xf32>,
        %gather3A_728 = arith.constant 3 : i32
        %gather3A_729 = arith.constant 0 : i32
        %gather3A_730 = arith.constant 0 : i32
        %gather3A_731 = tpu.memref_slice %arg6[%gather3A_728, %gather3A_729, %gather3A_730] : memref<4x128x64xf32, #tpu.memory_space<vmem>> -> memref<1x128x64xf32, #tpu.memory_space<vmem>>
        %gather3A_732 = tpu.memref_squeeze %gather3A_731 : memref<1x128x64xf32, #tpu.memory_space<vmem>> -> memref<128x64xf32, #tpu.memory_space<vmem>>
        %gather3A_733 = tpu.vector_load_idx %gather3A_732[%add3A_84, %add3A_634] : memref<128x64xf32, #tpu.memory_space<vmem>>[vector<16xi32>, vector<16xi32>], vector<16xf32>,
        %mul3A_734 = arith.constant 8.000000e+00 : f32
        %mul3A_735 = vector.broadcast %mul3A_734 : f32 to vector<16xf32>
        %mul3A_736 = arith.mulf %gather3A_733, %mul3A_735 : vector<16xf32>
        %scatter3A_737 = arith.constant 3 : i32
        %scatter3A_738 = arith.constant 0 : i32
        %scatter3A_739 = arith.constant 0 : i32
        %scatter3A_740 = arith.constant 0 : i32
        %scatter3A_741 = tpu.memref_slice %arg7[%scatter3A_737, %scatter3A_738, %scatter3A_739, %scatter3A_740] : memref<4x8x8x128xf32, #tpu.memory_space<vmem>> -> memref<1x8x8x128xf32, #tpu.memory_space<vmem>>
        %scatter3A_742 = tpu.memref_squeeze %scatter3A_741 : memref<1x8x8x128xf32, #tpu.memory_space<vmem>> -> memref<8x8x128xf32, #tpu.memory_space<vmem>>
        tpu.vector_store_idx %scatter3A_742[%shift_right_arithmetic3A_636, %and3A_639, %add3A_84], %mul3A_736 : memref<8x8x128xf32, #tpu.memory_space<vmem>>[vector<16xi32>, vector<16xi32>, vector<16xi32>], vector<16xf32>,
        %gather3A_743 = arith.constant 3 : i32
        %gather3A_744 = arith.constant 0 : i32
        %gather3A_745 = arith.constant 0 : i32
        %gather3A_746 = tpu.memref_slice %arg6[%gather3A_743, %gather3A_744, %gather3A_745] : memref<4x128x64xf32, #tpu.memory_space<vmem>> -> memref<1x128x64xf32, #tpu.memory_space<vmem>>
        %gather3A_747 = tpu.memref_squeeze %gather3A_746 : memref<1x128x64xf32, #tpu.memory_space<vmem>> -> memref<128x64xf32, #tpu.memory_space<vmem>>
        %gather3A_748 = tpu.vector_load_idx %gather3A_747[%add3A_88, %add3A_634] : memref<128x64xf32, #tpu.memory_space<vmem>>[vector<16xi32>, vector<16xi32>], vector<16xf32>,
        %mul3A_749 = arith.constant 8.000000e+00 : f32
        %mul3A_750 = vector.broadcast %mul3A_749 : f32 to vector<16xf32>
        %mul3A_751 = arith.mulf %gather3A_748, %mul3A_750 : vector<16xf32>
        %scatter3A_752 = arith.constant 3 : i32
        %scatter3A_753 = arith.constant 0 : i32
        %scatter3A_754 = arith.constant 0 : i32
        %scatter3A_755 = arith.constant 0 : i32
        %scatter3A_756 = tpu.memref_slice %arg7[%scatter3A_752, %scatter3A_753, %scatter3A_754, %scatter3A_755] : memref<4x8x8x128xf32, #tpu.memory_space<vmem>> -> memref<1x8x8x128xf32, #tpu.memory_space<vmem>>
        %scatter3A_757 = tpu.memref_squeeze %scatter3A_756 : memref<1x8x8x128xf32, #tpu.memory_space<vmem>> -> memref<8x8x128xf32, #tpu.memory_space<vmem>>
        tpu.vector_store_idx %scatter3A_757[%shift_right_arithmetic3A_636, %and3A_639, %add3A_88], %mul3A_751 : memref<8x8x128xf32, #tpu.memory_space<vmem>>[vector<16xi32>, vector<16xi32>, vector<16xi32>], vector<16xf32>,
        %add3A_758 = arith.constant 1 : i32
        %add3A_759 = vector.broadcast %add3A_758 : i32 to vector<16xi32>
        %add3A_760 = arith.addi %scan3A_631, %add3A_759 : vector<16xi32>
        %and3A_761 = arith.constant 15 : i32
        %and3A_762 = vector.broadcast %and3A_761 : i32 to vector<16xi32>
        %and3A_763 = arith.andi %add3A_760, %and3A_762 : vector<16xi32>
        scf.yield %and3A_763 : vector<16xi32>
      }
      %scan3A_592 = arith.constant 16 : i32
      %scan3A_593 = arith.constant 0 : i32
      %scan3A_594 = arith.constant 16 : i32
      %scan3A_595 = arith.addi %scan3A_593, %scan3A_594 : i32
      %scan3A_596 = arith.constant 1 : i32
      %scan3A_597 = scf.for %scan3A_630 = %scan3A_593 to %scan3A_595 step %scan3A_596 iter_args(%scan3A_631 = %add3A_60) -> (vector<16xi32>)  : i32 {
        %add3A_632 = arith.constant 48 : i32
        %add3A_633 = vector.broadcast %add3A_632 : i32 to vector<16xi32>
        %add3A_634 = arith.addi %scan3A_631, %add3A_633 : vector<16xi32>
        %shift_right_arithmetic3A = arith.constant 3 : i32
        %shift_right_arithmetic3A_635 = vector.broadcast %shift_right_arithmetic3A : i32 to vector<16xi32>
        %shift_right_arithmetic3A_636 = arith.shrsi %add3A_634, %shift_right_arithmetic3A_635 : vector<16xi32>
        %and3A_637 = arith.constant 7 : i32
        %and3A_638 = vector.broadcast %and3A_637 : i32 to vector<16xi32>
        %and3A_639 = arith.andi %add3A_634, %and3A_638 : vector<16xi32>
        %gather3A = arith.constant 3 : i32
        %gather3A_640 = arith.constant 0 : i32
        %gather3A_641 = arith.constant 0 : i32
        %gather3A_642 = tpu.memref_slice %arg6[%gather3A, %gather3A_640, %gather3A_641] : memref<4x128x64xf32, #tpu.memory_space<vmem>> -> memref<1x128x64xf32, #tpu.memory_space<vmem>>
        %gather3A_643 = tpu.memref_squeeze %gather3A_642 : memref<1x128x64xf32, #tpu.memory_space<vmem>> -> memref<128x64xf32, #tpu.memory_space<vmem>>
        %gather3A_644 = tpu.vector_load_idx %gather3A_643[%add3A_60, %add3A_634] : memref<128x64xf32, #tpu.memory_space<vmem>>[vector<16xi32>, vector<16xi32>], vector<16xf32>,
        %mul3A_645 = arith.constant 8.000000e+00 : f32
        %mul3A_646 = vector.broadcast %mul3A_645 : f32 to vector<16xf32>
        %mul3A_647 = arith.mulf %gather3A_644, %mul3A_646 : vector<16xf32>
        %scatter3A = arith.constant 3 : i32
        %scatter3A_648 = arith.constant 0 : i32
        %scatter3A_649 = arith.constant 0 : i32
        %scatter3A_650 = arith.constant 0 : i32
        %scatter3A_651 = tpu.memref_slice %arg7[%scatter3A, %scatter3A_648, %scatter3A_649, %scatter3A_650] : memref<4x8x8x128xf32, #tpu.memory_space<vmem>> -> memref<1x8x8x128xf32, #tpu.memory_space<vmem>>
        %scatter3A_652 = tpu.memref_squeeze %scatter3A_651 : memref<1x8x8x128xf32, #tpu.memory_space<vmem>> -> memref<8x8x128xf32, #tpu.memory_space<vmem>>
        tpu.vector_store_idx %scatter3A_652[%shift_right_arithmetic3A_636, %and3A_639, %add3A_60], %mul3A_647 : memref<8x8x128xf32, #tpu.memory_space<vmem>>[vector<16xi32>, vector<16xi32>, vector<16xi32>], vector<16xf32>,
        %gather3A_653 = arith.constant 3 : i32
        %gather3A_654 = arith.constant 0 : i32
        %gather3A_655 = arith.constant 0 : i32
        %gather3A_656 = tpu.memref_slice %arg6[%gather3A_653, %gather3A_654, %gather3A_655] : memref<4x128x64xf32, #tpu.memory_space<vmem>> -> memref<1x128x64xf32, #tpu.memory_space<vmem>>
        %gather3A_657 = tpu.memref_squeeze %gather3A_656 : memref<1x128x64xf32, #tpu.memory_space<vmem>> -> memref<128x64xf32, #tpu.memory_space<vmem>>
        %gather3A_658 = tpu.vector_load_idx %gather3A_657[%add3A_64, %add3A_634] : memref<128x64xf32, #tpu.memory_space<vmem>>[vector<16xi32>, vector<16xi32>], vector<16xf32>,
        %mul3A_659 = arith.constant 8.000000e+00 : f32
        %mul3A_660 = vector.broadcast %mul3A_659 : f32 to vector<16xf32>
        %mul3A_661 = arith.mulf %gather3A_658, %mul3A_660 : vector<16xf32>
        %scatter3A_662 = arith.constant 3 : i32
        %scatter3A_663 = arith.constant 0 : i32
        %scatter3A_664 = arith.constant 0 : i32
        %scatter3A_665 = arith.constant 0 : i32
        %scatter3A_666 = tpu.memref_slice %arg7[%scatter3A_662, %scatter3A_663, %scatter3A_664, %scatter3A_665] : memref<4x8x8x128xf32, #tpu.memory_space<vmem>> -> memref<1x8x8x128xf32, #tpu.memory_space<vmem>>
        %scatter3A_667 = tpu.memref_squeeze %scatter3A_666 : memref<1x8x8x128xf32, #tpu.memory_space<vmem>> -> memref<8x8x128xf32, #tpu.memory_space<vmem>>
        tpu.vector_store_idx %scatter3A_667[%shift_right_arithmetic3A_636, %and3A_639, %add3A_64], %mul3A_661 : memref<8x8x128xf32, #tpu.memory_space<vmem>>[vector<16xi32>, vector<16xi32>, vector<16xi32>], vector<16xf32>,
        %gather3A_668 = arith.constant 3 : i32
        %gather3A_669 = arith.constant 0 : i32
        %gather3A_670 = arith.constant 0 : i32
        %gather3A_671 = tpu.memref_slice %arg6[%gather3A_668, %gather3A_669, %gather3A_670] : memref<4x128x64xf32, #tpu.memory_space<vmem>> -> memref<1x128x64xf32, #tpu.memory_space<vmem>>
        %gather3A_672 = tpu.memref_squeeze %gather3A_671 : memref<1x128x64xf32, #tpu.memory_space<vmem>> -> memref<128x64xf32, #tpu.memory_space<vmem>>
        %gather3A_673 = tpu.vector_load_idx %gather3A_672[%add3A_68, %add3A_634] : memref<128x64xf32, #tpu.memory_space<vmem>>[vector<16xi32>, vector<16xi32>], vector<16xf32>,
        %mul3A_674 = arith.constant 8.000000e+00 : f32
        %mul3A_675 = vector.broadcast %mul3A_674 : f32 to vector<16xf32>
        %mul3A_676 = arith.mulf %gather3A_673, %mul3A_675 : vector<16xf32>
        %scatter3A_677 = arith.constant 3 : i32
        %scatter3A_678 = arith.constant 0 : i32
        %scatter3A_679 = arith.constant 0 : i32
        %scatter3A_680 = arith.constant 0 : i32
        %scatter3A_681 = tpu.memref_slice %arg7[%scatter3A_677, %scatter3A_678, %scatter3A_679, %scatter3A_680] : memref<4x8x8x128xf32, #tpu.memory_space<vmem>> -> memref<1x8x8x128xf32, #tpu.memory_space<vmem>>
        %scatter3A_682 = tpu.memref_squeeze %scatter3A_681 : memref<1x8x8x128xf32, #tpu.memory_space<vmem>> -> memref<8x8x128xf32, #tpu.memory_space<vmem>>
        tpu.vector_store_idx %scatter3A_682[%shift_right_arithmetic3A_636, %and3A_639, %add3A_68], %mul3A_676 : memref<8x8x128xf32, #tpu.memory_space<vmem>>[vector<16xi32>, vector<16xi32>, vector<16xi32>], vector<16xf32>,
        %gather3A_683 = arith.constant 3 : i32
        %gather3A_684 = arith.constant 0 : i32
        %gather3A_685 = arith.constant 0 : i32
        %gather3A_686 = tpu.memref_slice %arg6[%gather3A_683, %gather3A_684, %gather3A_685] : memref<4x128x64xf32, #tpu.memory_space<vmem>> -> memref<1x128x64xf32, #tpu.memory_space<vmem>>
        %gather3A_687 = tpu.memref_squeeze %gather3A_686 : memref<1x128x64xf32, #tpu.memory_space<vmem>> -> memref<128x64xf32, #tpu.memory_space<vmem>>
        %gather3A_688 = tpu.vector_load_idx %gather3A_687[%add3A_72, %add3A_634] : memref<128x64xf32, #tpu.memory_space<vmem>>[vector<16xi32>, vector<16xi32>], vector<16xf32>,
        %mul3A_689 = arith.constant 8.000000e+00 : f32
        %mul3A_690 = vector.broadcast %mul3A_689 : f32 to vector<16xf32>
        %mul3A_691 = arith.mulf %gather3A_688, %mul3A_690 : vector<16xf32>
        %scatter3A_692 = arith.constant 3 : i32
        %scatter3A_693 = arith.constant 0 : i32
        %scatter3A_694 = arith.constant 0 : i32
        %scatter3A_695 = arith.constant 0 : i32
        %scatter3A_696 = tpu.memref_slice %arg7[%scatter3A_692, %scatter3A_693, %scatter3A_694, %scatter3A_695] : memref<4x8x8x128xf32, #tpu.memory_space<vmem>> -> memref<1x8x8x128xf32, #tpu.memory_space<vmem>>
        %scatter3A_697 = tpu.memref_squeeze %scatter3A_696 : memref<1x8x8x128xf32, #tpu.memory_space<vmem>> -> memref<8x8x128xf32, #tpu.memory_space<vmem>>
        tpu.vector_store_idx %scatter3A_697[%shift_right_arithmetic3A_636, %and3A_639, %add3A_72], %mul3A_691 : memref<8x8x128xf32, #tpu.memory_space<vmem>>[vector<16xi32>, vector<16xi32>, vector<16xi32>], vector<16xf32>,
        %gather3A_698 = arith.constant 3 : i32
        %gather3A_699 = arith.constant 0 : i32
        %gather3A_700 = arith.constant 0 : i32
        %gather3A_701 = tpu.memref_slice %arg6[%gather3A_698, %gather3A_699, %gather3A_700] : memref<4x128x64xf32, #tpu.memory_space<vmem>> -> memref<1x128x64xf32, #tpu.memory_space<vmem>>
        %gather3A_702 = tpu.memref_squeeze %gather3A_701 : memref<1x128x64xf32, #tpu.memory_space<vmem>> -> memref<128x64xf32, #tpu.memory_space<vmem>>
        %gather3A_703 = tpu.vector_load_idx %gather3A_702[%add3A_76, %add3A_634] : memref<128x64xf32, #tpu.memory_space<vmem>>[vector<16xi32>, vector<16xi32>], vector<16xf32>,
        %mul3A_704 = arith.constant 8.000000e+00 : f32
        %mul3A_705 = vector.broadcast %mul3A_704 : f32 to vector<16xf32>
        %mul3A_706 = arith.mulf %gather3A_703, %mul3A_705 : vector<16xf32>
        %scatter3A_707 = arith.constant 3 : i32
        %scatter3A_708 = arith.constant 0 : i32
        %scatter3A_709 = arith.constant 0 : i32
        %scatter3A_710 = arith.constant 0 : i32
        %scatter3A_711 = tpu.memref_slice %arg7[%scatter3A_707, %scatter3A_708, %scatter3A_709, %scatter3A_710] : memref<4x8x8x128xf32, #tpu.memory_space<vmem>> -> memref<1x8x8x128xf32, #tpu.memory_space<vmem>>
        %scatter3A_712 = tpu.memref_squeeze %scatter3A_711 : memref<1x8x8x128xf32, #tpu.memory_space<vmem>> -> memref<8x8x128xf32, #tpu.memory_space<vmem>>
        tpu.vector_store_idx %scatter3A_712[%shift_right_arithmetic3A_636, %and3A_639, %add3A_76], %mul3A_706 : memref<8x8x128xf32, #tpu.memory_space<vmem>>[vector<16xi32>, vector<16xi32>, vector<16xi32>], vector<16xf32>,
        %gather3A_713 = arith.constant 3 : i32
        %gather3A_714 = arith.constant 0 : i32
        %gather3A_715 = arith.constant 0 : i32
        %gather3A_716 = tpu.memref_slice %arg6[%gather3A_713, %gather3A_714, %gather3A_715] : memref<4x128x64xf32, #tpu.memory_space<vmem>> -> memref<1x128x64xf32, #tpu.memory_space<vmem>>
        %gather3A_717 = tpu.memref_squeeze %gather3A_716 : memref<1x128x64xf32, #tpu.memory_space<vmem>> -> memref<128x64xf32, #tpu.memory_space<vmem>>
        %gather3A_718 = tpu.vector_load_idx %gather3A_717[%add3A_80, %add3A_634] : memref<128x64xf32, #tpu.memory_space<vmem>>[vector<16xi32>, vector<16xi32>], vector<16xf32>,
        %mul3A_719 = arith.constant 8.000000e+00 : f32
        %mul3A_720 = vector.broadcast %mul3A_719 : f32 to vector<16xf32>
        %mul3A_721 = arith.mulf %gather3A_718, %mul3A_720 : vector<16xf32>
        %scatter3A_722 = arith.constant 3 : i32
        %scatter3A_723 = arith.constant 0 : i32
        %scatter3A_724 = arith.constant 0 : i32
        %scatter3A_725 = arith.constant 0 : i32
        %scatter3A_726 = tpu.memref_slice %arg7[%scatter3A_722, %scatter3A_723, %scatter3A_724, %scatter3A_725] : memref<4x8x8x128xf32, #tpu.memory_space<vmem>> -> memref<1x8x8x128xf32, #tpu.memory_space<vmem>>
        %scatter3A_727 = tpu.memref_squeeze %scatter3A_726 : memref<1x8x8x128xf32, #tpu.memory_space<vmem>> -> memref<8x8x128xf32, #tpu.memory_space<vmem>>
        tpu.vector_store_idx %scatter3A_727[%shift_right_arithmetic3A_636, %and3A_639, %add3A_80], %mul3A_721 : memref<8x8x128xf32, #tpu.memory_space<vmem>>[vector<16xi32>, vector<16xi32>, vector<16xi32>], vector<16xf32>,
        %gather3A_728 = arith.constant 3 : i32
        %gather3A_729 = arith.constant 0 : i32
        %gather3A_730 = arith.constant 0 : i32
        %gather3A_731 = tpu.memref_slice %arg6[%gather3A_728, %gather3A_729, %gather3A_730] : memref<4x128x64xf32, #tpu.memory_space<vmem>> -> memref<1x128x64xf32, #tpu.memory_space<vmem>>
        %gather3A_732 = tpu.memref_squeeze %gather3A_731 : memref<1x128x64xf32, #tpu.memory_space<vmem>> -> memref<128x64xf32, #tpu.memory_space<vmem>>
        %gather3A_733 = tpu.vector_load_idx %gather3A_732[%add3A_84, %add3A_634] : memref<128x64xf32, #tpu.memory_space<vmem>>[vector<16xi32>, vector<16xi32>], vector<16xf32>,
        %mul3A_734 = arith.constant 8.000000e+00 : f32
        %mul3A_735 = vector.broadcast %mul3A_734 : f32 to vector<16xf32>
        %mul3A_736 = arith.mulf %gather3A_733, %mul3A_735 : vector<16xf32>
        %scatter3A_737 = arith.constant 3 : i32
        %scatter3A_738 = arith.constant 0 : i32
        %scatter3A_739 = arith.constant 0 : i32
        %scatter3A_740 = arith.constant 0 : i32
        %scatter3A_741 = tpu.memref_slice %arg7[%scatter3A_737, %scatter3A_738, %scatter3A_739, %scatter3A_740] : memref<4x8x8x128xf32, #tpu.memory_space<vmem>> -> memref<1x8x8x128xf32, #tpu.memory_space<vmem>>
        %scatter3A_742 = tpu.memref_squeeze %scatter3A_741 : memref<1x8x8x128xf32, #tpu.memory_space<vmem>> -> memref<8x8x128xf32, #tpu.memory_space<vmem>>
        tpu.vector_store_idx %scatter3A_742[%shift_right_arithmetic3A_636, %and3A_639, %add3A_84], %mul3A_736 : memref<8x8x128xf32, #tpu.memory_space<vmem>>[vector<16xi32>, vector<16xi32>, vector<16xi32>], vector<16xf32>,
        %gather3A_743 = arith.constant 3 : i32
        %gather3A_744 = arith.constant 0 : i32
        %gather3A_745 = arith.constant 0 : i32
        %gather3A_746 = tpu.memref_slice %arg6[%gather3A_743, %gather3A_744, %gather3A_745] : memref<4x128x64xf32, #tpu.memory_space<vmem>> -> memref<1x128x64xf32, #tpu.memory_space<vmem>>
        %gather3A_747 = tpu.memref_squeeze %gather3A_746 : memref<1x128x64xf32, #tpu.memory_space<vmem>> -> memref<128x64xf32, #tpu.memory_space<vmem>>
        %gather3A_748 = tpu.vector_load_idx %gather3A_747[%add3A_88, %add3A_634] : memref<128x64xf32, #tpu.memory_space<vmem>>[vector<16xi32>, vector<16xi32>], vector<16xf32>,
        %mul3A_749 = arith.constant 8.000000e+00 : f32
        %mul3A_750 = vector.broadcast %mul3A_749 : f32 to vector<16xf32>
        %mul3A_751 = arith.mulf %gather3A_748, %mul3A_750 : vector<16xf32>
        %scatter3A_752 = arith.constant 3 : i32
        %scatter3A_753 = arith.constant 0 : i32
        %scatter3A_754 = arith.constant 0 : i32
        %scatter3A_755 = arith.constant 0 : i32
        %scatter3A_756 = tpu.memref_slice %arg7[%scatter3A_752, %scatter3A_753, %scatter3A_754, %scatter3A_755] : memref<4x8x8x128xf32, #tpu.memory_space<vmem>> -> memref<1x8x8x128xf32, #tpu.memory_space<vmem>>
        %scatter3A_757 = tpu.memref_squeeze %scatter3A_756 : memref<1x8x8x128xf32, #tpu.memory_space<vmem>> -> memref<8x8x128xf32, #tpu.memory_space<vmem>>
        tpu.vector_store_idx %scatter3A_757[%shift_right_arithmetic3A_636, %and3A_639, %add3A_88], %mul3A_751 : memref<8x8x128xf32, #tpu.memory_space<vmem>>[vector<16xi32>, vector<16xi32>, vector<16xi32>], vector<16xf32>,
        %add3A_758 = arith.constant 1 : i32
        %add3A_759 = vector.broadcast %add3A_758 : i32 to vector<16xi32>
        %add3A_760 = arith.addi %scan3A_631, %add3A_759 : vector<16xi32>
        %and3A_761 = arith.constant 15 : i32
        %and3A_762 = vector.broadcast %and3A_761 : i32 to vector<16xi32>
        %and3A_763 = arith.andi %add3A_760, %and3A_762 : vector<16xi32>
        scf.yield %and3A_763 : vector<16xi32>
      }
      %scan3A_598 = arith.constant 16 : i32
      %dma_start3A_599 = arith.constant 3 : i32
      %dma_start3A_600 = arith.constant 3 : i32
      %dma_start3A_601 = arith.constant 0 : i32
      %dma_start3A_602 = arith.constant 0 : i32
      %dma_start3A_603 = arith.constant 0 : i32
      %dma_start3A_604 = tpu.memref_slice %arg7[%dma_start3A_599, %dma_start3A_601, %dma_start3A_602, %dma_start3A_603] : memref<4x8x8x128xf32, #tpu.memory_space<vmem>> -> memref<1x8x8x128xf32, #tpu.memory_space<vmem>>
      %dma_start3A_605 = tpu.memref_squeeze %dma_start3A_604 : memref<1x8x8x128xf32, #tpu.memory_space<vmem>> -> memref<8x8x128xf32, #tpu.memory_space<vmem>>
      %dma_start3A_606 = arith.constant 0 : i32
      %dma_start3A_607 = arith.constant 0 : i32
      %dma_start3A_608 = arith.constant 0 : i32
      %dma_start3A_609 = tpu.memref_slice %arg4[%select_n3A_550, %dma_start3A_606, %add3A_555, %dma_start3A_607, %dma_start3A_608] : memref<50x8x128x8x128xf32, #tpu.memory_space<hbm>> -> memref<1x8x1x8x128xf32, #tpu.memory_space<hbm>>
      %dma_start3A_610 = tpu.memref_squeeze %dma_start3A_609 : memref<1x8x1x8x128xf32, #tpu.memory_space<hbm>> -> memref<8x8x128xf32, #tpu.memory_space<hbm>>
      %dma_start3A_611 = tpu.memref_slice %arg10[%dma_start3A_600] : memref<4x!tpu.dma_semaphore, #tpu.memory_space<semaphore_mem>> -> memref<1x!tpu.dma_semaphore, #tpu.memory_space<semaphore_mem>>
      %dma_start3A_612 = tpu.memref_squeeze %dma_start3A_611 : memref<1x!tpu.dma_semaphore, #tpu.memory_space<semaphore_mem>> -> memref<!tpu.dma_semaphore, #tpu.memory_space<semaphore_mem>>
      %dma_start3A_613 = arith.constant 0 : i32
      %dma_start3A_614 = arith.constant 0 : i32
      %dma_start3A_615 = arith.constant 0 : i32
      %dma_start3A_616 = tpu.memref_slice %arg4[%select_n3A_550, %dma_start3A_613, %add3A_555, %dma_start3A_614, %dma_start3A_615] : memref<50x8x128x8x128xf32, #tpu.memory_space<hbm>> -> memref<1x8x1x8x128xf32, #tpu.memory_space<hbm>>
      %dma_start3A_617 = tpu.memref_squeeze %dma_start3A_616 : memref<1x8x1x8x128xf32, #tpu.memory_space<hbm>> -> memref<8x8x128xf32, #tpu.memory_space<hbm>>
      %dma_start3A_618 = arith.constant 0 : i32
      %dma_start3A_619 = arith.constant 0 : i32
      %dma_start3A_620 = arith.constant 0 : i32
      %dma_start3A_621 = tpu.memref_slice %arg7[%dma_start3A_599, %dma_start3A_618, %dma_start3A_619, %dma_start3A_620] : memref<4x8x8x128xf32, #tpu.memory_space<vmem>> -> memref<1x8x8x128xf32, #tpu.memory_space<vmem>>
      %dma_start3A_622 = tpu.memref_squeeze %dma_start3A_621 : memref<1x8x8x128xf32, #tpu.memory_space<vmem>> -> memref<8x8x128xf32, #tpu.memory_space<vmem>>
      tpu.enqueue_dma source(%dma_start3A_622 : memref<8x8x128xf32, #tpu.memory_space<vmem>>) target(%dma_start3A_617 : memref<8x8x128xf32, #tpu.memory_space<hbm>>) target_semaphore(%dma_start3A_612 : memref<!tpu.dma_semaphore, #tpu.memory_space<semaphore_mem>>)
      %add3A_623 = arith.constant 3 : i32
      %add3A_624 = arith.addi %add3A_526, %add3A_623 : i32
      %lt3A_625 = arith.constant 200 : i32
      %lt3A_626 = arith.cmpi slt, %add3A_624, %lt3A_625 : i32
      %convert_element_type3A_627 = arith.extui %lt3A_626 : i1 to i32
      %cond3A_628 = arith.constant 0 : i32
      %cond3A_629 = arith.cmpi ne, %convert_element_type3A_627, %cond3A_628 : i32
      scf.if %cond3A_629 {
        %dma_start3A_630 = arith.constant 2 : i32
        %dma_start3A_631 = arith.constant 2 : i32
        %dma_start3A_632 = arith.constant 0 : i32
        %dma_start3A_633 = arith.constant 0 : i32
        %dma_start3A_634 = tpu.memref_slice %arg6[%dma_start3A_630, %dma_start3A_632, %dma_start3A_633] : memref<4x128x64xf32, #tpu.memory_space<vmem>> -> memref<1x128x64xf32, #tpu.memory_space<vmem>>
        %dma_start3A_635 = tpu.memref_squeeze %dma_start3A_634 : memref<1x128x64xf32, #tpu.memory_space<vmem>> -> memref<128x64xf32, #tpu.memory_space<vmem>>
        %dma_start3A_636 = arith.constant 0 : i32
        %dma_start3A_637 = tpu.memref_slice %arg5[%add3A_624, %dma_start3A_636] : memref<200x128xi32, #tpu.memory_space<vmem>> -> memref<1x128xi32, #tpu.memory_space<vmem>>
        %dma_start3A_638 = tpu.memref_squeeze %dma_start3A_637 : memref<1x128xi32, #tpu.memory_space<vmem>> -> memref<128xi32, #tpu.memory_space<vmem>>
        %dma_start3A_639 = arith.constant 0 : i32
        %dma_start3A_640 = arith.constant 0 : i32
        %dma_start3A_641 = tpu.memref_slice %arg3[%dma_start3A_639, %dma_start3A_640] : memref<1000000x64xf32, #tpu.memory_space<hbm>> -> memref<1000000x64xf32, #tpu.memory_space<hbm>>
        %dma_start3A_642 = tpu.memref_slice %arg9[%dma_start3A_631] : memref<4x!tpu.dma_semaphore, #tpu.memory_space<semaphore_mem>> -> memref<1x!tpu.dma_semaphore, #tpu.memory_space<semaphore_mem>>
        %dma_start3A_643 = tpu.memref_squeeze %dma_start3A_642 : memref<1x!tpu.dma_semaphore, #tpu.memory_space<semaphore_mem>> -> memref<!tpu.dma_semaphore, #tpu.memory_space<semaphore_mem>>
        tpu.enqueue_indirect_dma source(%dma_start3A_641 : memref<1000000x64xf32, #tpu.memory_space<hbm>>) target(%dma_start3A_635 : memref<128x64xf32, #tpu.memory_space<vmem>>) offsets(%dma_start3A_638 : memref<128xi32, #tpu.memory_space<vmem>>) semaphore(%dma_start3A_643 : memref<!tpu.dma_semaphore, #tpu.memory_space<semaphore_mem>>)
      } else {
      }
    }
    %scan3A_93 = arith.constant 50 : i32
    %mul3A_94 = arith.constant 4 : i32
    %mul3A_95 = arith.muli %add3A, %mul3A_94 : i32
    %rem3A = arith.constant 196 : i32
    %rem3A_96 = arith.constant 4 : i32
    %rem3A_97 = arith.remsi %rem3A, %rem3A_96 : i32
    %add3A_98 = arith.addi %mul3A_95, %rem3A_97 : i32
    %dma_wait3A = arith.constant 0 : i32
    %dma_wait3A_99 = arith.constant 49 : i32
    %dma_wait3A_100 = arith.constant 0 : i32
    %dma_wait3A_101 = arith.constant 0 : i32
    %dma_wait3A_102 = arith.constant 0 : i32
    %dma_wait3A_103 = arith.constant 0 : i32
    %dma_wait3A_104 = tpu.memref_slice %arg7[%dma_wait3A, %dma_wait3A_101, %dma_wait3A_102, %dma_wait3A_103] : memref<4x8x8x128xf32, #tpu.memory_space<vmem>> -> memref<1x8x8x128xf32, #tpu.memory_space<vmem>>
    %dma_wait3A_105 = tpu.memref_squeeze %dma_wait3A_104 : memref<1x8x8x128xf32, #tpu.memory_space<vmem>> -> memref<8x8x128xf32, #tpu.memory_space<vmem>>
    %dma_wait3A_106 = arith.constant 0 : i32
    %dma_wait3A_107 = arith.constant 0 : i32
    %dma_wait3A_108 = arith.constant 0 : i32
    %dma_wait3A_109 = tpu.memref_slice %arg4[%dma_wait3A_99, %dma_wait3A_106, %add3A_98, %dma_wait3A_107, %dma_wait3A_108] : memref<50x8x128x8x128xf32, #tpu.memory_space<hbm>> -> memref<1x8x1x8x128xf32, #tpu.memory_space<hbm>>
    %dma_wait3A_110 = tpu.memref_squeeze %dma_wait3A_109 : memref<1x8x1x8x128xf32, #tpu.memory_space<hbm>> -> memref<8x8x128xf32, #tpu.memory_space<hbm>>
    %dma_wait3A_111 = tpu.memref_slice %arg10[%dma_wait3A_100] : memref<4x!tpu.dma_semaphore, #tpu.memory_space<semaphore_mem>> -> memref<1x!tpu.dma_semaphore, #tpu.memory_space<semaphore_mem>>
    %dma_wait3A_112 = tpu.memref_squeeze %dma_wait3A_111 : memref<1x!tpu.dma_semaphore, #tpu.memory_space<semaphore_mem>> -> memref<!tpu.dma_semaphore, #tpu.memory_space<semaphore_mem>>
    %dma_wait3A_113 = arith.constant 0 : i32
    %dma_wait3A_114 = arith.constant 0 : i32
    %dma_wait3A_115 = arith.constant 0 : i32
    %dma_wait3A_116 = tpu.memref_slice %arg4[%dma_wait3A_99, %dma_wait3A_113, %add3A_98, %dma_wait3A_114, %dma_wait3A_115] : memref<50x8x128x8x128xf32, #tpu.memory_space<hbm>> -> memref<1x8x1x8x128xf32, #tpu.memory_space<hbm>>
    %dma_wait3A_117 = tpu.memref_squeeze %dma_wait3A_116 : memref<1x8x1x8x128xf32, #tpu.memory_space<hbm>> -> memref<8x8x128xf32, #tpu.memory_space<hbm>>
    %dma_wait3A_118 = arith.constant 0 : i32
    %dma_wait3A_119 = arith.constant 0 : i32
    %dma_wait3A_120 = arith.constant 0 : i32
    %dma_wait3A_121 = tpu.memref_slice %arg7[%dma_wait3A, %dma_wait3A_118, %dma_wait3A_119, %dma_wait3A_120] : memref<4x8x8x128xf32, #tpu.memory_space<vmem>> -> memref<1x8x8x128xf32, #tpu.memory_space<vmem>>
    %dma_wait3A_122 = tpu.memref_squeeze %dma_wait3A_121 : memref<1x8x8x128xf32, #tpu.memory_space<vmem>> -> memref<8x8x128xf32, #tpu.memory_space<vmem>>
    tpu.wait_dma2 semaphore(%dma_wait3A_112 : memref<!tpu.dma_semaphore, #tpu.memory_space<semaphore_mem>>) src(%dma_wait3A_122 : memref<8x8x128xf32, #tpu.memory_space<vmem>>) dst(%dma_wait3A_117 : memref<8x8x128xf32, #tpu.memory_space<hbm>>)
    %mul3A_123 = arith.constant 4 : i32
    %mul3A_124 = arith.muli %add3A, %mul3A_123 : i32
    %rem3A_125 = arith.constant 197 : i32
    %rem3A_126 = arith.constant 4 : i32
    %rem3A_127 = arith.remsi %rem3A_125, %rem3A_126 : i32
    %add3A_128 = arith.addi %mul3A_124, %rem3A_127 : i32
    %dma_wait3A_129 = arith.constant 1 : i32
    %dma_wait3A_130 = arith.constant 49 : i32
    %dma_wait3A_131 = arith.constant 1 : i32
    %dma_wait3A_132 = arith.constant 0 : i32
    %dma_wait3A_133 = arith.constant 0 : i32
    %dma_wait3A_134 = arith.constant 0 : i32
    %dma_wait3A_135 = tpu.memref_slice %arg7[%dma_wait3A_129, %dma_wait3A_132, %dma_wait3A_133, %dma_wait3A_134] : memref<4x8x8x128xf32, #tpu.memory_space<vmem>> -> memref<1x8x8x128xf32, #tpu.memory_space<vmem>>
    %dma_wait3A_136 = tpu.memref_squeeze %dma_wait3A_135 : memref<1x8x8x128xf32, #tpu.memory_space<vmem>> -> memref<8x8x128xf32, #tpu.memory_space<vmem>>
    %dma_wait3A_137 = arith.constant 0 : i32
    %dma_wait3A_138 = arith.constant 0 : i32
    %dma_wait3A_139 = arith.constant 0 : i32
    %dma_wait3A_140 = tpu.memref_slice %arg4[%dma_wait3A_130, %dma_wait3A_137, %add3A_128, %dma_wait3A_138, %dma_wait3A_139] : memref<50x8x128x8x128xf32, #tpu.memory_space<hbm>> -> memref<1x8x1x8x128xf32, #tpu.memory_space<hbm>>
    %dma_wait3A_141 = tpu.memref_squeeze %dma_wait3A_140 : memref<1x8x1x8x128xf32, #tpu.memory_space<hbm>> -> memref<8x8x128xf32, #tpu.memory_space<hbm>>
    %dma_wait3A_142 = tpu.memref_slice %arg10[%dma_wait3A_131] : memref<4x!tpu.dma_semaphore, #tpu.memory_space<semaphore_mem>> -> memref<1x!tpu.dma_semaphore, #tpu.memory_space<semaphore_mem>>
    %dma_wait3A_143 = tpu.memref_squeeze %dma_wait3A_142 : memref<1x!tpu.dma_semaphore, #tpu.memory_space<semaphore_mem>> -> memref<!tpu.dma_semaphore, #tpu.memory_space<semaphore_mem>>
    %dma_wait3A_144 = arith.constant 0 : i32
    %dma_wait3A_145 = arith.constant 0 : i32
    %dma_wait3A_146 = arith.constant 0 : i32
    %dma_wait3A_147 = tpu.memref_slice %arg4[%dma_wait3A_130, %dma_wait3A_144, %add3A_128, %dma_wait3A_145, %dma_wait3A_146] : memref<50x8x128x8x128xf32, #tpu.memory_space<hbm>> -> memref<1x8x1x8x128xf32, #tpu.memory_space<hbm>>
    %dma_wait3A_148 = tpu.memref_squeeze %dma_wait3A_147 : memref<1x8x1x8x128xf32, #tpu.memory_space<hbm>> -> memref<8x8x128xf32, #tpu.memory_space<hbm>>
    %dma_wait3A_149 = arith.constant 0 : i32
    %dma_wait3A_150 = arith.constant 0 : i32
    %dma_wait3A_151 = arith.constant 0 : i32
    %dma_wait3A_152 = tpu.memref_slice %arg7[%dma_wait3A_129, %dma_wait3A_149, %dma_wait3A_150, %dma_wait3A_151] : memref<4x8x8x128xf32, #tpu.memory_space<vmem>> -> memref<1x8x8x128xf32, #tpu.memory_space<vmem>>
    %dma_wait3A_153 = tpu.memref_squeeze %dma_wait3A_152 : memref<1x8x8x128xf32, #tpu.memory_space<vmem>> -> memref<8x8x128xf32, #tpu.memory_space<vmem>>
    tpu.wait_dma2 semaphore(%dma_wait3A_143 : memref<!tpu.dma_semaphore, #tpu.memory_space<semaphore_mem>>) src(%dma_wait3A_153 : memref<8x8x128xf32, #tpu.memory_space<vmem>>) dst(%dma_wait3A_148 : memref<8x8x128xf32, #tpu.memory_space<hbm>>)
    %mul3A_154 = arith.constant 4 : i32
    %mul3A_155 = arith.muli %add3A, %mul3A_154 : i32
    %rem3A_156 = arith.constant 198 : i32
    %rem3A_157 = arith.constant 4 : i32
    %rem3A_158 = arith.remsi %rem3A_156, %rem3A_157 : i32
    %add3A_159 = arith.addi %mul3A_155, %rem3A_158 : i32
    %dma_wait3A_160 = arith.constant 2 : i32
    %dma_wait3A_161 = arith.constant 49 : i32
    %dma_wait3A_162 = arith.constant 2 : i32
    %dma_wait3A_163 = arith.constant 0 : i32
    %dma_wait3A_164 = arith.constant 0 : i32
    %dma_wait3A_165 = arith.constant 0 : i32
    %dma_wait3A_166 = tpu.memref_slice %arg7[%dma_wait3A_160, %dma_wait3A_163, %dma_wait3A_164, %dma_wait3A_165] : memref<4x8x8x128xf32, #tpu.memory_space<vmem>> -> memref<1x8x8x128xf32, #tpu.memory_space<vmem>>
    %dma_wait3A_167 = tpu.memref_squeeze %dma_wait3A_166 : memref<1x8x8x128xf32, #tpu.memory_space<vmem>> -> memref<8x8x128xf32, #tpu.memory_space<vmem>>
    %dma_wait3A_168 = arith.constant 0 : i32
    %dma_wait3A_169 = arith.constant 0 : i32
    %dma_wait3A_170 = arith.constant 0 : i32
    %dma_wait3A_171 = tpu.memref_slice %arg4[%dma_wait3A_161, %dma_wait3A_168, %add3A_159, %dma_wait3A_169, %dma_wait3A_170] : memref<50x8x128x8x128xf32, #tpu.memory_space<hbm>> -> memref<1x8x1x8x128xf32, #tpu.memory_space<hbm>>
    %dma_wait3A_172 = tpu.memref_squeeze %dma_wait3A_171 : memref<1x8x1x8x128xf32, #tpu.memory_space<hbm>> -> memref<8x8x128xf32, #tpu.memory_space<hbm>>
    %dma_wait3A_173 = tpu.memref_slice %arg10[%dma_wait3A_162] : memref<4x!tpu.dma_semaphore, #tpu.memory_space<semaphore_mem>> -> memref<1x!tpu.dma_semaphore, #tpu.memory_space<semaphore_mem>>
    %dma_wait3A_174 = tpu.memref_squeeze %dma_wait3A_173 : memref<1x!tpu.dma_semaphore, #tpu.memory_space<semaphore_mem>> -> memref<!tpu.dma_semaphore, #tpu.memory_space<semaphore_mem>>
    %dma_wait3A_175 = arith.constant 0 : i32
    %dma_wait3A_176 = arith.constant 0 : i32
    %dma_wait3A_177 = arith.constant 0 : i32
    %dma_wait3A_178 = tpu.memref_slice %arg4[%dma_wait3A_161, %dma_wait3A_175, %add3A_159, %dma_wait3A_176, %dma_wait3A_177] : memref<50x8x128x8x128xf32, #tpu.memory_space<hbm>> -> memref<1x8x1x8x128xf32, #tpu.memory_space<hbm>>
    %dma_wait3A_179 = tpu.memref_squeeze %dma_wait3A_178 : memref<1x8x1x8x128xf32, #tpu.memory_space<hbm>> -> memref<8x8x128xf32, #tpu.memory_space<hbm>>
    %dma_wait3A_180 = arith.constant 0 : i32
    %dma_wait3A_181 = arith.constant 0 : i32
    %dma_wait3A_182 = arith.constant 0 : i32
    %dma_wait3A_183 = tpu.memref_slice %arg7[%dma_wait3A_160, %dma_wait3A_180, %dma_wait3A_181, %dma_wait3A_182] : memref<4x8x8x128xf32, #tpu.memory_space<vmem>> -> memref<1x8x8x128xf32, #tpu.memory_space<vmem>>
    %dma_wait3A_184 = tpu.memref_squeeze %dma_wait3A_183 : memref<1x8x8x128xf32, #tpu.memory_space<vmem>> -> memref<8x8x128xf32, #tpu.memory_space<vmem>>
    tpu.wait_dma2 semaphore(%dma_wait3A_174 : memref<!tpu.dma_semaphore, #tpu.memory_space<semaphore_mem>>) src(%dma_wait3A_184 : memref<8x8x128xf32, #tpu.memory_space<vmem>>) dst(%dma_wait3A_179 : memref<8x8x128xf32, #tpu.memory_space<hbm>>)
    %mul3A_185 = arith.constant 4 : i32
    %mul3A_186 = arith.muli %add3A, %mul3A_185 : i32
    %rem3A_187 = arith.constant 199 : i32
    %rem3A_188 = arith.constant 4 : i32
    %rem3A_189 = arith.remsi %rem3A_187, %rem3A_188 : i32
    %add3A_190 = arith.addi %mul3A_186, %rem3A_189 : i32
    %dma_wait3A_191 = arith.constant 3 : i32
    %dma_wait3A_192 = arith.constant 49 : i32
    %dma_wait3A_193 = arith.constant 3 : i32
    %dma_wait3A_194 = arith.constant 0 : i32
    %dma_wait3A_195 = arith.constant 0 : i32
    %dma_wait3A_196 = arith.constant 0 : i32
    %dma_wait3A_197 = tpu.memref_slice %arg7[%dma_wait3A_191, %dma_wait3A_194, %dma_wait3A_195, %dma_wait3A_196] : memref<4x8x8x128xf32, #tpu.memory_space<vmem>> -> memref<1x8x8x128xf32, #tpu.memory_space<vmem>>
    %dma_wait3A_198 = tpu.memref_squeeze %dma_wait3A_197 : memref<1x8x8x128xf32, #tpu.memory_space<vmem>> -> memref<8x8x128xf32, #tpu.memory_space<vmem>>
    %dma_wait3A_199 = arith.constant 0 : i32
    %dma_wait3A_200 = arith.constant 0 : i32
    %dma_wait3A_201 = arith.constant 0 : i32
    %dma_wait3A_202 = tpu.memref_slice %arg4[%dma_wait3A_192, %dma_wait3A_199, %add3A_190, %dma_wait3A_200, %dma_wait3A_201] : memref<50x8x128x8x128xf32, #tpu.memory_space<hbm>> -> memref<1x8x1x8x128xf32, #tpu.memory_space<hbm>>
    %dma_wait3A_203 = tpu.memref_squeeze %dma_wait3A_202 : memref<1x8x1x8x128xf32, #tpu.memory_space<hbm>> -> memref<8x8x128xf32, #tpu.memory_space<hbm>>
    %dma_wait3A_204 = tpu.memref_slice %arg10[%dma_wait3A_193] : memref<4x!tpu.dma_semaphore, #tpu.memory_space<semaphore_mem>> -> memref<1x!tpu.dma_semaphore, #tpu.memory_space<semaphore_mem>>
    %dma_wait3A_205 = tpu.memref_squeeze %dma_wait3A_204 : memref<1x!tpu.dma_semaphore, #tpu.memory_space<semaphore_mem>> -> memref<!tpu.dma_semaphore, #tpu.memory_space<semaphore_mem>>
    %dma_wait3A_206 = arith.constant 0 : i32
    %dma_wait3A_207 = arith.constant 0 : i32
    %dma_wait3A_208 = arith.constant 0 : i32
    %dma_wait3A_209 = tpu.memref_slice %arg4[%dma_wait3A_192, %dma_wait3A_206, %add3A_190, %dma_wait3A_207, %dma_wait3A_208] : memref<50x8x128x8x128xf32, #tpu.memory_space<hbm>> -> memref<1x8x1x8x128xf32, #tpu.memory_space<hbm>>
    %dma_wait3A_210 = tpu.memref_squeeze %dma_wait3A_209 : memref<1x8x1x8x128xf32, #tpu.memory_space<hbm>> -> memref<8x8x128xf32, #tpu.memory_space<hbm>>
    %dma_wait3A_211 = arith.constant 0 : i32
    %dma_wait3A_212 = arith.constant 0 : i32
    %dma_wait3A_213 = arith.constant 0 : i32
    %dma_wait3A_214 = tpu.memref_slice %arg7[%dma_wait3A_191, %dma_wait3A_211, %dma_wait3A_212, %dma_wait3A_213] : memref<4x8x8x128xf32, #tpu.memory_space<vmem>> -> memref<1x8x8x128xf32, #tpu.memory_space<vmem>>
    %dma_wait3A_215 = tpu.memref_squeeze %dma_wait3A_214 : memref<1x8x8x128xf32, #tpu.memory_space<vmem>> -> memref<8x8x128xf32, #tpu.memory_space<vmem>>
    tpu.wait_dma2 semaphore(%dma_wait3A_205 : memref<!tpu.dma_semaphore, #tpu.memory_space<semaphore_mem>>) src(%dma_wait3A_215 : memref<8x8x128xf32, #tpu.memory_space<vmem>>) dst(%dma_wait3A_210 : memref<8x8x128xf32, #tpu.memory_space<hbm>>)
    return
  }
}

</mosaic_0001>

<sc_bundles>
// kernel: kernel.3.cloned.1.call-start
scs
__scs_entry_jumppad:
0x0: {  	(pc) =	sbr.rel $0x88, $3  }
0x1: {  	(tag) =	ssettag $0x0;
	lr =	simm.s32 $0x1  }
0x2: {  	[smem:$0x3F9F] =	sst lr;
	_ =	strace $0xD0000000  }
0x3: {  	_ = 	snop  }
0x4: {  	_ = 	snop  }
0x5: {  	_ = 	snop  }
0x6: {  	_ = 	snop  }
0x7: {  	_ = 	snop  }
__scs_overlays_trampoline_lowered:
0x8: {  	[smem:$0x3FAE] =	sst s0  }
0x9: {  	[smem:$0x3FAF] =	sst s1  }
0xa: {  	[smem:$0x3FB0] =	sst s2  }
0xb: {  	[smem:$0x3FB1] =	sst s3  }
0xc: {  	[smem:$0x3FB2] =	sst s4  }
0xd: {  	[smem:$0x3FB3] =	sst s5  }
0xe: {  	[smem:$0x3FB4] =	sst s6  }
0xf: {  	[smem:$0x3FB5] =	sst s7  }
0x10: {  	[smem:$0x3FB6] =	sst s8  }
0x11: {  	[smem:$0x3FB7] =	sst s9;
	s0 =	simm.s32 @!p0 $0x0  }
0x12: {  	s1 =	sld [smem:$0x3F9D];
	s0 =	simm.s32 @p0 $0x1  }
0x13: {  	[smem:$0x3FB8] =	sst s0;
	s0 =	simm.s32 @!p1 $0x0  }
0x14: {  	s2 =	sld [smem:$0x3F9C];
	s0 =	simm.s32 @p1 $0x1  }
0x15: {  	[smem:$0x3FB9] =	sst s0;
	s0 =	simm.s32 @!p2 $0x0  }
0x16: {  	s3 =	sld [smem:$0x3FDB];
	s0 =	simm.s32 @p2 $0x1  }
0x17: {  	s4 =	simm.s32 $0x1BF5;
	[smem:$0x3FBB] =	sst s0  }
0x18: {  	s0 =	sld [smem:$0x3F9E];
	_ =	swait.ge [sflag:s4], $0x0  }
0x19: {  	s7 =	sld [smem:$0x3F9F]  }
0x1a: {  	s8 =	sadd.s32 $0xFFFFE003, lr  }
0x1b: {  	s9 =	sadd.s32 $0xFFFFFEF7, lr;
	s5 =	simm.s32 $0xFFFFFFFF;
	p2 =	slt.u32 s8, $0xFFFFF086  }
0x1c: {  	p1 =	slt.u32 s9, $0xF7A;
	s5 =	simm.s32 @!p2 $0x0  }
0x1d: {  	s5 =	simm.s32 @p1 $0x1;
	p0 =	seq.s32 s7, s2  }
0x1e: {  	s7 =	smul.u32 @!p0 $0xF7A, s2;
	p2 =	seq.s32 @!p0 s5, $0x0  }
0x1f: {  	s9 =	smul.u32 $0xF7A, s1;
	s8 =	simm.s32 @!p0 $0x1BF5;
	p2 =	por !p2, p0  }
0x20: {  	[sflag:s8] =	ssyncset.s32 @!p0 $0xFFFFF086;
	s6 =	sadd.s32 @!p0 s3, s7;
	s7 =	simm.s32 @!p0 $0x108  }
0x21: {  	s3 =	sadd.s32 s3, s9;
	s6 =	sadd.s32 @!p0 $0x88, s6;
	s7 =	simm.s32 @p2 $0x1082  }
0x22: {  	[simem:s7], [sflag:s8] =	dma.local @!p0 [hbm:s6], $0xF7A  }
0x23: {  	s9 =	sor.u32 $0xD0000000, s2;
	s6 =	simm.s32 $0x108;
	_ =	swait.ge @!p0 [sflag:s8], $0x0  }
0x24: {  	s3 =	sadd.s32 $0x88, s3;
	s6 =	simm.s32 @!p1 $0x1082;
	[sflag:s4] =	ssyncset.s32 $0xFFFFF086  }
0x25: {  	[simem:s6], [sflag:s4] =	dma.local [hbm:s3], $0xF7A  }
0x26: {  	[smem:$0x3F9F] =	sst s1;
	(tag) =	ssettag s2;
	_ =	strace s9  }
0x27: {  	s1 =	sld [smem:$0x3FAF]  }
0x28: {  	s2 =	sld [smem:$0x3FB0]  }
0x29: {  	s4 =	sld [smem:$0x3FB2]  }
0x2a: {  	p0 =	seq.s32 s5, $0x0;
	s5 =	sld [smem:$0x3FB3]  }
0x2b: {  	s6 =	sld [smem:$0x3FB4]  }
0x2c: {  	s7 =	sld [smem:$0x3FB5]  }
0x2d: {  	s3 =	simm.s32 $0x108;
	s8 =	sld [smem:$0x3FB6]  }
0x2e: {  	s3 =	simm.s32 @!p0 $0x1082;
	s9 =	sld [smem:$0x3FB7]  }
0x2f: {  	lr =	sadd.s32 s0, s3;
	s0 =	sld [smem:$0x3FAE]  }
0x30: {  	s3 =	sld [smem:$0x3FB1]  }
0x31: {  	[smem:$0x3FBA] =	sst s10  }
0x32: {  	s10 =	sld [smem:$0x3FB8];
	_ =	sdelay $0x3  }
0x33: {  	p0 =	seq.s32 s10, $0x1;
	s10 =	sld [smem:$0x3FBA];
	_ =	sdelay $0x3  }
0x34: {  	[smem:$0x3FBA] =	sst s10  }
0x35: {  	s10 =	sld [smem:$0x3FB9];
	_ =	sdelay $0x3  }
0x36: {  	p1 =	seq.s32 s10, $0x1;
	s10 =	sld [smem:$0x3FBA];
	_ =	sdelay $0x3  }
0x37: {  	[smem:$0x3FBA] =	sst s10  }
0x38: {  	s10 =	sld [smem:$0x3FBB]  }
0x39: {  	_ = 	snop;
	(pc) =	sbr.ind lr, $3  }
0x3a: {  	_ = 	snop  }
0x3b: {  	_ = 	snop  }
0x3c: {  	p2 =	seq.s32 s10, $0x1;
	s10 =	sld [smem:$0x3FBA]  }
0x3d: {  	_ =	shalt  }
0x3e: {  	_ =	shalt  }
0x3f: {  	_ =	shalt  }
0x40: {  	_ =	shalt  }
0x41: {  	_ =	shalt  }
0x42: {  	_ =	shalt  }
0x43: {  	_ =	shalt  }
0x44: {  	_ =	shalt  }
0x45: {  	_ =	shalt  }
0x46: {  	_ =	shalt  }
0x47: {  	_ =	shalt  }
0x48: {  	_ =	shalt  }
0x49: {  	_ =	shalt  }
0x4a: {  	_ =	shalt  }
0x4b: {  	_ =	shalt  }
0x4c: {  	_ =	shalt  }
0x4d: {  	_ =	shalt  }
0x4e: {  	_ =	shalt  }
0x4f: {  	_ =	shalt  }
0x50: {  	_ =	shalt  }
0x51: {  	_ =	shalt  }
0x52: {  	_ =	shalt  }
0x53: {  	_ =	shalt  }
0x54: {  	_ =	shalt  }
0x55: {  	_ =	shalt  }
0x56: {  	_ =	shalt  }
0x57: {  	_ =	shalt  }
0x58: {  	_ =	shalt  }
0x59: {  	_ =	shalt  }
0x5a: {  	_ =	shalt  }
0x5b: {  	_ =	shalt  }
0x5c: {  	_ =	shalt  }
0x5d: {  	_ =	shalt  }
0x5e: {  	_ =	shalt  }
0x5f: {  	_ =	shalt  }
0x60: {  	_ =	shalt  }
0x61: {  	_ =	shalt  }
0x62: {  	_ =	shalt  }
0x63: {  	_ =	shalt  }
0x64: {  	_ =	shalt  }
0x65: {  	_ =	shalt  }
0x66: {  	_ =	shalt  }
0x67: {  	_ =	shalt  }
0x68: {  	_ =	shalt  }
0x69: {  	_ =	shalt  }
0x6a: {  	_ =	shalt  }
0x6b: {  	_ =	shalt  }
0x6c: {  	_ =	shalt  }
0x6d: {  	_ =	shalt  }
0x6e: {  	_ =	shalt  }
0x6f: {  	_ =	shalt  }
0x70: {  	_ =	shalt  }
0x71: {  	_ =	shalt  }
0x72: {  	_ =	shalt  }
0x73: {  	_ =	shalt  }
0x74: {  	_ =	shalt  }
0x75: {  	_ =	shalt  }
0x76: {  	_ =	shalt  }
0x77: {  	_ =	shalt  }
0x78: {  	_ =	shalt  }
0x79: {  	_ =	shalt  }
0x7a: {  	_ =	shalt  }
0x7b: {  	_ =	shalt  }
0x7c: {  	_ =	shalt  }
0x7d: {  	_ =	shalt  }
0x7e: {  	_ =	shalt  }
0x7f: {  	_ =	shalt  }
0x80: {  	_ =	shalt  }
0x81: {  	_ =	shalt  }
0x82: {  	_ =	shalt  }
0x83: {  	_ =	shalt  }
0x84: {  	_ =	shalt  }
0x85: {  	_ =	shalt  }
0x86: {  	_ =	shalt  }
0x87: {  	_ =	shalt  }
.Lfunc_end0:
.L_simem_size_0:
called_computation_lowered:
.L_overlay_start_0:
0x88: {  	s2 =	sld [smem:$0x3FD9]  }
0x89: {  	s3 =	sld [smem:$0x3FFE];
	_ =	sdelay $0x1  }
0x8a: {  	s1 =	srdreg.scid  }
0x8b: {  	s0 =	sand.u32 $0x1, s1  }
0x8c: {  	s17 =	sshll.u32 s0, $0xA;
	s2 =	sadd.s32 s3, s2  }
0x8d: {  	s2 =	sadd.s32 s2, s17  }
0x8e: {  	[smem:$0x3FC6] =	sst s2  }
0x8f: {  	_ = 	snop  }
0x90: {  	s2 =	sld [smem:$0x3FD0];
	(tm) =	ssettm $0x1  }
0x91: {  	s18 =	sld [smem:$0x3FFB];
	_ =	sdelay $0x3  }
0x92: {  	_ =	strace s18  }
0x93: {  	s3 =	sld [smem:$0x3FFC];
	_ =	sdelay $0x3  }
0x94: {  	_ =	strace s3  }
0x95: {  	s3 =	sld [smem:$0x3FFD];
	_ =	sdelay $0x3  }
0x96: {  	_ =	strace s3  }
0x97: {  	_ =	strace $0x8FFFFFFF  }
0x98: {  	s19 =	sld [smem:$0x3FDB];
	_ =	sdelay $0x1  }
0x99: {  	s4 =	simm.s32 $_scs_section_size  }
0x9a: {  	s5 =	simm.s32 $_size__tile_overlayer_lowered;
	s6 =	simm.s32 $_tile_overlayer_lowered  }
0x9b: {  	s22 =	simm.s32 $0x1BFF;
	s21 =	sshll.u32 s6, $0x1;
	s3 =	sadd.s32 s4, s19  }
0x9c: {  	s7 =	simm.s32 $0x0;
	s20 =	sshll.u32 s5, $0x1;
	s5 =	sadd.s32 s21, s3  }
0x9d: {  	[timem:s7], [sflag:s22] =	dma.local [hbm:s5], s20  }
0x9e: {  	_ =	swait.ge [sflag:s22], s20  }
0x9f: {  	s4 =	ssub.s32 $0x0, s20;
	[sflag:s22] =	ssyncset.done $0x0  }
0xa0: {  	[sflag:s22] =	ssyncadd.s32 s4;
	_ =	sdelay $0x1  }
0xa1: {  	s23 =	simm.s32 $0x1B8B  }
0xa2: {  	_ =	swait.ge [sflag:s23], $0x1  }
0xa3: {  	[sflag:s23] =	ssyncset.done $0x0  }
0xa4: {  	s25 =	simm.s32 $0x1B8E;
	s24 =	sld [smem:$0x3FFE];
	[sflag:s23] =	ssyncadd.s32 $0xFFFFFFFF  }
0xa5: {  	s26 =	simm.s32 $execute0_lowered;
	[smem:$0x3FD2] =	sst s25  }
0xa6: {  	s5 =	sshll.u32 s26, $0x1;
	_ =	strace $0x80000046;
	[dreg:$0x1] =	wrdreg $0xFFFFFFFF  }
0xa7: {  	s28 =	simm.s32 $_size_execute0_lowered;
	s3 =	sadd.s32 s3, s5;
	[dreg:$0x0] =	wrdreg $0x0  }
0xa8: {  	s5 =	sshll.u32 s28, $0x1;
	[dreg:$0x2] =	wrdreg s3  }
0xa9: {  	[dreg:$0x3] =	wrdreg s5  }
0xaa: {  	[dreg:$0x4] =	wrdreg $0xC0  }
0xab: {  	_ =	task [dreg:s7], $0x5FFFF  }
0xac: {  	[dreg:$0x1] =	wrdreg $0xFFFFFFFF  }
0xad: {  	[dreg:$0x0] =	wrdreg $0x60  }
0xae: {  	[dreg:$0x2] =	wrdreg s24  }
0xaf: {  	[dreg:$0x3] =	wrdreg s2  }
0xb0: {  	[dreg:$0x4] =	wrdreg $0x9  }
0xb1: {  	_ =	task.clear_ibuf [dreg:s7], $0x5FFFF;
	_ =	strace $0x90000046  }
0xb2: {  	s29 =	simm.s32 $0x9;
	_ =	strace $0x80000048  }
0xb3: {  	_ =	swait.ge [sflag:s29], $0x1  }
0xb4: {  	[sflag:s29] =	ssyncadd.s32 $0xFFFFFFFF  }
0xb5: {  	_ =	strace $0x90000048  }
0xb6: {  	_ =	sfence  }
0xb7: {  	s30 =	sld [smem:$0x0];
	_ =	sdelay $0x2  }
0xb8: {  	s31 =	sshll.u32 s1, $0xD;
	s1 =	sshrl.u32 s1, $0x2  }
0xb9: {  	s3 =	sand.u32 $0x4000, s31;
	s1 =	sadd.s32 s1, s30  }
0xba: {  	s0 =	sor.u32 s3, s0;
	s1 =	sshll.u32 s1, $0x11  }
0xbb: {  	s0 =	sor.u32 s1, s0  }
0xbc: {  	s0 =	sadd.s32 $0x8F2B, s0  }
0xbd: {  	[sflag:s0] =	ssyncadd.remote.s32 $0x1  }
0xbe: {  	_ =	sfence.sel $0xFFFF  }
0xbf: {  	[dreg:$0x0] =	wrdreg $0xFFFFFFFF;
	(pc) =	sbr.abs _section_cstart, $3  }
0xc0: {  	[dreg:$0x1] =	wrdreg $0xFFFFFFFF  }
0xc1: {  	_ =	task.clear_ibuf [dreg:s7], $0x2FFFF;
	_ =	strace $0x9FFFFFFF  }
0xc2: {  	(tm) =	ssettm $0x7FFFFFFF  }
0xc3: {  	_ =	shalt  }
tec
execute0_lowered:
.L_overlay_start_1:
0x0: {  	(tag) =	ssettag $0x1  }
0x1: {  	s0 =	rddreg [dreg:$0x0]  }
0x2: {  	s1 =	rddreg [dreg:$0x1]  }
0x3: {  	s3 =	srdreg.scid;
	s4 =	stileid.u32;
	s2 =	simm.s32 $0x0  }
0x4: {  	s10 =	simm.s32 $0x1;
	s11 =	simm.s32 $0x80;
	s12 =	simm.s32 $0x6400  }
0x5: {  	s13 =	simm.s32 $0x8400;
	s15 =	simm.s32 $0xA400;
	s16 =	simm.s32 $0x2  }
0x6: {  	s17 =	simm.s32 $0xE400;
	s18 =	simm.s32 $0x400;
	s19 =	simm.s32 $0x20000  }
0x7: {  	s20 =	simm.s32 $0xC400;
	s21 =	simm.s32 $0x3;
	s22 =	simm.s32 $0x10400  }
0x8: {  	s23 =	simm.s32 $0x4;
	s24 =	simm.s32 $0x8;
	s25 =	simm.s32 $0x12400  }
0x9: {  	s26 =	simm.s32 $0x5;
	s28 =	simm.s32 $0x9;
	s29 =	simm.s32 $0x14400  }
0xa: {  	v15 =	vlaneseq.u32;
	s3 =	sand.u32 $0x1, s3;
	s4 =	sshll.u32 s4, $0x1;
	[smem:$0x7FF] =	sst s2  }
0xb: {  	v14 =	vmul.u32 $0x40, v15;
	v1 =	vor.u32 $0x1800, v15;
	s4 =	sor.u32 s3, s4;
	_ =	strace $0x80000047;
	s6 =	ssub.s32 $0x2, s3  }
.Ltmp0:
0xc: {  	v3 =	vor.u32 $0x1810, v15;
	v5 =	vor.u32 $0x1820, v15;
	v7 =	vor.u32 $0x1830, v15;
	s3 =	sadd.s32 $0xF42A00, s0;
	s5 =	sshll.u32 s4, $0x6;
	(pc) =	sbr.rel .LBB2_1-.Ltmp0, $4  }
0xd: {  	v9 =	vor.u32 $0x1840, v15;
	v11 =	vor.u32 $0x1850, v15;
	v13 =	vor.u32 $0x1860, v15;
	s7 =	sshrl.u32 s6, $0x1;
	s4 =	sshll.u32 s4, $0x9;
	s5 =	sadd.s32 s5, s0  }
0xe: {  	v15 =	vor.u32 $0x1870, v15;
	v0 =	vor.u32 $0x30, v14;
	v2 =	vor.u32 $0x430, v14;
	s31 =	ssub.s32 s6, s7;
	s4 =	sadd.s32 s1, s4;
	s5 =	sadd.s32 $0x600, s5  }
0xf: {  	v4 =	vor.u32 $0x830, v14;
	v6 =	vor.u32 $0xC30, v14;
	v8 =	vor.u32 $0x1030, v14;
	s6 =	sadd.s32 $0x80, s4;
	s7 =	sadd.s32 $0x100, s4;
	s0 =	smax.u32 s31, $0x1  }
0x10: {  	v10 =	vor.u32 $0x1430, v14;
	v12 =	vor.u32 $0x1830, v14;
	v14 =	vor.u32 $0x1C30, v14;
	s8 =	sadd.s32 $0x180, s4;
	[dreg:$0x3] =	wrdreg s0;
	s0 =	simm.s32 $0x0  }
.LBB2_48:
0x11: {  	s1 =	simm.s32 $0x6  }
0x12: {  	_ =	swait.ge [sflag:s1], $0x2000  }
0x13: {  	[sflag:s1] =	ssyncset.done $0x0  }
0x14: {  	s30 =	simm.s32 $0x7;
	[sflag:s1] =	ssyncadd.s32 $0xFFFFE000  }
0x15: {  	_ =	swait.ge [sflag:s30], $0x2000  }
0x16: {  	[sflag:s30] =	ssyncset.done $0x0  }
0x17: {  	[sflag:s30] =	ssyncadd.s32 $0xFFFFE000  }
0x18: {  	_ =	swait.ge [sflag:s24], $0x2000  }
0x19: {  	[sflag:s24] =	ssyncset.done $0x0  }
0x1a: {  	[sflag:s24] =	ssyncadd.s32 $0xFFFFE000  }
0x1b: {  	_ =	swait.ge [sflag:s28], $0x2000  }
0x1c: {  	s0 =	sadd.s32 $0x1, s0;
	s31 =	rddreg [dreg:$0x3]  }
0x1d: {  	p0 =	sne.s32 s0, s31  }
.Ltmp1:
0x1e: {  	_ = 	snop;
	(pc) =	sbr.rel @!p0 .LBB2_49-.Ltmp1, $3  }
0x1f: {  	_ =	sdelay $0x1  }
0x20: {  	[sflag:s28] =	ssyncset.done $0x0  }
0x21: {  	[sflag:s28] =	ssyncadd.s32 $0xFFFFE000  }
.LBB2_1:
0x22: {  	s9 =	sand.u32 $0x30, s2  }
0x23: {  	s1 =	simm.s32 $0x200;
	s30 =	sand.u32 $0x1F800, s2;
	s9 =	sadd.s32 s9, s5  }
0x24: {  	s14 =	simm.s32 $0x0;
	s30 =	sadd.s32 s30, s9;
	s9 =	simm.s32 $0x10  }
.LBB2_2:
0x25: {  	[tilespmem:s14], [sflag:$0x1] =	stream.linear.gather [hbm4b:s30+s2], $0x80, $0x38;
	[tilespmem:$0x16400] =	vst v63  }
0x26: {  	s14 =	smov.u32 s1;
	p0 =	sne.s32 s1, $0x18E00  }
.Ltmp2:
0x27: {  	s1 =	sadd.s32 $0x200, s1;
	(pc) =	sbr.rel @p0 .LBB2_2-.Ltmp2, $4  }
0x28: {  	_ = 	snop  }
0x29: {  	s30 =	sand.u32 $0x30, s9  }
0x2a: {  	s31 =	sand.u32 $0x1F800, s14;
	s30 =	sadd.s32 s30, s5  }
0x2b: {  	s9 =	sadd.s32 $0x10, s9;
	s14 =	sshra.s32 s14, $0x2;
	s30 =	sadd.s32 s31, s30  }
0x2c: {  	[tilespmem:s14], [sflag:$0x1] =	stream.linear.gather [hbm4b:s30+s2], $0x80, $0x38;
	[tilespmem:$0x16400] =	vst v63  }
0x2d: {  	_ =	swait.ge [sflag:s10], $0x80  }
0x2e: {  	s1 =	simm.s32 $0xC7;
	[sflag:s10] =	ssyncset.done $0x0  }
.LBB2_4:
0x2f: {  	p0 =	sne.s32 s1, $0x1;
	s1 =	sadd.s32 $0xFFFFFFFF, s1;
	[sflag:s10] =	ssyncadd.s32 $0xFFFFFF80  }
.Ltmp3:
0x30: {  	(pc) =	sbr.rel @p0 .LBB2_4-.Ltmp3, $3  }
0x31: {  	_ =	sdelay $0x1  }
0x32: {  	_ =	swait.ge [sflag:s10], $0x80  }
0x33: {  	[sflag:s10] =	ssyncset.done $0x0  }
0x34: {  	[sflag:s10] =	ssyncadd.s32 $0xFFFFFF80;
	s1 =	simm.s32 $0x0  }
0x35: {  	[tilespmem:s12], [sflag:$0x2] =	stream.indirect.gather [hbm4b:s3+s11], $0x40, s1, s11, $0xb8;
	[tilespmem:$0x16400] =	vst v63  }
0x36: {  	_ = 	snop  }
0x37: {  	[tilespmem:s13], [sflag:$0x3] =	stream.indirect.gather [hbm4b:s3+s11], $0x40, s11, s11, $0xb8;
	[tilespmem:$0x16400] =	vst v63  }
0x38: {  	s9 =	simm.s32 $0x100  }
0x39: {  	[tilespmem:s15], [sflag:$0x4] =	stream.indirect.gather [hbm4b:s3+s11], $0x40, s9, s11, $0xb8;
	[tilespmem:$0x16400] =	vst v63  }
.LBB2_6:
0x3a: {  	v17 =	vlaneseq.u32  }
0x3b: {  	v16 =	vmul.u32 $0x40, v17  }
0x3c: {  	_ =	swait.ge [sflag:s16], $0x2000  }
0x3d: {  	p0 =	seq.s32 s1, $0x0;
	[sflag:s16] =	ssyncset.done $0x0;
	v18 =	vor.u32 v16, v17  }
0x3e: {  	s9 =	simm.s32 @!p0 $0x6;
	[sflag:s16] =	ssyncadd.s32 $0xFFFFE000  }
0x3f: {  	_ =	swait.ge @!p0 [sflag:s9], $0x2000  }
0x40: {  	[sflag:s9] =	ssyncset.done @!p0 $0x0  }
0x41: {  	[sflag:s9] =	ssyncadd.s32 @!p0 $0xFFFFE000  }
0x42: {  	v20 =	vld.idx.msk [tilespmem:v18+s12+$0x0], $0xffff  }
0x43: {  	v18 =	vshll.u32 v17, $0x7  }
0x44: {  	v19 =	vor.u32 $0x400, v16;
	v21 =	vor.u32 v17, v18  }
0x45: {  	v22 =	vor.u32 v19, v17;
	_ =	sdelay $0x1  }
0x46: {  	v20 =	vmul.f32 $8.000000000e+00, v20;
	_ =	sdelay $0x1  }
0x47: {  	[tilespmem:v21+s17+$0x0] =	vst.idx.msk $0xffff, v20  }
0x48: {  	v20 =	vld.idx.msk [tilespmem:v22+s12+$0x0], $0xffff  }
0x49: {  	v21 =	vor.u32 $0x10, v17  }
0x4a: {  	v22 =	vor.u32 $0x800, v16;
	v23 =	vor.u32 v21, v18  }
0x4b: {  	v24 =	vor.u32 v22, v17;
	_ =	sdelay $0x1  }
0x4c: {  	v20 =	vmul.f32 $8.000000000e+00, v20;
	_ =	sdelay $0x1  }
0x4d: {  	[tilespmem:v23+s17+$0x0] =	vst.idx.msk $0xffff, v20  }
0x4e: {  	v20 =	vld.idx.msk [tilespmem:v24+s12+$0x0], $0xffff  }
0x4f: {  	v23 =	vor.u32 $0x20, v17  }
0x50: {  	v24 =	vor.u32 $0xC00, v16;
	v25 =	vor.u32 v23, v18  }
0x51: {  	v26 =	vor.u32 v24, v17;
	_ =	sdelay $0x1  }
0x52: {  	v20 =	vmul.f32 $8.000000000e+00, v20;
	_ =	sdelay $0x1  }
0x53: {  	[tilespmem:v25+s17+$0x0] =	vst.idx.msk $0xffff, v20  }
0x54: {  	v20 =	vld.idx.msk [tilespmem:v26+s12+$0x0], $0xffff  }
0x55: {  	v25 =	vor.u32 $0x30, v17  }
0x56: {  	v26 =	vor.u32 $0x1000, v16;
	v27 =	vor.u32 v25, v18  }
0x57: {  	v28 =	vor.u32 v26, v17;
	_ =	sdelay $0x1  }
0x58: {  	v20 =	vmul.f32 $8.000000000e+00, v20;
	_ =	sdelay $0x1  }
0x59: {  	[tilespmem:v27+s17+$0x0] =	vst.idx.msk $0xffff, v20  }
0x5a: {  	v20 =	vld.idx.msk [tilespmem:v28+s12+$0x0], $0xffff  }
0x5b: {  	v27 =	vor.u32 $0x40, v17  }
0x5c: {  	v28 =	vor.u32 $0x1400, v16;
	v29 =	vor.u32 v27, v18  }
0x5d: {  	v30 =	vor.u32 v28, v17;
	_ =	sdelay $0x1  }
0x5e: {  	v20 =	vmul.f32 $8.000000000e+00, v20;
	_ =	sdelay $0x1  }
0x5f: {  	[tilespmem:v29+s17+$0x0] =	vst.idx.msk $0xffff, v20  }
0x60: {  	v20 =	vld.idx.msk [tilespmem:v30+s12+$0x0], $0xffff  }
0x61: {  	v29 =	vor.u32 $0x50, v17  }
0x62: {  	v30 =	vor.u32 $0x1800, v16;
	v31 =	vor.u32 v29, v18  }
0x63: {  	v32 =	vor.u32 v30, v17;
	_ =	sdelay $0x1  }
0x64: {  	v20 =	vmul.f32 $8.000000000e+00, v20;
	_ =	sdelay $0x1  }
0x65: {  	[tilespmem:v31+s17+$0x0] =	vst.idx.msk $0xffff, v20  }
0x66: {  	v20 =	vld.idx.msk [tilespmem:v32+s12+$0x0], $0xffff  }
0x67: {  	v31 =	vor.u32 $0x60, v17  }
0x68: {  	v33 =	vor.u32 v31, v18;
	v32 =	vor.u32 $0x1C00, v16  }
0x69: {  	v34 =	vor.u32 v32, v17;
	_ =	sdelay $0x1  }
0x6a: {  	v20 =	vmul.f32 $8.000000000e+00, v20;
	_ =	sdelay $0x1  }
0x6b: {  	[tilespmem:v33+s17+$0x0] =	vst.idx.msk $0xffff, v20  }
0x6c: {  	v37 =	vld.idx.msk [tilespmem:v34+s12+$0x0], $0xffff  }
0x6d: {  	v20 =	vadd.s32 $0x1, v17;
	v33 =	vor.u32 $0x70, v17  }
0x6e: {  	v34 =	vand.u32 $0xF, v20;
	v35 =	vor.u32 v33, v18  }
0x6f: {  	v36 =	vor.u32 v16, v34;
	_ =	sdelay $0x1  }
0x70: {  	s14 =	sshll.u32 s1, $0xB;
	s9 =	simm.s32 $0xE;
	v37 =	vmul.f32 $8.000000000e+00, v37  }
.LBB2_7:
0x71: {  	_ = 	snop  }
0x72: {  	p1 =	sne.s32 s9, $0x1;
	s9 =	sadd.s32 $0xFFFFFFFF, s9;
	[tilespmem:v35+s17+$0x0] =	vst.idx.msk $0xffff, v37  }
0x73: {  	v35 =	vld.idx.msk [tilespmem:v36+s12+$0x0], $0xffff;
	_ =	sdelay $0x1  }
0x74: {  	v36 =	vshll.u32 v34, $0x7  }
0x75: {  	v37 =	vor.u32 v17, v36  }
0x76: {  	v38 =	vor.u32 v19, v34;
	_ =	sdelay $0x1  }
0x77: {  	v35 =	vmul.f32 $8.000000000e+00, v35;
	_ =	sdelay $0x1  }
0x78: {  	[tilespmem:v37+s17+$0x0] =	vst.idx.msk $0xffff, v35  }
0x79: {  	v35 =	vld.idx.msk [tilespmem:v38+s12+$0x0], $0xffff;
	_ =	sdelay $0x2  }
0x7a: {  	v37 =	vor.u32 v21, v36  }
0x7b: {  	v38 =	vor.u32 v22, v34;
	_ =	sdelay $0x1  }
0x7c: {  	v35 =	vmul.f32 $8.000000000e+00, v35;
	_ =	sdelay $0x1  }
0x7d: {  	[tilespmem:v37+s17+$0x0] =	vst.idx.msk $0xffff, v35  }
0x7e: {  	v35 =	vld.idx.msk [tilespmem:v38+s12+$0x0], $0xffff;
	_ =	sdelay $0x2  }
0x7f: {  	v37 =	vor.u32 v23, v36  }
0x80: {  	v38 =	vor.u32 v24, v34;
	_ =	sdelay $0x1  }
0x81: {  	v35 =	vmul.f32 $8.000000000e+00, v35;
	_ =	sdelay $0x1  }
0x82: {  	[tilespmem:v37+s17+$0x0] =	vst.idx.msk $0xffff, v35  }
0x83: {  	v35 =	vld.idx.msk [tilespmem:v38+s12+$0x0], $0xffff;
	_ =	sdelay $0x2  }
0x84: {  	v37 =	vor.u32 v25, v36  }
0x85: {  	v38 =	vor.u32 v26, v34;
	_ =	sdelay $0x1  }
0x86: {  	v35 =	vmul.f32 $8.000000000e+00, v35;
	_ =	sdelay $0x1  }
0x87: {  	[tilespmem:v37+s17+$0x0] =	vst.idx.msk $0xffff, v35  }
0x88: {  	v35 =	vld.idx.msk [tilespmem:v38+s12+$0x0], $0xffff;
	_ =	sdelay $0x2  }
0x89: {  	v37 =	vor.u32 v27, v36  }
0x8a: {  	v38 =	vor.u32 v28, v34;
	_ =	sdelay $0x1  }
0x8b: {  	v35 =	vmul.f32 $8.000000000e+00, v35;
	_ =	sdelay $0x1  }
0x8c: {  	[tilespmem:v37+s17+$0x0] =	vst.idx.msk $0xffff, v35  }
0x8d: {  	v35 =	vld.idx.msk [tilespmem:v38+s12+$0x0], $0xffff;
	_ =	sdelay $0x2  }
0x8e: {  	v37 =	vor.u32 v29, v36  }
0x8f: {  	v38 =	vor.u32 v30, v34;
	_ =	sdelay $0x1  }
0x90: {  	v35 =	vmul.f32 $8.000000000e+00, v35;
	_ =	sdelay $0x1  }
0x91: {  	[tilespmem:v37+s17+$0x0] =	vst.idx.msk $0xffff, v35  }
0x92: {  	v35 =	vld.idx.msk [tilespmem:v38+s12+$0x0], $0xffff;
	_ =	sdelay $0x2  }
0x93: {  	v37 =	vor.u32 v31, v36;
	v38 =	vor.u32 $0x1C00, v16  }
0x94: {  	v38 =	vor.u32 v38, v34;
	_ =	sdelay $0x1  }
0x95: {  	v35 =	vmul.f32 $8.000000000e+00, v35;
	_ =	sdelay $0x1  }
0x96: {  	[tilespmem:v37+s17+$0x0] =	vst.idx.msk $0xffff, v35  }
0x97: {  	v37 =	vld.idx.msk [tilespmem:v38+s12+$0x0], $0xffff;
	_ =	sdelay $0x1  }
.Ltmp4:
0x98: {  	v34 =	vadd.s32 $0x1, v34;
	(pc) =	sbr.rel @p1 .LBB2_7-.Ltmp4, $3  }
0x99: {  	v34 =	vand.u32 $0xF, v34;
	v35 =	vor.u32 v33, v36  }
0x9a: {  	v36 =	vor.u32 v16, v34;
	_ =	sdelay $0x1  }
0x9b: {  	v37 =	vmul.f32 $8.000000000e+00, v37  }
0x9c: {  	_ =	sdelay $0x3  }
0x9d: {  	[tilespmem:v35+s17+$0x0] =	vst.idx.msk $0xffff, v37  }
0x9e: {  	v16 =	vld.idx.msk [tilespmem:v36+s12+$0x0], $0xffff  }
0x9f: {  	v56 =	vshll.u32 v34, $0x7  }
0xa0: {  	v57 =	vor.u32 v17, v56  }
0xa1: {  	v19 =	vor.u32 v19, v34;
	_ =	sdelay $0x1  }
0xa2: {  	v16 =	vmul.f32 $8.000000000e+00, v16;
	_ =	sdelay $0x1  }
0xa3: {  	[tilespmem:v57+s17+$0x0] =	vst.idx.msk $0xffff, v16  }
0xa4: {  	v16 =	vld.idx.msk [tilespmem:v19+s12+$0x0], $0xffff;
	_ =	sdelay $0x1  }
0xa5: {  	v19 =	vor.u32 v21, v56  }
0xa6: {  	v21 =	vor.u32 v22, v34;
	_ =	sdelay $0x1  }
0xa7: {  	v16 =	vmul.f32 $8.000000000e+00, v16;
	_ =	sdelay $0x1  }
0xa8: {  	[tilespmem:v19+s17+$0x0] =	vst.idx.msk $0xffff, v16  }
0xa9: {  	v16 =	vld.idx.msk [tilespmem:v21+s12+$0x0], $0xffff;
	_ =	sdelay $0x1  }
0xaa: {  	v19 =	vor.u32 v23, v56  }
0xab: {  	v21 =	vor.u32 v24, v34;
	_ =	sdelay $0x1  }
0xac: {  	v16 =	vmul.f32 $8.000000000e+00, v16;
	_ =	sdelay $0x1  }
0xad: {  	[tilespmem:v19+s17+$0x0] =	vst.idx.msk $0xffff, v16  }
0xae: {  	v16 =	vld.idx.msk [tilespmem:v21+s12+$0x0], $0xffff;
	_ =	sdelay $0x1  }
0xaf: {  	v19 =	vor.u32 v25, v56  }
0xb0: {  	v21 =	vor.u32 v26, v34;
	_ =	sdelay $0x1  }
0xb1: {  	v16 =	vmul.f32 $8.000000000e+00, v16;
	_ =	sdelay $0x1  }
0xb2: {  	[tilespmem:v19+s17+$0x0] =	vst.idx.msk $0xffff, v16  }
0xb3: {  	v16 =	vld.idx.msk [tilespmem:v21+s12+$0x0], $0xffff;
	_ =	sdelay $0x1  }
0xb4: {  	v19 =	vor.u32 v27, v56  }
0xb5: {  	v21 =	vor.u32 v28, v34;
	_ =	sdelay $0x1  }
0xb6: {  	v16 =	vmul.f32 $8.000000000e+00, v16;
	_ =	sdelay $0x1  }
0xb7: {  	[tilespmem:v19+s17+$0x0] =	vst.idx.msk $0xffff, v16  }
0xb8: {  	v16 =	vld.idx.msk [tilespmem:v21+s12+$0x0], $0xffff;
	_ =	sdelay $0x1  }
0xb9: {  	v19 =	vor.u32 v29, v56  }
0xba: {  	v21 =	vor.u32 v30, v34;
	_ =	sdelay $0x1  }
0xbb: {  	v16 =	vmul.f32 $8.000000000e+00, v16;
	_ =	sdelay $0x1  }
0xbc: {  	[tilespmem:v19+s17+$0x0] =	vst.idx.msk $0xffff, v16  }
0xbd: {  	v16 =	vld.idx.msk [tilespmem:v21+s12+$0x0], $0xffff;
	_ =	sdelay $0x1  }
0xbe: {  	v19 =	vor.u32 v31, v56  }
0xbf: {  	v21 =	vor.u32 v32, v34;
	_ =	sdelay $0x1  }
0xc0: {  	v16 =	vmul.f32 $8.000000000e+00, v16;
	_ =	sdelay $0x1  }
0xc1: {  	[tilespmem:v19+s17+$0x0] =	vst.idx.msk $0xffff, v16;
	v16 =	vlaneseq.u32  }
0xc2: {  	v22 =	vld.idx.msk [tilespmem:v21+s12+$0x0], $0xffff;
	v19 =	vmul.u32 $0x40, v16;
	_ =	sdelay $0x1  }
0xc3: {  	v23 =	vor.u32 v33, v56;
	v21 =	vor.u32 $0x10, v19  }
0xc4: {  	v24 =	vor.u32 v21, v17;
	_ =	sdelay $0x1  }
0xc5: {  	v22 =	vmul.f32 $8.000000000e+00, v22;
	_ =	sdelay $0x1  }
0xc6: {  	[tilespmem:v23+s17+$0x0] =	vst.idx.msk $0xffff, v22  }
0xc7: {  	v24 =	vld.idx.msk [tilespmem:v24+s12+$0x0], $0xffff  }
0xc8: {  	v22 =	vor.u32 $0x800, v16  }
0xc9: {  	v23 =	vor.u32 $0x410, v19;
	v25 =	vor.u32 v22, v18  }
0xca: {  	v26 =	vor.u32 v23, v17;
	_ =	sdelay $0x1  }
0xcb: {  	v24 =	vmul.f32 $8.000000000e+00, v24;
	_ =	sdelay $0x1  }
0xcc: {  	[tilespmem:v25+s17+$0x0] =	vst.idx.msk $0xffff, v24  }
0xcd: {  	v26 =	vld.idx.msk [tilespmem:v26+s12+$0x0], $0xffff  }
0xce: {  	v24 =	vor.u32 $0x810, v16  }
0xcf: {  	v25 =	vor.u32 $0x810, v19;
	v27 =	vor.u32 v24, v18  }
0xd0: {  	v28 =	vor.u32 v25, v17;
	_ =	sdelay $0x1  }
0xd1: {  	v26 =	vmul.f32 $8.000000000e+00, v26;
	_ =	sdelay $0x1  }
0xd2: {  	[tilespmem:v27+s17+$0x0] =	vst.idx.msk $0xffff, v26  }
0xd3: {  	v28 =	vld.idx.msk [tilespmem:v28+s12+$0x0], $0xffff  }
0xd4: {  	v26 =	vor.u32 $0x820, v16  }
0xd5: {  	v27 =	vor.u32 $0xC10, v19;
	v29 =	vor.u32 v26, v18  }
0xd6: {  	v30 =	vor.u32 v27, v17;
	_ =	sdelay $0x1  }
0xd7: {  	v28 =	vmul.f32 $8.000000000e+00, v28;
	_ =	sdelay $0x1  }
0xd8: {  	[tilespmem:v29+s17+$0x0] =	vst.idx.msk $0xffff, v28  }
0xd9: {  	v30 =	vld.idx.msk [tilespmem:v30+s12+$0x0], $0xffff  }
0xda: {  	v28 =	vor.u32 $0x830, v16  }
0xdb: {  	v29 =	vor.u32 $0x1010, v19;
	v31 =	vor.u32 v28, v18  }
0xdc: {  	v58 =	vor.u32 v29, v17;
	_ =	sdelay $0x1  }
0xdd: {  	v30 =	vmul.f32 $8.000000000e+00, v30;
	_ =	sdelay $0x1  }
0xde: {  	[tilespmem:v31+s17+$0x0] =	vst.idx.msk $0xffff, v30  }
0xdf: {  	v32 =	vld.idx.msk [tilespmem:v58+s12+$0x0], $0xffff  }
0xe0: {  	v30 =	vor.u32 $0x840, v16  }
0xe1: {  	v31 =	vor.u32 $0x1410, v19;
	v59 =	vor.u32 v30, v18  }
0xe2: {  	v60 =	vor.u32 v31, v17;
	_ =	sdelay $0x1  }
0xe3: {  	v32 =	vmul.f32 $8.000000000e+00, v32;
	_ =	sdelay $0x1  }
0xe4: {  	[tilespmem:v59+s17+$0x0] =	vst.idx.msk $0xffff, v32  }
0xe5: {  	v34 =	vld.idx.msk [tilespmem:v60+s12+$0x0], $0xffff  }
0xe6: {  	v32 =	vor.u32 $0x850, v16  }
0xe7: {  	v33 =	vor.u32 $0x1810, v19;
	v61 =	vor.u32 v32, v18  }
0xe8: {  	v62 =	vor.u32 v33, v17;
	_ =	sdelay $0x1  }
0xe9: {  	v34 =	vmul.f32 $8.000000000e+00, v34;
	_ =	sdelay $0x1  }
0xea: {  	[tilespmem:v61+s17+$0x0] =	vst.idx.msk $0xffff, v34  }
0xeb: {  	v36 =	vld.idx.msk [tilespmem:v62+s12+$0x0], $0xffff  }
0xec: {  	v34 =	vor.u32 $0x860, v16  }
0xed: {  	v35 =	vor.u32 $0x1C10, v19;
	v63 =	vor.u32 v34, v18  }
0xee: {  	v17 =	vor.u32 v35, v17;
	_ =	sdelay $0x1  }
0xef: {  	v36 =	vmul.f32 $8.000000000e+00, v36;
	_ =	sdelay $0x1  }
0xf0: {  	[tilespmem:v63+s17+$0x0] =	vst.idx.msk $0xffff, v36  }
0xf1: {  	v37 =	vld.idx.msk [tilespmem:v17+s12+$0x0], $0xffff  }
0xf2: {  	v17 =	vor.u32 $0x870, v16  }
0xf3: {  	v20 =	vand.u32 $0xF, v20;
	v18 =	vor.u32 v17, v18  }
0xf4: {  	v36 =	vor.u32 v21, v20;
	_ =	sdelay $0x1  }
0xf5: {  	v37 =	vmul.f32 $8.000000000e+00, v37  }
0xf6: {  	s9 =	simm.s32 $0xE  }
.LBB2_9:
0xf7: {  	p1 =	sne.s32 s9, $0x1;
	s9 =	sadd.s32 $0xFFFFFFFF, s9;
	[tilespmem:v18+s17+$0x0] =	vst.idx.msk $0xffff, v37  }
0xf8: {  	v18 =	vld.idx.msk [tilespmem:v36+s12+$0x0], $0xffff;
	_ =	sdelay $0x1  }
0xf9: {  	v36 =	vshll.u32 v20, $0x7  }
0xfa: {  	v37 =	vor.u32 v22, v36  }
0xfb: {  	v38 =	vor.u32 v23, v20;
	_ =	sdelay $0x1  }
0xfc: {  	v18 =	vmul.f32 $8.000000000e+00, v18;
	_ =	sdelay $0x1  }
0xfd: {  	[tilespmem:v37+s17+$0x0] =	vst.idx.msk $0xffff, v18  }
0xfe: {  	v18 =	vld.idx.msk [tilespmem:v38+s12+$0x0], $0xffff;
	_ =	sdelay $0x1  }
0xff: {  	v37 =	vor.u32 $0x810, v16  }
0x100: {  	v37 =	vor.u32 v37, v36  }
0x101: {  	v38 =	vor.u32 v25, v20;
	_ =	sdelay $0x1  }
0x102: {  	v18 =	vmul.f32 $8.000000000e+00, v18;
	_ =	sdelay $0x1  }
0x103: {  	[tilespmem:v37+s17+$0x0] =	vst.idx.msk $0xffff, v18  }
0x104: {  	v18 =	vld.idx.msk [tilespmem:v38+s12+$0x0], $0xffff;
	_ =	sdelay $0x2  }
0x105: {  	v37 =	vor.u32 v26, v36  }
0x106: {  	v38 =	vor.u32 v27, v20;
	_ =	sdelay $0x1  }
0x107: {  	v18 =	vmul.f32 $8.000000000e+00, v18;
	_ =	sdelay $0x1  }
0x108: {  	[tilespmem:v37+s17+$0x0] =	vst.idx.msk $0xffff, v18  }
0x109: {  	v18 =	vld.idx.msk [tilespmem:v38+s12+$0x0], $0xffff;
	_ =	sdelay $0x2  }
0x10a: {  	v37 =	vor.u32 v28, v36  }
0x10b: {  	v38 =	vor.u32 v29, v20;
	_ =	sdelay $0x1  }
0x10c: {  	v18 =	vmul.f32 $8.000000000e+00, v18;
	_ =	sdelay $0x1  }
0x10d: {  	[tilespmem:v37+s17+$0x0] =	vst.idx.msk $0xffff, v18  }
0x10e: {  	v18 =	vld.idx.msk [tilespmem:v38+s12+$0x0], $0xffff;
	_ =	sdelay $0x2  }
0x10f: {  	v37 =	vor.u32 v30, v36  }
0x110: {  	v38 =	vor.u32 v31, v20;
	_ =	sdelay $0x1  }
0x111: {  	v18 =	vmul.f32 $8.000000000e+00, v18;
	_ =	sdelay $0x1  }
0x112: {  	[tilespmem:v37+s17+$0x0] =	vst.idx.msk $0xffff, v18  }
0x113: {  	v18 =	vld.idx.msk [tilespmem:v38+s12+$0x0], $0xffff;
	_ =	sdelay $0x2  }
0x114: {  	v37 =	vor.u32 v32, v36  }
0x115: {  	v38 =	vor.u32 v33, v20;
	_ =	sdelay $0x1  }
0x116: {  	v18 =	vmul.f32 $8.000000000e+00, v18;
	_ =	sdelay $0x1  }
0x117: {  	[tilespmem:v37+s17+$0x0] =	vst.idx.msk $0xffff, v18  }
0x118: {  	v18 =	vld.idx.msk [tilespmem:v38+s12+$0x0], $0xffff;
	_ =	sdelay $0x2  }
0x119: {  	v37 =	vor.u32 v34, v36  }
0x11a: {  	v38 =	vor.u32 v35, v20;
	_ =	sdelay $0x1  }
0x11b: {  	v18 =	vmul.f32 $8.000000000e+00, v18;
	_ =	sdelay $0x1  }
0x11c: {  	[tilespmem:v37+s17+$0x0] =	vst.idx.msk $0xffff, v18  }
0x11d: {  	v20 =	vadd.s32 $0x1, v20;
	v18 =	vor.u32 v17, v36;
	v37 =	vld.idx.msk [tilespmem:v38+s12+$0x0], $0xffff  }
0x11e: {  	v20 =	vand.u32 $0xF, v20;
	_ =	sdelay $0x1  }
.Ltmp5:
0x11f: {  	(pc) =	sbr.rel @p1 .LBB2_9-.Ltmp5, $2  }
0x120: {  	v36 =	vor.u32 v21, v20;
	_ =	sdelay $0x1  }
0x121: {  	v37 =	vmul.f32 $8.000000000e+00, v37;
	_ =	sdelay $0x1  }
0x122: {  	_ =	sdelay $0x3  }
0x123: {  	[tilespmem:v18+s17+$0x0] =	vst.idx.msk $0xffff, v37  }
0x124: {  	v18 =	vld.idx.msk [tilespmem:v36+s12+$0x0], $0xffff  }
0x125: {  	v21 =	vshll.u32 v20, $0x7  }
0x126: {  	v22 =	vor.u32 v22, v21  }
0x127: {  	v23 =	vor.u32 v23, v20;
	_ =	sdelay $0x1  }
0x128: {  	v18 =	vmul.f32 $8.000000000e+00, v18;
	_ =	sdelay $0x1  }
0x129: {  	[tilespmem:v22+s17+$0x0] =	vst.idx.msk $0xffff, v18  }
0x12a: {  	v18 =	vld.idx.msk [tilespmem:v23+s12+$0x0], $0xffff;
	_ =	sdelay $0x1  }
0x12b: {  	v22 =	vor.u32 v24, v21  }
0x12c: {  	v23 =	vor.u32 v25, v20;
	_ =	sdelay $0x1  }
0x12d: {  	v18 =	vmul.f32 $8.000000000e+00, v18;
	_ =	sdelay $0x1  }
0x12e: {  	[tilespmem:v22+s17+$0x0] =	vst.idx.msk $0xffff, v18  }
0x12f: {  	v18 =	vld.idx.msk [tilespmem:v23+s12+$0x0], $0xffff;
	_ =	sdelay $0x1  }
0x130: {  	v22 =	vor.u32 v26, v21  }
0x131: {  	v23 =	vor.u32 v27, v20;
	_ =	sdelay $0x1  }
0x132: {  	v18 =	vmul.f32 $8.000000000e+00, v18;
	_ =	sdelay $0x1  }
0x133: {  	[tilespmem:v22+s17+$0x0] =	vst.idx.msk $0xffff, v18  }
0x134: {  	v18 =	vld.idx.msk [tilespmem:v23+s12+$0x0], $0xffff;
	_ =	sdelay $0x1  }
0x135: {  	v22 =	vor.u32 v28, v21  }
0x136: {  	v23 =	vor.u32 v29, v20;
	_ =	sdelay $0x1  }
0x137: {  	v18 =	vmul.f32 $8.000000000e+00, v18;
	_ =	sdelay $0x1  }
0x138: {  	[tilespmem:v22+s17+$0x0] =	vst.idx.msk $0xffff, v18  }
0x139: {  	v18 =	vld.idx.msk [tilespmem:v23+s12+$0x0], $0xffff;
	_ =	sdelay $0x1  }
0x13a: {  	v22 =	vor.u32 v30, v21  }
0x13b: {  	v23 =	vor.u32 v31, v20;
	_ =	sdelay $0x1  }
0x13c: {  	v18 =	vmul.f32 $8.000000000e+00, v18;
	_ =	sdelay $0x1  }
0x13d: {  	[tilespmem:v22+s17+$0x0] =	vst.idx.msk $0xffff, v18  }
0x13e: {  	v18 =	vld.idx.msk [tilespmem:v23+s12+$0x0], $0xffff;
	_ =	sdelay $0x1  }
0x13f: {  	v22 =	vor.u32 v32, v21  }
0x140: {  	v23 =	vor.u32 v33, v20;
	_ =	sdelay $0x1  }
0x141: {  	v18 =	vmul.f32 $8.000000000e+00, v18;
	_ =	sdelay $0x1  }
0x142: {  	[tilespmem:v22+s17+$0x0] =	vst.idx.msk $0xffff, v18  }
0x143: {  	v18 =	vld.idx.msk [tilespmem:v23+s12+$0x0], $0xffff;
	_ =	sdelay $0x1  }
0x144: {  	v22 =	vor.u32 v34, v21  }
0x145: {  	v20 =	vor.u32 v35, v20;
	_ =	sdelay $0x1  }
0x146: {  	v18 =	vmul.f32 $8.000000000e+00, v18;
	_ =	sdelay $0x1  }
0x147: {  	[tilespmem:v22+s17+$0x0] =	vst.idx.msk $0xffff, v18  }
0x148: {  	v18 =	vld.idx.msk [tilespmem:v20+s12+$0x0], $0xffff;
	_ =	sdelay $0x1  }
0x149: {  	v17 =	vor.u32 v17, v21;
	v20 =	vor.u32 $0x20, v19  }
0x14a: {  	v21 =	vor.u32 v20, v16;
	_ =	sdelay $0x1  }
0x14b: {  	v18 =	vmul.f32 $8.000000000e+00, v18;
	_ =	sdelay $0x1  }
0x14c: {  	[tilespmem:v17+s17+$0x0] =	vst.idx.msk $0xffff, v18  }
0x14d: {  	v18 =	vld.idx.msk [tilespmem:v21+s12+$0x0], $0xffff  }
0x14e: {  	v17 =	vshll.u32 v16, $0x7;
	v21 =	vor.u32 $0x1000, v16  }
0x14f: {  	v22 =	vor.u32 $0x420, v19;
	v23 =	vor.u32 v21, v17  }
0x150: {  	v24 =	vor.u32 v22, v16;
	_ =	sdelay $0x1  }
0x151: {  	v18 =	vmul.f32 $8.000000000e+00, v18;
	_ =	sdelay $0x1  }
0x152: {  	[tilespmem:v23+s17+$0x0] =	vst.idx.msk $0xffff, v18  }
0x153: {  	v18 =	vld.idx.msk [tilespmem:v24+s12+$0x0], $0xffff  }
0x154: {  	v23 =	vor.u32 $0x1010, v16  }
0x155: {  	v25 =	vor.u32 v23, v17;
	v24 =	vor.u32 $0x820, v19  }
0x156: {  	v26 =	vor.u32 v24, v16;
	_ =	sdelay $0x1  }
0x157: {  	v18 =	vmul.f32 $8.000000000e+00, v18;
	_ =	sdelay $0x1  }
0x158: {  	[tilespmem:v25+s17+$0x0] =	vst.idx.msk $0xffff, v18  }
0x159: {  	v18 =	vld.idx.msk [tilespmem:v26+s12+$0x0], $0xffff  }
0x15a: {  	v25 =	vor.u32 $0x1020, v16  }
0x15b: {  	v27 =	vor.u32 v25, v17;
	v26 =	vor.u32 $0xC20, v19  }
0x15c: {  	v28 =	vor.u32 v26, v16;
	_ =	sdelay $0x1  }
0x15d: {  	v18 =	vmul.f32 $8.000000000e+00, v18;
	_ =	sdelay $0x1  }
0x15e: {  	[tilespmem:v27+s17+$0x0] =	vst.idx.msk $0xffff, v18  }
0x15f: {  	v18 =	vld.idx.msk [tilespmem:v28+s12+$0x0], $0xffff  }
0x160: {  	v27 =	vor.u32 $0x1030, v16  }
0x161: {  	v29 =	vor.u32 v27, v17;
	v28 =	vor.u32 $0x1020, v19  }
0x162: {  	v30 =	vor.u32 v28, v16;
	_ =	sdelay $0x1  }
0x163: {  	v18 =	vmul.f32 $8.000000000e+00, v18;
	_ =	sdelay $0x1  }
0x164: {  	[tilespmem:v29+s17+$0x0] =	vst.idx.msk $0xffff, v18  }
0x165: {  	v18 =	vld.idx.msk [tilespmem:v30+s12+$0x0], $0xffff  }
0x166: {  	v29 =	vor.u32 $0x1040, v16  }
0x167: {  	v31 =	vor.u32 v29, v17;
	v30 =	vor.u32 $0x1420, v19  }
0x168: {  	v59 =	vor.u32 v30, v16;
	_ =	sdelay $0x1  }
0x169: {  	v18 =	vmul.f32 $8.000000000e+00, v18;
	_ =	sdelay $0x1  }
0x16a: {  	[tilespmem:v31+s17+$0x0] =	vst.idx.msk $0xffff, v18  }
0x16b: {  	v18 =	vld.idx.msk [tilespmem:v59+s12+$0x0], $0xffff  }
0x16c: {  	v31 =	vor.u32 $0x1050, v16  }
0x16d: {  	v32 =	vor.u32 $0x1820, v19;
	v60 =	vor.u32 v31, v17  }
0x16e: {  	v61 =	vor.u32 v32, v16;
	_ =	sdelay $0x1  }
0x16f: {  	v18 =	vmul.f32 $8.000000000e+00, v18;
	_ =	sdelay $0x1  }
0x170: {  	[tilespmem:v60+s17+$0x0] =	vst.idx.msk $0xffff, v18  }
0x171: {  	v18 =	vld.idx.msk [tilespmem:v61+s12+$0x0], $0xffff  }
0x172: {  	v33 =	vor.u32 $0x1060, v16  }
0x173: {  	v62 =	vor.u32 v33, v17;
	v19 =	vor.u32 $0x1C20, v19  }
0x174: {  	v63 =	vor.u32 v19, v16;
	_ =	sdelay $0x1  }
0x175: {  	v18 =	vmul.f32 $8.000000000e+00, v18;
	_ =	sdelay $0x1  }
0x176: {  	[tilespmem:v62+s17+$0x0] =	vst.idx.msk $0xffff, v18  }
0x177: {  	v38 =	vld.idx.msk [tilespmem:v63+s12+$0x0], $0xffff  }
0x178: {  	v34 =	vor.u32 $0x1070, v16;
	v18 =	vadd.s32 $0x1, v16  }
0x179: {  	v36 =	vor.u32 v34, v17;
	v35 =	vand.u32 $0xF, v18  }
0x17a: {  	v37 =	vor.u32 v20, v35;
	_ =	sdelay $0x1  }
0x17b: {  	s9 =	simm.s32 $0xE;
	v38 =	vmul.f32 $8.000000000e+00, v38  }
.LBB2_11:
0x17c: {  	_ = 	snop  }
0x17d: {  	p1 =	sne.s32 s9, $0x1;
	s9 =	sadd.s32 $0xFFFFFFFF, s9;
	[tilespmem:v36+s17+$0x0] =	vst.idx.msk $0xffff, v38  }
0x17e: {  	v36 =	vld.idx.msk [tilespmem:v37+s12+$0x0], $0xffff;
	_ =	sdelay $0x1  }
0x17f: {  	v37 =	vshll.u32 v35, $0x7  }
0x180: {  	v38 =	vor.u32 v21, v37  }
0x181: {  	v39 =	vor.u32 v22, v35;
	_ =	sdelay $0x1  }
0x182: {  	v36 =	vmul.f32 $8.000000000e+00, v36;
	_ =	sdelay $0x1  }
0x183: {  	[tilespmem:v38+s17+$0x0] =	vst.idx.msk $0xffff, v36  }
0x184: {  	v36 =	vld.idx.msk [tilespmem:v39+s12+$0x0], $0xffff;
	_ =	sdelay $0x2  }
0x185: {  	v38 =	vor.u32 v23, v37  }
0x186: {  	v39 =	vor.u32 v24, v35;
	_ =	sdelay $0x1  }
0x187: {  	v36 =	vmul.f32 $8.000000000e+00, v36;
	_ =	sdelay $0x1  }
0x188: {  	[tilespmem:v38+s17+$0x0] =	vst.idx.msk $0xffff, v36  }
0x189: {  	v36 =	vld.idx.msk [tilespmem:v39+s12+$0x0], $0xffff;
	_ =	sdelay $0x2  }
0x18a: {  	v38 =	vor.u32 v25, v37  }
0x18b: {  	v39 =	vor.u32 v26, v35;
	_ =	sdelay $0x1  }
0x18c: {  	v36 =	vmul.f32 $8.000000000e+00, v36;
	_ =	sdelay $0x1  }
0x18d: {  	[tilespmem:v38+s17+$0x0] =	vst.idx.msk $0xffff, v36  }
0x18e: {  	v36 =	vld.idx.msk [tilespmem:v39+s12+$0x0], $0xffff;
	_ =	sdelay $0x2  }
0x18f: {  	v38 =	vor.u32 v27, v37  }
0x190: {  	v39 =	vor.u32 v28, v35;
	_ =	sdelay $0x1  }
0x191: {  	v36 =	vmul.f32 $8.000000000e+00, v36;
	_ =	sdelay $0x1  }
0x192: {  	[tilespmem:v38+s17+$0x0] =	vst.idx.msk $0xffff, v36  }
0x193: {  	v36 =	vld.idx.msk [tilespmem:v39+s12+$0x0], $0xffff;
	_ =	sdelay $0x2  }
0x194: {  	v38 =	vor.u32 v29, v37  }
0x195: {  	v39 =	vor.u32 v30, v35;
	_ =	sdelay $0x1  }
0x196: {  	v36 =	vmul.f32 $8.000000000e+00, v36;
	_ =	sdelay $0x1  }
0x197: {  	[tilespmem:v38+s17+$0x0] =	vst.idx.msk $0xffff, v36  }
0x198: {  	v36 =	vld.idx.msk [tilespmem:v39+s12+$0x0], $0xffff;
	_ =	sdelay $0x2  }
0x199: {  	v38 =	vor.u32 v31, v37  }
0x19a: {  	v39 =	vor.u32 v32, v35;
	_ =	sdelay $0x1  }
0x19b: {  	v36 =	vmul.f32 $8.000000000e+00, v36;
	_ =	sdelay $0x1  }
0x19c: {  	[tilespmem:v38+s17+$0x0] =	vst.idx.msk $0xffff, v36  }
0x19d: {  	v36 =	vld.idx.msk [tilespmem:v39+s12+$0x0], $0xffff;
	_ =	sdelay $0x2  }
0x19e: {  	v38 =	vor.u32 v33, v37  }
0x19f: {  	v39 =	vor.u32 v19, v35;
	_ =	sdelay $0x1  }
0x1a0: {  	v36 =	vmul.f32 $8.000000000e+00, v36;
	_ =	sdelay $0x1  }
0x1a1: {  	[tilespmem:v38+s17+$0x0] =	vst.idx.msk $0xffff, v36  }
0x1a2: {  	v38 =	vld.idx.msk [tilespmem:v39+s12+$0x0], $0xffff;
	_ =	sdelay $0x1  }
.Ltmp6:
0x1a3: {  	v35 =	vadd.s32 $0x1, v35;
	(pc) =	sbr.rel @p1 .LBB2_11-.Ltmp6, $3  }
0x1a4: {  	v35 =	vand.u32 $0xF, v35;
	v36 =	vor.u32 v34, v37  }
0x1a5: {  	v37 =	vor.u32 v20, v35;
	_ =	sdelay $0x1  }
0x1a6: {  	v38 =	vmul.f32 $8.000000000e+00, v38  }
0x1a7: {  	_ =	sdelay $0x3  }
0x1a8: {  	[tilespmem:v36+s17+$0x0] =	vst.idx.msk $0xffff, v38  }
0x1a9: {  	v20 =	vld.idx.msk [tilespmem:v37+s12+$0x0], $0xffff  }
0x1aa: {  	v45 =	vshll.u32 v35, $0x7  }
0x1ab: {  	v21 =	vor.u32 v21, v45  }
0x1ac: {  	v22 =	vor.u32 v22, v35;
	_ =	sdelay $0x1  }
0x1ad: {  	v20 =	vmul.f32 $8.000000000e+00, v20;
	_ =	sdelay $0x1  }
0x1ae: {  	[tilespmem:v21+s17+$0x0] =	vst.idx.msk $0xffff, v20  }
0x1af: {  	v20 =	vld.idx.msk [tilespmem:v22+s12+$0x0], $0xffff;
	_ =	sdelay $0x1  }
0x1b0: {  	v46 =	vor.u32 v23, v45  }
0x1b1: {  	v47 =	vor.u32 v24, v35;
	_ =	sdelay $0x1  }
0x1b2: {  	v20 =	vmul.f32 $8.000000000e+00, v20;
	_ =	sdelay $0x1  }
0x1b3: {  	[tilespmem:v46+s17+$0x0] =	vst.idx.msk $0xffff, v20  }
0x1b4: {  	v20 =	vld.idx.msk [tilespmem:v47+s12+$0x0], $0xffff;
	_ =	sdelay $0x1  }
0x1b5: {  	v48 =	vor.u32 v25, v45  }
0x1b6: {  	v49 =	vor.u32 v26, v35;
	_ =	sdelay $0x1  }
0x1b7: {  	v20 =	vmul.f32 $8.000000000e+00, v20;
	_ =	sdelay $0x1  }
0x1b8: {  	[tilespmem:v48+s17+$0x0] =	vst.idx.msk $0xffff, v20  }
0x1b9: {  	v20 =	vld.idx.msk [tilespmem:v49+s12+$0x0], $0xffff;
	_ =	sdelay $0x1  }
0x1ba: {  	v50 =	vor.u32 v27, v45  }
0x1bb: {  	v51 =	vor.u32 v28, v35;
	_ =	sdelay $0x1  }
0x1bc: {  	v20 =	vmul.f32 $8.000000000e+00, v20;
	_ =	sdelay $0x1  }
0x1bd: {  	[tilespmem:v50+s17+$0x0] =	vst.idx.msk $0xffff, v20  }
0x1be: {  	v20 =	vld.idx.msk [tilespmem:v51+s12+$0x0], $0xffff;
	_ =	sdelay $0x1  }
0x1bf: {  	v52 =	vor.u32 v29, v45  }
0x1c0: {  	v53 =	vor.u32 v30, v35;
	_ =	sdelay $0x1  }
0x1c1: {  	v20 =	vmul.f32 $8.000000000e+00, v20;
	_ =	sdelay $0x1  }
0x1c2: {  	[tilespmem:v52+s17+$0x0] =	vst.idx.msk $0xffff, v20  }
0x1c3: {  	v20 =	vld.idx.msk [tilespmem:v53+s12+$0x0], $0xffff;
	_ =	sdelay $0x1  }
0x1c4: {  	v54 =	vor.u32 v31, v45  }
0x1c5: {  	v55 =	vor.u32 v32, v35;
	_ =	sdelay $0x1  }
0x1c6: {  	v20 =	vmul.f32 $8.000000000e+00, v20;
	_ =	sdelay $0x1  }
0x1c7: {  	[tilespmem:v54+s17+$0x0] =	vst.idx.msk $0xffff, v20  }
0x1c8: {  	v20 =	vld.idx.msk [tilespmem:v55+s12+$0x0], $0xffff;
	_ =	sdelay $0x1  }
0x1c9: {  	v56 =	vor.u32 v33, v45  }
0x1ca: {  	v19 =	vor.u32 v19, v35;
	_ =	sdelay $0x1  }
0x1cb: {  	v20 =	vmul.f32 $8.000000000e+00, v20;
	_ =	sdelay $0x1  }
0x1cc: {  	[tilespmem:v56+s17+$0x0] =	vst.idx.msk $0xffff, v20  }
0x1cd: {  	v19 =	vld.idx.msk [tilespmem:v19+s12+$0x0], $0xffff;
	_ =	sdelay $0x1  }
0x1ce: {  	v20 =	vor.u32 v34, v45  }
0x1cf: {  	v57 =	vor.u32 v0, v16;
	_ =	sdelay $0x1  }
0x1d0: {  	v19 =	vmul.f32 $8.000000000e+00, v19;
	_ =	sdelay $0x1  }
0x1d1: {  	[tilespmem:v20+s17+$0x0] =	vst.idx.msk $0xffff, v19  }
0x1d2: {  	v19 =	vld.idx.msk [tilespmem:v57+s12+$0x0], $0xffff;
	_ =	sdelay $0x1  }
0x1d3: {  	v20 =	vor.u32 v1, v17  }
0x1d4: {  	v58 =	vor.u32 v2, v16;
	_ =	sdelay $0x1  }
0x1d5: {  	v19 =	vmul.f32 $8.000000000e+00, v19;
	_ =	sdelay $0x1  }
0x1d6: {  	[tilespmem:v20+s17+$0x0] =	vst.idx.msk $0xffff, v19  }
0x1d7: {  	v19 =	vld.idx.msk [tilespmem:v58+s12+$0x0], $0xffff;
	_ =	sdelay $0x1  }
0x1d8: {  	v20 =	vor.u32 v3, v17  }
0x1d9: {  	v59 =	vor.u32 v4, v16;
	_ =	sdelay $0x1  }
0x1da: {  	v19 =	vmul.f32 $8.000000000e+00, v19;
	_ =	sdelay $0x1  }
0x1db: {  	[tilespmem:v20+s17+$0x0] =	vst.idx.msk $0xffff, v19  }
0x1dc: {  	v19 =	vld.idx.msk [tilespmem:v59+s12+$0x0], $0xffff;
	_ =	sdelay $0x1  }
0x1dd: {  	v20 =	vor.u32 v5, v17  }
0x1de: {  	v60 =	vor.u32 v6, v16;
	_ =	sdelay $0x1  }
0x1df: {  	v19 =	vmul.f32 $8.000000000e+00, v19;
	_ =	sdelay $0x1  }
0x1e0: {  	[tilespmem:v20+s17+$0x0] =	vst.idx.msk $0xffff, v19  }
0x1e1: {  	v19 =	vld.idx.msk [tilespmem:v60+s12+$0x0], $0xffff;
	_ =	sdelay $0x1  }
0x1e2: {  	v20 =	vor.u32 v7, v17  }
0x1e3: {  	v61 =	vor.u32 v8, v16;
	_ =	sdelay $0x1  }
0x1e4: {  	v19 =	vmul.f32 $8.000000000e+00, v19;
	_ =	sdelay $0x1  }
0x1e5: {  	[tilespmem:v20+s17+$0x0] =	vst.idx.msk $0xffff, v19  }
0x1e6: {  	v19 =	vld.idx.msk [tilespmem:v61+s12+$0x0], $0xffff;
	_ =	sdelay $0x1  }
0x1e7: {  	v20 =	vor.u32 v9, v17  }
0x1e8: {  	v62 =	vor.u32 v10, v16;
	_ =	sdelay $0x1  }
0x1e9: {  	v19 =	vmul.f32 $8.000000000e+00, v19;
	_ =	sdelay $0x1  }
0x1ea: {  	[tilespmem:v20+s17+$0x0] =	vst.idx.msk $0xffff, v19  }
0x1eb: {  	v19 =	vld.idx.msk [tilespmem:v62+s12+$0x0], $0xffff;
	_ =	sdelay $0x1  }
0x1ec: {  	v20 =	vor.u32 v11, v17  }
0x1ed: {  	v63 =	vor.u32 v12, v16;
	_ =	sdelay $0x1  }
0x1ee: {  	v19 =	vmul.f32 $8.000000000e+00, v19;
	_ =	sdelay $0x1  }
0x1ef: {  	[tilespmem:v20+s17+$0x0] =	vst.idx.msk $0xffff, v19  }
0x1f0: {  	v19 =	vld.idx.msk [tilespmem:v63+s12+$0x0], $0xffff;
	_ =	sdelay $0x1  }
0x1f1: {  	v20 =	vor.u32 v13, v17  }
0x1f2: {  	v16 =	vor.u32 v14, v16;
	_ =	sdelay $0x1  }
0x1f3: {  	v19 =	vmul.f32 $8.000000000e+00, v19;
	_ =	sdelay $0x1  }
0x1f4: {  	[tilespmem:v20+s17+$0x0] =	vst.idx.msk $0xffff, v19  }
0x1f5: {  	v19 =	vld.idx.msk [tilespmem:v16+s12+$0x0], $0xffff;
	_ =	sdelay $0x1  }
0x1f6: {  	v17 =	vor.u32 v15, v17;
	v16 =	vand.u32 $0xF, v18  }
0x1f7: {  	v18 =	vor.u32 v0, v16;
	_ =	sdelay $0x1  }
0x1f8: {  	s9 =	simm.s32 $0xE;
	v19 =	vmul.f32 $8.000000000e+00, v19  }
.LBB2_13:
0x1f9: {  	_ = 	snop  }
0x1fa: {  	p1 =	sne.s32 s9, $0x1;
	s9 =	sadd.s32 $0xFFFFFFFF, s9;
	[tilespmem:v17+s17+$0x0] =	vst.idx.msk $0xffff, v19  }
0x1fb: {  	v17 =	vld.idx.msk [tilespmem:v18+s12+$0x0], $0xffff;
	_ =	sdelay $0x1  }
0x1fc: {  	v18 =	vshll.u32 v16, $0x7  }
0x1fd: {  	v19 =	vor.u32 v1, v18  }
0x1fe: {  	v20 =	vor.u32 v2, v16;
	_ =	sdelay $0x1  }
0x1ff: {  	v17 =	vmul.f32 $8.000000000e+00, v17;
	_ =	sdelay $0x1  }
0x200: {  	[tilespmem:v19+s17+$0x0] =	vst.idx.msk $0xffff, v17  }
0x201: {  	v17 =	vld.idx.msk [tilespmem:v20+s12+$0x0], $0xffff;
	_ =	sdelay $0x2  }
0x202: {  	v19 =	vor.u32 v3, v18  }
0x203: {  	v20 =	vor.u32 v4, v16;
	_ =	sdelay $0x1  }
0x204: {  	v17 =	vmul.f32 $8.000000000e+00, v17;
	_ =	sdelay $0x1  }
0x205: {  	[tilespmem:v19+s17+$0x0] =	vst.idx.msk $0xffff, v17  }
0x206: {  	v17 =	vld.idx.msk [tilespmem:v20+s12+$0x0], $0xffff;
	_ =	sdelay $0x2  }
0x207: {  	v19 =	vor.u32 v5, v18  }
0x208: {  	v20 =	vor.u32 v6, v16;
	_ =	sdelay $0x1  }
0x209: {  	v17 =	vmul.f32 $8.000000000e+00, v17;
	_ =	sdelay $0x1  }
0x20a: {  	[tilespmem:v19+s17+$0x0] =	vst.idx.msk $0xffff, v17  }
0x20b: {  	v17 =	vld.idx.msk [tilespmem:v20+s12+$0x0], $0xffff;
	_ =	sdelay $0x2  }
0x20c: {  	v19 =	vor.u32 v7, v18  }
0x20d: {  	v20 =	vor.u32 v8, v16;
	_ =	sdelay $0x1  }
0x20e: {  	v17 =	vmul.f32 $8.000000000e+00, v17;
	_ =	sdelay $0x1  }
0x20f: {  	[tilespmem:v19+s17+$0x0] =	vst.idx.msk $0xffff, v17  }
0x210: {  	v17 =	vld.idx.msk [tilespmem:v20+s12+$0x0], $0xffff;
	_ =	sdelay $0x2  }
0x211: {  	v19 =	vor.u32 v9, v18  }
0x212: {  	v20 =	vor.u32 v10, v16;
	_ =	sdelay $0x1  }
0x213: {  	v17 =	vmul.f32 $8.000000000e+00, v17;
	_ =	sdelay $0x1  }
0x214: {  	[tilespmem:v19+s17+$0x0] =	vst.idx.msk $0xffff, v17  }
0x215: {  	v17 =	vld.idx.msk [tilespmem:v20+s12+$0x0], $0xffff;
	_ =	sdelay $0x2  }
0x216: {  	v19 =	vor.u32 v11, v18  }
0x217: {  	v20 =	vor.u32 v12, v16;
	_ =	sdelay $0x1  }
0x218: {  	v17 =	vmul.f32 $8.000000000e+00, v17;
	_ =	sdelay $0x1  }
0x219: {  	[tilespmem:v19+s17+$0x0] =	vst.idx.msk $0xffff, v17  }
0x21a: {  	v17 =	vld.idx.msk [tilespmem:v20+s12+$0x0], $0xffff;
	_ =	sdelay $0x2  }
0x21b: {  	v19 =	vor.u32 v13, v18  }
0x21c: {  	v20 =	vor.u32 v14, v16;
	_ =	sdelay $0x1  }
0x21d: {  	v17 =	vmul.f32 $8.000000000e+00, v17;
	_ =	sdelay $0x1  }
0x21e: {  	[tilespmem:v19+s17+$0x0] =	vst.idx.msk $0xffff, v17  }
0x21f: {  	v19 =	vld.idx.msk [tilespmem:v20+s12+$0x0], $0xffff;
	_ =	sdelay $0x1  }
.Ltmp7:
0x220: {  	v16 =	vadd.s32 $0x1, v16;
	(pc) =	sbr.rel @p1 .LBB2_13-.Ltmp7, $3  }
0x221: {  	v16 =	vand.u32 $0xF, v16;
	v17 =	vor.u32 v15, v18  }
0x222: {  	v18 =	vor.u32 v0, v16;
	_ =	sdelay $0x1  }
0x223: {  	v19 =	vmul.f32 $8.000000000e+00, v19  }
0x224: {  	_ =	sdelay $0x3  }
0x225: {  	[tilespmem:v17+s17+$0x0] =	vst.idx.msk $0xffff, v19  }
0x226: {  	v17 =	vld.idx.msk [tilespmem:v18+s12+$0x0], $0xffff  }
0x227: {  	v18 =	vshll.u32 v16, $0x7  }
0x228: {  	v19 =	vor.u32 v1, v18  }
0x229: {  	v20 =	vor.u32 v2, v16;
	_ =	sdelay $0x1  }
0x22a: {  	v17 =	vmul.f32 $8.000000000e+00, v17;
	_ =	sdelay $0x1  }
0x22b: {  	[tilespmem:v19+s17+$0x0] =	vst.idx.msk $0xffff, v17  }
0x22c: {  	v17 =	vld.idx.msk [tilespmem:v20+s12+$0x0], $0xffff;
	_ =	sdelay $0x1  }
0x22d: {  	v19 =	vor.u32 v3, v18  }
0x22e: {  	v20 =	vor.u32 v4, v16;
	_ =	sdelay $0x1  }
0x22f: {  	v17 =	vmul.f32 $8.000000000e+00, v17;
	_ =	sdelay $0x1  }
0x230: {  	[tilespmem:v19+s17+$0x0] =	vst.idx.msk $0xffff, v17  }
0x231: {  	v17 =	vld.idx.msk [tilespmem:v20+s12+$0x0], $0xffff;
	_ =	sdelay $0x1  }
0x232: {  	v19 =	vor.u32 v5, v18  }
0x233: {  	v20 =	vor.u32 v6, v16;
	_ =	sdelay $0x1  }
0x234: {  	v17 =	vmul.f32 $8.000000000e+00, v17;
	_ =	sdelay $0x1  }
0x235: {  	[tilespmem:v19+s17+$0x0] =	vst.idx.msk $0xffff, v17  }
0x236: {  	v17 =	vld.idx.msk [tilespmem:v20+s12+$0x0], $0xffff;
	_ =	sdelay $0x1  }
0x237: {  	v19 =	vor.u32 v7, v18  }
0x238: {  	v20 =	vor.u32 v8, v16;
	_ =	sdelay $0x1  }
0x239: {  	v17 =	vmul.f32 $8.000000000e+00, v17;
	_ =	sdelay $0x1  }
0x23a: {  	[tilespmem:v19+s17+$0x0] =	vst.idx.msk $0xffff, v17  }
0x23b: {  	v17 =	vld.idx.msk [tilespmem:v20+s12+$0x0], $0xffff;
	_ =	sdelay $0x1  }
0x23c: {  	v19 =	vor.u32 v9, v18  }
0x23d: {  	v20 =	vor.u32 v10, v16;
	_ =	sdelay $0x1  }
0x23e: {  	v17 =	vmul.f32 $8.000000000e+00, v17;
	_ =	sdelay $0x1  }
0x23f: {  	[tilespmem:v19+s17+$0x0] =	vst.idx.msk $0xffff, v17  }
0x240: {  	v17 =	vld.idx.msk [tilespmem:v20+s12+$0x0], $0xffff;
	_ =	sdelay $0x1  }
0x241: {  	v19 =	vor.u32 v11, v18  }
0x242: {  	v20 =	vor.u32 v12, v16;
	_ =	sdelay $0x1  }
0x243: {  	v17 =	vmul.f32 $8.000000000e+00, v17;
	_ =	sdelay $0x1  }
0x244: {  	[tilespmem:v19+s17+$0x0] =	vst.idx.msk $0xffff, v17  }
0x245: {  	v17 =	vld.idx.msk [tilespmem:v20+s12+$0x0], $0xffff;
	_ =	sdelay $0x1  }
0x246: {  	v19 =	vor.u32 v13, v18  }
0x247: {  	v16 =	vor.u32 v14, v16;
	_ =	sdelay $0x1  }
0x248: {  	v17 =	vmul.f32 $8.000000000e+00, v17;
	_ =	sdelay $0x1  }
0x249: {  	[tilespmem:v19+s17+$0x0] =	vst.idx.msk $0xffff, v17  }
0x24a: {  	v16 =	vld.idx.msk [tilespmem:v16+s12+$0x0], $0xffff;
	_ =	sdelay $0x1  }
0x24b: {  	v17 =	vor.u32 v15, v18;
	_ =	sdelay $0x2  }
0x24c: {  	v16 =	vmul.f32 $8.000000000e+00, v16  }
0x24d: {  	s9 =	sshll.u32 s1, $0x11  }
0x24e: {  	s14 =	sshrl.u32 s14, $0x2;
	s30 =	sadd.s32 s9, s4;
	[tilespmem:v17+s17+$0x0] =	vst.idx.msk $0xffff, v16  }
0x24f: {  	[hbm4b:s30+s18] =	stream.strided.scatter [tilespmem:s17], [sflag:$0x6], $0x2000, s19, s18, $0x38;
	[tilespmem:$0x16400] =	vst v63  }
0x250: {  	v17 =	vlaneseq.u32;
	s30 =	sadd.s32 $0x180, s14  }
0x251: {  	v16 =	vmul.u32 $0x40, v17;
	[tilespmem:s20], [sflag:$0x5] =	stream.indirect.gather [hbm4b:s3+s11], $0x40, s30, s11, $0xb8;
	[tilespmem:$0x16400] =	vst v63  }
0x252: {  	_ =	swait.ge [sflag:s21], $0x2000  }
0x253: {  	v18 =	vor.u32 v16, v17;
	[sflag:s21] =	ssyncset.done $0x0  }
0x254: {  	s30 =	simm.s32 @!p0 $0x7;
	[sflag:s21] =	ssyncadd.s32 $0xFFFFE000  }
0x255: {  	_ =	swait.ge @!p0 [sflag:s30], $0x2000  }
0x256: {  	[sflag:s30] =	ssyncset.done @!p0 $0x0  }
0x257: {  	[sflag:s30] =	ssyncadd.s32 @!p0 $0xFFFFE000  }
0x258: {  	v20 =	vld.idx.msk [tilespmem:v18+s13+$0x0], $0xffff  }
0x259: {  	v18 =	vshll.u32 v17, $0x7  }
0x25a: {  	v19 =	vor.u32 $0x400, v16;
	v21 =	vor.u32 v17, v18  }
0x25b: {  	v22 =	vor.u32 v19, v17;
	_ =	sdelay $0x1  }
0x25c: {  	v20 =	vmul.f32 $8.000000000e+00, v20;
	_ =	sdelay $0x1  }
0x25d: {  	[tilespmem:v21+s22+$0x0] =	vst.idx.msk $0xffff, v20  }
0x25e: {  	v20 =	vld.idx.msk [tilespmem:v22+s13+$0x0], $0xffff  }
0x25f: {  	v21 =	vor.u32 $0x10, v17  }
0x260: {  	v22 =	vor.u32 $0x800, v16;
	v23 =	vor.u32 v21, v18  }
0x261: {  	v24 =	vor.u32 v22, v17;
	_ =	sdelay $0x1  }
0x262: {  	v20 =	vmul.f32 $8.000000000e+00, v20;
	_ =	sdelay $0x1  }
0x263: {  	[tilespmem:v23+s22+$0x0] =	vst.idx.msk $0xffff, v20  }
0x264: {  	v20 =	vld.idx.msk [tilespmem:v24+s13+$0x0], $0xffff  }
0x265: {  	v23 =	vor.u32 $0x20, v17  }
0x266: {  	v24 =	vor.u32 $0xC00, v16;
	v25 =	vor.u32 v23, v18  }
0x267: {  	v26 =	vor.u32 v24, v17;
	_ =	sdelay $0x1  }
0x268: {  	v20 =	vmul.f32 $8.000000000e+00, v20;
	_ =	sdelay $0x1  }
0x269: {  	[tilespmem:v25+s22+$0x0] =	vst.idx.msk $0xffff, v20  }
0x26a: {  	v20 =	vld.idx.msk [tilespmem:v26+s13+$0x0], $0xffff  }
0x26b: {  	v25 =	vor.u32 $0x30, v17  }
0x26c: {  	v26 =	vor.u32 $0x1000, v16;
	v27 =	vor.u32 v25, v18  }
0x26d: {  	v28 =	vor.u32 v26, v17;
	_ =	sdelay $0x1  }
0x26e: {  	v20 =	vmul.f32 $8.000000000e+00, v20;
	_ =	sdelay $0x1  }
0x26f: {  	[tilespmem:v27+s22+$0x0] =	vst.idx.msk $0xffff, v20  }
0x270: {  	v20 =	vld.idx.msk [tilespmem:v28+s13+$0x0], $0xffff  }
0x271: {  	v27 =	vor.u32 $0x40, v17  }
0x272: {  	v28 =	vor.u32 $0x1400, v16;
	v29 =	vor.u32 v27, v18  }
0x273: {  	v30 =	vor.u32 v28, v17;
	_ =	sdelay $0x1  }
0x274: {  	v20 =	vmul.f32 $8.000000000e+00, v20;
	_ =	sdelay $0x1  }
0x275: {  	[tilespmem:v29+s22+$0x0] =	vst.idx.msk $0xffff, v20  }
0x276: {  	v20 =	vld.idx.msk [tilespmem:v30+s13+$0x0], $0xffff  }
0x277: {  	v29 =	vor.u32 $0x50, v17  }
0x278: {  	v30 =	vor.u32 $0x1800, v16;
	v31 =	vor.u32 v29, v18  }
0x279: {  	v32 =	vor.u32 v30, v17;
	_ =	sdelay $0x1  }
0x27a: {  	v20 =	vmul.f32 $8.000000000e+00, v20;
	_ =	sdelay $0x1  }
0x27b: {  	[tilespmem:v31+s22+$0x0] =	vst.idx.msk $0xffff, v20  }
0x27c: {  	v20 =	vld.idx.msk [tilespmem:v32+s13+$0x0], $0xffff  }
0x27d: {  	v31 =	vor.u32 $0x60, v17  }
0x27e: {  	v33 =	vor.u32 v31, v18;
	v32 =	vor.u32 $0x1C00, v16  }
0x27f: {  	v34 =	vor.u32 v32, v17;
	_ =	sdelay $0x1  }
0x280: {  	v20 =	vmul.f32 $8.000000000e+00, v20;
	_ =	sdelay $0x1  }
0x281: {  	[tilespmem:v33+s22+$0x0] =	vst.idx.msk $0xffff, v20  }
0x282: {  	v37 =	vld.idx.msk [tilespmem:v34+s13+$0x0], $0xffff  }
0x283: {  	v20 =	vadd.s32 $0x1, v17;
	v33 =	vor.u32 $0x70, v17  }
0x284: {  	v34 =	vand.u32 $0xF, v20;
	v35 =	vor.u32 v33, v18  }
0x285: {  	v36 =	vor.u32 v16, v34;
	_ =	sdelay $0x1  }
0x286: {  	s30 =	simm.s32 $0xE;
	v37 =	vmul.f32 $8.000000000e+00, v37  }
.LBB2_15:
0x287: {  	_ = 	snop  }
0x288: {  	p1 =	sne.s32 s30, $0x1;
	s30 =	sadd.s32 $0xFFFFFFFF, s30;
	[tilespmem:v35+s22+$0x0] =	vst.idx.msk $0xffff, v37  }
0x289: {  	v35 =	vld.idx.msk [tilespmem:v36+s13+$0x0], $0xffff;
	_ =	sdelay $0x1  }
0x28a: {  	v36 =	vshll.u32 v34, $0x7  }
0x28b: {  	v37 =	vor.u32 v17, v36  }
0x28c: {  	v38 =	vor.u32 v19, v34;
	_ =	sdelay $0x1  }
0x28d: {  	v35 =	vmul.f32 $8.000000000e+00, v35;
	_ =	sdelay $0x1  }
0x28e: {  	[tilespmem:v37+s22+$0x0] =	vst.idx.msk $0xffff, v35  }
0x28f: {  	v35 =	vld.idx.msk [tilespmem:v38+s13+$0x0], $0xffff;
	_ =	sdelay $0x2  }
0x290: {  	v37 =	vor.u32 v21, v36  }
0x291: {  	v38 =	vor.u32 v22, v34;
	_ =	sdelay $0x1  }
0x292: {  	v35 =	vmul.f32 $8.000000000e+00, v35;
	_ =	sdelay $0x1  }
0x293: {  	[tilespmem:v37+s22+$0x0] =	vst.idx.msk $0xffff, v35  }
0x294: {  	v35 =	vld.idx.msk [tilespmem:v38+s13+$0x0], $0xffff;
	_ =	sdelay $0x2  }
0x295: {  	v37 =	vor.u32 v23, v36  }
0x296: {  	v38 =	vor.u32 v24, v34;
	_ =	sdelay $0x1  }
0x297: {  	v35 =	vmul.f32 $8.000000000e+00, v35;
	_ =	sdelay $0x1  }
0x298: {  	[tilespmem:v37+s22+$0x0] =	vst.idx.msk $0xffff, v35  }
0x299: {  	v35 =	vld.idx.msk [tilespmem:v38+s13+$0x0], $0xffff;
	_ =	sdelay $0x2  }
0x29a: {  	v37 =	vor.u32 v25, v36  }
0x29b: {  	v38 =	vor.u32 v26, v34;
	_ =	sdelay $0x1  }
0x29c: {  	v35 =	vmul.f32 $8.000000000e+00, v35;
	_ =	sdelay $0x1  }
0x29d: {  	[tilespmem:v37+s22+$0x0] =	vst.idx.msk $0xffff, v35  }
0x29e: {  	v35 =	vld.idx.msk [tilespmem:v38+s13+$0x0], $0xffff;
	_ =	sdelay $0x2  }
0x29f: {  	v37 =	vor.u32 v27, v36  }
0x2a0: {  	v38 =	vor.u32 v28, v34;
	_ =	sdelay $0x1  }
0x2a1: {  	v35 =	vmul.f32 $8.000000000e+00, v35;
	_ =	sdelay $0x1  }
0x2a2: {  	[tilespmem:v37+s22+$0x0] =	vst.idx.msk $0xffff, v35  }
0x2a3: {  	v35 =	vld.idx.msk [tilespmem:v38+s13+$0x0], $0xffff;
	_ =	sdelay $0x2  }
0x2a4: {  	v37 =	vor.u32 v29, v36  }
0x2a5: {  	v38 =	vor.u32 v30, v34;
	_ =	sdelay $0x1  }
0x2a6: {  	v35 =	vmul.f32 $8.000000000e+00, v35;
	_ =	sdelay $0x1  }
0x2a7: {  	[tilespmem:v37+s22+$0x0] =	vst.idx.msk $0xffff, v35  }
0x2a8: {  	v35 =	vld.idx.msk [tilespmem:v38+s13+$0x0], $0xffff;
	_ =	sdelay $0x2  }
0x2a9: {  	v37 =	vor.u32 v31, v36;
	v38 =	vor.u32 $0x1C00, v16  }
0x2aa: {  	v38 =	vor.u32 v38, v34;
	_ =	sdelay $0x1  }
0x2ab: {  	v35 =	vmul.f32 $8.000000000e+00, v35;
	_ =	sdelay $0x1  }
0x2ac: {  	[tilespmem:v37+s22+$0x0] =	vst.idx.msk $0xffff, v35  }
0x2ad: {  	v37 =	vld.idx.msk [tilespmem:v38+s13+$0x0], $0xffff;
	_ =	sdelay $0x1  }
.Ltmp8:
0x2ae: {  	v34 =	vadd.s32 $0x1, v34;
	(pc) =	sbr.rel @p1 .LBB2_15-.Ltmp8, $3  }
0x2af: {  	v34 =	vand.u32 $0xF, v34;
	v35 =	vor.u32 v33, v36  }
0x2b0: {  	v36 =	vor.u32 v16, v34;
	_ =	sdelay $0x1  }
0x2b1: {  	v37 =	vmul.f32 $8.000000000e+00, v37  }
0x2b2: {  	_ =	sdelay $0x3  }
0x2b3: {  	[tilespmem:v35+s22+$0x0] =	vst.idx.msk $0xffff, v37  }
0x2b4: {  	v16 =	vld.idx.msk [tilespmem:v36+s13+$0x0], $0xffff  }
0x2b5: {  	v56 =	vshll.u32 v34, $0x7  }
0x2b6: {  	v57 =	vor.u32 v17, v56  }
0x2b7: {  	v19 =	vor.u32 v19, v34;
	_ =	sdelay $0x1  }
0x2b8: {  	v16 =	vmul.f32 $8.000000000e+00, v16;
	_ =	sdelay $0x1  }
0x2b9: {  	[tilespmem:v57+s22+$0x0] =	vst.idx.msk $0xffff, v16  }
0x2ba: {  	v16 =	vld.idx.msk [tilespmem:v19+s13+$0x0], $0xffff;
	_ =	sdelay $0x1  }
0x2bb: {  	v19 =	vor.u32 v21, v56  }
0x2bc: {  	v21 =	vor.u32 v22, v34;
	_ =	sdelay $0x1  }
0x2bd: {  	v16 =	vmul.f32 $8.000000000e+00, v16;
	_ =	sdelay $0x1  }
0x2be: {  	[tilespmem:v19+s22+$0x0] =	vst.idx.msk $0xffff, v16  }
0x2bf: {  	v16 =	vld.idx.msk [tilespmem:v21+s13+$0x0], $0xffff;
	_ =	sdelay $0x1  }
0x2c0: {  	v19 =	vor.u32 v23, v56  }
0x2c1: {  	v21 =	vor.u32 v24, v34;
	_ =	sdelay $0x1  }
0x2c2: {  	v16 =	vmul.f32 $8.000000000e+00, v16;
	_ =	sdelay $0x1  }
0x2c3: {  	[tilespmem:v19+s22+$0x0] =	vst.idx.msk $0xffff, v16  }
0x2c4: {  	v16 =	vld.idx.msk [tilespmem:v21+s13+$0x0], $0xffff;
	_ =	sdelay $0x1  }
0x2c5: {  	v19 =	vor.u32 v25, v56  }
0x2c6: {  	v21 =	vor.u32 v26, v34;
	_ =	sdelay $0x1  }
0x2c7: {  	v16 =	vmul.f32 $8.000000000e+00, v16;
	_ =	sdelay $0x1  }
0x2c8: {  	[tilespmem:v19+s22+$0x0] =	vst.idx.msk $0xffff, v16  }
0x2c9: {  	v16 =	vld.idx.msk [tilespmem:v21+s13+$0x0], $0xffff;
	_ =	sdelay $0x1  }
0x2ca: {  	v19 =	vor.u32 v27, v56  }
0x2cb: {  	v21 =	vor.u32 v28, v34;
	_ =	sdelay $0x1  }
0x2cc: {  	v16 =	vmul.f32 $8.000000000e+00, v16;
	_ =	sdelay $0x1  }
0x2cd: {  	[tilespmem:v19+s22+$0x0] =	vst.idx.msk $0xffff, v16  }
0x2ce: {  	v16 =	vld.idx.msk [tilespmem:v21+s13+$0x0], $0xffff;
	_ =	sdelay $0x1  }
0x2cf: {  	v19 =	vor.u32 v29, v56  }
0x2d0: {  	v21 =	vor.u32 v30, v34;
	_ =	sdelay $0x1  }
0x2d1: {  	v16 =	vmul.f32 $8.000000000e+00, v16;
	_ =	sdelay $0x1  }
0x2d2: {  	[tilespmem:v19+s22+$0x0] =	vst.idx.msk $0xffff, v16  }
0x2d3: {  	v16 =	vld.idx.msk [tilespmem:v21+s13+$0x0], $0xffff;
	_ =	sdelay $0x1  }
0x2d4: {  	v19 =	vor.u32 v31, v56  }
0x2d5: {  	v21 =	vor.u32 v32, v34;
	_ =	sdelay $0x1  }
0x2d6: {  	v16 =	vmul.f32 $8.000000000e+00, v16;
	_ =	sdelay $0x1  }
0x2d7: {  	[tilespmem:v19+s22+$0x0] =	vst.idx.msk $0xffff, v16;
	v16 =	vlaneseq.u32  }
0x2d8: {  	v22 =	vld.idx.msk [tilespmem:v21+s13+$0x0], $0xffff;
	v19 =	vmul.u32 $0x40, v16;
	_ =	sdelay $0x1  }
0x2d9: {  	v23 =	vor.u32 v33, v56;
	v21 =	vor.u32 $0x10, v19  }
0x2da: {  	v24 =	vor.u32 v21, v17;
	_ =	sdelay $0x1  }
0x2db: {  	v22 =	vmul.f32 $8.000000000e+00, v22;
	_ =	sdelay $0x1  }
0x2dc: {  	[tilespmem:v23+s22+$0x0] =	vst.idx.msk $0xffff, v22  }
0x2dd: {  	v24 =	vld.idx.msk [tilespmem:v24+s13+$0x0], $0xffff  }
0x2de: {  	v22 =	vor.u32 $0x800, v16  }
0x2df: {  	v23 =	vor.u32 $0x410, v19;
	v25 =	vor.u32 v22, v18  }
0x2e0: {  	v26 =	vor.u32 v23, v17;
	_ =	sdelay $0x1  }
0x2e1: {  	v24 =	vmul.f32 $8.000000000e+00, v24;
	_ =	sdelay $0x1  }
0x2e2: {  	[tilespmem:v25+s22+$0x0] =	vst.idx.msk $0xffff, v24  }
0x2e3: {  	v26 =	vld.idx.msk [tilespmem:v26+s13+$0x0], $0xffff  }
0x2e4: {  	v24 =	vor.u32 $0x810, v16  }
0x2e5: {  	v25 =	vor.u32 $0x810, v19;
	v27 =	vor.u32 v24, v18  }
0x2e6: {  	v28 =	vor.u32 v25, v17;
	_ =	sdelay $0x1  }
0x2e7: {  	v26 =	vmul.f32 $8.000000000e+00, v26;
	_ =	sdelay $0x1  }
0x2e8: {  	[tilespmem:v27+s22+$0x0] =	vst.idx.msk $0xffff, v26  }
0x2e9: {  	v28 =	vld.idx.msk [tilespmem:v28+s13+$0x0], $0xffff  }
0x2ea: {  	v26 =	vor.u32 $0x820, v16  }
0x2eb: {  	v27 =	vor.u32 $0xC10, v19;
	v29 =	vor.u32 v26, v18  }
0x2ec: {  	v30 =	vor.u32 v27, v17;
	_ =	sdelay $0x1  }
0x2ed: {  	v28 =	vmul.f32 $8.000000000e+00, v28;
	_ =	sdelay $0x1  }
0x2ee: {  	[tilespmem:v29+s22+$0x0] =	vst.idx.msk $0xffff, v28  }
0x2ef: {  	v30 =	vld.idx.msk [tilespmem:v30+s13+$0x0], $0xffff  }
0x2f0: {  	v28 =	vor.u32 $0x830, v16  }
0x2f1: {  	v29 =	vor.u32 $0x1010, v19;
	v31 =	vor.u32 v28, v18  }
0x2f2: {  	v58 =	vor.u32 v29, v17;
	_ =	sdelay $0x1  }
0x2f3: {  	v30 =	vmul.f32 $8.000000000e+00, v30;
	_ =	sdelay $0x1  }
0x2f4: {  	[tilespmem:v31+s22+$0x0] =	vst.idx.msk $0xffff, v30  }
0x2f5: {  	v32 =	vld.idx.msk [tilespmem:v58+s13+$0x0], $0xffff  }
0x2f6: {  	v30 =	vor.u32 $0x840, v16  }
0x2f7: {  	v31 =	vor.u32 $0x1410, v19;
	v59 =	vor.u32 v30, v18  }
0x2f8: {  	v60 =	vor.u32 v31, v17;
	_ =	sdelay $0x1  }
0x2f9: {  	v32 =	vmul.f32 $8.000000000e+00, v32;
	_ =	sdelay $0x1  }
0x2fa: {  	[tilespmem:v59+s22+$0x0] =	vst.idx.msk $0xffff, v32  }
0x2fb: {  	v34 =	vld.idx.msk [tilespmem:v60+s13+$0x0], $0xffff  }
0x2fc: {  	v32 =	vor.u32 $0x850, v16  }
0x2fd: {  	v33 =	vor.u32 $0x1810, v19;
	v61 =	vor.u32 v32, v18  }
0x2fe: {  	v62 =	vor.u32 v33, v17;
	_ =	sdelay $0x1  }
0x2ff: {  	v34 =	vmul.f32 $8.000000000e+00, v34;
	_ =	sdelay $0x1  }
0x300: {  	[tilespmem:v61+s22+$0x0] =	vst.idx.msk $0xffff, v34  }
0x301: {  	v36 =	vld.idx.msk [tilespmem:v62+s13+$0x0], $0xffff  }
0x302: {  	v34 =	vor.u32 $0x860, v16  }
0x303: {  	v35 =	vor.u32 $0x1C10, v19;
	v63 =	vor.u32 v34, v18  }
0x304: {  	v17 =	vor.u32 v35, v17;
	_ =	sdelay $0x1  }
0x305: {  	v36 =	vmul.f32 $8.000000000e+00, v36;
	_ =	sdelay $0x1  }
0x306: {  	[tilespmem:v63+s22+$0x0] =	vst.idx.msk $0xffff, v36  }
0x307: {  	v37 =	vld.idx.msk [tilespmem:v17+s13+$0x0], $0xffff  }
0x308: {  	v17 =	vor.u32 $0x870, v16  }
0x309: {  	v20 =	vand.u32 $0xF, v20;
	v18 =	vor.u32 v17, v18  }
0x30a: {  	v36 =	vor.u32 v21, v20;
	_ =	sdelay $0x1  }
0x30b: {  	v37 =	vmul.f32 $8.000000000e+00, v37  }
0x30c: {  	s30 =	simm.s32 $0xE  }
.LBB2_17:
0x30d: {  	p1 =	sne.s32 s30, $0x1;
	s30 =	sadd.s32 $0xFFFFFFFF, s30;
	[tilespmem:v18+s22+$0x0] =	vst.idx.msk $0xffff, v37  }
0x30e: {  	v18 =	vld.idx.msk [tilespmem:v36+s13+$0x0], $0xffff;
	_ =	sdelay $0x1  }
0x30f: {  	v36 =	vshll.u32 v20, $0x7  }
0x310: {  	v37 =	vor.u32 v22, v36  }
0x311: {  	v38 =	vor.u32 v23, v20;
	_ =	sdelay $0x1  }
0x312: {  	v18 =	vmul.f32 $8.000000000e+00, v18;
	_ =	sdelay $0x1  }
0x313: {  	[tilespmem:v37+s22+$0x0] =	vst.idx.msk $0xffff, v18  }
0x314: {  	v18 =	vld.idx.msk [tilespmem:v38+s13+$0x0], $0xffff;
	_ =	sdelay $0x1  }
0x315: {  	v37 =	vor.u32 $0x810, v16  }
0x316: {  	v37 =	vor.u32 v37, v36  }
0x317: {  	v38 =	vor.u32 v25, v20;
	_ =	sdelay $0x1  }
0x318: {  	v18 =	vmul.f32 $8.000000000e+00, v18;
	_ =	sdelay $0x1  }
0x319: {  	[tilespmem:v37+s22+$0x0] =	vst.idx.msk $0xffff, v18  }
0x31a: {  	v18 =	vld.idx.msk [tilespmem:v38+s13+$0x0], $0xffff;
	_ =	sdelay $0x2  }
0x31b: {  	v37 =	vor.u32 v26, v36  }
0x31c: {  	v38 =	vor.u32 v27, v20;
	_ =	sdelay $0x1  }
0x31d: {  	v18 =	vmul.f32 $8.000000000e+00, v18;
	_ =	sdelay $0x1  }
0x31e: {  	[tilespmem:v37+s22+$0x0] =	vst.idx.msk $0xffff, v18  }
0x31f: {  	v18 =	vld.idx.msk [tilespmem:v38+s13+$0x0], $0xffff;
	_ =	sdelay $0x2  }
0x320: {  	v37 =	vor.u32 v28, v36  }
0x321: {  	v38 =	vor.u32 v29, v20;
	_ =	sdelay $0x1  }
0x322: {  	v18 =	vmul.f32 $8.000000000e+00, v18;
	_ =	sdelay $0x1  }
0x323: {  	[tilespmem:v37+s22+$0x0] =	vst.idx.msk $0xffff, v18  }
0x324: {  	v18 =	vld.idx.msk [tilespmem:v38+s13+$0x0], $0xffff;
	_ =	sdelay $0x2  }
0x325: {  	v37 =	vor.u32 v30, v36  }
0x326: {  	v38 =	vor.u32 v31, v20;
	_ =	sdelay $0x1  }
0x327: {  	v18 =	vmul.f32 $8.000000000e+00, v18;
	_ =	sdelay $0x1  }
0x328: {  	[tilespmem:v37+s22+$0x0] =	vst.idx.msk $0xffff, v18  }
0x329: {  	v18 =	vld.idx.msk [tilespmem:v38+s13+$0x0], $0xffff;
	_ =	sdelay $0x2  }
0x32a: {  	v37 =	vor.u32 v32, v36  }
0x32b: {  	v38 =	vor.u32 v33, v20;
	_ =	sdelay $0x1  }
0x32c: {  	v18 =	vmul.f32 $8.000000000e+00, v18;
	_ =	sdelay $0x1  }
0x32d: {  	[tilespmem:v37+s22+$0x0] =	vst.idx.msk $0xffff, v18  }
0x32e: {  	v18 =	vld.idx.msk [tilespmem:v38+s13+$0x0], $0xffff;
	_ =	sdelay $0x2  }
0x32f: {  	v37 =	vor.u32 v34, v36  }
0x330: {  	v38 =	vor.u32 v35, v20;
	_ =	sdelay $0x1  }
0x331: {  	v18 =	vmul.f32 $8.000000000e+00, v18;
	_ =	sdelay $0x1  }
0x332: {  	[tilespmem:v37+s22+$0x0] =	vst.idx.msk $0xffff, v18  }
0x333: {  	v20 =	vadd.s32 $0x1, v20;
	v18 =	vor.u32 v17, v36;
	v37 =	vld.idx.msk [tilespmem:v38+s13+$0x0], $0xffff  }
0x334: {  	v20 =	vand.u32 $0xF, v20;
	_ =	sdelay $0x1  }
.Ltmp9:
0x335: {  	(pc) =	sbr.rel @p1 .LBB2_17-.Ltmp9, $2  }
0x336: {  	v36 =	vor.u32 v21, v20;
	_ =	sdelay $0x1  }
0x337: {  	v37 =	vmul.f32 $8.000000000e+00, v37;
	_ =	sdelay $0x1  }
0x338: {  	_ =	sdelay $0x3  }
0x339: {  	[tilespmem:v18+s22+$0x0] =	vst.idx.msk $0xffff, v37  }
0x33a: {  	v18 =	vld.idx.msk [tilespmem:v36+s13+$0x0], $0xffff  }
0x33b: {  	v21 =	vshll.u32 v20, $0x7  }
0x33c: {  	v22 =	vor.u32 v22, v21  }
0x33d: {  	v23 =	vor.u32 v23, v20;
	_ =	sdelay $0x1  }
0x33e: {  	v18 =	vmul.f32 $8.000000000e+00, v18;
	_ =	sdelay $0x1  }
0x33f: {  	[tilespmem:v22+s22+$0x0] =	vst.idx.msk $0xffff, v18  }
0x340: {  	v18 =	vld.idx.msk [tilespmem:v23+s13+$0x0], $0xffff;
	_ =	sdelay $0x1  }
0x341: {  	v22 =	vor.u32 v24, v21  }
0x342: {  	v23 =	vor.u32 v25, v20;
	_ =	sdelay $0x1  }
0x343: {  	v18 =	vmul.f32 $8.000000000e+00, v18;
	_ =	sdelay $0x1  }
0x344: {  	[tilespmem:v22+s22+$0x0] =	vst.idx.msk $0xffff, v18  }
0x345: {  	v18 =	vld.idx.msk [tilespmem:v23+s13+$0x0], $0xffff;
	_ =	sdelay $0x1  }
0x346: {  	v22 =	vor.u32 v26, v21  }
0x347: {  	v23 =	vor.u32 v27, v20;
	_ =	sdelay $0x1  }
0x348: {  	v18 =	vmul.f32 $8.000000000e+00, v18;
	_ =	sdelay $0x1  }
0x349: {  	[tilespmem:v22+s22+$0x0] =	vst.idx.msk $0xffff, v18  }
0x34a: {  	v18 =	vld.idx.msk [tilespmem:v23+s13+$0x0], $0xffff;
	_ =	sdelay $0x1  }
0x34b: {  	v22 =	vor.u32 v28, v21  }
0x34c: {  	v23 =	vor.u32 v29, v20;
	_ =	sdelay $0x1  }
0x34d: {  	v18 =	vmul.f32 $8.000000000e+00, v18;
	_ =	sdelay $0x1  }
0x34e: {  	[tilespmem:v22+s22+$0x0] =	vst.idx.msk $0xffff, v18  }
0x34f: {  	v18 =	vld.idx.msk [tilespmem:v23+s13+$0x0], $0xffff;
	_ =	sdelay $0x1  }
0x350: {  	v22 =	vor.u32 v30, v21  }
0x351: {  	v23 =	vor.u32 v31, v20;
	_ =	sdelay $0x1  }
0x352: {  	v18 =	vmul.f32 $8.000000000e+00, v18;
	_ =	sdelay $0x1  }
0x353: {  	[tilespmem:v22+s22+$0x0] =	vst.idx.msk $0xffff, v18  }
0x354: {  	v18 =	vld.idx.msk [tilespmem:v23+s13+$0x0], $0xffff;
	_ =	sdelay $0x1  }
0x355: {  	v22 =	vor.u32 v32, v21  }
0x356: {  	v23 =	vor.u32 v33, v20;
	_ =	sdelay $0x1  }
0x357: {  	v18 =	vmul.f32 $8.000000000e+00, v18;
	_ =	sdelay $0x1  }
0x358: {  	[tilespmem:v22+s22+$0x0] =	vst.idx.msk $0xffff, v18  }
0x359: {  	v18 =	vld.idx.msk [tilespmem:v23+s13+$0x0], $0xffff;
	_ =	sdelay $0x1  }
0x35a: {  	v22 =	vor.u32 v34, v21  }
0x35b: {  	v20 =	vor.u32 v35, v20;
	_ =	sdelay $0x1  }
0x35c: {  	v18 =	vmul.f32 $8.000000000e+00, v18;
	_ =	sdelay $0x1  }
0x35d: {  	[tilespmem:v22+s22+$0x0] =	vst.idx.msk $0xffff, v18  }
0x35e: {  	v18 =	vld.idx.msk [tilespmem:v20+s13+$0x0], $0xffff;
	_ =	sdelay $0x1  }
0x35f: {  	v17 =	vor.u32 v17, v21;
	v20 =	vor.u32 $0x20, v19  }
0x360: {  	v21 =	vor.u32 v20, v16;
	_ =	sdelay $0x1  }
0x361: {  	v18 =	vmul.f32 $8.000000000e+00, v18;
	_ =	sdelay $0x1  }
0x362: {  	[tilespmem:v17+s22+$0x0] =	vst.idx.msk $0xffff, v18  }
0x363: {  	v18 =	vld.idx.msk [tilespmem:v21+s13+$0x0], $0xffff  }
0x364: {  	v17 =	vshll.u32 v16, $0x7;
	v21 =	vor.u32 $0x1000, v16  }
0x365: {  	v22 =	vor.u32 $0x420, v19;
	v23 =	vor.u32 v21, v17  }
0x366: {  	v24 =	vor.u32 v22, v16;
	_ =	sdelay $0x1  }
0x367: {  	v18 =	vmul.f32 $8.000000000e+00, v18;
	_ =	sdelay $0x1  }
0x368: {  	[tilespmem:v23+s22+$0x0] =	vst.idx.msk $0xffff, v18  }
0x369: {  	v18 =	vld.idx.msk [tilespmem:v24+s13+$0x0], $0xffff  }
0x36a: {  	v23 =	vor.u32 $0x1010, v16  }
0x36b: {  	v25 =	vor.u32 v23, v17;
	v24 =	vor.u32 $0x820, v19  }
0x36c: {  	v26 =	vor.u32 v24, v16;
	_ =	sdelay $0x1  }
0x36d: {  	v18 =	vmul.f32 $8.000000000e+00, v18;
	_ =	sdelay $0x1  }
0x36e: {  	[tilespmem:v25+s22+$0x0] =	vst.idx.msk $0xffff, v18  }
0x36f: {  	v18 =	vld.idx.msk [tilespmem:v26+s13+$0x0], $0xffff  }
0x370: {  	v25 =	vor.u32 $0x1020, v16  }
0x371: {  	v27 =	vor.u32 v25, v17;
	v26 =	vor.u32 $0xC20, v19  }
0x372: {  	v28 =	vor.u32 v26, v16;
	_ =	sdelay $0x1  }
0x373: {  	v18 =	vmul.f32 $8.000000000e+00, v18;
	_ =	sdelay $0x1  }
0x374: {  	[tilespmem:v27+s22+$0x0] =	vst.idx.msk $0xffff, v18  }
0x375: {  	v18 =	vld.idx.msk [tilespmem:v28+s13+$0x0], $0xffff  }
0x376: {  	v27 =	vor.u32 $0x1030, v16  }
0x377: {  	v29 =	vor.u32 v27, v17;
	v28 =	vor.u32 $0x1020, v19  }
0x378: {  	v30 =	vor.u32 v28, v16;
	_ =	sdelay $0x1  }
0x379: {  	v18 =	vmul.f32 $8.000000000e+00, v18;
	_ =	sdelay $0x1  }
0x37a: {  	[tilespmem:v29+s22+$0x0] =	vst.idx.msk $0xffff, v18  }
0x37b: {  	v18 =	vld.idx.msk [tilespmem:v30+s13+$0x0], $0xffff  }
0x37c: {  	v29 =	vor.u32 $0x1040, v16  }
0x37d: {  	v31 =	vor.u32 v29, v17;
	v30 =	vor.u32 $0x1420, v19  }
0x37e: {  	v59 =	vor.u32 v30, v16;
	_ =	sdelay $0x1  }
0x37f: {  	v18 =	vmul.f32 $8.000000000e+00, v18;
	_ =	sdelay $0x1  }
0x380: {  	[tilespmem:v31+s22+$0x0] =	vst.idx.msk $0xffff, v18  }
0x381: {  	v18 =	vld.idx.msk [tilespmem:v59+s13+$0x0], $0xffff  }
0x382: {  	v31 =	vor.u32 $0x1050, v16  }
0x383: {  	v32 =	vor.u32 $0x1820, v19;
	v60 =	vor.u32 v31, v17  }
0x384: {  	v61 =	vor.u32 v32, v16;
	_ =	sdelay $0x1  }
0x385: {  	v18 =	vmul.f32 $8.000000000e+00, v18;
	_ =	sdelay $0x1  }
0x386: {  	[tilespmem:v60+s22+$0x0] =	vst.idx.msk $0xffff, v18  }
0x387: {  	v18 =	vld.idx.msk [tilespmem:v61+s13+$0x0], $0xffff  }
0x388: {  	v33 =	vor.u32 $0x1060, v16  }
0x389: {  	v62 =	vor.u32 v33, v17;
	v19 =	vor.u32 $0x1C20, v19  }
0x38a: {  	v63 =	vor.u32 v19, v16;
	_ =	sdelay $0x1  }
0x38b: {  	v18 =	vmul.f32 $8.000000000e+00, v18;
	_ =	sdelay $0x1  }
0x38c: {  	[tilespmem:v62+s22+$0x0] =	vst.idx.msk $0xffff, v18  }
0x38d: {  	v38 =	vld.idx.msk [tilespmem:v63+s13+$0x0], $0xffff  }
0x38e: {  	v34 =	vor.u32 $0x1070, v16;
	v18 =	vadd.s32 $0x1, v16  }
0x38f: {  	v36 =	vor.u32 v34, v17;
	v35 =	vand.u32 $0xF, v18  }
0x390: {  	v37 =	vor.u32 v20, v35;
	_ =	sdelay $0x1  }
0x391: {  	s30 =	simm.s32 $0xE;
	v38 =	vmul.f32 $8.000000000e+00, v38  }
.LBB2_19:
0x392: {  	_ = 	snop  }
0x393: {  	p1 =	sne.s32 s30, $0x1;
	s30 =	sadd.s32 $0xFFFFFFFF, s30;
	[tilespmem:v36+s22+$0x0] =	vst.idx.msk $0xffff, v38  }
0x394: {  	v36 =	vld.idx.msk [tilespmem:v37+s13+$0x0], $0xffff;
	_ =	sdelay $0x1  }
0x395: {  	v37 =	vshll.u32 v35, $0x7  }
0x396: {  	v38 =	vor.u32 v21, v37  }
0x397: {  	v39 =	vor.u32 v22, v35;
	_ =	sdelay $0x1  }
0x398: {  	v36 =	vmul.f32 $8.000000000e+00, v36;
	_ =	sdelay $0x1  }
0x399: {  	[tilespmem:v38+s22+$0x0] =	vst.idx.msk $0xffff, v36  }
0x39a: {  	v36 =	vld.idx.msk [tilespmem:v39+s13+$0x0], $0xffff;
	_ =	sdelay $0x2  }
0x39b: {  	v38 =	vor.u32 v23, v37  }
0x39c: {  	v39 =	vor.u32 v24, v35;
	_ =	sdelay $0x1  }
0x39d: {  	v36 =	vmul.f32 $8.000000000e+00, v36;
	_ =	sdelay $0x1  }
0x39e: {  	[tilespmem:v38+s22+$0x0] =	vst.idx.msk $0xffff, v36  }
0x39f: {  	v36 =	vld.idx.msk [tilespmem:v39+s13+$0x0], $0xffff;
	_ =	sdelay $0x2  }
0x3a0: {  	v38 =	vor.u32 v25, v37  }
0x3a1: {  	v39 =	vor.u32 v26, v35;
	_ =	sdelay $0x1  }
0x3a2: {  	v36 =	vmul.f32 $8.000000000e+00, v36;
	_ =	sdelay $0x1  }
0x3a3: {  	[tilespmem:v38+s22+$0x0] =	vst.idx.msk $0xffff, v36  }
0x3a4: {  	v36 =	vld.idx.msk [tilespmem:v39+s13+$0x0], $0xffff;
	_ =	sdelay $0x2  }
0x3a5: {  	v38 =	vor.u32 v27, v37  }
0x3a6: {  	v39 =	vor.u32 v28, v35;
	_ =	sdelay $0x1  }
0x3a7: {  	v36 =	vmul.f32 $8.000000000e+00, v36;
	_ =	sdelay $0x1  }
0x3a8: {  	[tilespmem:v38+s22+$0x0] =	vst.idx.msk $0xffff, v36  }
0x3a9: {  	v36 =	vld.idx.msk [tilespmem:v39+s13+$0x0], $0xffff;
	_ =	sdelay $0x2  }
0x3aa: {  	v38 =	vor.u32 v29, v37  }
0x3ab: {  	v39 =	vor.u32 v30, v35;
	_ =	sdelay $0x1  }
0x3ac: {  	v36 =	vmul.f32 $8.000000000e+00, v36;
	_ =	sdelay $0x1  }
0x3ad: {  	[tilespmem:v38+s22+$0x0] =	vst.idx.msk $0xffff, v36  }
0x3ae: {  	v36 =	vld.idx.msk [tilespmem:v39+s13+$0x0], $0xffff;
	_ =	sdelay $0x2  }
0x3af: {  	v38 =	vor.u32 v31, v37  }
0x3b0: {  	v39 =	vor.u32 v32, v35;
	_ =	sdelay $0x1  }
0x3b1: {  	v36 =	vmul.f32 $8.000000000e+00, v36;
	_ =	sdelay $0x1  }
0x3b2: {  	[tilespmem:v38+s22+$0x0] =	vst.idx.msk $0xffff, v36  }
0x3b3: {  	v36 =	vld.idx.msk [tilespmem:v39+s13+$0x0], $0xffff;
	_ =	sdelay $0x2  }
0x3b4: {  	v38 =	vor.u32 v33, v37  }
0x3b5: {  	v39 =	vor.u32 v19, v35;
	_ =	sdelay $0x1  }
0x3b6: {  	v36 =	vmul.f32 $8.000000000e+00, v36;
	_ =	sdelay $0x1  }
0x3b7: {  	[tilespmem:v38+s22+$0x0] =	vst.idx.msk $0xffff, v36  }
0x3b8: {  	v38 =	vld.idx.msk [tilespmem:v39+s13+$0x0], $0xffff;
	_ =	sdelay $0x1  }
.Ltmp10:
0x3b9: {  	v35 =	vadd.s32 $0x1, v35;
	(pc) =	sbr.rel @p1 .LBB2_19-.Ltmp10, $3  }
0x3ba: {  	v35 =	vand.u32 $0xF, v35;
	v36 =	vor.u32 v34, v37  }
0x3bb: {  	v37 =	vor.u32 v20, v35;
	_ =	sdelay $0x1  }
0x3bc: {  	v38 =	vmul.f32 $8.000000000e+00, v38  }
0x3bd: {  	_ =	sdelay $0x3  }
0x3be: {  	[tilespmem:v36+s22+$0x0] =	vst.idx.msk $0xffff, v38  }
0x3bf: {  	v20 =	vld.idx.msk [tilespmem:v37+s13+$0x0], $0xffff  }
0x3c0: {  	v45 =	vshll.u32 v35, $0x7  }
0x3c1: {  	v21 =	vor.u32 v21, v45  }
0x3c2: {  	v22 =	vor.u32 v22, v35;
	_ =	sdelay $0x1  }
0x3c3: {  	v20 =	vmul.f32 $8.000000000e+00, v20;
	_ =	sdelay $0x1  }
0x3c4: {  	[tilespmem:v21+s22+$0x0] =	vst.idx.msk $0xffff, v20  }
0x3c5: {  	v20 =	vld.idx.msk [tilespmem:v22+s13+$0x0], $0xffff;
	_ =	sdelay $0x1  }
0x3c6: {  	v46 =	vor.u32 v23, v45  }
0x3c7: {  	v47 =	vor.u32 v24, v35;
	_ =	sdelay $0x1  }
0x3c8: {  	v20 =	vmul.f32 $8.000000000e+00, v20;
	_ =	sdelay $0x1  }
0x3c9: {  	[tilespmem:v46+s22+$0x0] =	vst.idx.msk $0xffff, v20  }
0x3ca: {  	v20 =	vld.idx.msk [tilespmem:v47+s13+$0x0], $0xffff;
	_ =	sdelay $0x1  }
0x3cb: {  	v48 =	vor.u32 v25, v45  }
0x3cc: {  	v49 =	vor.u32 v26, v35;
	_ =	sdelay $0x1  }
0x3cd: {  	v20 =	vmul.f32 $8.000000000e+00, v20;
	_ =	sdelay $0x1  }
0x3ce: {  	[tilespmem:v48+s22+$0x0] =	vst.idx.msk $0xffff, v20  }
0x3cf: {  	v20 =	vld.idx.msk [tilespmem:v49+s13+$0x0], $0xffff;
	_ =	sdelay $0x1  }
0x3d0: {  	v50 =	vor.u32 v27, v45  }
0x3d1: {  	v51 =	vor.u32 v28, v35;
	_ =	sdelay $0x1  }
0x3d2: {  	v20 =	vmul.f32 $8.000000000e+00, v20;
	_ =	sdelay $0x1  }
0x3d3: {  	[tilespmem:v50+s22+$0x0] =	vst.idx.msk $0xffff, v20  }
0x3d4: {  	v20 =	vld.idx.msk [tilespmem:v51+s13+$0x0], $0xffff;
	_ =	sdelay $0x1  }
0x3d5: {  	v52 =	vor.u32 v29, v45  }
0x3d6: {  	v53 =	vor.u32 v30, v35;
	_ =	sdelay $0x1  }
0x3d7: {  	v20 =	vmul.f32 $8.000000000e+00, v20;
	_ =	sdelay $0x1  }
0x3d8: {  	[tilespmem:v52+s22+$0x0] =	vst.idx.msk $0xffff, v20  }
0x3d9: {  	v20 =	vld.idx.msk [tilespmem:v53+s13+$0x0], $0xffff;
	_ =	sdelay $0x1  }
0x3da: {  	v54 =	vor.u32 v31, v45  }
0x3db: {  	v55 =	vor.u32 v32, v35;
	_ =	sdelay $0x1  }
0x3dc: {  	v20 =	vmul.f32 $8.000000000e+00, v20;
	_ =	sdelay $0x1  }
0x3dd: {  	[tilespmem:v54+s22+$0x0] =	vst.idx.msk $0xffff, v20  }
0x3de: {  	v20 =	vld.idx.msk [tilespmem:v55+s13+$0x0], $0xffff;
	_ =	sdelay $0x1  }
0x3df: {  	v56 =	vor.u32 v33, v45  }
0x3e0: {  	v19 =	vor.u32 v19, v35;
	_ =	sdelay $0x1  }
0x3e1: {  	v20 =	vmul.f32 $8.000000000e+00, v20;
	_ =	sdelay $0x1  }
0x3e2: {  	[tilespmem:v56+s22+$0x0] =	vst.idx.msk $0xffff, v20  }
0x3e3: {  	v19 =	vld.idx.msk [tilespmem:v19+s13+$0x0], $0xffff;
	_ =	sdelay $0x1  }
0x3e4: {  	v20 =	vor.u32 v34, v45  }
0x3e5: {  	v57 =	vor.u32 v0, v16;
	_ =	sdelay $0x1  }
0x3e6: {  	v19 =	vmul.f32 $8.000000000e+00, v19;
	_ =	sdelay $0x1  }
0x3e7: {  	[tilespmem:v20+s22+$0x0] =	vst.idx.msk $0xffff, v19  }
0x3e8: {  	v19 =	vld.idx.msk [tilespmem:v57+s13+$0x0], $0xffff;
	_ =	sdelay $0x1  }
0x3e9: {  	v20 =	vor.u32 v1, v17  }
0x3ea: {  	v58 =	vor.u32 v2, v16;
	_ =	sdelay $0x1  }
0x3eb: {  	v19 =	vmul.f32 $8.000000000e+00, v19;
	_ =	sdelay $0x1  }
0x3ec: {  	[tilespmem:v20+s22+$0x0] =	vst.idx.msk $0xffff, v19  }
0x3ed: {  	v19 =	vld.idx.msk [tilespmem:v58+s13+$0x0], $0xffff;
	_ =	sdelay $0x1  }
0x3ee: {  	v20 =	vor.u32 v3, v17  }
0x3ef: {  	v59 =	vor.u32 v4, v16;
	_ =	sdelay $0x1  }
0x3f0: {  	v19 =	vmul.f32 $8.000000000e+00, v19;
	_ =	sdelay $0x1  }
0x3f1: {  	[tilespmem:v20+s22+$0x0] =	vst.idx.msk $0xffff, v19  }
0x3f2: {  	v19 =	vld.idx.msk [tilespmem:v59+s13+$0x0], $0xffff;
	_ =	sdelay $0x1  }
0x3f3: {  	v20 =	vor.u32 v5, v17  }
0x3f4: {  	v60 =	vor.u32 v6, v16;
	_ =	sdelay $0x1  }
0x3f5: {  	v19 =	vmul.f32 $8.000000000e+00, v19;
	_ =	sdelay $0x1  }
0x3f6: {  	[tilespmem:v20+s22+$0x0] =	vst.idx.msk $0xffff, v19  }
0x3f7: {  	v19 =	vld.idx.msk [tilespmem:v60+s13+$0x0], $0xffff;
	_ =	sdelay $0x1  }
0x3f8: {  	v20 =	vor.u32 v7, v17  }
0x3f9: {  	v61 =	vor.u32 v8, v16;
	_ =	sdelay $0x1  }
0x3fa: {  	v19 =	vmul.f32 $8.000000000e+00, v19;
	_ =	sdelay $0x1  }
0x3fb: {  	[tilespmem:v20+s22+$0x0] =	vst.idx.msk $0xffff, v19  }
0x3fc: {  	v19 =	vld.idx.msk [tilespmem:v61+s13+$0x0], $0xffff;
	_ =	sdelay $0x1  }
0x3fd: {  	v20 =	vor.u32 v9, v17  }
0x3fe: {  	v62 =	vor.u32 v10, v16;
	_ =	sdelay $0x1  }
0x3ff: {  	v19 =	vmul.f32 $8.000000000e+00, v19;
	_ =	sdelay $0x1  }
0x400: {  	[tilespmem:v20+s22+$0x0] =	vst.idx.msk $0xffff, v19  }
0x401: {  	v19 =	vld.idx.msk [tilespmem:v62+s13+$0x0], $0xffff;
	_ =	sdelay $0x1  }
0x402: {  	v20 =	vor.u32 v11, v17  }
0x403: {  	v63 =	vor.u32 v12, v16;
	_ =	sdelay $0x1  }
0x404: {  	v19 =	vmul.f32 $8.000000000e+00, v19;
	_ =	sdelay $0x1  }
0x405: {  	[tilespmem:v20+s22+$0x0] =	vst.idx.msk $0xffff, v19  }
0x406: {  	v19 =	vld.idx.msk [tilespmem:v63+s13+$0x0], $0xffff;
	_ =	sdelay $0x1  }
0x407: {  	v20 =	vor.u32 v13, v17  }
0x408: {  	v16 =	vor.u32 v14, v16;
	_ =	sdelay $0x1  }
0x409: {  	v19 =	vmul.f32 $8.000000000e+00, v19;
	_ =	sdelay $0x1  }
0x40a: {  	[tilespmem:v20+s22+$0x0] =	vst.idx.msk $0xffff, v19  }
0x40b: {  	v19 =	vld.idx.msk [tilespmem:v16+s13+$0x0], $0xffff;
	_ =	sdelay $0x1  }
0x40c: {  	v17 =	vor.u32 v15, v17;
	v16 =	vand.u32 $0xF, v18  }
0x40d: {  	v18 =	vor.u32 v0, v16;
	_ =	sdelay $0x1  }
0x40e: {  	s30 =	simm.s32 $0xE;
	v19 =	vmul.f32 $8.000000000e+00, v19  }
.LBB2_21:
0x40f: {  	_ = 	snop  }
0x410: {  	p1 =	sne.s32 s30, $0x1;
	s30 =	sadd.s32 $0xFFFFFFFF, s30;
	[tilespmem:v17+s22+$0x0] =	vst.idx.msk $0xffff, v19  }
0x411: {  	v17 =	vld.idx.msk [tilespmem:v18+s13+$0x0], $0xffff;
	_ =	sdelay $0x1  }
0x412: {  	v18 =	vshll.u32 v16, $0x7  }
0x413: {  	v19 =	vor.u32 v1, v18  }
0x414: {  	v20 =	vor.u32 v2, v16;
	_ =	sdelay $0x1  }
0x415: {  	v17 =	vmul.f32 $8.000000000e+00, v17;
	_ =	sdelay $0x1  }
0x416: {  	[tilespmem:v19+s22+$0x0] =	vst.idx.msk $0xffff, v17  }
0x417: {  	v17 =	vld.idx.msk [tilespmem:v20+s13+$0x0], $0xffff;
	_ =	sdelay $0x2  }
0x418: {  	v19 =	vor.u32 v3, v18  }
0x419: {  	v20 =	vor.u32 v4, v16;
	_ =	sdelay $0x1  }
0x41a: {  	v17 =	vmul.f32 $8.000000000e+00, v17;
	_ =	sdelay $0x1  }
0x41b: {  	[tilespmem:v19+s22+$0x0] =	vst.idx.msk $0xffff, v17  }
0x41c: {  	v17 =	vld.idx.msk [tilespmem:v20+s13+$0x0], $0xffff;
	_ =	sdelay $0x2  }
0x41d: {  	v19 =	vor.u32 v5, v18  }
0x41e: {  	v20 =	vor.u32 v6, v16;
	_ =	sdelay $0x1  }
0x41f: {  	v17 =	vmul.f32 $8.000000000e+00, v17;
	_ =	sdelay $0x1  }
0x420: {  	[tilespmem:v19+s22+$0x0] =	vst.idx.msk $0xffff, v17  }
0x421: {  	v17 =	vld.idx.msk [tilespmem:v20+s13+$0x0], $0xffff;
	_ =	sdelay $0x2  }
0x422: {  	v19 =	vor.u32 v7, v18  }
0x423: {  	v20 =	vor.u32 v8, v16;
	_ =	sdelay $0x1  }
0x424: {  	v17 =	vmul.f32 $8.000000000e+00, v17;
	_ =	sdelay $0x1  }
0x425: {  	[tilespmem:v19+s22+$0x0] =	vst.idx.msk $0xffff, v17  }
0x426: {  	v17 =	vld.idx.msk [tilespmem:v20+s13+$0x0], $0xffff;
	_ =	sdelay $0x2  }
0x427: {  	v19 =	vor.u32 v9, v18  }
0x428: {  	v20 =	vor.u32 v10, v16;
	_ =	sdelay $0x1  }
0x429: {  	v17 =	vmul.f32 $8.000000000e+00, v17;
	_ =	sdelay $0x1  }
0x42a: {  	[tilespmem:v19+s22+$0x0] =	vst.idx.msk $0xffff, v17  }
0x42b: {  	v17 =	vld.idx.msk [tilespmem:v20+s13+$0x0], $0xffff;
	_ =	sdelay $0x2  }
0x42c: {  	v19 =	vor.u32 v11, v18  }
0x42d: {  	v20 =	vor.u32 v12, v16;
	_ =	sdelay $0x1  }
0x42e: {  	v17 =	vmul.f32 $8.000000000e+00, v17;
	_ =	sdelay $0x1  }
0x42f: {  	[tilespmem:v19+s22+$0x0] =	vst.idx.msk $0xffff, v17  }
0x430: {  	v17 =	vld.idx.msk [tilespmem:v20+s13+$0x0], $0xffff;
	_ =	sdelay $0x2  }
0x431: {  	v19 =	vor.u32 v13, v18  }
0x432: {  	v20 =	vor.u32 v14, v16;
	_ =	sdelay $0x1  }
0x433: {  	v17 =	vmul.f32 $8.000000000e+00, v17;
	_ =	sdelay $0x1  }
0x434: {  	[tilespmem:v19+s22+$0x0] =	vst.idx.msk $0xffff, v17  }
0x435: {  	v19 =	vld.idx.msk [tilespmem:v20+s13+$0x0], $0xffff;
	_ =	sdelay $0x1  }
.Ltmp11:
0x436: {  	v16 =	vadd.s32 $0x1, v16;
	(pc) =	sbr.rel @p1 .LBB2_21-.Ltmp11, $3  }
0x437: {  	v16 =	vand.u32 $0xF, v16;
	v17 =	vor.u32 v15, v18  }
0x438: {  	v18 =	vor.u32 v0, v16;
	_ =	sdelay $0x1  }
0x439: {  	v19 =	vmul.f32 $8.000000000e+00, v19  }
0x43a: {  	_ =	sdelay $0x3  }
0x43b: {  	[tilespmem:v17+s22+$0x0] =	vst.idx.msk $0xffff, v19  }
0x43c: {  	v17 =	vld.idx.msk [tilespmem:v18+s13+$0x0], $0xffff  }
0x43d: {  	v51 =	vshll.u32 v16, $0x7  }
0x43e: {  	v52 =	vor.u32 v1, v51  }
0x43f: {  	v20 =	vor.u32 v2, v16;
	_ =	sdelay $0x1  }
0x440: {  	v17 =	vmul.f32 $8.000000000e+00, v17;
	_ =	sdelay $0x1  }
0x441: {  	[tilespmem:v52+s22+$0x0] =	vst.idx.msk $0xffff, v17  }
0x442: {  	v17 =	vld.idx.msk [tilespmem:v20+s13+$0x0], $0xffff;
	_ =	sdelay $0x1  }
0x443: {  	v53 =	vor.u32 v3, v51  }
0x444: {  	v54 =	vor.u32 v4, v16;
	_ =	sdelay $0x1  }
0x445: {  	v17 =	vmul.f32 $8.000000000e+00, v17;
	_ =	sdelay $0x1  }
0x446: {  	[tilespmem:v53+s22+$0x0] =	vst.idx.msk $0xffff, v17  }
0x447: {  	v17 =	vld.idx.msk [tilespmem:v54+s13+$0x0], $0xffff;
	_ =	sdelay $0x1  }
0x448: {  	v55 =	vor.u32 v5, v51  }
0x449: {  	v56 =	vor.u32 v6, v16;
	_ =	sdelay $0x1  }
0x44a: {  	v17 =	vmul.f32 $8.000000000e+00, v17;
	_ =	sdelay $0x1  }
0x44b: {  	[tilespmem:v55+s22+$0x0] =	vst.idx.msk $0xffff, v17  }
0x44c: {  	v17 =	vld.idx.msk [tilespmem:v56+s13+$0x0], $0xffff;
	_ =	sdelay $0x1  }
0x44d: {  	v57 =	vor.u32 v7, v51  }
0x44e: {  	v58 =	vor.u32 v8, v16;
	_ =	sdelay $0x1  }
0x44f: {  	v17 =	vmul.f32 $8.000000000e+00, v17;
	_ =	sdelay $0x1  }
0x450: {  	[tilespmem:v57+s22+$0x0] =	vst.idx.msk $0xffff, v17  }
0x451: {  	v17 =	vld.idx.msk [tilespmem:v58+s13+$0x0], $0xffff;
	_ =	sdelay $0x1  }
0x452: {  	v59 =	vor.u32 v9, v51  }
0x453: {  	v60 =	vor.u32 v10, v16;
	_ =	sdelay $0x1  }
0x454: {  	v17 =	vmul.f32 $8.000000000e+00, v17;
	_ =	sdelay $0x1  }
0x455: {  	[tilespmem:v59+s22+$0x0] =	vst.idx.msk $0xffff, v17  }
0x456: {  	v17 =	vld.idx.msk [tilespmem:v60+s13+$0x0], $0xffff;
	_ =	sdelay $0x1  }
0x457: {  	v61 =	vor.u32 v11, v51  }
0x458: {  	v62 =	vor.u32 v12, v16;
	_ =	sdelay $0x1  }
0x459: {  	v17 =	vmul.f32 $8.000000000e+00, v17;
	_ =	sdelay $0x1  }
0x45a: {  	[tilespmem:v61+s22+$0x0] =	vst.idx.msk $0xffff, v17  }
0x45b: {  	v17 =	vld.idx.msk [tilespmem:v62+s13+$0x0], $0xffff;
	_ =	sdelay $0x1  }
0x45c: {  	v63 =	vor.u32 v13, v51  }
0x45d: {  	v16 =	vor.u32 v14, v16;
	_ =	sdelay $0x1  }
0x45e: {  	v17 =	vmul.f32 $8.000000000e+00, v17;
	_ =	sdelay $0x1  }
0x45f: {  	[tilespmem:v63+s22+$0x0] =	vst.idx.msk $0xffff, v17  }
0x460: {  	v16 =	vld.idx.msk [tilespmem:v16+s13+$0x0], $0xffff;
	_ =	sdelay $0x1  }
0x461: {  	v17 =	vor.u32 v15, v51  }
0x462: {  	p1 =	sne.s32 s1, $0x31  }
.Ltmp12:
0x463: {  	_ = 	snop;
	(pc) =	sbr.rel @p1 .LBB2_24-.Ltmp12, $3  }
0x464: {  	v16 =	vmul.f32 $8.000000000e+00, v16;
	_ =	sdelay $0x1  }
0x465: {  	s30 =	sadd.s32 s9, s6;
	[tilespmem:v17+s22+$0x0] =	vst.idx.msk $0xffff, v16  }
0x466: {  	[hbm4b:s30+s18] =	stream.strided.scatter [tilespmem:s22], [sflag:$0x7], $0x2000, s19, s18, $0x38;
	[tilespmem:$0x16400] =	vst v63  }
.Ltmp13:
0x467: {  	(pc) =	sbr.rel .LBB2_25-.Ltmp13, $4  }
0x468: {  	_ = 	snop  }
0x469: {  	_ =	swait.ge [sflag:s23], $0x2000  }
0x46a: {  	[sflag:s23] =	ssyncset.done $0x0  }
0x46b: {  	[sflag:s23] =	ssyncadd.s32 $0xFFFFE000  }
.LBB2_24:
.Ltmp14:
0x46c: {  	s30 =	sadd.s32 $0x200, s14;
	(pc) =	sbr.rel @p0 .LBB2_26-.Ltmp14, $4  }
0x46d: {  	[tilespmem:s12], [sflag:$0x2] =	stream.indirect.gather [hbm4b:s3+s11], $0x40, s30, s11, $0xb8;
	[tilespmem:$0x16400] =	vst v63  }
0x46e: {  	_ =	swait.ge [sflag:s23], $0x2000  }
0x46f: {  	[sflag:s23] =	ssyncset.done $0x0  }
0x470: {  	[sflag:s23] =	ssyncadd.s32 $0xFFFFE000  }
.LBB2_25:
0x471: {  	_ =	swait.ge [sflag:s24], $0x2000  }
0x472: {  	[sflag:s24] =	ssyncset.done $0x0  }
0x473: {  	[sflag:s24] =	ssyncadd.s32 $0xFFFFE000  }
.LBB2_26:
0x474: {  	v19 =	vlaneseq.u32  }
0x475: {  	v18 =	vmul.u32 $0x40, v19;
	_ =	sdelay $0x1  }
0x476: {  	v16 =	vor.u32 v18, v19;
	_ =	sdelay $0x4  }
0x477: {  	v20 =	vld.idx.msk [tilespmem:v16+s15+$0x0], $0xffff  }
0x478: {  	v17 =	vshll.u32 v19, $0x7  }
0x479: {  	v21 =	vor.u32 v19, v17;
	v16 =	vor.u32 $0x400, v18  }
0x47a: {  	v22 =	vor.u32 v16, v19;
	_ =	sdelay $0x1  }
0x47b: {  	v20 =	vmul.f32 $8.000000000e+00, v20;
	_ =	sdelay $0x1  }
0x47c: {  	[tilespmem:v21+s25+$0x0] =	vst.idx.msk $0xffff, v20  }
0x47d: {  	v20 =	vld.idx.msk [tilespmem:v22+s15+$0x0], $0xffff  }
0x47e: {  	v21 =	vor.u32 $0x10, v19  }
0x47f: {  	v22 =	vor.u32 $0x800, v18;
	v23 =	vor.u32 v21, v17  }
0x480: {  	v24 =	vor.u32 v22, v19;
	_ =	sdelay $0x1  }
0x481: {  	v20 =	vmul.f32 $8.000000000e+00, v20;
	_ =	sdelay $0x1  }
0x482: {  	[tilespmem:v23+s25+$0x0] =	vst.idx.msk $0xffff, v20  }
0x483: {  	v20 =	vld.idx.msk [tilespmem:v24+s15+$0x0], $0xffff  }
0x484: {  	v23 =	vor.u32 $0x20, v19  }
0x485: {  	v24 =	vor.u32 $0xC00, v18;
	v25 =	vor.u32 v23, v17  }
0x486: {  	v26 =	vor.u32 v24, v19;
	_ =	sdelay $0x1  }
0x487: {  	v20 =	vmul.f32 $8.000000000e+00, v20;
	_ =	sdelay $0x1  }
0x488: {  	[tilespmem:v25+s25+$0x0] =	vst.idx.msk $0xffff, v20  }
0x489: {  	v20 =	vld.idx.msk [tilespmem:v26+s15+$0x0], $0xffff  }
0x48a: {  	v25 =	vor.u32 $0x30, v19  }
0x48b: {  	v26 =	vor.u32 $0x1000, v18;
	v27 =	vor.u32 v25, v17  }
0x48c: {  	v28 =	vor.u32 v26, v19;
	_ =	sdelay $0x1  }
0x48d: {  	v20 =	vmul.f32 $8.000000000e+00, v20;
	_ =	sdelay $0x1  }
0x48e: {  	[tilespmem:v27+s25+$0x0] =	vst.idx.msk $0xffff, v20  }
0x48f: {  	v20 =	vld.idx.msk [tilespmem:v28+s15+$0x0], $0xffff  }
0x490: {  	v27 =	vor.u32 $0x40, v19  }
0x491: {  	v28 =	vor.u32 $0x1400, v18;
	v29 =	vor.u32 v27, v17  }
0x492: {  	v30 =	vor.u32 v28, v19;
	_ =	sdelay $0x1  }
0x493: {  	v20 =	vmul.f32 $8.000000000e+00, v20;
	_ =	sdelay $0x1  }
0x494: {  	[tilespmem:v29+s25+$0x0] =	vst.idx.msk $0xffff, v20  }
0x495: {  	v20 =	vld.idx.msk [tilespmem:v30+s15+$0x0], $0xffff  }
0x496: {  	v29 =	vor.u32 $0x50, v19  }
0x497: {  	v30 =	vor.u32 $0x1800, v18;
	v31 =	vor.u32 v29, v17  }
0x498: {  	v32 =	vor.u32 v30, v19;
	_ =	sdelay $0x1  }
0x499: {  	v20 =	vmul.f32 $8.000000000e+00, v20;
	_ =	sdelay $0x1  }
0x49a: {  	[tilespmem:v31+s25+$0x0] =	vst.idx.msk $0xffff, v20  }
0x49b: {  	v20 =	vld.idx.msk [tilespmem:v32+s15+$0x0], $0xffff  }
0x49c: {  	v31 =	vor.u32 $0x60, v19  }
0x49d: {  	v33 =	vor.u32 v31, v17;
	v32 =	vor.u32 $0x1C00, v18  }
0x49e: {  	v34 =	vor.u32 v32, v19;
	_ =	sdelay $0x1  }
0x49f: {  	v20 =	vmul.f32 $8.000000000e+00, v20;
	_ =	sdelay $0x1  }
0x4a0: {  	[tilespmem:v33+s25+$0x0] =	vst.idx.msk $0xffff, v20  }
0x4a1: {  	v37 =	vld.idx.msk [tilespmem:v34+s15+$0x0], $0xffff  }
0x4a2: {  	v20 =	vadd.s32 $0x1, v19;
	v33 =	vor.u32 $0x70, v19  }
0x4a3: {  	v34 =	vand.u32 $0xF, v20;
	v35 =	vor.u32 v33, v17  }
0x4a4: {  	v36 =	vor.u32 v18, v34;
	_ =	sdelay $0x1  }
0x4a5: {  	s30 =	simm.s32 $0xE;
	v37 =	vmul.f32 $8.000000000e+00, v37  }
.LBB2_27:
0x4a6: {  	_ = 	snop  }
0x4a7: {  	p2 =	sne.s32 s30, $0x1;
	s30 =	sadd.s32 $0xFFFFFFFF, s30;
	[tilespmem:v35+s25+$0x0] =	vst.idx.msk $0xffff, v37  }
0x4a8: {  	v35 =	vld.idx.msk [tilespmem:v36+s15+$0x0], $0xffff;
	_ =	sdelay $0x1  }
0x4a9: {  	v36 =	vshll.u32 v34, $0x7  }
0x4aa: {  	v37 =	vor.u32 v19, v36  }
0x4ab: {  	v38 =	vor.u32 v16, v34;
	_ =	sdelay $0x1  }
0x4ac: {  	v35 =	vmul.f32 $8.000000000e+00, v35;
	_ =	sdelay $0x1  }
0x4ad: {  	[tilespmem:v37+s25+$0x0] =	vst.idx.msk $0xffff, v35  }
0x4ae: {  	v35 =	vld.idx.msk [tilespmem:v38+s15+$0x0], $0xffff;
	_ =	sdelay $0x2  }
0x4af: {  	v37 =	vor.u32 v21, v36  }
0x4b0: {  	v38 =	vor.u32 v22, v34;
	_ =	sdelay $0x1  }
0x4b1: {  	v35 =	vmul.f32 $8.000000000e+00, v35;
	_ =	sdelay $0x1  }
0x4b2: {  	[tilespmem:v37+s25+$0x0] =	vst.idx.msk $0xffff, v35  }
0x4b3: {  	v35 =	vld.idx.msk [tilespmem:v38+s15+$0x0], $0xffff;
	_ =	sdelay $0x2  }
0x4b4: {  	v37 =	vor.u32 v23, v36  }
0x4b5: {  	v38 =	vor.u32 v24, v34;
	_ =	sdelay $0x1  }
0x4b6: {  	v35 =	vmul.f32 $8.000000000e+00, v35;
	_ =	sdelay $0x1  }
0x4b7: {  	[tilespmem:v37+s25+$0x0] =	vst.idx.msk $0xffff, v35  }
0x4b8: {  	v35 =	vld.idx.msk [tilespmem:v38+s15+$0x0], $0xffff;
	_ =	sdelay $0x2  }
0x4b9: {  	v37 =	vor.u32 v25, v36  }
0x4ba: {  	v38 =	vor.u32 v26, v34;
	_ =	sdelay $0x1  }
0x4bb: {  	v35 =	vmul.f32 $8.000000000e+00, v35;
	_ =	sdelay $0x1  }
0x4bc: {  	[tilespmem:v37+s25+$0x0] =	vst.idx.msk $0xffff, v35  }
0x4bd: {  	v35 =	vld.idx.msk [tilespmem:v38+s15+$0x0], $0xffff;
	_ =	sdelay $0x2  }
0x4be: {  	v37 =	vor.u32 v27, v36  }
0x4bf: {  	v38 =	vor.u32 v28, v34;
	_ =	sdelay $0x1  }
0x4c0: {  	v35 =	vmul.f32 $8.000000000e+00, v35;
	_ =	sdelay $0x1  }
0x4c1: {  	[tilespmem:v37+s25+$0x0] =	vst.idx.msk $0xffff, v35  }
0x4c2: {  	v35 =	vld.idx.msk [tilespmem:v38+s15+$0x0], $0xffff;
	_ =	sdelay $0x2  }
0x4c3: {  	v37 =	vor.u32 v29, v36  }
0x4c4: {  	v38 =	vor.u32 v30, v34;
	_ =	sdelay $0x1  }
0x4c5: {  	v35 =	vmul.f32 $8.000000000e+00, v35;
	_ =	sdelay $0x1  }
0x4c6: {  	[tilespmem:v37+s25+$0x0] =	vst.idx.msk $0xffff, v35  }
0x4c7: {  	v35 =	vld.idx.msk [tilespmem:v38+s15+$0x0], $0xffff;
	_ =	sdelay $0x2  }
0x4c8: {  	v37 =	vor.u32 v31, v36;
	v38 =	vor.u32 $0x1C00, v18  }
0x4c9: {  	v38 =	vor.u32 v38, v34;
	_ =	sdelay $0x1  }
0x4ca: {  	v35 =	vmul.f32 $8.000000000e+00, v35;
	_ =	sdelay $0x1  }
0x4cb: {  	[tilespmem:v37+s25+$0x0] =	vst.idx.msk $0xffff, v35  }
0x4cc: {  	v37 =	vld.idx.msk [tilespmem:v38+s15+$0x0], $0xffff;
	_ =	sdelay $0x1  }
.Ltmp15:
0x4cd: {  	v34 =	vadd.s32 $0x1, v34;
	(pc) =	sbr.rel @p2 .LBB2_27-.Ltmp15, $3  }
0x4ce: {  	v34 =	vand.u32 $0xF, v34;
	v35 =	vor.u32 v33, v36  }
0x4cf: {  	v36 =	vor.u32 v18, v34;
	_ =	sdelay $0x1  }
0x4d0: {  	v37 =	vmul.f32 $8.000000000e+00, v37  }
0x4d1: {  	_ =	sdelay $0x3  }
0x4d2: {  	[tilespmem:v35+s25+$0x0] =	vst.idx.msk $0xffff, v37  }
0x4d3: {  	v18 =	vld.idx.msk [tilespmem:v36+s15+$0x0], $0xffff  }
0x4d4: {  	v56 =	vshll.u32 v34, $0x7  }
0x4d5: {  	v57 =	vor.u32 v19, v56  }
0x4d6: {  	v16 =	vor.u32 v16, v34;
	_ =	sdelay $0x1  }
0x4d7: {  	v18 =	vmul.f32 $8.000000000e+00, v18;
	_ =	sdelay $0x1  }
0x4d8: {  	[tilespmem:v57+s25+$0x0] =	vst.idx.msk $0xffff, v18  }
0x4d9: {  	v16 =	vld.idx.msk [tilespmem:v16+s15+$0x0], $0xffff;
	_ =	sdelay $0x1  }
0x4da: {  	v18 =	vor.u32 v21, v56  }
0x4db: {  	v21 =	vor.u32 v22, v34;
	_ =	sdelay $0x1  }
0x4dc: {  	v16 =	vmul.f32 $8.000000000e+00, v16;
	_ =	sdelay $0x1  }
0x4dd: {  	[tilespmem:v18+s25+$0x0] =	vst.idx.msk $0xffff, v16  }
0x4de: {  	v16 =	vld.idx.msk [tilespmem:v21+s15+$0x0], $0xffff;
	_ =	sdelay $0x1  }
0x4df: {  	v18 =	vor.u32 v23, v56  }
0x4e0: {  	v21 =	vor.u32 v24, v34;
	_ =	sdelay $0x1  }
0x4e1: {  	v16 =	vmul.f32 $8.000000000e+00, v16;
	_ =	sdelay $0x1  }
0x4e2: {  	[tilespmem:v18+s25+$0x0] =	vst.idx.msk $0xffff, v16  }
0x4e3: {  	v16 =	vld.idx.msk [tilespmem:v21+s15+$0x0], $0xffff;
	_ =	sdelay $0x1  }
0x4e4: {  	v18 =	vor.u32 v25, v56  }
0x4e5: {  	v21 =	vor.u32 v26, v34;
	_ =	sdelay $0x1  }
0x4e6: {  	v16 =	vmul.f32 $8.000000000e+00, v16;
	_ =	sdelay $0x1  }
0x4e7: {  	[tilespmem:v18+s25+$0x0] =	vst.idx.msk $0xffff, v16  }
0x4e8: {  	v16 =	vld.idx.msk [tilespmem:v21+s15+$0x0], $0xffff;
	_ =	sdelay $0x1  }
0x4e9: {  	v18 =	vor.u32 v27, v56  }
0x4ea: {  	v21 =	vor.u32 v28, v34;
	_ =	sdelay $0x1  }
0x4eb: {  	v16 =	vmul.f32 $8.000000000e+00, v16;
	_ =	sdelay $0x1  }
0x4ec: {  	[tilespmem:v18+s25+$0x0] =	vst.idx.msk $0xffff, v16  }
0x4ed: {  	v16 =	vld.idx.msk [tilespmem:v21+s15+$0x0], $0xffff;
	_ =	sdelay $0x1  }
0x4ee: {  	v18 =	vor.u32 v29, v56  }
0x4ef: {  	v21 =	vor.u32 v30, v34;
	_ =	sdelay $0x1  }
0x4f0: {  	v16 =	vmul.f32 $8.000000000e+00, v16;
	_ =	sdelay $0x1  }
0x4f1: {  	[tilespmem:v18+s25+$0x0] =	vst.idx.msk $0xffff, v16  }
0x4f2: {  	v16 =	vld.idx.msk [tilespmem:v21+s15+$0x0], $0xffff;
	_ =	sdelay $0x1  }
0x4f3: {  	v18 =	vor.u32 v31, v56  }
0x4f4: {  	v21 =	vor.u32 v32, v34;
	_ =	sdelay $0x1  }
0x4f5: {  	v16 =	vmul.f32 $8.000000000e+00, v16;
	_ =	sdelay $0x1  }
0x4f6: {  	[tilespmem:v18+s25+$0x0] =	vst.idx.msk $0xffff, v16;
	v16 =	vlaneseq.u32  }
0x4f7: {  	v22 =	vld.idx.msk [tilespmem:v21+s15+$0x0], $0xffff;
	v18 =	vmul.u32 $0x40, v16;
	_ =	sdelay $0x1  }
0x4f8: {  	v23 =	vor.u32 v33, v56;
	v21 =	vor.u32 $0x10, v18  }
0x4f9: {  	v24 =	vor.u32 v21, v19;
	_ =	sdelay $0x1  }
0x4fa: {  	v22 =	vmul.f32 $8.000000000e+00, v22;
	_ =	sdelay $0x1  }
0x4fb: {  	[tilespmem:v23+s25+$0x0] =	vst.idx.msk $0xffff, v22  }
0x4fc: {  	v24 =	vld.idx.msk [tilespmem:v24+s15+$0x0], $0xffff  }
0x4fd: {  	v22 =	vor.u32 $0x800, v16  }
0x4fe: {  	v23 =	vor.u32 $0x410, v18;
	v25 =	vor.u32 v22, v17  }
0x4ff: {  	v26 =	vor.u32 v23, v19;
	_ =	sdelay $0x1  }
0x500: {  	v24 =	vmul.f32 $8.000000000e+00, v24;
	_ =	sdelay $0x1  }
0x501: {  	[tilespmem:v25+s25+$0x0] =	vst.idx.msk $0xffff, v24  }
0x502: {  	v26 =	vld.idx.msk [tilespmem:v26+s15+$0x0], $0xffff  }
0x503: {  	v24 =	vor.u32 $0x810, v16  }
0x504: {  	v25 =	vor.u32 $0x810, v18;
	v27 =	vor.u32 v24, v17  }
0x505: {  	v28 =	vor.u32 v25, v19;
	_ =	sdelay $0x1  }
0x506: {  	v26 =	vmul.f32 $8.000000000e+00, v26;
	_ =	sdelay $0x1  }
0x507: {  	[tilespmem:v27+s25+$0x0] =	vst.idx.msk $0xffff, v26  }
0x508: {  	v28 =	vld.idx.msk [tilespmem:v28+s15+$0x0], $0xffff  }
0x509: {  	v26 =	vor.u32 $0x820, v16  }
0x50a: {  	v27 =	vor.u32 $0xC10, v18;
	v29 =	vor.u32 v26, v17  }
0x50b: {  	v30 =	vor.u32 v27, v19;
	_ =	sdelay $0x1  }
0x50c: {  	v28 =	vmul.f32 $8.000000000e+00, v28;
	_ =	sdelay $0x1  }
0x50d: {  	[tilespmem:v29+s25+$0x0] =	vst.idx.msk $0xffff, v28  }
0x50e: {  	v30 =	vld.idx.msk [tilespmem:v30+s15+$0x0], $0xffff  }
0x50f: {  	v28 =	vor.u32 $0x830, v16  }
0x510: {  	v29 =	vor.u32 $0x1010, v18;
	v31 =	vor.u32 v28, v17  }
0x511: {  	v58 =	vor.u32 v29, v19;
	_ =	sdelay $0x1  }
0x512: {  	v30 =	vmul.f32 $8.000000000e+00, v30;
	_ =	sdelay $0x1  }
0x513: {  	[tilespmem:v31+s25+$0x0] =	vst.idx.msk $0xffff, v30  }
0x514: {  	v32 =	vld.idx.msk [tilespmem:v58+s15+$0x0], $0xffff  }
0x515: {  	v30 =	vor.u32 $0x840, v16  }
0x516: {  	v31 =	vor.u32 $0x1410, v18;
	v59 =	vor.u32 v30, v17  }
0x517: {  	v60 =	vor.u32 v31, v19;
	_ =	sdelay $0x1  }
0x518: {  	v32 =	vmul.f32 $8.000000000e+00, v32;
	_ =	sdelay $0x1  }
0x519: {  	[tilespmem:v59+s25+$0x0] =	vst.idx.msk $0xffff, v32  }
0x51a: {  	v34 =	vld.idx.msk [tilespmem:v60+s15+$0x0], $0xffff  }
0x51b: {  	v32 =	vor.u32 $0x850, v16  }
0x51c: {  	v33 =	vor.u32 $0x1810, v18;
	v61 =	vor.u32 v32, v17  }
0x51d: {  	v62 =	vor.u32 v33, v19;
	_ =	sdelay $0x1  }
0x51e: {  	v34 =	vmul.f32 $8.000000000e+00, v34;
	_ =	sdelay $0x1  }
0x51f: {  	[tilespmem:v61+s25+$0x0] =	vst.idx.msk $0xffff, v34  }
0x520: {  	v36 =	vld.idx.msk [tilespmem:v62+s15+$0x0], $0xffff  }
0x521: {  	v34 =	vor.u32 $0x860, v16  }
0x522: {  	v35 =	vor.u32 $0x1C10, v18;
	v63 =	vor.u32 v34, v17  }
0x523: {  	v19 =	vor.u32 v35, v19;
	_ =	sdelay $0x1  }
0x524: {  	v36 =	vmul.f32 $8.000000000e+00, v36;
	_ =	sdelay $0x1  }
0x525: {  	[tilespmem:v63+s25+$0x0] =	vst.idx.msk $0xffff, v36  }
0x526: {  	v37 =	vld.idx.msk [tilespmem:v19+s15+$0x0], $0xffff  }
0x527: {  	v19 =	vor.u32 $0x870, v16  }
0x528: {  	v20 =	vand.u32 $0xF, v20;
	v17 =	vor.u32 v19, v17  }
0x529: {  	v36 =	vor.u32 v21, v20;
	_ =	sdelay $0x1  }
0x52a: {  	v37 =	vmul.f32 $8.000000000e+00, v37  }
0x52b: {  	s30 =	simm.s32 $0xE  }
.LBB2_29:
0x52c: {  	p2 =	sne.s32 s30, $0x1;
	s30 =	sadd.s32 $0xFFFFFFFF, s30;
	[tilespmem:v17+s25+$0x0] =	vst.idx.msk $0xffff, v37  }
0x52d: {  	v17 =	vld.idx.msk [tilespmem:v36+s15+$0x0], $0xffff;
	_ =	sdelay $0x1  }
0x52e: {  	v36 =	vshll.u32 v20, $0x7  }
0x52f: {  	v37 =	vor.u32 v22, v36  }
0x530: {  	v38 =	vor.u32 v23, v20;
	_ =	sdelay $0x1  }
0x531: {  	v17 =	vmul.f32 $8.000000000e+00, v17;
	_ =	sdelay $0x1  }
0x532: {  	[tilespmem:v37+s25+$0x0] =	vst.idx.msk $0xffff, v17  }
0x533: {  	v17 =	vld.idx.msk [tilespmem:v38+s15+$0x0], $0xffff;
	_ =	sdelay $0x1  }
0x534: {  	v37 =	vor.u32 $0x810, v16  }
0x535: {  	v37 =	vor.u32 v37, v36  }
0x536: {  	v38 =	vor.u32 v25, v20;
	_ =	sdelay $0x1  }
0x537: {  	v17 =	vmul.f32 $8.000000000e+00, v17;
	_ =	sdelay $0x1  }
0x538: {  	[tilespmem:v37+s25+$0x0] =	vst.idx.msk $0xffff, v17  }
0x539: {  	v17 =	vld.idx.msk [tilespmem:v38+s15+$0x0], $0xffff;
	_ =	sdelay $0x2  }
0x53a: {  	v37 =	vor.u32 v26, v36  }
0x53b: {  	v38 =	vor.u32 v27, v20;
	_ =	sdelay $0x1  }
0x53c: {  	v17 =	vmul.f32 $8.000000000e+00, v17;
	_ =	sdelay $0x1  }
0x53d: {  	[tilespmem:v37+s25+$0x0] =	vst.idx.msk $0xffff, v17  }
0x53e: {  	v17 =	vld.idx.msk [tilespmem:v38+s15+$0x0], $0xffff;
	_ =	sdelay $0x2  }
0x53f: {  	v37 =	vor.u32 v28, v36  }
0x540: {  	v38 =	vor.u32 v29, v20;
	_ =	sdelay $0x1  }
0x541: {  	v17 =	vmul.f32 $8.000000000e+00, v17;
	_ =	sdelay $0x1  }
0x542: {  	[tilespmem:v37+s25+$0x0] =	vst.idx.msk $0xffff, v17  }
0x543: {  	v17 =	vld.idx.msk [tilespmem:v38+s15+$0x0], $0xffff;
	_ =	sdelay $0x2  }
0x544: {  	v37 =	vor.u32 v30, v36  }
0x545: {  	v38 =	vor.u32 v31, v20;
	_ =	sdelay $0x1  }
0x546: {  	v17 =	vmul.f32 $8.000000000e+00, v17;
	_ =	sdelay $0x1  }
0x547: {  	[tilespmem:v37+s25+$0x0] =	vst.idx.msk $0xffff, v17  }
0x548: {  	v17 =	vld.idx.msk [tilespmem:v38+s15+$0x0], $0xffff;
	_ =	sdelay $0x2  }
0x549: {  	v37 =	vor.u32 v32, v36  }
0x54a: {  	v38 =	vor.u32 v33, v20;
	_ =	sdelay $0x1  }
0x54b: {  	v17 =	vmul.f32 $8.000000000e+00, v17;
	_ =	sdelay $0x1  }
0x54c: {  	[tilespmem:v37+s25+$0x0] =	vst.idx.msk $0xffff, v17  }
0x54d: {  	v17 =	vld.idx.msk [tilespmem:v38+s15+$0x0], $0xffff;
	_ =	sdelay $0x2  }
0x54e: {  	v37 =	vor.u32 v34, v36  }
0x54f: {  	v38 =	vor.u32 v35, v20;
	_ =	sdelay $0x1  }
0x550: {  	v17 =	vmul.f32 $8.000000000e+00, v17;
	_ =	sdelay $0x1  }
0x551: {  	[tilespmem:v37+s25+$0x0] =	vst.idx.msk $0xffff, v17  }
0x552: {  	v20 =	vadd.s32 $0x1, v20;
	v17 =	vor.u32 v19, v36;
	v37 =	vld.idx.msk [tilespmem:v38+s15+$0x0], $0xffff  }
0x553: {  	v20 =	vand.u32 $0xF, v20;
	_ =	sdelay $0x1  }
.Ltmp16:
0x554: {  	(pc) =	sbr.rel @p2 .LBB2_29-.Ltmp16, $2  }
0x555: {  	v36 =	vor.u32 v21, v20;
	_ =	sdelay $0x1  }
0x556: {  	v37 =	vmul.f32 $8.000000000e+00, v37;
	_ =	sdelay $0x1  }
0x557: {  	_ =	sdelay $0x3  }
0x558: {  	[tilespmem:v17+s25+$0x0] =	vst.idx.msk $0xffff, v37  }
0x559: {  	v17 =	vld.idx.msk [tilespmem:v36+s15+$0x0], $0xffff  }
0x55a: {  	v21 =	vshll.u32 v20, $0x7  }
0x55b: {  	v22 =	vor.u32 v22, v21  }
0x55c: {  	v23 =	vor.u32 v23, v20;
	_ =	sdelay $0x1  }
0x55d: {  	v17 =	vmul.f32 $8.000000000e+00, v17;
	_ =	sdelay $0x1  }
0x55e: {  	[tilespmem:v22+s25+$0x0] =	vst.idx.msk $0xffff, v17  }
0x55f: {  	v17 =	vld.idx.msk [tilespmem:v23+s15+$0x0], $0xffff;
	_ =	sdelay $0x1  }
0x560: {  	v22 =	vor.u32 v24, v21  }
0x561: {  	v23 =	vor.u32 v25, v20;
	_ =	sdelay $0x1  }
0x562: {  	v17 =	vmul.f32 $8.000000000e+00, v17;
	_ =	sdelay $0x1  }
0x563: {  	[tilespmem:v22+s25+$0x0] =	vst.idx.msk $0xffff, v17  }
0x564: {  	v17 =	vld.idx.msk [tilespmem:v23+s15+$0x0], $0xffff;
	_ =	sdelay $0x1  }
0x565: {  	v22 =	vor.u32 v26, v21  }
0x566: {  	v23 =	vor.u32 v27, v20;
	_ =	sdelay $0x1  }
0x567: {  	v17 =	vmul.f32 $8.000000000e+00, v17;
	_ =	sdelay $0x1  }
0x568: {  	[tilespmem:v22+s25+$0x0] =	vst.idx.msk $0xffff, v17  }
0x569: {  	v17 =	vld.idx.msk [tilespmem:v23+s15+$0x0], $0xffff;
	_ =	sdelay $0x1  }
0x56a: {  	v22 =	vor.u32 v28, v21  }
0x56b: {  	v23 =	vor.u32 v29, v20;
	_ =	sdelay $0x1  }
0x56c: {  	v17 =	vmul.f32 $8.000000000e+00, v17;
	_ =	sdelay $0x1  }
0x56d: {  	[tilespmem:v22+s25+$0x0] =	vst.idx.msk $0xffff, v17  }
0x56e: {  	v17 =	vld.idx.msk [tilespmem:v23+s15+$0x0], $0xffff;
	_ =	sdelay $0x1  }
0x56f: {  	v22 =	vor.u32 v30, v21  }
0x570: {  	v23 =	vor.u32 v31, v20;
	_ =	sdelay $0x1  }
0x571: {  	v17 =	vmul.f32 $8.000000000e+00, v17;
	_ =	sdelay $0x1  }
0x572: {  	[tilespmem:v22+s25+$0x0] =	vst.idx.msk $0xffff, v17  }
0x573: {  	v17 =	vld.idx.msk [tilespmem:v23+s15+$0x0], $0xffff;
	_ =	sdelay $0x1  }
0x574: {  	v22 =	vor.u32 v32, v21  }
0x575: {  	v23 =	vor.u32 v33, v20;
	_ =	sdelay $0x1  }
0x576: {  	v17 =	vmul.f32 $8.000000000e+00, v17;
	_ =	sdelay $0x1  }
0x577: {  	[tilespmem:v22+s25+$0x0] =	vst.idx.msk $0xffff, v17  }
0x578: {  	v17 =	vld.idx.msk [tilespmem:v23+s15+$0x0], $0xffff;
	_ =	sdelay $0x1  }
0x579: {  	v22 =	vor.u32 v34, v21  }
0x57a: {  	v20 =	vor.u32 v35, v20;
	_ =	sdelay $0x1  }
0x57b: {  	v17 =	vmul.f32 $8.000000000e+00, v17;
	_ =	sdelay $0x1  }
0x57c: {  	[tilespmem:v22+s25+$0x0] =	vst.idx.msk $0xffff, v17  }
0x57d: {  	v17 =	vld.idx.msk [tilespmem:v20+s15+$0x0], $0xffff;
	_ =	sdelay $0x1  }
0x57e: {  	v20 =	vor.u32 v19, v21;
	v19 =	vor.u32 $0x20, v18  }
0x57f: {  	v21 =	vor.u32 v19, v16;
	_ =	sdelay $0x1  }
0x580: {  	v17 =	vmul.f32 $8.000000000e+00, v17;
	_ =	sdelay $0x1  }
0x581: {  	[tilespmem:v20+s25+$0x0] =	vst.idx.msk $0xffff, v17  }
0x582: {  	v22 =	vld.idx.msk [tilespmem:v21+s15+$0x0], $0xffff  }
0x583: {  	v17 =	vshll.u32 v16, $0x7;
	v20 =	vor.u32 $0x1000, v16  }
0x584: {  	v23 =	vor.u32 v20, v17;
	v21 =	vor.u32 $0x420, v18  }
0x585: {  	v24 =	vor.u32 v21, v16;
	_ =	sdelay $0x1  }
0x586: {  	v22 =	vmul.f32 $8.000000000e+00, v22;
	_ =	sdelay $0x1  }
0x587: {  	[tilespmem:v23+s25+$0x0] =	vst.idx.msk $0xffff, v22  }
0x588: {  	v24 =	vld.idx.msk [tilespmem:v24+s15+$0x0], $0xffff  }
0x589: {  	v22 =	vor.u32 $0x1010, v16  }
0x58a: {  	v23 =	vor.u32 $0x820, v18;
	v25 =	vor.u32 v22, v17  }
0x58b: {  	v26 =	vor.u32 v23, v16;
	_ =	sdelay $0x1  }
0x58c: {  	v24 =	vmul.f32 $8.000000000e+00, v24;
	_ =	sdelay $0x1  }
0x58d: {  	[tilespmem:v25+s25+$0x0] =	vst.idx.msk $0xffff, v24  }
0x58e: {  	v26 =	vld.idx.msk [tilespmem:v26+s15+$0x0], $0xffff  }
0x58f: {  	v24 =	vor.u32 $0x1020, v16  }
0x590: {  	v25 =	vor.u32 $0xC20, v18;
	v27 =	vor.u32 v24, v17  }
0x591: {  	v28 =	vor.u32 v25, v16;
	_ =	sdelay $0x1  }
0x592: {  	v26 =	vmul.f32 $8.000000000e+00, v26;
	_ =	sdelay $0x1  }
0x593: {  	[tilespmem:v27+s25+$0x0] =	vst.idx.msk $0xffff, v26  }
0x594: {  	v28 =	vld.idx.msk [tilespmem:v28+s15+$0x0], $0xffff  }
0x595: {  	v26 =	vor.u32 $0x1030, v16  }
0x596: {  	v27 =	vor.u32 $0x1020, v18;
	v29 =	vor.u32 v26, v17  }
0x597: {  	v30 =	vor.u32 v27, v16;
	_ =	sdelay $0x1  }
0x598: {  	v28 =	vmul.f32 $8.000000000e+00, v28;
	_ =	sdelay $0x1  }
0x599: {  	[tilespmem:v29+s25+$0x0] =	vst.idx.msk $0xffff, v28  }
0x59a: {  	v30 =	vld.idx.msk [tilespmem:v30+s15+$0x0], $0xffff  }
0x59b: {  	v28 =	vor.u32 $0x1040, v16  }
0x59c: {  	v29 =	vor.u32 $0x1420, v18;
	v31 =	vor.u32 v28, v17  }
0x59d: {  	v60 =	vor.u32 v29, v16;
	_ =	sdelay $0x1  }
0x59e: {  	v30 =	vmul.f32 $8.000000000e+00, v30;
	_ =	sdelay $0x1  }
0x59f: {  	[tilespmem:v31+s25+$0x0] =	vst.idx.msk $0xffff, v30  }
0x5a0: {  	v32 =	vld.idx.msk [tilespmem:v60+s15+$0x0], $0xffff  }
0x5a1: {  	v30 =	vor.u32 $0x1050, v16  }
0x5a2: {  	v31 =	vor.u32 $0x1820, v18;
	v61 =	vor.u32 v30, v17  }
0x5a3: {  	v62 =	vor.u32 v31, v16;
	_ =	sdelay $0x1  }
0x5a4: {  	v32 =	vmul.f32 $8.000000000e+00, v32;
	_ =	sdelay $0x1  }
0x5a5: {  	[tilespmem:v61+s25+$0x0] =	vst.idx.msk $0xffff, v32  }
0x5a6: {  	v34 =	vld.idx.msk [tilespmem:v62+s15+$0x0], $0xffff  }
0x5a7: {  	v32 =	vor.u32 $0x1060, v16  }
0x5a8: {  	v33 =	vor.u32 $0x1C20, v18;
	v63 =	vor.u32 v32, v17  }
0x5a9: {  	v18 =	vor.u32 v33, v16;
	_ =	sdelay $0x1  }
0x5aa: {  	v34 =	vmul.f32 $8.000000000e+00, v34;
	_ =	sdelay $0x1  }
0x5ab: {  	[tilespmem:v63+s25+$0x0] =	vst.idx.msk $0xffff, v34  }
0x5ac: {  	v38 =	vld.idx.msk [tilespmem:v18+s15+$0x0], $0xffff  }
0x5ad: {  	v34 =	vor.u32 $0x1070, v16;
	v18 =	vadd.s32 $0x1, v16  }
0x5ae: {  	v36 =	vor.u32 v34, v17;
	v35 =	vand.u32 $0xF, v18  }
0x5af: {  	v37 =	vor.u32 v19, v35;
	_ =	sdelay $0x1  }
0x5b0: {  	s30 =	simm.s32 $0xE;
	v38 =	vmul.f32 $8.000000000e+00, v38  }
.LBB2_31:
0x5b1: {  	_ = 	snop  }
0x5b2: {  	p2 =	sne.s32 s30, $0x1;
	s30 =	sadd.s32 $0xFFFFFFFF, s30;
	[tilespmem:v36+s25+$0x0] =	vst.idx.msk $0xffff, v38  }
0x5b3: {  	v36 =	vld.idx.msk [tilespmem:v37+s15+$0x0], $0xffff;
	_ =	sdelay $0x1  }
0x5b4: {  	v37 =	vshll.u32 v35, $0x7  }
0x5b5: {  	v38 =	vor.u32 v20, v37  }
0x5b6: {  	v39 =	vor.u32 v21, v35;
	_ =	sdelay $0x1  }
0x5b7: {  	v36 =	vmul.f32 $8.000000000e+00, v36;
	_ =	sdelay $0x1  }
0x5b8: {  	[tilespmem:v38+s25+$0x0] =	vst.idx.msk $0xffff, v36  }
0x5b9: {  	v36 =	vld.idx.msk [tilespmem:v39+s15+$0x0], $0xffff;
	_ =	sdelay $0x2  }
0x5ba: {  	v38 =	vor.u32 v22, v37  }
0x5bb: {  	v39 =	vor.u32 v23, v35;
	_ =	sdelay $0x1  }
0x5bc: {  	v36 =	vmul.f32 $8.000000000e+00, v36;
	_ =	sdelay $0x1  }
0x5bd: {  	[tilespmem:v38+s25+$0x0] =	vst.idx.msk $0xffff, v36  }
0x5be: {  	v36 =	vld.idx.msk [tilespmem:v39+s15+$0x0], $0xffff;
	_ =	sdelay $0x2  }
0x5bf: {  	v38 =	vor.u32 v24, v37  }
0x5c0: {  	v39 =	vor.u32 v25, v35;
	_ =	sdelay $0x1  }
0x5c1: {  	v36 =	vmul.f32 $8.000000000e+00, v36;
	_ =	sdelay $0x1  }
0x5c2: {  	[tilespmem:v38+s25+$0x0] =	vst.idx.msk $0xffff, v36  }
0x5c3: {  	v36 =	vld.idx.msk [tilespmem:v39+s15+$0x0], $0xffff;
	_ =	sdelay $0x2  }
0x5c4: {  	v38 =	vor.u32 v26, v37  }
0x5c5: {  	v39 =	vor.u32 v27, v35;
	_ =	sdelay $0x1  }
0x5c6: {  	v36 =	vmul.f32 $8.000000000e+00, v36;
	_ =	sdelay $0x1  }
0x5c7: {  	[tilespmem:v38+s25+$0x0] =	vst.idx.msk $0xffff, v36  }
0x5c8: {  	v36 =	vld.idx.msk [tilespmem:v39+s15+$0x0], $0xffff;
	_ =	sdelay $0x2  }
0x5c9: {  	v38 =	vor.u32 v28, v37  }
0x5ca: {  	v39 =	vor.u32 v29, v35;
	_ =	sdelay $0x1  }
0x5cb: {  	v36 =	vmul.f32 $8.000000000e+00, v36;
	_ =	sdelay $0x1  }
0x5cc: {  	[tilespmem:v38+s25+$0x0] =	vst.idx.msk $0xffff, v36  }
0x5cd: {  	v36 =	vld.idx.msk [tilespmem:v39+s15+$0x0], $0xffff;
	_ =	sdelay $0x2  }
0x5ce: {  	v38 =	vor.u32 v30, v37  }
0x5cf: {  	v39 =	vor.u32 v31, v35;
	_ =	sdelay $0x1  }
0x5d0: {  	v36 =	vmul.f32 $8.000000000e+00, v36;
	_ =	sdelay $0x1  }
0x5d1: {  	[tilespmem:v38+s25+$0x0] =	vst.idx.msk $0xffff, v36  }
0x5d2: {  	v36 =	vld.idx.msk [tilespmem:v39+s15+$0x0], $0xffff;
	_ =	sdelay $0x2  }
0x5d3: {  	v38 =	vor.u32 v32, v37  }
0x5d4: {  	v39 =	vor.u32 v33, v35;
	_ =	sdelay $0x1  }
0x5d5: {  	v36 =	vmul.f32 $8.000000000e+00, v36;
	_ =	sdelay $0x1  }
0x5d6: {  	[tilespmem:v38+s25+$0x0] =	vst.idx.msk $0xffff, v36  }
0x5d7: {  	v38 =	vld.idx.msk [tilespmem:v39+s15+$0x0], $0xffff;
	_ =	sdelay $0x1  }
.Ltmp17:
0x5d8: {  	v35 =	vadd.s32 $0x1, v35;
	(pc) =	sbr.rel @p2 .LBB2_31-.Ltmp17, $3  }
0x5d9: {  	v35 =	vand.u32 $0xF, v35;
	v36 =	vor.u32 v34, v37  }
0x5da: {  	v37 =	vor.u32 v19, v35;
	_ =	sdelay $0x1  }
0x5db: {  	v38 =	vmul.f32 $8.000000000e+00, v38  }
0x5dc: {  	_ =	sdelay $0x3  }
0x5dd: {  	[tilespmem:v36+s25+$0x0] =	vst.idx.msk $0xffff, v38  }
0x5de: {  	v19 =	vld.idx.msk [tilespmem:v37+s15+$0x0], $0xffff  }
0x5df: {  	v50 =	vshll.u32 v35, $0x7  }
0x5e0: {  	v20 =	vor.u32 v20, v50  }
0x5e1: {  	v21 =	vor.u32 v21, v35;
	_ =	sdelay $0x1  }
0x5e2: {  	v19 =	vmul.f32 $8.000000000e+00, v19;
	_ =	sdelay $0x1  }
0x5e3: {  	[tilespmem:v20+s25+$0x0] =	vst.idx.msk $0xffff, v19  }
0x5e4: {  	v19 =	vld.idx.msk [tilespmem:v21+s15+$0x0], $0xffff;
	_ =	sdelay $0x1  }
0x5e5: {  	v20 =	vor.u32 v22, v50  }
0x5e6: {  	v51 =	vor.u32 v23, v35;
	_ =	sdelay $0x1  }
0x5e7: {  	v19 =	vmul.f32 $8.000000000e+00, v19;
	_ =	sdelay $0x1  }
0x5e8: {  	[tilespmem:v20+s25+$0x0] =	vst.idx.msk $0xffff, v19  }
0x5e9: {  	v19 =	vld.idx.msk [tilespmem:v51+s15+$0x0], $0xffff;
	_ =	sdelay $0x1  }
0x5ea: {  	v20 =	vor.u32 v24, v50  }
0x5eb: {  	v52 =	vor.u32 v25, v35;
	_ =	sdelay $0x1  }
0x5ec: {  	v19 =	vmul.f32 $8.000000000e+00, v19;
	_ =	sdelay $0x1  }
0x5ed: {  	[tilespmem:v20+s25+$0x0] =	vst.idx.msk $0xffff, v19  }
0x5ee: {  	v19 =	vld.idx.msk [tilespmem:v52+s15+$0x0], $0xffff;
	_ =	sdelay $0x1  }
0x5ef: {  	v20 =	vor.u32 v26, v50  }
0x5f0: {  	v53 =	vor.u32 v27, v35;
	_ =	sdelay $0x1  }
0x5f1: {  	v19 =	vmul.f32 $8.000000000e+00, v19;
	_ =	sdelay $0x1  }
0x5f2: {  	[tilespmem:v20+s25+$0x0] =	vst.idx.msk $0xffff, v19  }
0x5f3: {  	v19 =	vld.idx.msk [tilespmem:v53+s15+$0x0], $0xffff;
	_ =	sdelay $0x1  }
0x5f4: {  	v20 =	vor.u32 v28, v50  }
0x5f5: {  	v54 =	vor.u32 v29, v35;
	_ =	sdelay $0x1  }
0x5f6: {  	v19 =	vmul.f32 $8.000000000e+00, v19;
	_ =	sdelay $0x1  }
0x5f7: {  	[tilespmem:v20+s25+$0x0] =	vst.idx.msk $0xffff, v19  }
0x5f8: {  	v19 =	vld.idx.msk [tilespmem:v54+s15+$0x0], $0xffff;
	_ =	sdelay $0x1  }
0x5f9: {  	v20 =	vor.u32 v30, v50  }
0x5fa: {  	v55 =	vor.u32 v31, v35;
	_ =	sdelay $0x1  }
0x5fb: {  	v19 =	vmul.f32 $8.000000000e+00, v19;
	_ =	sdelay $0x1  }
0x5fc: {  	[tilespmem:v20+s25+$0x0] =	vst.idx.msk $0xffff, v19  }
0x5fd: {  	v19 =	vld.idx.msk [tilespmem:v55+s15+$0x0], $0xffff;
	_ =	sdelay $0x1  }
0x5fe: {  	v20 =	vor.u32 v32, v50  }
0x5ff: {  	v56 =	vor.u32 v33, v35;
	_ =	sdelay $0x1  }
0x600: {  	v19 =	vmul.f32 $8.000000000e+00, v19;
	_ =	sdelay $0x1  }
0x601: {  	[tilespmem:v20+s25+$0x0] =	vst.idx.msk $0xffff, v19  }
0x602: {  	v19 =	vld.idx.msk [tilespmem:v56+s15+$0x0], $0xffff;
	_ =	sdelay $0x1  }
0x603: {  	v20 =	vor.u32 v34, v50  }
0x604: {  	v57 =	vor.u32 v0, v16;
	_ =	sdelay $0x1  }
0x605: {  	v19 =	vmul.f32 $8.000000000e+00, v19;
	_ =	sdelay $0x1  }
0x606: {  	[tilespmem:v20+s25+$0x0] =	vst.idx.msk $0xffff, v19  }
0x607: {  	v19 =	vld.idx.msk [tilespmem:v57+s15+$0x0], $0xffff;
	_ =	sdelay $0x1  }
0x608: {  	v20 =	vor.u32 v1, v17  }
0x609: {  	v58 =	vor.u32 v2, v16;
	_ =	sdelay $0x1  }
0x60a: {  	v19 =	vmul.f32 $8.000000000e+00, v19;
	_ =	sdelay $0x1  }
0x60b: {  	[tilespmem:v20+s25+$0x0] =	vst.idx.msk $0xffff, v19  }
0x60c: {  	v19 =	vld.idx.msk [tilespmem:v58+s15+$0x0], $0xffff;
	_ =	sdelay $0x1  }
0x60d: {  	v20 =	vor.u32 v3, v17  }
0x60e: {  	v59 =	vor.u32 v4, v16;
	_ =	sdelay $0x1  }
0x60f: {  	v19 =	vmul.f32 $8.000000000e+00, v19;
	_ =	sdelay $0x1  }
0x610: {  	[tilespmem:v20+s25+$0x0] =	vst.idx.msk $0xffff, v19  }
0x611: {  	v19 =	vld.idx.msk [tilespmem:v59+s15+$0x0], $0xffff;
	_ =	sdelay $0x1  }
0x612: {  	v20 =	vor.u32 v5, v17  }
0x613: {  	v60 =	vor.u32 v6, v16;
	_ =	sdelay $0x1  }
0x614: {  	v19 =	vmul.f32 $8.000000000e+00, v19;
	_ =	sdelay $0x1  }
0x615: {  	[tilespmem:v20+s25+$0x0] =	vst.idx.msk $0xffff, v19  }
0x616: {  	v19 =	vld.idx.msk [tilespmem:v60+s15+$0x0], $0xffff;
	_ =	sdelay $0x1  }
0x617: {  	v20 =	vor.u32 v7, v17  }
0x618: {  	v61 =	vor.u32 v8, v16;
	_ =	sdelay $0x1  }
0x619: {  	v19 =	vmul.f32 $8.000000000e+00, v19;
	_ =	sdelay $0x1  }
0x61a: {  	[tilespmem:v20+s25+$0x0] =	vst.idx.msk $0xffff, v19  }
0x61b: {  	v19 =	vld.idx.msk [tilespmem:v61+s15+$0x0], $0xffff;
	_ =	sdelay $0x1  }
0x61c: {  	v20 =	vor.u32 v9, v17  }
0x61d: {  	v62 =	vor.u32 v10, v16;
	_ =	sdelay $0x1  }
0x61e: {  	v19 =	vmul.f32 $8.000000000e+00, v19;
	_ =	sdelay $0x1  }
0x61f: {  	[tilespmem:v20+s25+$0x0] =	vst.idx.msk $0xffff, v19  }
0x620: {  	v19 =	vld.idx.msk [tilespmem:v62+s15+$0x0], $0xffff;
	_ =	sdelay $0x1  }
0x621: {  	v20 =	vor.u32 v11, v17  }
0x622: {  	v63 =	vor.u32 v12, v16;
	_ =	sdelay $0x1  }
0x623: {  	v19 =	vmul.f32 $8.000000000e+00, v19;
	_ =	sdelay $0x1  }
0x624: {  	[tilespmem:v20+s25+$0x0] =	vst.idx.msk $0xffff, v19  }
0x625: {  	v19 =	vld.idx.msk [tilespmem:v63+s15+$0x0], $0xffff;
	_ =	sdelay $0x1  }
0x626: {  	v20 =	vor.u32 v13, v17  }
0x627: {  	v16 =	vor.u32 v14, v16;
	_ =	sdelay $0x1  }
0x628: {  	v19 =	vmul.f32 $8.000000000e+00, v19;
	_ =	sdelay $0x1  }
0x629: {  	[tilespmem:v20+s25+$0x0] =	vst.idx.msk $0xffff, v19  }
0x62a: {  	v19 =	vld.idx.msk [tilespmem:v16+s15+$0x0], $0xffff;
	_ =	sdelay $0x1  }
0x62b: {  	v17 =	vor.u32 v15, v17;
	v16 =	vand.u32 $0xF, v18  }
0x62c: {  	v18 =	vor.u32 v0, v16;
	_ =	sdelay $0x1  }
0x62d: {  	s30 =	simm.s32 $0xE;
	v19 =	vmul.f32 $8.000000000e+00, v19  }
.LBB2_33:
0x62e: {  	_ = 	snop  }
0x62f: {  	p2 =	sne.s32 s30, $0x1;
	s30 =	sadd.s32 $0xFFFFFFFF, s30;
	[tilespmem:v17+s25+$0x0] =	vst.idx.msk $0xffff, v19  }
0x630: {  	v17 =	vld.idx.msk [tilespmem:v18+s15+$0x0], $0xffff;
	_ =	sdelay $0x1  }
0x631: {  	v18 =	vshll.u32 v16, $0x7  }
0x632: {  	v19 =	vor.u32 v1, v18  }
0x633: {  	v20 =	vor.u32 v2, v16;
	_ =	sdelay $0x1  }
0x634: {  	v17 =	vmul.f32 $8.000000000e+00, v17;
	_ =	sdelay $0x1  }
0x635: {  	[tilespmem:v19+s25+$0x0] =	vst.idx.msk $0xffff, v17  }
0x636: {  	v17 =	vld.idx.msk [tilespmem:v20+s15+$0x0], $0xffff;
	_ =	sdelay $0x2  }
0x637: {  	v19 =	vor.u32 v3, v18  }
0x638: {  	v20 =	vor.u32 v4, v16;
	_ =	sdelay $0x1  }
0x639: {  	v17 =	vmul.f32 $8.000000000e+00, v17;
	_ =	sdelay $0x1  }
0x63a: {  	[tilespmem:v19+s25+$0x0] =	vst.idx.msk $0xffff, v17  }
0x63b: {  	v17 =	vld.idx.msk [tilespmem:v20+s15+$0x0], $0xffff;
	_ =	sdelay $0x2  }
0x63c: {  	v19 =	vor.u32 v5, v18  }
0x63d: {  	v20 =	vor.u32 v6, v16;
	_ =	sdelay $0x1  }
0x63e: {  	v17 =	vmul.f32 $8.000000000e+00, v17;
	_ =	sdelay $0x1  }
0x63f: {  	[tilespmem:v19+s25+$0x0] =	vst.idx.msk $0xffff, v17  }
0x640: {  	v17 =	vld.idx.msk [tilespmem:v20+s15+$0x0], $0xffff;
	_ =	sdelay $0x2  }
0x641: {  	v19 =	vor.u32 v7, v18  }
0x642: {  	v20 =	vor.u32 v8, v16;
	_ =	sdelay $0x1  }
0x643: {  	v17 =	vmul.f32 $8.000000000e+00, v17;
	_ =	sdelay $0x1  }
0x644: {  	[tilespmem:v19+s25+$0x0] =	vst.idx.msk $0xffff, v17  }
0x645: {  	v17 =	vld.idx.msk [tilespmem:v20+s15+$0x0], $0xffff;
	_ =	sdelay $0x2  }
0x646: {  	v19 =	vor.u32 v9, v18  }
0x647: {  	v20 =	vor.u32 v10, v16;
	_ =	sdelay $0x1  }
0x648: {  	v17 =	vmul.f32 $8.000000000e+00, v17;
	_ =	sdelay $0x1  }
0x649: {  	[tilespmem:v19+s25+$0x0] =	vst.idx.msk $0xffff, v17  }
0x64a: {  	v17 =	vld.idx.msk [tilespmem:v20+s15+$0x0], $0xffff;
	_ =	sdelay $0x2  }
0x64b: {  	v19 =	vor.u32 v11, v18  }
0x64c: {  	v20 =	vor.u32 v12, v16;
	_ =	sdelay $0x1  }
0x64d: {  	v17 =	vmul.f32 $8.000000000e+00, v17;
	_ =	sdelay $0x1  }
0x64e: {  	[tilespmem:v19+s25+$0x0] =	vst.idx.msk $0xffff, v17  }
0x64f: {  	v17 =	vld.idx.msk [tilespmem:v20+s15+$0x0], $0xffff;
	_ =	sdelay $0x2  }
0x650: {  	v19 =	vor.u32 v13, v18  }
0x651: {  	v20 =	vor.u32 v14, v16;
	_ =	sdelay $0x1  }
0x652: {  	v17 =	vmul.f32 $8.000000000e+00, v17;
	_ =	sdelay $0x1  }
0x653: {  	[tilespmem:v19+s25+$0x0] =	vst.idx.msk $0xffff, v17  }
0x654: {  	v19 =	vld.idx.msk [tilespmem:v20+s15+$0x0], $0xffff;
	_ =	sdelay $0x1  }
.Ltmp18:
0x655: {  	v16 =	vadd.s32 $0x1, v16;
	(pc) =	sbr.rel @p2 .LBB2_33-.Ltmp18, $3  }
0x656: {  	v16 =	vand.u32 $0xF, v16;
	v17 =	vor.u32 v15, v18  }
0x657: {  	v18 =	vor.u32 v0, v16;
	_ =	sdelay $0x1  }
0x658: {  	v19 =	vmul.f32 $8.000000000e+00, v19  }
0x659: {  	_ =	sdelay $0x3  }
0x65a: {  	[tilespmem:v17+s25+$0x0] =	vst.idx.msk $0xffff, v19  }
0x65b: {  	v17 =	vld.idx.msk [tilespmem:v18+s15+$0x0], $0xffff  }
0x65c: {  	v51 =	vshll.u32 v16, $0x7  }
0x65d: {  	v52 =	vor.u32 v1, v51  }
0x65e: {  	v20 =	vor.u32 v2, v16;
	_ =	sdelay $0x1  }
0x65f: {  	v17 =	vmul.f32 $8.000000000e+00, v17;
	_ =	sdelay $0x1  }
0x660: {  	[tilespmem:v52+s25+$0x0] =	vst.idx.msk $0xffff, v17  }
0x661: {  	v17 =	vld.idx.msk [tilespmem:v20+s15+$0x0], $0xffff;
	_ =	sdelay $0x1  }
0x662: {  	v53 =	vor.u32 v3, v51  }
0x663: {  	v54 =	vor.u32 v4, v16;
	_ =	sdelay $0x1  }
0x664: {  	v17 =	vmul.f32 $8.000000000e+00, v17;
	_ =	sdelay $0x1  }
0x665: {  	[tilespmem:v53+s25+$0x0] =	vst.idx.msk $0xffff, v17  }
0x666: {  	v17 =	vld.idx.msk [tilespmem:v54+s15+$0x0], $0xffff;
	_ =	sdelay $0x1  }
0x667: {  	v55 =	vor.u32 v5, v51  }
0x668: {  	v56 =	vor.u32 v6, v16;
	_ =	sdelay $0x1  }
0x669: {  	v17 =	vmul.f32 $8.000000000e+00, v17;
	_ =	sdelay $0x1  }
0x66a: {  	[tilespmem:v55+s25+$0x0] =	vst.idx.msk $0xffff, v17  }
0x66b: {  	v17 =	vld.idx.msk [tilespmem:v56+s15+$0x0], $0xffff;
	_ =	sdelay $0x1  }
0x66c: {  	v57 =	vor.u32 v7, v51  }
0x66d: {  	v58 =	vor.u32 v8, v16;
	_ =	sdelay $0x1  }
0x66e: {  	v17 =	vmul.f32 $8.000000000e+00, v17;
	_ =	sdelay $0x1  }
0x66f: {  	[tilespmem:v57+s25+$0x0] =	vst.idx.msk $0xffff, v17  }
0x670: {  	v17 =	vld.idx.msk [tilespmem:v58+s15+$0x0], $0xffff;
	_ =	sdelay $0x1  }
0x671: {  	v59 =	vor.u32 v9, v51  }
0x672: {  	v60 =	vor.u32 v10, v16;
	_ =	sdelay $0x1  }
0x673: {  	v17 =	vmul.f32 $8.000000000e+00, v17;
	_ =	sdelay $0x1  }
0x674: {  	[tilespmem:v59+s25+$0x0] =	vst.idx.msk $0xffff, v17  }
0x675: {  	v17 =	vld.idx.msk [tilespmem:v60+s15+$0x0], $0xffff;
	_ =	sdelay $0x1  }
0x676: {  	v61 =	vor.u32 v11, v51  }
0x677: {  	v62 =	vor.u32 v12, v16;
	_ =	sdelay $0x1  }
0x678: {  	v17 =	vmul.f32 $8.000000000e+00, v17;
	_ =	sdelay $0x1  }
0x679: {  	[tilespmem:v61+s25+$0x0] =	vst.idx.msk $0xffff, v17  }
0x67a: {  	v17 =	vld.idx.msk [tilespmem:v62+s15+$0x0], $0xffff;
	_ =	sdelay $0x1  }
0x67b: {  	v63 =	vor.u32 v13, v51  }
0x67c: {  	v16 =	vor.u32 v14, v16;
	_ =	sdelay $0x1  }
0x67d: {  	v17 =	vmul.f32 $8.000000000e+00, v17;
	_ =	sdelay $0x1  }
0x67e: {  	[tilespmem:v63+s25+$0x0] =	vst.idx.msk $0xffff, v17  }
0x67f: {  	v16 =	vld.idx.msk [tilespmem:v16+s15+$0x0], $0xffff;
	_ =	sdelay $0x1  }
0x680: {  	v17 =	vor.u32 v15, v51;
	_ =	sdelay $0x1  }
.Ltmp19:
0x681: {  	_ = 	snop;
	(pc) =	sbr.rel @p1 .LBB2_36-.Ltmp19, $3  }
0x682: {  	v16 =	vmul.f32 $8.000000000e+00, v16;
	_ =	sdelay $0x1  }
0x683: {  	s30 =	sadd.s32 s9, s7;
	[tilespmem:v17+s25+$0x0] =	vst.idx.msk $0xffff, v16  }
0x684: {  	[hbm4b:s30+s18] =	stream.strided.scatter [tilespmem:s25], [sflag:$0x8], $0x2000, s19, s18, $0x38;
	[tilespmem:$0x16400] =	vst v63  }
.Ltmp20:
0x685: {  	(pc) =	sbr.rel .LBB2_37-.Ltmp20, $4  }
0x686: {  	_ = 	snop  }
0x687: {  	_ =	swait.ge [sflag:s26], $0x2000  }
0x688: {  	[sflag:s26] =	ssyncset.done $0x0  }
0x689: {  	[sflag:s26] =	ssyncadd.s32 $0xFFFFE000  }
.LBB2_36:
.Ltmp21:
0x68a: {  	s30 =	sadd.s32 $0x280, s14;
	(pc) =	sbr.rel @p0 .LBB2_38-.Ltmp21, $4  }
0x68b: {  	[tilespmem:s13], [sflag:$0x3] =	stream.indirect.gather [hbm4b:s3+s11], $0x40, s30, s11, $0xb8;
	[tilespmem:$0x16400] =	vst v63  }
0x68c: {  	_ =	swait.ge [sflag:s26], $0x2000  }
0x68d: {  	[sflag:s26] =	ssyncset.done $0x0  }
0x68e: {  	[sflag:s26] =	ssyncadd.s32 $0xFFFFE000  }
.LBB2_37:
0x68f: {  	_ =	swait.ge [sflag:s28], $0x2000  }
0x690: {  	[sflag:s28] =	ssyncset.done $0x0  }
0x691: {  	[sflag:s28] =	ssyncadd.s32 $0xFFFFE000  }
.LBB2_38:
0x692: {  	v19 =	vlaneseq.u32  }
0x693: {  	v18 =	vmul.u32 $0x40, v19;
	_ =	sdelay $0x1  }
0x694: {  	v16 =	vor.u32 v18, v19;
	_ =	sdelay $0x4  }
0x695: {  	v20 =	vld.idx.msk [tilespmem:v16+s20+$0x0], $0xffff  }
0x696: {  	v17 =	vshll.u32 v19, $0x7  }
0x697: {  	v21 =	vor.u32 v19, v17;
	v16 =	vor.u32 $0x400, v18  }
0x698: {  	v22 =	vor.u32 v16, v19;
	_ =	sdelay $0x1  }
0x699: {  	v20 =	vmul.f32 $8.000000000e+00, v20;
	_ =	sdelay $0x1  }
0x69a: {  	[tilespmem:v21+s29+$0x0] =	vst.idx.msk $0xffff, v20  }
0x69b: {  	v20 =	vld.idx.msk [tilespmem:v22+s20+$0x0], $0xffff  }
0x69c: {  	v21 =	vor.u32 $0x10, v19  }
0x69d: {  	v22 =	vor.u32 $0x800, v18;
	v23 =	vor.u32 v21, v17  }
0x69e: {  	v24 =	vor.u32 v22, v19;
	_ =	sdelay $0x1  }
0x69f: {  	v20 =	vmul.f32 $8.000000000e+00, v20;
	_ =	sdelay $0x1  }
0x6a0: {  	[tilespmem:v23+s29+$0x0] =	vst.idx.msk $0xffff, v20  }
0x6a1: {  	v20 =	vld.idx.msk [tilespmem:v24+s20+$0x0], $0xffff  }
0x6a2: {  	v23 =	vor.u32 $0x20, v19  }
0x6a3: {  	v24 =	vor.u32 $0xC00, v18;
	v25 =	vor.u32 v23, v17  }
0x6a4: {  	v26 =	vor.u32 v24, v19;
	_ =	sdelay $0x1  }
0x6a5: {  	v20 =	vmul.f32 $8.000000000e+00, v20;
	_ =	sdelay $0x1  }
0x6a6: {  	[tilespmem:v25+s29+$0x0] =	vst.idx.msk $0xffff, v20  }
0x6a7: {  	v20 =	vld.idx.msk [tilespmem:v26+s20+$0x0], $0xffff  }
0x6a8: {  	v25 =	vor.u32 $0x30, v19  }
0x6a9: {  	v26 =	vor.u32 $0x1000, v18;
	v27 =	vor.u32 v25, v17  }
0x6aa: {  	v28 =	vor.u32 v26, v19;
	_ =	sdelay $0x1  }
0x6ab: {  	v20 =	vmul.f32 $8.000000000e+00, v20;
	_ =	sdelay $0x1  }
0x6ac: {  	[tilespmem:v27+s29+$0x0] =	vst.idx.msk $0xffff, v20  }
0x6ad: {  	v20 =	vld.idx.msk [tilespmem:v28+s20+$0x0], $0xffff  }
0x6ae: {  	v27 =	vor.u32 $0x40, v19  }
0x6af: {  	v28 =	vor.u32 $0x1400, v18;
	v29 =	vor.u32 v27, v17  }
0x6b0: {  	v30 =	vor.u32 v28, v19;
	_ =	sdelay $0x1  }
0x6b1: {  	v20 =	vmul.f32 $8.000000000e+00, v20;
	_ =	sdelay $0x1  }
0x6b2: {  	[tilespmem:v29+s29+$0x0] =	vst.idx.msk $0xffff, v20  }
0x6b3: {  	v20 =	vld.idx.msk [tilespmem:v30+s20+$0x0], $0xffff  }
0x6b4: {  	v29 =	vor.u32 $0x50, v19  }
0x6b5: {  	v30 =	vor.u32 $0x1800, v18;
	v31 =	vor.u32 v29, v17  }
0x6b6: {  	v32 =	vor.u32 v30, v19;
	_ =	sdelay $0x1  }
0x6b7: {  	v20 =	vmul.f32 $8.000000000e+00, v20;
	_ =	sdelay $0x1  }
0x6b8: {  	[tilespmem:v31+s29+$0x0] =	vst.idx.msk $0xffff, v20  }
0x6b9: {  	v20 =	vld.idx.msk [tilespmem:v32+s20+$0x0], $0xffff  }
0x6ba: {  	v31 =	vor.u32 $0x60, v19  }
0x6bb: {  	v33 =	vor.u32 v31, v17;
	v32 =	vor.u32 $0x1C00, v18  }
0x6bc: {  	v34 =	vor.u32 v32, v19;
	_ =	sdelay $0x1  }
0x6bd: {  	v20 =	vmul.f32 $8.000000000e+00, v20;
	_ =	sdelay $0x1  }
0x6be: {  	[tilespmem:v33+s29+$0x0] =	vst.idx.msk $0xffff, v20  }
0x6bf: {  	v37 =	vld.idx.msk [tilespmem:v34+s20+$0x0], $0xffff  }
0x6c0: {  	v20 =	vadd.s32 $0x1, v19;
	v33 =	vor.u32 $0x70, v19  }
0x6c1: {  	v34 =	vand.u32 $0xF, v20;
	v35 =	vor.u32 v33, v17  }
0x6c2: {  	v36 =	vor.u32 v18, v34;
	_ =	sdelay $0x1  }
0x6c3: {  	s30 =	simm.s32 $0xE;
	v37 =	vmul.f32 $8.000000000e+00, v37  }
.LBB2_39:
0x6c4: {  	_ = 	snop  }
0x6c5: {  	p0 =	sne.s32 s30, $0x1;
	s30 =	sadd.s32 $0xFFFFFFFF, s30;
	[tilespmem:v35+s29+$0x0] =	vst.idx.msk $0xffff, v37  }
0x6c6: {  	v35 =	vld.idx.msk [tilespmem:v36+s20+$0x0], $0xffff;
	_ =	sdelay $0x1  }
0x6c7: {  	v36 =	vshll.u32 v34, $0x7  }
0x6c8: {  	v37 =	vor.u32 v19, v36  }
0x6c9: {  	v38 =	vor.u32 v16, v34;
	_ =	sdelay $0x1  }
0x6ca: {  	v35 =	vmul.f32 $8.000000000e+00, v35;
	_ =	sdelay $0x1  }
0x6cb: {  	[tilespmem:v37+s29+$0x0] =	vst.idx.msk $0xffff, v35  }
0x6cc: {  	v35 =	vld.idx.msk [tilespmem:v38+s20+$0x0], $0xffff;
	_ =	sdelay $0x2  }
0x6cd: {  	v37 =	vor.u32 v21, v36  }
0x6ce: {  	v38 =	vor.u32 v22, v34;
	_ =	sdelay $0x1  }
0x6cf: {  	v35 =	vmul.f32 $8.000000000e+00, v35;
	_ =	sdelay $0x1  }
0x6d0: {  	[tilespmem:v37+s29+$0x0] =	vst.idx.msk $0xffff, v35  }
0x6d1: {  	v35 =	vld.idx.msk [tilespmem:v38+s20+$0x0], $0xffff;
	_ =	sdelay $0x2  }
0x6d2: {  	v37 =	vor.u32 v23, v36  }
0x6d3: {  	v38 =	vor.u32 v24, v34;
	_ =	sdelay $0x1  }
0x6d4: {  	v35 =	vmul.f32 $8.000000000e+00, v35;
	_ =	sdelay $0x1  }
0x6d5: {  	[tilespmem:v37+s29+$0x0] =	vst.idx.msk $0xffff, v35  }
0x6d6: {  	v35 =	vld.idx.msk [tilespmem:v38+s20+$0x0], $0xffff;
	_ =	sdelay $0x2  }
0x6d7: {  	v37 =	vor.u32 v25, v36  }
0x6d8: {  	v38 =	vor.u32 v26, v34;
	_ =	sdelay $0x1  }
0x6d9: {  	v35 =	vmul.f32 $8.000000000e+00, v35;
	_ =	sdelay $0x1  }
0x6da: {  	[tilespmem:v37+s29+$0x0] =	vst.idx.msk $0xffff, v35  }
0x6db: {  	v35 =	vld.idx.msk [tilespmem:v38+s20+$0x0], $0xffff;
	_ =	sdelay $0x2  }
0x6dc: {  	v37 =	vor.u32 v27, v36  }
0x6dd: {  	v38 =	vor.u32 v28, v34;
	_ =	sdelay $0x1  }
0x6de: {  	v35 =	vmul.f32 $8.000000000e+00, v35;
	_ =	sdelay $0x1  }
0x6df: {  	[tilespmem:v37+s29+$0x0] =	vst.idx.msk $0xffff, v35  }
0x6e0: {  	v35 =	vld.idx.msk [tilespmem:v38+s20+$0x0], $0xffff;
	_ =	sdelay $0x2  }
0x6e1: {  	v37 =	vor.u32 v29, v36  }
0x6e2: {  	v38 =	vor.u32 v30, v34;
	_ =	sdelay $0x1  }
0x6e3: {  	v35 =	vmul.f32 $8.000000000e+00, v35;
	_ =	sdelay $0x1  }
0x6e4: {  	[tilespmem:v37+s29+$0x0] =	vst.idx.msk $0xffff, v35  }
0x6e5: {  	v35 =	vld.idx.msk [tilespmem:v38+s20+$0x0], $0xffff;
	_ =	sdelay $0x2  }
0x6e6: {  	v37 =	vor.u32 v31, v36;
	v38 =	vor.u32 $0x1C00, v18  }
0x6e7: {  	v38 =	vor.u32 v38, v34;
	_ =	sdelay $0x1  }
0x6e8: {  	v35 =	vmul.f32 $8.000000000e+00, v35;
	_ =	sdelay $0x1  }
0x6e9: {  	[tilespmem:v37+s29+$0x0] =	vst.idx.msk $0xffff, v35  }
0x6ea: {  	v37 =	vld.idx.msk [tilespmem:v38+s20+$0x0], $0xffff;
	_ =	sdelay $0x1  }
.Ltmp22:
0x6eb: {  	v34 =	vadd.s32 $0x1, v34;
	(pc) =	sbr.rel @p0 .LBB2_39-.Ltmp22, $3  }
0x6ec: {  	v34 =	vand.u32 $0xF, v34;
	v35 =	vor.u32 v33, v36  }
0x6ed: {  	v36 =	vor.u32 v18, v34;
	_ =	sdelay $0x1  }
0x6ee: {  	v37 =	vmul.f32 $8.000000000e+00, v37  }
0x6ef: {  	_ =	sdelay $0x3  }
0x6f0: {  	[tilespmem:v35+s29+$0x0] =	vst.idx.msk $0xffff, v37  }
0x6f1: {  	v18 =	vld.idx.msk [tilespmem:v36+s20+$0x0], $0xffff  }
0x6f2: {  	v56 =	vshll.u32 v34, $0x7  }
0x6f3: {  	v57 =	vor.u32 v19, v56  }
0x6f4: {  	v16 =	vor.u32 v16, v34;
	_ =	sdelay $0x1  }
0x6f5: {  	v18 =	vmul.f32 $8.000000000e+00, v18;
	_ =	sdelay $0x1  }
0x6f6: {  	[tilespmem:v57+s29+$0x0] =	vst.idx.msk $0xffff, v18  }
0x6f7: {  	v16 =	vld.idx.msk [tilespmem:v16+s20+$0x0], $0xffff;
	_ =	sdelay $0x1  }
0x6f8: {  	v18 =	vor.u32 v21, v56  }
0x6f9: {  	v21 =	vor.u32 v22, v34;
	_ =	sdelay $0x1  }
0x6fa: {  	v16 =	vmul.f32 $8.000000000e+00, v16;
	_ =	sdelay $0x1  }
0x6fb: {  	[tilespmem:v18+s29+$0x0] =	vst.idx.msk $0xffff, v16  }
0x6fc: {  	v16 =	vld.idx.msk [tilespmem:v21+s20+$0x0], $0xffff;
	_ =	sdelay $0x1  }
0x6fd: {  	v18 =	vor.u32 v23, v56  }
0x6fe: {  	v21 =	vor.u32 v24, v34;
	_ =	sdelay $0x1  }
0x6ff: {  	v16 =	vmul.f32 $8.000000000e+00, v16;
	_ =	sdelay $0x1  }
0x700: {  	[tilespmem:v18+s29+$0x0] =	vst.idx.msk $0xffff, v16  }
0x701: {  	v16 =	vld.idx.msk [tilespmem:v21+s20+$0x0], $0xffff;
	_ =	sdelay $0x1  }
0x702: {  	v18 =	vor.u32 v25, v56  }
0x703: {  	v21 =	vor.u32 v26, v34;
	_ =	sdelay $0x1  }
0x704: {  	v16 =	vmul.f32 $8.000000000e+00, v16;
	_ =	sdelay $0x1  }
0x705: {  	[tilespmem:v18+s29+$0x0] =	vst.idx.msk $0xffff, v16  }
0x706: {  	v16 =	vld.idx.msk [tilespmem:v21+s20+$0x0], $0xffff;
	_ =	sdelay $0x1  }
0x707: {  	v18 =	vor.u32 v27, v56  }
0x708: {  	v21 =	vor.u32 v28, v34;
	_ =	sdelay $0x1  }
0x709: {  	v16 =	vmul.f32 $8.000000000e+00, v16;
	_ =	sdelay $0x1  }
0x70a: {  	[tilespmem:v18+s29+$0x0] =	vst.idx.msk $0xffff, v16  }
0x70b: {  	v16 =	vld.idx.msk [tilespmem:v21+s20+$0x0], $0xffff;
	_ =	sdelay $0x1  }
0x70c: {  	v18 =	vor.u32 v29, v56  }
0x70d: {  	v21 =	vor.u32 v30, v34;
	_ =	sdelay $0x1  }
0x70e: {  	v16 =	vmul.f32 $8.000000000e+00, v16;
	_ =	sdelay $0x1  }
0x70f: {  	[tilespmem:v18+s29+$0x0] =	vst.idx.msk $0xffff, v16  }
0x710: {  	v16 =	vld.idx.msk [tilespmem:v21+s20+$0x0], $0xffff;
	_ =	sdelay $0x1  }
0x711: {  	v18 =	vor.u32 v31, v56  }
0x712: {  	v21 =	vor.u32 v32, v34;
	_ =	sdelay $0x1  }
0x713: {  	v16 =	vmul.f32 $8.000000000e+00, v16;
	_ =	sdelay $0x1  }
0x714: {  	[tilespmem:v18+s29+$0x0] =	vst.idx.msk $0xffff, v16;
	v16 =	vlaneseq.u32  }
0x715: {  	v22 =	vld.idx.msk [tilespmem:v21+s20+$0x0], $0xffff;
	v18 =	vmul.u32 $0x40, v16;
	_ =	sdelay $0x1  }
0x716: {  	v23 =	vor.u32 v33, v56;
	v21 =	vor.u32 $0x10, v18  }
0x717: {  	v24 =	vor.u32 v21, v19;
	_ =	sdelay $0x1  }
0x718: {  	v22 =	vmul.f32 $8.000000000e+00, v22;
	_ =	sdelay $0x1  }
0x719: {  	[tilespmem:v23+s29+$0x0] =	vst.idx.msk $0xffff, v22  }
0x71a: {  	v24 =	vld.idx.msk [tilespmem:v24+s20+$0x0], $0xffff  }
0x71b: {  	v22 =	vor.u32 $0x800, v16  }
0x71c: {  	v23 =	vor.u32 $0x410, v18;
	v25 =	vor.u32 v22, v17  }
0x71d: {  	v26 =	vor.u32 v23, v19;
	_ =	sdelay $0x1  }
0x71e: {  	v24 =	vmul.f32 $8.000000000e+00, v24;
	_ =	sdelay $0x1  }
0x71f: {  	[tilespmem:v25+s29+$0x0] =	vst.idx.msk $0xffff, v24  }
0x720: {  	v26 =	vld.idx.msk [tilespmem:v26+s20+$0x0], $0xffff  }
0x721: {  	v24 =	vor.u32 $0x810, v16  }
0x722: {  	v25 =	vor.u32 $0x810, v18;
	v27 =	vor.u32 v24, v17  }
0x723: {  	v28 =	vor.u32 v25, v19;
	_ =	sdelay $0x1  }
0x724: {  	v26 =	vmul.f32 $8.000000000e+00, v26;
	_ =	sdelay $0x1  }
0x725: {  	[tilespmem:v27+s29+$0x0] =	vst.idx.msk $0xffff, v26  }
0x726: {  	v28 =	vld.idx.msk [tilespmem:v28+s20+$0x0], $0xffff  }
0x727: {  	v26 =	vor.u32 $0x820, v16  }
0x728: {  	v27 =	vor.u32 $0xC10, v18;
	v29 =	vor.u32 v26, v17  }
0x729: {  	v30 =	vor.u32 v27, v19;
	_ =	sdelay $0x1  }
0x72a: {  	v28 =	vmul.f32 $8.000000000e+00, v28;
	_ =	sdelay $0x1  }
0x72b: {  	[tilespmem:v29+s29+$0x0] =	vst.idx.msk $0xffff, v28  }
0x72c: {  	v30 =	vld.idx.msk [tilespmem:v30+s20+$0x0], $0xffff  }
0x72d: {  	v28 =	vor.u32 $0x830, v16  }
0x72e: {  	v29 =	vor.u32 $0x1010, v18;
	v31 =	vor.u32 v28, v17  }
0x72f: {  	v58 =	vor.u32 v29, v19;
	_ =	sdelay $0x1  }
0x730: {  	v30 =	vmul.f32 $8.000000000e+00, v30;
	_ =	sdelay $0x1  }
0x731: {  	[tilespmem:v31+s29+$0x0] =	vst.idx.msk $0xffff, v30  }
0x732: {  	v32 =	vld.idx.msk [tilespmem:v58+s20+$0x0], $0xffff  }
0x733: {  	v30 =	vor.u32 $0x840, v16  }
0x734: {  	v31 =	vor.u32 $0x1410, v18;
	v59 =	vor.u32 v30, v17  }
0x735: {  	v60 =	vor.u32 v31, v19;
	_ =	sdelay $0x1  }
0x736: {  	v32 =	vmul.f32 $8.000000000e+00, v32;
	_ =	sdelay $0x1  }
0x737: {  	[tilespmem:v59+s29+$0x0] =	vst.idx.msk $0xffff, v32  }
0x738: {  	v34 =	vld.idx.msk [tilespmem:v60+s20+$0x0], $0xffff  }
0x739: {  	v32 =	vor.u32 $0x850, v16  }
0x73a: {  	v33 =	vor.u32 $0x1810, v18;
	v61 =	vor.u32 v32, v17  }
0x73b: {  	v62 =	vor.u32 v33, v19;
	_ =	sdelay $0x1  }
0x73c: {  	v34 =	vmul.f32 $8.000000000e+00, v34;
	_ =	sdelay $0x1  }
0x73d: {  	[tilespmem:v61+s29+$0x0] =	vst.idx.msk $0xffff, v34  }
0x73e: {  	v36 =	vld.idx.msk [tilespmem:v62+s20+$0x0], $0xffff  }
0x73f: {  	v34 =	vor.u32 $0x860, v16  }
0x740: {  	v35 =	vor.u32 $0x1C10, v18;
	v63 =	vor.u32 v34, v17  }
0x741: {  	v19 =	vor.u32 v35, v19;
	_ =	sdelay $0x1  }
0x742: {  	v36 =	vmul.f32 $8.000000000e+00, v36;
	_ =	sdelay $0x1  }
0x743: {  	[tilespmem:v63+s29+$0x0] =	vst.idx.msk $0xffff, v36  }
0x744: {  	v37 =	vld.idx.msk [tilespmem:v19+s20+$0x0], $0xffff  }
0x745: {  	v19 =	vor.u32 $0x870, v16  }
0x746: {  	v20 =	vand.u32 $0xF, v20;
	v17 =	vor.u32 v19, v17  }
0x747: {  	v36 =	vor.u32 v21, v20;
	_ =	sdelay $0x1  }
0x748: {  	v37 =	vmul.f32 $8.000000000e+00, v37  }
0x749: {  	s30 =	simm.s32 $0xE  }
.LBB2_41:
0x74a: {  	p0 =	sne.s32 s30, $0x1;
	s30 =	sadd.s32 $0xFFFFFFFF, s30;
	[tilespmem:v17+s29+$0x0] =	vst.idx.msk $0xffff, v37  }
0x74b: {  	v17 =	vld.idx.msk [tilespmem:v36+s20+$0x0], $0xffff;
	_ =	sdelay $0x1  }
0x74c: {  	v36 =	vshll.u32 v20, $0x7  }
0x74d: {  	v37 =	vor.u32 v22, v36  }
0x74e: {  	v38 =	vor.u32 v23, v20;
	_ =	sdelay $0x1  }
0x74f: {  	v17 =	vmul.f32 $8.000000000e+00, v17;
	_ =	sdelay $0x1  }
0x750: {  	[tilespmem:v37+s29+$0x0] =	vst.idx.msk $0xffff, v17  }
0x751: {  	v17 =	vld.idx.msk [tilespmem:v38+s20+$0x0], $0xffff;
	_ =	sdelay $0x1  }
0x752: {  	v37 =	vor.u32 $0x810, v16  }
0x753: {  	v37 =	vor.u32 v37, v36  }
0x754: {  	v38 =	vor.u32 v25, v20;
	_ =	sdelay $0x1  }
0x755: {  	v17 =	vmul.f32 $8.000000000e+00, v17;
	_ =	sdelay $0x1  }
0x756: {  	[tilespmem:v37+s29+$0x0] =	vst.idx.msk $0xffff, v17  }
0x757: {  	v17 =	vld.idx.msk [tilespmem:v38+s20+$0x0], $0xffff;
	_ =	sdelay $0x2  }
0x758: {  	v37 =	vor.u32 v26, v36  }
0x759: {  	v38 =	vor.u32 v27, v20;
	_ =	sdelay $0x1  }
0x75a: {  	v17 =	vmul.f32 $8.000000000e+00, v17;
	_ =	sdelay $0x1  }
0x75b: {  	[tilespmem:v37+s29+$0x0] =	vst.idx.msk $0xffff, v17  }
0x75c: {  	v17 =	vld.idx.msk [tilespmem:v38+s20+$0x0], $0xffff;
	_ =	sdelay $0x2  }
0x75d: {  	v37 =	vor.u32 v28, v36  }
0x75e: {  	v38 =	vor.u32 v29, v20;
	_ =	sdelay $0x1  }
0x75f: {  	v17 =	vmul.f32 $8.000000000e+00, v17;
	_ =	sdelay $0x1  }
0x760: {  	[tilespmem:v37+s29+$0x0] =	vst.idx.msk $0xffff, v17  }
0x761: {  	v17 =	vld.idx.msk [tilespmem:v38+s20+$0x0], $0xffff;
	_ =	sdelay $0x2  }
0x762: {  	v37 =	vor.u32 v30, v36  }
0x763: {  	v38 =	vor.u32 v31, v20;
	_ =	sdelay $0x1  }
0x764: {  	v17 =	vmul.f32 $8.000000000e+00, v17;
	_ =	sdelay $0x1  }
0x765: {  	[tilespmem:v37+s29+$0x0] =	vst.idx.msk $0xffff, v17  }
0x766: {  	v17 =	vld.idx.msk [tilespmem:v38+s20+$0x0], $0xffff;
	_ =	sdelay $0x2  }
0x767: {  	v37 =	vor.u32 v32, v36  }
0x768: {  	v38 =	vor.u32 v33, v20;
	_ =	sdelay $0x1  }
0x769: {  	v17 =	vmul.f32 $8.000000000e+00, v17;
	_ =	sdelay $0x1  }
0x76a: {  	[tilespmem:v37+s29+$0x0] =	vst.idx.msk $0xffff, v17  }
0x76b: {  	v17 =	vld.idx.msk [tilespmem:v38+s20+$0x0], $0xffff;
	_ =	sdelay $0x2  }
0x76c: {  	v37 =	vor.u32 v34, v36  }
0x76d: {  	v38 =	vor.u32 v35, v20;
	_ =	sdelay $0x1  }
0x76e: {  	v17 =	vmul.f32 $8.000000000e+00, v17;
	_ =	sdelay $0x1  }
0x76f: {  	[tilespmem:v37+s29+$0x0] =	vst.idx.msk $0xffff, v17  }
0x770: {  	v20 =	vadd.s32 $0x1, v20;
	v17 =	vor.u32 v19, v36;
	v37 =	vld.idx.msk [tilespmem:v38+s20+$0x0], $0xffff  }
0x771: {  	v20 =	vand.u32 $0xF, v20;
	_ =	sdelay $0x1  }
.Ltmp23:
0x772: {  	(pc) =	sbr.rel @p0 .LBB2_41-.Ltmp23, $2  }
0x773: {  	v36 =	vor.u32 v21, v20;
	_ =	sdelay $0x1  }
0x774: {  	v37 =	vmul.f32 $8.000000000e+00, v37;
	_ =	sdelay $0x1  }
0x775: {  	_ =	sdelay $0x3  }
0x776: {  	[tilespmem:v17+s29+$0x0] =	vst.idx.msk $0xffff, v37  }
0x777: {  	v17 =	vld.idx.msk [tilespmem:v36+s20+$0x0], $0xffff  }
0x778: {  	v21 =	vshll.u32 v20, $0x7  }
0x779: {  	v22 =	vor.u32 v22, v21  }
0x77a: {  	v23 =	vor.u32 v23, v20;
	_ =	sdelay $0x1  }
0x77b: {  	v17 =	vmul.f32 $8.000000000e+00, v17;
	_ =	sdelay $0x1  }
0x77c: {  	[tilespmem:v22+s29+$0x0] =	vst.idx.msk $0xffff, v17  }
0x77d: {  	v17 =	vld.idx.msk [tilespmem:v23+s20+$0x0], $0xffff;
	_ =	sdelay $0x1  }
0x77e: {  	v22 =	vor.u32 v24, v21  }
0x77f: {  	v23 =	vor.u32 v25, v20;
	_ =	sdelay $0x1  }
0x780: {  	v17 =	vmul.f32 $8.000000000e+00, v17;
	_ =	sdelay $0x1  }
0x781: {  	[tilespmem:v22+s29+$0x0] =	vst.idx.msk $0xffff, v17  }
0x782: {  	v17 =	vld.idx.msk [tilespmem:v23+s20+$0x0], $0xffff;
	_ =	sdelay $0x1  }
0x783: {  	v22 =	vor.u32 v26, v21  }
0x784: {  	v23 =	vor.u32 v27, v20;
	_ =	sdelay $0x1  }
0x785: {  	v17 =	vmul.f32 $8.000000000e+00, v17;
	_ =	sdelay $0x1  }
0x786: {  	[tilespmem:v22+s29+$0x0] =	vst.idx.msk $0xffff, v17  }
0x787: {  	v17 =	vld.idx.msk [tilespmem:v23+s20+$0x0], $0xffff;
	_ =	sdelay $0x1  }
0x788: {  	v22 =	vor.u32 v28, v21  }
0x789: {  	v23 =	vor.u32 v29, v20;
	_ =	sdelay $0x1  }
0x78a: {  	v17 =	vmul.f32 $8.000000000e+00, v17;
	_ =	sdelay $0x1  }
0x78b: {  	[tilespmem:v22+s29+$0x0] =	vst.idx.msk $0xffff, v17  }
0x78c: {  	v17 =	vld.idx.msk [tilespmem:v23+s20+$0x0], $0xffff;
	_ =	sdelay $0x1  }
0x78d: {  	v22 =	vor.u32 v30, v21  }
0x78e: {  	v23 =	vor.u32 v31, v20;
	_ =	sdelay $0x1  }
0x78f: {  	v17 =	vmul.f32 $8.000000000e+00, v17;
	_ =	sdelay $0x1  }
0x790: {  	[tilespmem:v22+s29+$0x0] =	vst.idx.msk $0xffff, v17  }
0x791: {  	v17 =	vld.idx.msk [tilespmem:v23+s20+$0x0], $0xffff;
	_ =	sdelay $0x1  }
0x792: {  	v22 =	vor.u32 v32, v21  }
0x793: {  	v23 =	vor.u32 v33, v20;
	_ =	sdelay $0x1  }
0x794: {  	v17 =	vmul.f32 $8.000000000e+00, v17;
	_ =	sdelay $0x1  }
0x795: {  	[tilespmem:v22+s29+$0x0] =	vst.idx.msk $0xffff, v17  }
0x796: {  	v17 =	vld.idx.msk [tilespmem:v23+s20+$0x0], $0xffff;
	_ =	sdelay $0x1  }
0x797: {  	v22 =	vor.u32 v34, v21  }
0x798: {  	v20 =	vor.u32 v35, v20;
	_ =	sdelay $0x1  }
0x799: {  	v17 =	vmul.f32 $8.000000000e+00, v17;
	_ =	sdelay $0x1  }
0x79a: {  	[tilespmem:v22+s29+$0x0] =	vst.idx.msk $0xffff, v17  }
0x79b: {  	v17 =	vld.idx.msk [tilespmem:v20+s20+$0x0], $0xffff;
	_ =	sdelay $0x1  }
0x79c: {  	v20 =	vor.u32 v19, v21;
	v19 =	vor.u32 $0x20, v18  }
0x79d: {  	v21 =	vor.u32 v19, v16;
	_ =	sdelay $0x1  }
0x79e: {  	v17 =	vmul.f32 $8.000000000e+00, v17;
	_ =	sdelay $0x1  }
0x79f: {  	[tilespmem:v20+s29+$0x0] =	vst.idx.msk $0xffff, v17  }
0x7a0: {  	v22 =	vld.idx.msk [tilespmem:v21+s20+$0x0], $0xffff  }
0x7a1: {  	v17 =	vshll.u32 v16, $0x7;
	v20 =	vor.u32 $0x1000, v16  }
0x7a2: {  	v23 =	vor.u32 v20, v17;
	v21 =	vor.u32 $0x420, v18  }
0x7a3: {  	v24 =	vor.u32 v21, v16;
	_ =	sdelay $0x1  }
0x7a4: {  	v22 =	vmul.f32 $8.000000000e+00, v22;
	_ =	sdelay $0x1  }
0x7a5: {  	[tilespmem:v23+s29+$0x0] =	vst.idx.msk $0xffff, v22  }
0x7a6: {  	v24 =	vld.idx.msk [tilespmem:v24+s20+$0x0], $0xffff  }
0x7a7: {  	v22 =	vor.u32 $0x1010, v16  }
0x7a8: {  	v23 =	vor.u32 $0x820, v18;
	v25 =	vor.u32 v22, v17  }
0x7a9: {  	v26 =	vor.u32 v23, v16;
	_ =	sdelay $0x1  }
0x7aa: {  	v24 =	vmul.f32 $8.000000000e+00, v24;
	_ =	sdelay $0x1  }
0x7ab: {  	[tilespmem:v25+s29+$0x0] =	vst.idx.msk $0xffff, v24  }
0x7ac: {  	v26 =	vld.idx.msk [tilespmem:v26+s20+$0x0], $0xffff  }
0x7ad: {  	v24 =	vor.u32 $0x1020, v16  }
0x7ae: {  	v25 =	vor.u32 $0xC20, v18;
	v27 =	vor.u32 v24, v17  }
0x7af: {  	v28 =	vor.u32 v25, v16;
	_ =	sdelay $0x1  }
0x7b0: {  	v26 =	vmul.f32 $8.000000000e+00, v26;
	_ =	sdelay $0x1  }
0x7b1: {  	[tilespmem:v27+s29+$0x0] =	vst.idx.msk $0xffff, v26  }
0x7b2: {  	v28 =	vld.idx.msk [tilespmem:v28+s20+$0x0], $0xffff  }
0x7b3: {  	v26 =	vor.u32 $0x1030, v16  }
0x7b4: {  	v27 =	vor.u32 $0x1020, v18;
	v29 =	vor.u32 v26, v17  }
0x7b5: {  	v30 =	vor.u32 v27, v16;
	_ =	sdelay $0x1  }
0x7b6: {  	v28 =	vmul.f32 $8.000000000e+00, v28;
	_ =	sdelay $0x1  }
0x7b7: {  	[tilespmem:v29+s29+$0x0] =	vst.idx.msk $0xffff, v28  }
0x7b8: {  	v30 =	vld.idx.msk [tilespmem:v30+s20+$0x0], $0xffff  }
0x7b9: {  	v28 =	vor.u32 $0x1040, v16  }
0x7ba: {  	v29 =	vor.u32 $0x1420, v18;
	v31 =	vor.u32 v28, v17  }
0x7bb: {  	v60 =	vor.u32 v29, v16;
	_ =	sdelay $0x1  }
0x7bc: {  	v30 =	vmul.f32 $8.000000000e+00, v30;
	_ =	sdelay $0x1  }
0x7bd: {  	[tilespmem:v31+s29+$0x0] =	vst.idx.msk $0xffff, v30  }
0x7be: {  	v32 =	vld.idx.msk [tilespmem:v60+s20+$0x0], $0xffff  }
0x7bf: {  	v30 =	vor.u32 $0x1050, v16  }
0x7c0: {  	v31 =	vor.u32 $0x1820, v18;
	v61 =	vor.u32 v30, v17  }
0x7c1: {  	v62 =	vor.u32 v31, v16;
	_ =	sdelay $0x1  }
0x7c2: {  	v32 =	vmul.f32 $8.000000000e+00, v32;
	_ =	sdelay $0x1  }
0x7c3: {  	[tilespmem:v61+s29+$0x0] =	vst.idx.msk $0xffff, v32  }
0x7c4: {  	v34 =	vld.idx.msk [tilespmem:v62+s20+$0x0], $0xffff  }
0x7c5: {  	v32 =	vor.u32 $0x1060, v16  }
0x7c6: {  	v33 =	vor.u32 $0x1C20, v18;
	v63 =	vor.u32 v32, v17  }
0x7c7: {  	v18 =	vor.u32 v33, v16;
	_ =	sdelay $0x1  }
0x7c8: {  	v34 =	vmul.f32 $8.000000000e+00, v34;
	_ =	sdelay $0x1  }
0x7c9: {  	[tilespmem:v63+s29+$0x0] =	vst.idx.msk $0xffff, v34  }
0x7ca: {  	v38 =	vld.idx.msk [tilespmem:v18+s20+$0x0], $0xffff  }
0x7cb: {  	v34 =	vor.u32 $0x1070, v16;
	v18 =	vadd.s32 $0x1, v16  }
0x7cc: {  	v36 =	vor.u32 v34, v17;
	v35 =	vand.u32 $0xF, v18  }
0x7cd: {  	v37 =	vor.u32 v19, v35;
	_ =	sdelay $0x1  }
0x7ce: {  	s30 =	simm.s32 $0xE;
	v38 =	vmul.f32 $8.000000000e+00, v38  }
.LBB2_43:
0x7cf: {  	_ = 	snop  }
0x7d0: {  	p0 =	sne.s32 s30, $0x1;
	s30 =	sadd.s32 $0xFFFFFFFF, s30;
	[tilespmem:v36+s29+$0x0] =	vst.idx.msk $0xffff, v38  }
0x7d1: {  	v36 =	vld.idx.msk [tilespmem:v37+s20+$0x0], $0xffff;
	_ =	sdelay $0x1  }
0x7d2: {  	v37 =	vshll.u32 v35, $0x7  }
0x7d3: {  	v38 =	vor.u32 v20, v37  }
0x7d4: {  	v39 =	vor.u32 v21, v35;
	_ =	sdelay $0x1  }
0x7d5: {  	v36 =	vmul.f32 $8.000000000e+00, v36;
	_ =	sdelay $0x1  }
0x7d6: {  	[tilespmem:v38+s29+$0x0] =	vst.idx.msk $0xffff, v36  }
0x7d7: {  	v36 =	vld.idx.msk [tilespmem:v39+s20+$0x0], $0xffff;
	_ =	sdelay $0x2  }
0x7d8: {  	v38 =	vor.u32 v22, v37  }
0x7d9: {  	v39 =	vor.u32 v23, v35;
	_ =	sdelay $0x1  }
0x7da: {  	v36 =	vmul.f32 $8.000000000e+00, v36;
	_ =	sdelay $0x1  }
0x7db: {  	[tilespmem:v38+s29+$0x0] =	vst.idx.msk $0xffff, v36  }
0x7dc: {  	v36 =	vld.idx.msk [tilespmem:v39+s20+$0x0], $0xffff;
	_ =	sdelay $0x2  }
0x7dd: {  	v38 =	vor.u32 v24, v37  }
0x7de: {  	v39 =	vor.u32 v25, v35;
	_ =	sdelay $0x1  }
0x7df: {  	v36 =	vmul.f32 $8.000000000e+00, v36;
	_ =	sdelay $0x1  }
0x7e0: {  	[tilespmem:v38+s29+$0x0] =	vst.idx.msk $0xffff, v36  }
0x7e1: {  	v36 =	vld.idx.msk [tilespmem:v39+s20+$0x0], $0xffff;
	_ =	sdelay $0x2  }
0x7e2: {  	v38 =	vor.u32 v26, v37  }
0x7e3: {  	v39 =	vor.u32 v27, v35;
	_ =	sdelay $0x1  }
0x7e4: {  	v36 =	vmul.f32 $8.000000000e+00, v36;
	_ =	sdelay $0x1  }
0x7e5: {  	[tilespmem:v38+s29+$0x0] =	vst.idx.msk $0xffff, v36  }
0x7e6: {  	v36 =	vld.idx.msk [tilespmem:v39+s20+$0x0], $0xffff;
	_ =	sdelay $0x2  }
0x7e7: {  	v38 =	vor.u32 v28, v37  }
0x7e8: {  	v39 =	vor.u32 v29, v35;
	_ =	sdelay $0x1  }
0x7e9: {  	v36 =	vmul.f32 $8.000000000e+00, v36;
	_ =	sdelay $0x1  }
0x7ea: {  	[tilespmem:v38+s29+$0x0] =	vst.idx.msk $0xffff, v36  }
0x7eb: {  	v36 =	vld.idx.msk [tilespmem:v39+s20+$0x0], $0xffff;
	_ =	sdelay $0x2  }
0x7ec: {  	v38 =	vor.u32 v30, v37  }
0x7ed: {  	v39 =	vor.u32 v31, v35;
	_ =	sdelay $0x1  }
0x7ee: {  	v36 =	vmul.f32 $8.000000000e+00, v36;
	_ =	sdelay $0x1  }
0x7ef: {  	[tilespmem:v38+s29+$0x0] =	vst.idx.msk $0xffff, v36  }
0x7f0: {  	v36 =	vld.idx.msk [tilespmem:v39+s20+$0x0], $0xffff;
	_ =	sdelay $0x2  }
0x7f1: {  	v38 =	vor.u32 v32, v37  }
0x7f2: {  	v39 =	vor.u32 v33, v35;
	_ =	sdelay $0x1  }
0x7f3: {  	v36 =	vmul.f32 $8.000000000e+00, v36;
	_ =	sdelay $0x1  }
0x7f4: {  	[tilespmem:v38+s29+$0x0] =	vst.idx.msk $0xffff, v36  }
0x7f5: {  	v38 =	vld.idx.msk [tilespmem:v39+s20+$0x0], $0xffff;
	_ =	sdelay $0x1  }
.Ltmp24:
0x7f6: {  	v35 =	vadd.s32 $0x1, v35;
	(pc) =	sbr.rel @p0 .LBB2_43-.Ltmp24, $3  }
0x7f7: {  	v35 =	vand.u32 $0xF, v35;
	v36 =	vor.u32 v34, v37  }
0x7f8: {  	v37 =	vor.u32 v19, v35;
	_ =	sdelay $0x1  }
0x7f9: {  	v38 =	vmul.f32 $8.000000000e+00, v38  }
0x7fa: {  	_ =	sdelay $0x3  }
0x7fb: {  	[tilespmem:v36+s29+$0x0] =	vst.idx.msk $0xffff, v38  }
0x7fc: {  	v19 =	vld.idx.msk [tilespmem:v37+s20+$0x0], $0xffff  }
0x7fd: {  	v50 =	vshll.u32 v35, $0x7  }
0x7fe: {  	v20 =	vor.u32 v20, v50  }
0x7ff: {  	v21 =	vor.u32 v21, v35;
	_ =	sdelay $0x1  }
0x800: {  	v19 =	vmul.f32 $8.000000000e+00, v19;
	_ =	sdelay $0x1  }
0x801: {  	[tilespmem:v20+s29+$0x0] =	vst.idx.msk $0xffff, v19  }
0x802: {  	v19 =	vld.idx.msk [tilespmem:v21+s20+$0x0], $0xffff;
	_ =	sdelay $0x1  }
0x803: {  	v20 =	vor.u32 v22, v50  }
0x804: {  	v51 =	vor.u32 v23, v35;
	_ =	sdelay $0x1  }
0x805: {  	v19 =	vmul.f32 $8.000000000e+00, v19;
	_ =	sdelay $0x1  }
0x806: {  	[tilespmem:v20+s29+$0x0] =	vst.idx.msk $0xffff, v19  }
0x807: {  	v19 =	vld.idx.msk [tilespmem:v51+s20+$0x0], $0xffff;
	_ =	sdelay $0x1  }
0x808: {  	v20 =	vor.u32 v24, v50  }
0x809: {  	v52 =	vor.u32 v25, v35;
	_ =	sdelay $0x1  }
0x80a: {  	v19 =	vmul.f32 $8.000000000e+00, v19;
	_ =	sdelay $0x1  }
0x80b: {  	[tilespmem:v20+s29+$0x0] =	vst.idx.msk $0xffff, v19  }
0x80c: {  	v19 =	vld.idx.msk [tilespmem:v52+s20+$0x0], $0xffff;
	_ =	sdelay $0x1  }
0x80d: {  	v20 =	vor.u32 v26, v50  }
0x80e: {  	v53 =	vor.u32 v27, v35;
	_ =	sdelay $0x1  }
0x80f: {  	v19 =	vmul.f32 $8.000000000e+00, v19;
	_ =	sdelay $0x1  }
0x810: {  	[tilespmem:v20+s29+$0x0] =	vst.idx.msk $0xffff, v19  }
0x811: {  	v19 =	vld.idx.msk [tilespmem:v53+s20+$0x0], $0xffff;
	_ =	sdelay $0x1  }
0x812: {  	v20 =	vor.u32 v28, v50  }
0x813: {  	v54 =	vor.u32 v29, v35;
	_ =	sdelay $0x1  }
0x814: {  	v19 =	vmul.f32 $8.000000000e+00, v19;
	_ =	sdelay $0x1  }
0x815: {  	[tilespmem:v20+s29+$0x0] =	vst.idx.msk $0xffff, v19  }
0x816: {  	v19 =	vld.idx.msk [tilespmem:v54+s20+$0x0], $0xffff;
	_ =	sdelay $0x1  }
0x817: {  	v20 =	vor.u32 v30, v50  }
0x818: {  	v55 =	vor.u32 v31, v35;
	_ =	sdelay $0x1  }
0x819: {  	v19 =	vmul.f32 $8.000000000e+00, v19;
	_ =	sdelay $0x1  }
0x81a: {  	[tilespmem:v20+s29+$0x0] =	vst.idx.msk $0xffff, v19  }
0x81b: {  	v19 =	vld.idx.msk [tilespmem:v55+s20+$0x0], $0xffff;
	_ =	sdelay $0x1  }
0x81c: {  	v20 =	vor.u32 v32, v50  }
0x81d: {  	v56 =	vor.u32 v33, v35;
	_ =	sdelay $0x1  }
0x81e: {  	v19 =	vmul.f32 $8.000000000e+00, v19;
	_ =	sdelay $0x1  }
0x81f: {  	[tilespmem:v20+s29+$0x0] =	vst.idx.msk $0xffff, v19  }
0x820: {  	v19 =	vld.idx.msk [tilespmem:v56+s20+$0x0], $0xffff;
	_ =	sdelay $0x1  }
0x821: {  	v20 =	vor.u32 v34, v50  }
0x822: {  	v57 =	vor.u32 v0, v16;
	_ =	sdelay $0x1  }
0x823: {  	v19 =	vmul.f32 $8.000000000e+00, v19;
	_ =	sdelay $0x1  }
0x824: {  	[tilespmem:v20+s29+$0x0] =	vst.idx.msk $0xffff, v19  }
0x825: {  	v19 =	vld.idx.msk [tilespmem:v57+s20+$0x0], $0xffff;
	_ =	sdelay $0x1  }
0x826: {  	v20 =	vor.u32 v1, v17  }
0x827: {  	v58 =	vor.u32 v2, v16;
	_ =	sdelay $0x1  }
0x828: {  	v19 =	vmul.f32 $8.000000000e+00, v19;
	_ =	sdelay $0x1  }
0x829: {  	[tilespmem:v20+s29+$0x0] =	vst.idx.msk $0xffff, v19  }
0x82a: {  	v19 =	vld.idx.msk [tilespmem:v58+s20+$0x0], $0xffff;
	_ =	sdelay $0x1  }
0x82b: {  	v20 =	vor.u32 v3, v17  }
0x82c: {  	v59 =	vor.u32 v4, v16;
	_ =	sdelay $0x1  }
0x82d: {  	v19 =	vmul.f32 $8.000000000e+00, v19;
	_ =	sdelay $0x1  }
0x82e: {  	[tilespmem:v20+s29+$0x0] =	vst.idx.msk $0xffff, v19  }
0x82f: {  	v19 =	vld.idx.msk [tilespmem:v59+s20+$0x0], $0xffff;
	_ =	sdelay $0x1  }
0x830: {  	v20 =	vor.u32 v5, v17  }
0x831: {  	v60 =	vor.u32 v6, v16;
	_ =	sdelay $0x1  }
0x832: {  	v19 =	vmul.f32 $8.000000000e+00, v19;
	_ =	sdelay $0x1  }
0x833: {  	[tilespmem:v20+s29+$0x0] =	vst.idx.msk $0xffff, v19  }
0x834: {  	v19 =	vld.idx.msk [tilespmem:v60+s20+$0x0], $0xffff;
	_ =	sdelay $0x1  }
0x835: {  	v20 =	vor.u32 v7, v17  }
0x836: {  	v61 =	vor.u32 v8, v16;
	_ =	sdelay $0x1  }
0x837: {  	v19 =	vmul.f32 $8.000000000e+00, v19;
	_ =	sdelay $0x1  }
0x838: {  	[tilespmem:v20+s29+$0x0] =	vst.idx.msk $0xffff, v19  }
0x839: {  	v19 =	vld.idx.msk [tilespmem:v61+s20+$0x0], $0xffff;
	_ =	sdelay $0x1  }
0x83a: {  	v20 =	vor.u32 v9, v17  }
0x83b: {  	v62 =	vor.u32 v10, v16;
	_ =	sdelay $0x1  }
0x83c: {  	v19 =	vmul.f32 $8.000000000e+00, v19;
	_ =	sdelay $0x1  }
0x83d: {  	[tilespmem:v20+s29+$0x0] =	vst.idx.msk $0xffff, v19  }
0x83e: {  	v19 =	vld.idx.msk [tilespmem:v62+s20+$0x0], $0xffff;
	_ =	sdelay $0x1  }
0x83f: {  	v20 =	vor.u32 v11, v17  }
0x840: {  	v63 =	vor.u32 v12, v16;
	_ =	sdelay $0x1  }
0x841: {  	v19 =	vmul.f32 $8.000000000e+00, v19;
	_ =	sdelay $0x1  }
0x842: {  	[tilespmem:v20+s29+$0x0] =	vst.idx.msk $0xffff, v19  }
0x843: {  	v19 =	vld.idx.msk [tilespmem:v63+s20+$0x0], $0xffff;
	_ =	sdelay $0x1  }
0x844: {  	v20 =	vor.u32 v13, v17  }
0x845: {  	v16 =	vor.u32 v14, v16;
	_ =	sdelay $0x1  }
0x846: {  	v19 =	vmul.f32 $8.000000000e+00, v19;
	_ =	sdelay $0x1  }
0x847: {  	[tilespmem:v20+s29+$0x0] =	vst.idx.msk $0xffff, v19  }
0x848: {  	v19 =	vld.idx.msk [tilespmem:v16+s20+$0x0], $0xffff;
	_ =	sdelay $0x1  }
0x849: {  	v17 =	vor.u32 v15, v17;
	v16 =	vand.u32 $0xF, v18  }
0x84a: {  	v18 =	vor.u32 v0, v16;
	_ =	sdelay $0x1  }
0x84b: {  	s30 =	simm.s32 $0xE;
	v19 =	vmul.f32 $8.000000000e+00, v19  }
.LBB2_45:
0x84c: {  	_ = 	snop  }
0x84d: {  	p0 =	sne.s32 s30, $0x1;
	s30 =	sadd.s32 $0xFFFFFFFF, s30;
	[tilespmem:v17+s29+$0x0] =	vst.idx.msk $0xffff, v19  }
0x84e: {  	v17 =	vld.idx.msk [tilespmem:v18+s20+$0x0], $0xffff;
	_ =	sdelay $0x1  }
0x84f: {  	v18 =	vshll.u32 v16, $0x7  }
0x850: {  	v19 =	vor.u32 v1, v18  }
0x851: {  	v20 =	vor.u32 v2, v16;
	_ =	sdelay $0x1  }
0x852: {  	v17 =	vmul.f32 $8.000000000e+00, v17;
	_ =	sdelay $0x1  }
0x853: {  	[tilespmem:v19+s29+$0x0] =	vst.idx.msk $0xffff, v17  }
0x854: {  	v17 =	vld.idx.msk [tilespmem:v20+s20+$0x0], $0xffff;
	_ =	sdelay $0x2  }
0x855: {  	v19 =	vor.u32 v3, v18  }
0x856: {  	v20 =	vor.u32 v4, v16;
	_ =	sdelay $0x1  }
0x857: {  	v17 =	vmul.f32 $8.000000000e+00, v17;
	_ =	sdelay $0x1  }
0x858: {  	[tilespmem:v19+s29+$0x0] =	vst.idx.msk $0xffff, v17  }
0x859: {  	v17 =	vld.idx.msk [tilespmem:v20+s20+$0x0], $0xffff;
	_ =	sdelay $0x2  }
0x85a: {  	v19 =	vor.u32 v5, v18  }
0x85b: {  	v20 =	vor.u32 v6, v16;
	_ =	sdelay $0x1  }
0x85c: {  	v17 =	vmul.f32 $8.000000000e+00, v17;
	_ =	sdelay $0x1  }
0x85d: {  	[tilespmem:v19+s29+$0x0] =	vst.idx.msk $0xffff, v17  }
0x85e: {  	v17 =	vld.idx.msk [tilespmem:v20+s20+$0x0], $0xffff;
	_ =	sdelay $0x2  }
0x85f: {  	v19 =	vor.u32 v7, v18  }
0x860: {  	v20 =	vor.u32 v8, v16;
	_ =	sdelay $0x1  }
0x861: {  	v17 =	vmul.f32 $8.000000000e+00, v17;
	_ =	sdelay $0x1  }
0x862: {  	[tilespmem:v19+s29+$0x0] =	vst.idx.msk $0xffff, v17  }
0x863: {  	v17 =	vld.idx.msk [tilespmem:v20+s20+$0x0], $0xffff;
	_ =	sdelay $0x2  }
0x864: {  	v19 =	vor.u32 v9, v18  }
0x865: {  	v20 =	vor.u32 v10, v16;
	_ =	sdelay $0x1  }
0x866: {  	v17 =	vmul.f32 $8.000000000e+00, v17;
	_ =	sdelay $0x1  }
0x867: {  	[tilespmem:v19+s29+$0x0] =	vst.idx.msk $0xffff, v17  }
0x868: {  	v17 =	vld.idx.msk [tilespmem:v20+s20+$0x0], $0xffff;
	_ =	sdelay $0x2  }
0x869: {  	v19 =	vor.u32 v11, v18  }
0x86a: {  	v20 =	vor.u32 v12, v16;
	_ =	sdelay $0x1  }
0x86b: {  	v17 =	vmul.f32 $8.000000000e+00, v17;
	_ =	sdelay $0x1  }
0x86c: {  	[tilespmem:v19+s29+$0x0] =	vst.idx.msk $0xffff, v17  }
0x86d: {  	v17 =	vld.idx.msk [tilespmem:v20+s20+$0x0], $0xffff;
	_ =	sdelay $0x2  }
0x86e: {  	v19 =	vor.u32 v13, v18  }
0x86f: {  	v20 =	vor.u32 v14, v16;
	_ =	sdelay $0x1  }
0x870: {  	v17 =	vmul.f32 $8.000000000e+00, v17;
	_ =	sdelay $0x1  }
0x871: {  	[tilespmem:v19+s29+$0x0] =	vst.idx.msk $0xffff, v17  }
0x872: {  	v19 =	vld.idx.msk [tilespmem:v20+s20+$0x0], $0xffff;
	_ =	sdelay $0x1  }
.Ltmp25:
0x873: {  	v16 =	vadd.s32 $0x1, v16;
	(pc) =	sbr.rel @p0 .LBB2_45-.Ltmp25, $3  }
0x874: {  	v16 =	vand.u32 $0xF, v16;
	v17 =	vor.u32 v15, v18  }
0x875: {  	v18 =	vor.u32 v0, v16;
	_ =	sdelay $0x1  }
0x876: {  	v19 =	vmul.f32 $8.000000000e+00, v19  }
0x877: {  	_ =	sdelay $0x3  }
0x878: {  	[tilespmem:v17+s29+$0x0] =	vst.idx.msk $0xffff, v19  }
0x879: {  	v17 =	vld.idx.msk [tilespmem:v18+s20+$0x0], $0xffff  }
0x87a: {  	v51 =	vshll.u32 v16, $0x7  }
0x87b: {  	v52 =	vor.u32 v1, v51  }
0x87c: {  	v20 =	vor.u32 v2, v16;
	_ =	sdelay $0x1  }
0x87d: {  	v17 =	vmul.f32 $8.000000000e+00, v17;
	_ =	sdelay $0x1  }
0x87e: {  	[tilespmem:v52+s29+$0x0] =	vst.idx.msk $0xffff, v17  }
0x87f: {  	v17 =	vld.idx.msk [tilespmem:v20+s20+$0x0], $0xffff;
	_ =	sdelay $0x1  }
0x880: {  	v53 =	vor.u32 v3, v51  }
0x881: {  	v54 =	vor.u32 v4, v16;
	_ =	sdelay $0x1  }
0x882: {  	v17 =	vmul.f32 $8.000000000e+00, v17;
	_ =	sdelay $0x1  }
0x883: {  	[tilespmem:v53+s29+$0x0] =	vst.idx.msk $0xffff, v17  }
0x884: {  	v17 =	vld.idx.msk [tilespmem:v54+s20+$0x0], $0xffff;
	_ =	sdelay $0x1  }
0x885: {  	v55 =	vor.u32 v5, v51  }
0x886: {  	v56 =	vor.u32 v6, v16;
	_ =	sdelay $0x1  }
0x887: {  	v17 =	vmul.f32 $8.000000000e+00, v17;
	_ =	sdelay $0x1  }
0x888: {  	[tilespmem:v55+s29+$0x0] =	vst.idx.msk $0xffff, v17  }
0x889: {  	v17 =	vld.idx.msk [tilespmem:v56+s20+$0x0], $0xffff;
	_ =	sdelay $0x1  }
0x88a: {  	v57 =	vor.u32 v7, v51  }
0x88b: {  	v58 =	vor.u32 v8, v16;
	_ =	sdelay $0x1  }
0x88c: {  	v17 =	vmul.f32 $8.000000000e+00, v17;
	_ =	sdelay $0x1  }
0x88d: {  	[tilespmem:v57+s29+$0x0] =	vst.idx.msk $0xffff, v17  }
0x88e: {  	v17 =	vld.idx.msk [tilespmem:v58+s20+$0x0], $0xffff;
	_ =	sdelay $0x1  }
0x88f: {  	v59 =	vor.u32 v9, v51  }
0x890: {  	v60 =	vor.u32 v10, v16;
	_ =	sdelay $0x1  }
0x891: {  	v17 =	vmul.f32 $8.000000000e+00, v17;
	_ =	sdelay $0x1  }
0x892: {  	[tilespmem:v59+s29+$0x0] =	vst.idx.msk $0xffff, v17  }
0x893: {  	v17 =	vld.idx.msk [tilespmem:v60+s20+$0x0], $0xffff;
	_ =	sdelay $0x1  }
0x894: {  	v61 =	vor.u32 v11, v51  }
0x895: {  	v62 =	vor.u32 v12, v16;
	_ =	sdelay $0x1  }
0x896: {  	v17 =	vmul.f32 $8.000000000e+00, v17;
	_ =	sdelay $0x1  }
0x897: {  	[tilespmem:v61+s29+$0x0] =	vst.idx.msk $0xffff, v17  }
0x898: {  	v17 =	vld.idx.msk [tilespmem:v62+s20+$0x0], $0xffff;
	_ =	sdelay $0x1  }
0x899: {  	v63 =	vor.u32 v13, v51  }
0x89a: {  	v16 =	vor.u32 v14, v16;
	_ =	sdelay $0x1  }
0x89b: {  	v17 =	vmul.f32 $8.000000000e+00, v17;
	_ =	sdelay $0x1  }
0x89c: {  	[tilespmem:v63+s29+$0x0] =	vst.idx.msk $0xffff, v17  }
0x89d: {  	v16 =	vld.idx.msk [tilespmem:v16+s20+$0x0], $0xffff;
	_ =	sdelay $0x1  }
0x89e: {  	v17 =	vor.u32 v15, v51  }
0x89f: {  	p0 =	seq.s32 s1, $0x31  }
.Ltmp26:
0x8a0: {  	_ = 	snop;
	(pc) =	sbr.rel @p0 .LBB2_48-.Ltmp26, $3  }
0x8a1: {  	v16 =	vmul.f32 $8.000000000e+00, v16;
	_ =	sdelay $0x1  }
0x8a2: {  	s9 =	sadd.s32 s9, s8;
	[tilespmem:v17+s29+$0x0] =	vst.idx.msk $0xffff, v16  }
0x8a3: {  	[hbm4b:s9+s18] =	stream.strided.scatter [tilespmem:s29], [sflag:$0x9], $0x2000, s19, s18, $0x38;
	[tilespmem:$0x16400] =	vst v63  }
.Ltmp27:
0x8a4: {  	(pc) =	sbr.rel .LBB2_6-.Ltmp27, $3  }
0x8a5: {  	_ =	sdelay $0x1  }
0x8a6: {  	s9 =	sadd.s32 $0x300, s14;
	s1 =	sadd.s32 $0x1, s1  }
0x8a7: {  	[tilespmem:s15], [sflag:$0x4] =	stream.indirect.gather [hbm4b:s3+s11], $0x40, s9, s11, $0xb8;
	[tilespmem:$0x16400] =	vst v63  }
.LBB2_49:
0x8a8: {  	_ =	sfence.sel $0x180000  }
0x8a9: {  	[bflag:$0x0] =	sbarrier.arrive $0xFFFF  }
0x8aa: {  	_ =	strace $0x90000047  }
0x8ab: {  	s0 =	stileid.u32;
	[bflag:$0x2] =	sbarrier.arrive $0xFFFF  }
0x8ac: {  	p0 =	sne.s32 s0, $0x0;
	s0 =	rddreg [dreg:$0x2]  }
0x8ad: {  	s0 =	sadd.s32 @!p0 $0x100000, s0  }
0x8ae: {  	[sflag:s0] =	ssyncadd.tile.s32 @!p0 $0x1;
	_ =	shalt  }
.Lfunc_end2:
_tile_overlayer_lowered:
.L_overlay_start_2:
0x8af: {  	(tag) =	ssettag $0x2  }
0x8b0: {  	s0 =	rddreg [dreg:$0x0];
	s2 =	stileid.u32  }
0x8b1: {  	s1 =	rddreg [dreg:$0x1];
	p0 =	sne.s32 s2, $0x0  }
0x8b2: {  	s3 =	rddreg [dreg:$0x2];
	[bflag:$0x3] =	sbarrier.arrive $0xFFFF;
	s2 =	simm.s32 @!p0 $0x1C0A  }
0x8b3: {  	[timem:s3], [sflag:s2] =	dma.local @!p0 [hbm:s0], s1  }
0x8b4: {  	s0 =	simm.s32 @!p0 $0xA  }
0x8b5: {  	_ =	swait.ge @!p0 [sflag:s0], s1  }
0x8b6: {  	s1 =	ssub.s32 @!p0 $0x0, s1;
	[sflag:s0] =	ssyncset.done @!p0 $0x0  }
0x8b7: {  	[sflag:s0] =	ssyncadd.s32 @!p0 s1  }
0x8b8: {  	[bflag:$0x3] =	sbarrier.arrive $0xFFFF  }
0x8b9: {  	_ =	shalt  }

</sc_bundles>
